<compile_context>
chip_gen: v7x
topology: tpu7x:2x2x1
jax: 0.10.2.dev20260603
libtpu: 0.0.44.dev20260713+nightly
codegen_flags: <defaults>
</compile_context>

<pallas_src>
import functools

import jax
import jax.numpy as jnp
from jax import lax
from jax.experimental import pallas as pl
from jax.experimental.pallas import tpu as pltpu
from jax.experimental.pallas import tpu_sc as plsc

_B, _S, _D = 4, 4096, 1024
_NC, _NS = 2, 16
_NW = _NC * _NS
_SPW = _S // _NW
_CH = 32
_NCH = _SPW // _CH
_NB = 3
_L = 16
_CG = _D // _L


@functools.partial(
    pl.kernel,
    mesh=plsc.VectorSubcoreMesh(
        core_axis_name="c", subcore_axis_name="s",
        num_cores=_NC, num_subcores=_NS),
    out_type=jax.ShapeDtypeStruct((_B, _S, _D), jnp.float32),
    scratch_types=[
        pltpu.VMEM((2, _D), jnp.float32),
        pltpu.VMEM((_D,), jnp.float32),
        pltpu.VMEM((_SPW,), jnp.int32),
        pltpu.VMEM((_CH, _D), jnp.float32),
        pltpu.VMEM((_CH, _D), jnp.float32),
        pltpu.VMEM((_CH, _D), jnp.float32),
        pltpu.SemaphoreType.DMA,
        pltpu.SemaphoreType.DMA,
    ],
)
def _emb(idx_hbm, w_hbm, out_hbm, w_v, w_dw, idx_l, b0, b1, b2,
         csem, wsem):
    bufs = [b0, b1, b2]
    wid = lax.axis_index("s") * _NC + lax.axis_index("c")
    seq0 = wid * _SPW
    pltpu.async_copy(w_hbm, w_v, csem)
    pltpu.sync_copy(idx_hbm.at[wid], idx_l)
    pltpu.make_async_copy(w_hbm, w_v, csem).wait()
    r16 = lax.iota(jnp.int32, _L)
    for cg in range(_CG):
        w_dw[pl.ds(cg * _L, _L)] = (
            w_v[1, pl.ds(cg * _L, _L)] - w_v[0, pl.ds(cg * _L, _L)])

    def out_slice(c, b):
        return out_hbm.at[b, pl.ds(seq0 + c * _CH, _CH)]

    def wait_writes(c):
        for b in range(_B):
            pltpu.make_async_copy(
                bufs[c % _NB], out_slice(c, b), wsem
            ).wait()

    for c in range(_NCH):
        if c >= _NB:
            wait_writes(c - _NB)
        buf = bufs[c % _NB]

        tfs = []
        for h in range(_CH // _L):
            fv = idx_l[pl.ds(c * _CH + h * _L, _L)].astype(jnp.float32)
            for j in range(_L):
                tfs.append(jnp.take_along_axis(fv, j + 0 * r16, axis=0))

        def group(cg, carry2, buf=buf):
            w0 = w_v[0, pl.ds(cg * _L, _L)]
            dw = w_dw[pl.ds(cg * _L, _L)]
            for r in range(_CH):
                buf[r, pl.ds(cg * _L, _L)] = w0 + carry2[r] * dw
            return carry2

        lax.fori_loop(0, _CG, group, tuple(tfs))
        for b in range(_B):
            pltpu.async_copy(buf, out_slice(c, b), wsem)

    for c in range(max(0, _NCH - _NB), _NCH):
        wait_writes(c)


def kernel(x, idx, W):
    idx2 = idx.reshape(_NW, _SPW)
    return _emb(idx2, W)

# --- scband reference (transcript-rebuilt; emitter-appended) ---
"""Pipeline reference for scband-segment-embedding-62457414418964 (READ-ONLY COPY).

The authoritative reference and input builder live on the scoring server;
editing this copy changes nothing except your own understanding.
"""

import jax, jax.numpy as jnp
import numpy as np


def setup_inputs(seed: int = 0) -> dict:
    key = jax.random.key(seed)
    k1, k2, k3 = jax.random.split(key, 3)
    x = jax.random.normal(k1, (4, 4096, 1024), dtype=jnp.float32)
    idx = jax.random.randint(k2, (4096,), 0, 2, dtype=jnp.int32)
    # Learned parameter: nn.Embedding(2, d_model).weight, init normal(0, 0.02)
    W = jax.random.normal(k3, (2, 1024), dtype=jnp.float32) * 0.02
    return {"x": x, "idx": idx, "W": W}


def reference(x, idx, W):
    # self.se.weight[idx] -> gather rows of the 2-row table by idx: [S, d_model]
    emb = jnp.take(W, idx, axis=0)
    # .unsqueeze(0).repeat(batch_size, 1, 1) -> materialized tile over batch
    batch_size = x.shape[0]
    out = jnp.tile(emb[None, :, :], (batch_size, 1, 1))
    return out

if __name__ == "__main__":
    import jax
    _d = setup_inputs()
    print(jax.jit(kernel)(*tuple(_d.values())))

</pallas_src>

<mosaic_0001>
#map = affine_map<(d0, d1) -> (0, 0)>
#map1 = affine_map<(d0, d1) -> (0, 0, 0)>
module attributes {stable_mosaic.version = 14 : i64} {
  func.func @_emb(%arg0: i32, %arg1: i32, %arg2: memref<32x128xi32, #tpu.memory_space<hbm>>, %arg3: memref<2x1024xf32, #tpu.memory_space<hbm>>, %arg4: memref<4x4096x1024xf32, #tpu.memory_space<hbm>>, %arg5: memref<2x1024xf32, #tpu.memory_space<vmem>>, %arg6: memref<1024xf32, #tpu.memory_space<vmem>>, %arg7: memref<128xi32, #tpu.memory_space<vmem>>, %arg8: memref<32x1024xf32, #tpu.memory_space<vmem>>, %arg9: memref<32x1024xf32, #tpu.memory_space<vmem>>, %arg10: memref<32x1024xf32, #tpu.memory_space<vmem>>, %arg11: memref<!tpu.dma_semaphore, #tpu.memory_space<semaphore_mem>>, %arg12: memref<!tpu.dma_semaphore, #tpu.memory_space<semaphore_mem>>) attributes {dimension_semantics = [#tpu.dimension_semantics<core_parallel>, #tpu.dimension_semantics<subcore_parallel>], iteration_bounds = array<i64: 2, 16>, scalar_prefetch = 0 : i64, scratch_operands = 8 : i64, tpu.core_type = #tpu.core_type<sc_vector_subcore>, window_params = [{transform_indices = #map}, {transform_indices = #map}, {transform_indices = #map1}]} {
    %mul3A = arith.constant 2 : i32
    %mul3A_0 = arith.muli %arg1, %mul3A : i32
    %add3A = arith.addi %mul3A_0, %arg0 : i32
    %mul3A_1 = arith.constant 128 : i32
    %mul3A_2 = arith.muli %add3A, %mul3A_1 : i32
    tpu.enqueue_dma source(%arg3 : memref<2x1024xf32, #tpu.memory_space<hbm>>) target(%arg5 : memref<2x1024xf32, #tpu.memory_space<vmem>>) target_semaphore(%arg11 : memref<!tpu.dma_semaphore, #tpu.memory_space<semaphore_mem>>)
    "tpu.region"() ({
      %run_scoped3A = tpu.sem_alloc : memref<!tpu.dma_semaphore, #tpu.memory_space<semaphore_mem>>
      %dma_start3A_3340 = arith.constant 0 : i32
      %dma_start3A_3341 = tpu.memref_slice %arg2[%add3A, %dma_start3A_3340] : memref<32x128xi32, #tpu.memory_space<hbm>> -> memref<1x128xi32, #tpu.memory_space<hbm>>
      %dma_start3A_3342 = tpu.memref_squeeze %dma_start3A_3341 : memref<1x128xi32, #tpu.memory_space<hbm>> -> memref<128xi32, #tpu.memory_space<hbm>>
      %dma_start3A_3343 = arith.constant 0 : i32
      %dma_start3A_3344 = tpu.memref_slice %arg2[%add3A, %dma_start3A_3343] : memref<32x128xi32, #tpu.memory_space<hbm>> -> memref<1x128xi32, #tpu.memory_space<hbm>>
      %dma_start3A_3345 = tpu.memref_squeeze %dma_start3A_3344 : memref<1x128xi32, #tpu.memory_space<hbm>> -> memref<128xi32, #tpu.memory_space<hbm>>
      tpu.enqueue_dma source(%dma_start3A_3345 : memref<128xi32, #tpu.memory_space<hbm>>) target(%arg7 : memref<128xi32, #tpu.memory_space<vmem>>) target_semaphore(%run_scoped3A : memref<!tpu.dma_semaphore, #tpu.memory_space<semaphore_mem>>)
      %dma_wait3A_3346 = arith.constant 0 : i32
      %dma_wait3A_3347 = tpu.memref_slice %arg2[%add3A, %dma_wait3A_3346] : memref<32x128xi32, #tpu.memory_space<hbm>> -> memref<1x128xi32, #tpu.memory_space<hbm>>
      %dma_wait3A_3348 = tpu.memref_squeeze %dma_wait3A_3347 : memref<1x128xi32, #tpu.memory_space<hbm>> -> memref<128xi32, #tpu.memory_space<hbm>>
      %dma_wait3A_3349 = arith.constant 0 : i32
      %dma_wait3A_3350 = tpu.memref_slice %arg2[%add3A, %dma_wait3A_3349] : memref<32x128xi32, #tpu.memory_space<hbm>> -> memref<1x128xi32, #tpu.memory_space<hbm>>
      %dma_wait3A_3351 = tpu.memref_squeeze %dma_wait3A_3350 : memref<1x128xi32, #tpu.memory_space<hbm>> -> memref<128xi32, #tpu.memory_space<hbm>>
      tpu.wait_dma2 semaphore(%run_scoped3A : memref<!tpu.dma_semaphore, #tpu.memory_space<semaphore_mem>>) src(%dma_wait3A_3351 : memref<128xi32, #tpu.memory_space<hbm>>) dst(%arg7 : memref<128xi32, #tpu.memory_space<vmem>>)
      tpu.yield
    }) : () -> ()
    tpu.wait_dma2 semaphore(%arg11 : memref<!tpu.dma_semaphore, #tpu.memory_space<semaphore_mem>>) src(%arg3 : memref<2x1024xf32, #tpu.memory_space<hbm>>) dst(%arg5 : memref<2x1024xf32, #tpu.memory_space<vmem>>)
    %iota3A = tpu.iota {dimensions = array<i32: 0>} : vector<16xi32>
    %get3A = arith.constant 1 : i32
    %get3A_3 = arith.index_cast %get3A : i32 to index
    %get3A_4 = arith.constant 0 : index
    %get3A_5 = tpu.vector_load %arg5[%get3A_3, %get3A_4] {strides = array<i32>} : memref<2x1024xf32, #tpu.memory_space<vmem>>, vector<1x16xf32>,
    %get3A_6 = vector.shape_cast %get3A_5 : vector<1x16xf32> to vector<16xf32>
    %get3A_7 = arith.constant 0 : i32
    %get3A_8 = arith.index_cast %get3A_7 : i32 to index
    %get3A_9 = arith.constant 0 : index
    %get3A_10 = tpu.vector_load %arg5[%get3A_8, %get3A_9] {strides = array<i32>} : memref<2x1024xf32, #tpu.memory_space<vmem>>, vector<1x16xf32>,
    %get3A_11 = vector.shape_cast %get3A_10 : vector<1x16xf32> to vector<16xf32>
    %sub3A = arith.subf %get3A_6, %get3A_11 : vector<16xf32>
    %swap3A = arith.constant 0 : index
    %swap3A_12 = tpu.vector_load %arg6[%swap3A] {strides = array<i32>} : memref<1024xf32, #tpu.memory_space<vmem>>, vector<16xf32>,
    %swap3A_13 = vector.shape_cast %swap3A_12 : vector<16xf32> to vector<16xf32>
    %swap3A_14 = vector.shape_cast %sub3A : vector<16xf32> to vector<16xf32>
    tpu.vector_store %arg6[%swap3A], %swap3A_14 {strides = array<i32>} : memref<1024xf32, #tpu.memory_space<vmem>>, vector<16xf32>,
    %get3A_15 = arith.constant 1 : i32
    %get3A_16 = arith.index_cast %get3A_15 : i32 to index
    %get3A_17 = arith.constant 16 : index
    %get3A_18 = tpu.vector_load %arg5[%get3A_16, %get3A_17] {strides = array<i32>} : memref<2x1024xf32, #tpu.memory_space<vmem>>, vector<1x16xf32>,
    %get3A_19 = vector.shape_cast %get3A_18 : vector<1x16xf32> to vector<16xf32>
    %get3A_20 = arith.constant 0 : i32
    %get3A_21 = arith.index_cast %get3A_20 : i32 to index
    %get3A_22 = arith.constant 16 : index
    %get3A_23 = tpu.vector_load %arg5[%get3A_21, %get3A_22] {strides = array<i32>} : memref<2x1024xf32, #tpu.memory_space<vmem>>, vector<1x16xf32>,
    %get3A_24 = vector.shape_cast %get3A_23 : vector<1x16xf32> to vector<16xf32>
    %sub3A_25 = arith.subf %get3A_19, %get3A_24 : vector<16xf32>
    %swap3A_26 = arith.constant 16 : index
    %swap3A_27 = tpu.vector_load %arg6[%swap3A_26] {strides = array<i32>} : memref<1024xf32, #tpu.memory_space<vmem>>, vector<16xf32>,
    %swap3A_28 = vector.shape_cast %swap3A_27 : vector<16xf32> to vector<16xf32>
    %swap3A_29 = vector.shape_cast %sub3A_25 : vector<16xf32> to vector<16xf32>
    tpu.vector_store %arg6[%swap3A_26], %swap3A_29 {strides = array<i32>} : memref<1024xf32, #tpu.memory_space<vmem>>, vector<16xf32>,
    %get3A_30 = arith.constant 1 : i32
    %get3A_31 = arith.index_cast %get3A_30 : i32 to index
    %get3A_32 = arith.constant 32 : index
    %get3A_33 = tpu.vector_load %arg5[%get3A_31, %get3A_32] {strides = array<i32>} : memref<2x1024xf32, #tpu.memory_space<vmem>>, vector<1x16xf32>,
    %get3A_34 = vector.shape_cast %get3A_33 : vector<1x16xf32> to vector<16xf32>
    %get3A_35 = arith.constant 0 : i32
    %get3A_36 = arith.index_cast %get3A_35 : i32 to index
    %get3A_37 = arith.constant 32 : index
    %get3A_38 = tpu.vector_load %arg5[%get3A_36, %get3A_37] {strides = array<i32>} : memref<2x1024xf32, #tpu.memory_space<vmem>>, vector<1x16xf32>,
    %get3A_39 = vector.shape_cast %get3A_38 : vector<1x16xf32> to vector<16xf32>
    %sub3A_40 = arith.subf %get3A_34, %get3A_39 : vector<16xf32>
    %swap3A_41 = arith.constant 32 : index
    %swap3A_42 = tpu.vector_load %arg6[%swap3A_41] {strides = array<i32>} : memref<1024xf32, #tpu.memory_space<vmem>>, vector<16xf32>,
    %swap3A_43 = vector.shape_cast %swap3A_42 : vector<16xf32> to vector<16xf32>
    %swap3A_44 = vector.shape_cast %sub3A_40 : vector<16xf32> to vector<16xf32>
    tpu.vector_store %arg6[%swap3A_41], %swap3A_44 {strides = array<i32>} : memref<1024xf32, #tpu.memory_space<vmem>>, vector<16xf32>,
    %get3A_45 = arith.constant 1 : i32
    %get3A_46 = arith.index_cast %get3A_45 : i32 to index
    %get3A_47 = arith.constant 48 : index
    %get3A_48 = tpu.vector_load %arg5[%get3A_46, %get3A_47] {strides = array<i32>} : memref<2x1024xf32, #tpu.memory_space<vmem>>, vector<1x16xf32>,
    %get3A_49 = vector.shape_cast %get3A_48 : vector<1x16xf32> to vector<16xf32>
    %get3A_50 = arith.constant 0 : i32
    %get3A_51 = arith.index_cast %get3A_50 : i32 to index
    %get3A_52 = arith.constant 48 : index
    %get3A_53 = tpu.vector_load %arg5[%get3A_51, %get3A_52] {strides = array<i32>} : memref<2x1024xf32, #tpu.memory_space<vmem>>, vector<1x16xf32>,
    %get3A_54 = vector.shape_cast %get3A_53 : vector<1x16xf32> to vector<16xf32>
    %sub3A_55 = arith.subf %get3A_49, %get3A_54 : vector<16xf32>
    %swap3A_56 = arith.constant 48 : index
    %swap3A_57 = tpu.vector_load %arg6[%swap3A_56] {strides = array<i32>} : memref<1024xf32, #tpu.memory_space<vmem>>, vector<16xf32>,
    %swap3A_58 = vector.shape_cast %swap3A_57 : vector<16xf32> to vector<16xf32>
    %swap3A_59 = vector.shape_cast %sub3A_55 : vector<16xf32> to vector<16xf32>
    tpu.vector_store %arg6[%swap3A_56], %swap3A_59 {strides = array<i32>} : memref<1024xf32, #tpu.memory_space<vmem>>, vector<16xf32>,
    %get3A_60 = arith.constant 1 : i32
    %get3A_61 = arith.index_cast %get3A_60 : i32 to index
    %get3A_62 = arith.constant 64 : index
    %get3A_63 = tpu.vector_load %arg5[%get3A_61, %get3A_62] {strides = array<i32>} : memref<2x1024xf32, #tpu.memory_space<vmem>>, vector<1x16xf32>,
    %get3A_64 = vector.shape_cast %get3A_63 : vector<1x16xf32> to vector<16xf32>
    %get3A_65 = arith.constant 0 : i32
    %get3A_66 = arith.index_cast %get3A_65 : i32 to index
    %get3A_67 = arith.constant 64 : index
    %get3A_68 = tpu.vector_load %arg5[%get3A_66, %get3A_67] {strides = array<i32>} : memref<2x1024xf32, #tpu.memory_space<vmem>>, vector<1x16xf32>,
    %get3A_69 = vector.shape_cast %get3A_68 : vector<1x16xf32> to vector<16xf32>
    %sub3A_70 = arith.subf %get3A_64, %get3A_69 : vector<16xf32>
    %swap3A_71 = arith.constant 64 : index
    %swap3A_72 = tpu.vector_load %arg6[%swap3A_71] {strides = array<i32>} : memref<1024xf32, #tpu.memory_space<vmem>>, vector<16xf32>,
    %swap3A_73 = vector.shape_cast %swap3A_72 : vector<16xf32> to vector<16xf32>
    %swap3A_74 = vector.shape_cast %sub3A_70 : vector<16xf32> to vector<16xf32>
    tpu.vector_store %arg6[%swap3A_71], %swap3A_74 {strides = array<i32>} : memref<1024xf32, #tpu.memory_space<vmem>>, vector<16xf32>,
    %get3A_75 = arith.constant 1 : i32
    %get3A_76 = arith.index_cast %get3A_75 : i32 to index
    %get3A_77 = arith.constant 80 : index
    %get3A_78 = tpu.vector_load %arg5[%get3A_76, %get3A_77] {strides = array<i32>} : memref<2x1024xf32, #tpu.memory_space<vmem>>, vector<1x16xf32>,
    %get3A_79 = vector.shape_cast %get3A_78 : vector<1x16xf32> to vector<16xf32>
    %get3A_80 = arith.constant 0 : i32
    %get3A_81 = arith.index_cast %get3A_80 : i32 to index
    %get3A_82 = arith.constant 80 : index
    %get3A_83 = tpu.vector_load %arg5[%get3A_81, %get3A_82] {strides = array<i32>} : memref<2x1024xf32, #tpu.memory_space<vmem>>, vector<1x16xf32>,
    %get3A_84 = vector.shape_cast %get3A_83 : vector<1x16xf32> to vector<16xf32>
    %sub3A_85 = arith.subf %get3A_79, %get3A_84 : vector<16xf32>
    %swap3A_86 = arith.constant 80 : index
    %swap3A_87 = tpu.vector_load %arg6[%swap3A_86] {strides = array<i32>} : memref<1024xf32, #tpu.memory_space<vmem>>, vector<16xf32>,
    %swap3A_88 = vector.shape_cast %swap3A_87 : vector<16xf32> to vector<16xf32>
    %swap3A_89 = vector.shape_cast %sub3A_85 : vector<16xf32> to vector<16xf32>
    tpu.vector_store %arg6[%swap3A_86], %swap3A_89 {strides = array<i32>} : memref<1024xf32, #tpu.memory_space<vmem>>, vector<16xf32>,
    %get3A_90 = arith.constant 1 : i32
    %get3A_91 = arith.index_cast %get3A_90 : i32 to index
    %get3A_92 = arith.constant 96 : index
    %get3A_93 = tpu.vector_load %arg5[%get3A_91, %get3A_92] {strides = array<i32>} : memref<2x1024xf32, #tpu.memory_space<vmem>>, vector<1x16xf32>,
    %get3A_94 = vector.shape_cast %get3A_93 : vector<1x16xf32> to vector<16xf32>
    %get3A_95 = arith.constant 0 : i32
    %get3A_96 = arith.index_cast %get3A_95 : i32 to index
    %get3A_97 = arith.constant 96 : index
    %get3A_98 = tpu.vector_load %arg5[%get3A_96, %get3A_97] {strides = array<i32>} : memref<2x1024xf32, #tpu.memory_space<vmem>>, vector<1x16xf32>,
    %get3A_99 = vector.shape_cast %get3A_98 : vector<1x16xf32> to vector<16xf32>
    %sub3A_100 = arith.subf %get3A_94, %get3A_99 : vector<16xf32>
    %swap3A_101 = arith.constant 96 : index
    %swap3A_102 = tpu.vector_load %arg6[%swap3A_101] {strides = array<i32>} : memref<1024xf32, #tpu.memory_space<vmem>>, vector<16xf32>,
    %swap3A_103 = vector.shape_cast %swap3A_102 : vector<16xf32> to vector<16xf32>
    %swap3A_104 = vector.shape_cast %sub3A_100 : vector<16xf32> to vector<16xf32>
    tpu.vector_store %arg6[%swap3A_101], %swap3A_104 {strides = array<i32>} : memref<1024xf32, #tpu.memory_space<vmem>>, vector<16xf32>,
    %get3A_105 = arith.constant 1 : i32
    %get3A_106 = arith.index_cast %get3A_105 : i32 to index
    %get3A_107 = arith.constant 112 : index
    %get3A_108 = tpu.vector_load %arg5[%get3A_106, %get3A_107] {strides = array<i32>} : memref<2x1024xf32, #tpu.memory_space<vmem>>, vector<1x16xf32>,
    %get3A_109 = vector.shape_cast %get3A_108 : vector<1x16xf32> to vector<16xf32>
    %get3A_110 = arith.constant 0 : i32
    %get3A_111 = arith.index_cast %get3A_110 : i32 to index
    %get3A_112 = arith.constant 112 : index
    %get3A_113 = tpu.vector_load %arg5[%get3A_111, %get3A_112] {strides = array<i32>} : memref<2x1024xf32, #tpu.memory_space<vmem>>, vector<1x16xf32>,
    %get3A_114 = vector.shape_cast %get3A_113 : vector<1x16xf32> to vector<16xf32>
    %sub3A_115 = arith.subf %get3A_109, %get3A_114 : vector<16xf32>
    %swap3A_116 = arith.constant 112 : index
    %swap3A_117 = tpu.vector_load %arg6[%swap3A_116] {strides = array<i32>} : memref<1024xf32, #tpu.memory_space<vmem>>, vector<16xf32>,
    %swap3A_118 = vector.shape_cast %swap3A_117 : vector<16xf32> to vector<16xf32>
    %swap3A_119 = vector.shape_cast %sub3A_115 : vector<16xf32> to vector<16xf32>
    tpu.vector_store %arg6[%swap3A_116], %swap3A_119 {strides = array<i32>} : memref<1024xf32, #tpu.memory_space<vmem>>, vector<16xf32>,
    %get3A_120 = arith.constant 1 : i32
    %get3A_121 = arith.index_cast %get3A_120 : i32 to index
    %get3A_122 = arith.constant 128 : index
    %get3A_123 = tpu.vector_load %arg5[%get3A_121, %get3A_122] {strides = array<i32>} : memref<2x1024xf32, #tpu.memory_space<vmem>>, vector<1x16xf32>,
    %get3A_124 = vector.shape_cast %get3A_123 : vector<1x16xf32> to vector<16xf32>
    %get3A_125 = arith.constant 0 : i32
    %get3A_126 = arith.index_cast %get3A_125 : i32 to index
    %get3A_127 = arith.constant 128 : index
    %get3A_128 = tpu.vector_load %arg5[%get3A_126, %get3A_127] {strides = array<i32>} : memref<2x1024xf32, #tpu.memory_space<vmem>>, vector<1x16xf32>,
    %get3A_129 = vector.shape_cast %get3A_128 : vector<1x16xf32> to vector<16xf32>
    %sub3A_130 = arith.subf %get3A_124, %get3A_129 : vector<16xf32>
    %swap3A_131 = arith.constant 128 : index
    %swap3A_132 = tpu.vector_load %arg6[%swap3A_131] {strides = array<i32>} : memref<1024xf32, #tpu.memory_space<vmem>>, vector<16xf32>,
    %swap3A_133 = vector.shape_cast %swap3A_132 : vector<16xf32> to vector<16xf32>
    %swap3A_134 = vector.shape_cast %sub3A_130 : vector<16xf32> to vector<16xf32>
    tpu.vector_store %arg6[%swap3A_131], %swap3A_134 {strides = array<i32>} : memref<1024xf32, #tpu.memory_space<vmem>>, vector<16xf32>,
    %get3A_135 = arith.constant 1 : i32
    %get3A_136 = arith.index_cast %get3A_135 : i32 to index
    %get3A_137 = arith.constant 144 : index
    %get3A_138 = tpu.vector_load %arg5[%get3A_136, %get3A_137] {strides = array<i32>} : memref<2x1024xf32, #tpu.memory_space<vmem>>, vector<1x16xf32>,
    %get3A_139 = vector.shape_cast %get3A_138 : vector<1x16xf32> to vector<16xf32>
    %get3A_140 = arith.constant 0 : i32
    %get3A_141 = arith.index_cast %get3A_140 : i32 to index
    %get3A_142 = arith.constant 144 : index
    %get3A_143 = tpu.vector_load %arg5[%get3A_141, %get3A_142] {strides = array<i32>} : memref<2x1024xf32, #tpu.memory_space<vmem>>, vector<1x16xf32>,
    %get3A_144 = vector.shape_cast %get3A_143 : vector<1x16xf32> to vector<16xf32>
    %sub3A_145 = arith.subf %get3A_139, %get3A_144 : vector<16xf32>
    %swap3A_146 = arith.constant 144 : index
    %swap3A_147 = tpu.vector_load %arg6[%swap3A_146] {strides = array<i32>} : memref<1024xf32, #tpu.memory_space<vmem>>, vector<16xf32>,
    %swap3A_148 = vector.shape_cast %swap3A_147 : vector<16xf32> to vector<16xf32>
    %swap3A_149 = vector.shape_cast %sub3A_145 : vector<16xf32> to vector<16xf32>
    tpu.vector_store %arg6[%swap3A_146], %swap3A_149 {strides = array<i32>} : memref<1024xf32, #tpu.memory_space<vmem>>, vector<16xf32>,
    %get3A_150 = arith.constant 1 : i32
    %get3A_151 = arith.index_cast %get3A_150 : i32 to index
    %get3A_152 = arith.constant 160 : index
    %get3A_153 = tpu.vector_load %arg5[%get3A_151, %get3A_152] {strides = array<i32>} : memref<2x1024xf32, #tpu.memory_space<vmem>>, vector<1x16xf32>,
    %get3A_154 = vector.shape_cast %get3A_153 : vector<1x16xf32> to vector<16xf32>
    %get3A_155 = arith.constant 0 : i32
    %get3A_156 = arith.index_cast %get3A_155 : i32 to index
    %get3A_157 = arith.constant 160 : index
    %get3A_158 = tpu.vector_load %arg5[%get3A_156, %get3A_157] {strides = array<i32>} : memref<2x1024xf32, #tpu.memory_space<vmem>>, vector<1x16xf32>,
    %get3A_159 = vector.shape_cast %get3A_158 : vector<1x16xf32> to vector<16xf32>
    %sub3A_160 = arith.subf %get3A_154, %get3A_159 : vector<16xf32>
    %swap3A_161 = arith.constant 160 : index
    %swap3A_162 = tpu.vector_load %arg6[%swap3A_161] {strides = array<i32>} : memref<1024xf32, #tpu.memory_space<vmem>>, vector<16xf32>,
    %swap3A_163 = vector.shape_cast %swap3A_162 : vector<16xf32> to vector<16xf32>
    %swap3A_164 = vector.shape_cast %sub3A_160 : vector<16xf32> to vector<16xf32>
    tpu.vector_store %arg6[%swap3A_161], %swap3A_164 {strides = array<i32>} : memref<1024xf32, #tpu.memory_space<vmem>>, vector<16xf32>,
    %get3A_165 = arith.constant 1 : i32
    %get3A_166 = arith.index_cast %get3A_165 : i32 to index
    %get3A_167 = arith.constant 176 : index
    %get3A_168 = tpu.vector_load %arg5[%get3A_166, %get3A_167] {strides = array<i32>} : memref<2x1024xf32, #tpu.memory_space<vmem>>, vector<1x16xf32>,
    %get3A_169 = vector.shape_cast %get3A_168 : vector<1x16xf32> to vector<16xf32>
    %get3A_170 = arith.constant 0 : i32
    %get3A_171 = arith.index_cast %get3A_170 : i32 to index
    %get3A_172 = arith.constant 176 : index
    %get3A_173 = tpu.vector_load %arg5[%get3A_171, %get3A_172] {strides = array<i32>} : memref<2x1024xf32, #tpu.memory_space<vmem>>, vector<1x16xf32>,
    %get3A_174 = vector.shape_cast %get3A_173 : vector<1x16xf32> to vector<16xf32>
    %sub3A_175 = arith.subf %get3A_169, %get3A_174 : vector<16xf32>
    %swap3A_176 = arith.constant 176 : index
    %swap3A_177 = tpu.vector_load %arg6[%swap3A_176] {strides = array<i32>} : memref<1024xf32, #tpu.memory_space<vmem>>, vector<16xf32>,
    %swap3A_178 = vector.shape_cast %swap3A_177 : vector<16xf32> to vector<16xf32>
    %swap3A_179 = vector.shape_cast %sub3A_175 : vector<16xf32> to vector<16xf32>
    tpu.vector_store %arg6[%swap3A_176], %swap3A_179 {strides = array<i32>} : memref<1024xf32, #tpu.memory_space<vmem>>, vector<16xf32>,
    %get3A_180 = arith.constant 1 : i32
    %get3A_181 = arith.index_cast %get3A_180 : i32 to index
    %get3A_182 = arith.constant 192 : index
    %get3A_183 = tpu.vector_load %arg5[%get3A_181, %get3A_182] {strides = array<i32>} : memref<2x1024xf32, #tpu.memory_space<vmem>>, vector<1x16xf32>,
    %get3A_184 = vector.shape_cast %get3A_183 : vector<1x16xf32> to vector<16xf32>
    %get3A_185 = arith.constant 0 : i32
    %get3A_186 = arith.index_cast %get3A_185 : i32 to index
    %get3A_187 = arith.constant 192 : index
    %get3A_188 = tpu.vector_load %arg5[%get3A_186, %get3A_187] {strides = array<i32>} : memref<2x1024xf32, #tpu.memory_space<vmem>>, vector<1x16xf32>,
    %get3A_189 = vector.shape_cast %get3A_188 : vector<1x16xf32> to vector<16xf32>
    %sub3A_190 = arith.subf %get3A_184, %get3A_189 : vector<16xf32>
    %swap3A_191 = arith.constant 192 : index
    %swap3A_192 = tpu.vector_load %arg6[%swap3A_191] {strides = array<i32>} : memref<1024xf32, #tpu.memory_space<vmem>>, vector<16xf32>,
    %swap3A_193 = vector.shape_cast %swap3A_192 : vector<16xf32> to vector<16xf32>
    %swap3A_194 = vector.shape_cast %sub3A_190 : vector<16xf32> to vector<16xf32>
    tpu.vector_store %arg6[%swap3A_191], %swap3A_194 {strides = array<i32>} : memref<1024xf32, #tpu.memory_space<vmem>>, vector<16xf32>,
    %get3A_195 = arith.constant 1 : i32
    %get3A_196 = arith.index_cast %get3A_195 : i32 to index
    %get3A_197 = arith.constant 208 : index
    %get3A_198 = tpu.vector_load %arg5[%get3A_196, %get3A_197] {strides = array<i32>} : memref<2x1024xf32, #tpu.memory_space<vmem>>, vector<1x16xf32>,
    %get3A_199 = vector.shape_cast %get3A_198 : vector<1x16xf32> to vector<16xf32>
    %get3A_200 = arith.constant 0 : i32
    %get3A_201 = arith.index_cast %get3A_200 : i32 to index
    %get3A_202 = arith.constant 208 : index
    %get3A_203 = tpu.vector_load %arg5[%get3A_201, %get3A_202] {strides = array<i32>} : memref<2x1024xf32, #tpu.memory_space<vmem>>, vector<1x16xf32>,
    %get3A_204 = vector.shape_cast %get3A_203 : vector<1x16xf32> to vector<16xf32>
    %sub3A_205 = arith.subf %get3A_199, %get3A_204 : vector<16xf32>
    %swap3A_206 = arith.constant 208 : index
    %swap3A_207 = tpu.vector_load %arg6[%swap3A_206] {strides = array<i32>} : memref<1024xf32, #tpu.memory_space<vmem>>, vector<16xf32>,
    %swap3A_208 = vector.shape_cast %swap3A_207 : vector<16xf32> to vector<16xf32>
    %swap3A_209 = vector.shape_cast %sub3A_205 : vector<16xf32> to vector<16xf32>
    tpu.vector_store %arg6[%swap3A_206], %swap3A_209 {strides = array<i32>} : memref<1024xf32, #tpu.memory_space<vmem>>, vector<16xf32>,
    %get3A_210 = arith.constant 1 : i32
    %get3A_211 = arith.index_cast %get3A_210 : i32 to index
    %get3A_212 = arith.constant 224 : index
    %get3A_213 = tpu.vector_load %arg5[%get3A_211, %get3A_212] {strides = array<i32>} : memref<2x1024xf32, #tpu.memory_space<vmem>>, vector<1x16xf32>,
    %get3A_214 = vector.shape_cast %get3A_213 : vector<1x16xf32> to vector<16xf32>
    %get3A_215 = arith.constant 0 : i32
    %get3A_216 = arith.index_cast %get3A_215 : i32 to index
    %get3A_217 = arith.constant 224 : index
    %get3A_218 = tpu.vector_load %arg5[%get3A_216, %get3A_217] {strides = array<i32>} : memref<2x1024xf32, #tpu.memory_space<vmem>>, vector<1x16xf32>,
    %get3A_219 = vector.shape_cast %get3A_218 : vector<1x16xf32> to vector<16xf32>
    %sub3A_220 = arith.subf %get3A_214, %get3A_219 : vector<16xf32>
    %swap3A_221 = arith.constant 224 : index
    %swap3A_222 = tpu.vector_load %arg6[%swap3A_221] {strides = array<i32>} : memref<1024xf32, #tpu.memory_space<vmem>>, vector<16xf32>,
    %swap3A_223 = vector.shape_cast %swap3A_222 : vector<16xf32> to vector<16xf32>
    %swap3A_224 = vector.shape_cast %sub3A_220 : vector<16xf32> to vector<16xf32>
    tpu.vector_store %arg6[%swap3A_221], %swap3A_224 {strides = array<i32>} : memref<1024xf32, #tpu.memory_space<vmem>>, vector<16xf32>,
    %get3A_225 = arith.constant 1 : i32
    %get3A_226 = arith.index_cast %get3A_225 : i32 to index
    %get3A_227 = arith.constant 240 : index
    %get3A_228 = tpu.vector_load %arg5[%get3A_226, %get3A_227] {strides = array<i32>} : memref<2x1024xf32, #tpu.memory_space<vmem>>, vector<1x16xf32>,
    %get3A_229 = vector.shape_cast %get3A_228 : vector<1x16xf32> to vector<16xf32>
    %get3A_230 = arith.constant 0 : i32
    %get3A_231 = arith.index_cast %get3A_230 : i32 to index
    %get3A_232 = arith.constant 240 : index
    %get3A_233 = tpu.vector_load %arg5[%get3A_231, %get3A_232] {strides = array<i32>} : memref<2x1024xf32, #tpu.memory_space<vmem>>, vector<1x16xf32>,
    %get3A_234 = vector.shape_cast %get3A_233 : vector<1x16xf32> to vector<16xf32>
    %sub3A_235 = arith.subf %get3A_229, %get3A_234 : vector<16xf32>
    %swap3A_236 = arith.constant 240 : index
    %swap3A_237 = tpu.vector_load %arg6[%swap3A_236] {strides = array<i32>} : memref<1024xf32, #tpu.memory_space<vmem>>, vector<16xf32>,
    %swap3A_238 = vector.shape_cast %swap3A_237 : vector<16xf32> to vector<16xf32>
    %swap3A_239 = vector.shape_cast %sub3A_235 : vector<16xf32> to vector<16xf32>
    tpu.vector_store %arg6[%swap3A_236], %swap3A_239 {strides = array<i32>} : memref<1024xf32, #tpu.memory_space<vmem>>, vector<16xf32>,
    %get3A_240 = arith.constant 1 : i32
    %get3A_241 = arith.index_cast %get3A_240 : i32 to index
    %get3A_242 = arith.constant 256 : index
    %get3A_243 = tpu.vector_load %arg5[%get3A_241, %get3A_242] {strides = array<i32>} : memref<2x1024xf32, #tpu.memory_space<vmem>>, vector<1x16xf32>,
    %get3A_244 = vector.shape_cast %get3A_243 : vector<1x16xf32> to vector<16xf32>
    %get3A_245 = arith.constant 0 : i32
    %get3A_246 = arith.index_cast %get3A_245 : i32 to index
    %get3A_247 = arith.constant 256 : index
    %get3A_248 = tpu.vector_load %arg5[%get3A_246, %get3A_247] {strides = array<i32>} : memref<2x1024xf32, #tpu.memory_space<vmem>>, vector<1x16xf32>,
    %get3A_249 = vector.shape_cast %get3A_248 : vector<1x16xf32> to vector<16xf32>
    %sub3A_250 = arith.subf %get3A_244, %get3A_249 : vector<16xf32>
    %swap3A_251 = arith.constant 256 : index
    %swap3A_252 = tpu.vector_load %arg6[%swap3A_251] {strides = array<i32>} : memref<1024xf32, #tpu.memory_space<vmem>>, vector<16xf32>,
    %swap3A_253 = vector.shape_cast %swap3A_252 : vector<16xf32> to vector<16xf32>
    %swap3A_254 = vector.shape_cast %sub3A_250 : vector<16xf32> to vector<16xf32>
    tpu.vector_store %arg6[%swap3A_251], %swap3A_254 {strides = array<i32>} : memref<1024xf32, #tpu.memory_space<vmem>>, vector<16xf32>,
    %get3A_255 = arith.constant 1 : i32
    %get3A_256 = arith.index_cast %get3A_255 : i32 to index
    %get3A_257 = arith.constant 272 : index
    %get3A_258 = tpu.vector_load %arg5[%get3A_256, %get3A_257] {strides = array<i32>} : memref<2x1024xf32, #tpu.memory_space<vmem>>, vector<1x16xf32>,
    %get3A_259 = vector.shape_cast %get3A_258 : vector<1x16xf32> to vector<16xf32>
    %get3A_260 = arith.constant 0 : i32
    %get3A_261 = arith.index_cast %get3A_260 : i32 to index
    %get3A_262 = arith.constant 272 : index
    %get3A_263 = tpu.vector_load %arg5[%get3A_261, %get3A_262] {strides = array<i32>} : memref<2x1024xf32, #tpu.memory_space<vmem>>, vector<1x16xf32>,
    %get3A_264 = vector.shape_cast %get3A_263 : vector<1x16xf32> to vector<16xf32>
    %sub3A_265 = arith.subf %get3A_259, %get3A_264 : vector<16xf32>
    %swap3A_266 = arith.constant 272 : index
    %swap3A_267 = tpu.vector_load %arg6[%swap3A_266] {strides = array<i32>} : memref<1024xf32, #tpu.memory_space<vmem>>, vector<16xf32>,
    %swap3A_268 = vector.shape_cast %swap3A_267 : vector<16xf32> to vector<16xf32>
    %swap3A_269 = vector.shape_cast %sub3A_265 : vector<16xf32> to vector<16xf32>
    tpu.vector_store %arg6[%swap3A_266], %swap3A_269 {strides = array<i32>} : memref<1024xf32, #tpu.memory_space<vmem>>, vector<16xf32>,
    %get3A_270 = arith.constant 1 : i32
    %get3A_271 = arith.index_cast %get3A_270 : i32 to index
    %get3A_272 = arith.constant 288 : index
    %get3A_273 = tpu.vector_load %arg5[%get3A_271, %get3A_272] {strides = array<i32>} : memref<2x1024xf32, #tpu.memory_space<vmem>>, vector<1x16xf32>,
    %get3A_274 = vector.shape_cast %get3A_273 : vector<1x16xf32> to vector<16xf32>
    %get3A_275 = arith.constant 0 : i32
    %get3A_276 = arith.index_cast %get3A_275 : i32 to index
    %get3A_277 = arith.constant 288 : index
    %get3A_278 = tpu.vector_load %arg5[%get3A_276, %get3A_277] {strides = array<i32>} : memref<2x1024xf32, #tpu.memory_space<vmem>>, vector<1x16xf32>,
    %get3A_279 = vector.shape_cast %get3A_278 : vector<1x16xf32> to vector<16xf32>
    %sub3A_280 = arith.subf %get3A_274, %get3A_279 : vector<16xf32>
    %swap3A_281 = arith.constant 288 : index
    %swap3A_282 = tpu.vector_load %arg6[%swap3A_281] {strides = array<i32>} : memref<1024xf32, #tpu.memory_space<vmem>>, vector<16xf32>,
    %swap3A_283 = vector.shape_cast %swap3A_282 : vector<16xf32> to vector<16xf32>
    %swap3A_284 = vector.shape_cast %sub3A_280 : vector<16xf32> to vector<16xf32>
    tpu.vector_store %arg6[%swap3A_281], %swap3A_284 {strides = array<i32>} : memref<1024xf32, #tpu.memory_space<vmem>>, vector<16xf32>,
    %get3A_285 = arith.constant 1 : i32
    %get3A_286 = arith.index_cast %get3A_285 : i32 to index
    %get3A_287 = arith.constant 304 : index
    %get3A_288 = tpu.vector_load %arg5[%get3A_286, %get3A_287] {strides = array<i32>} : memref<2x1024xf32, #tpu.memory_space<vmem>>, vector<1x16xf32>,
    %get3A_289 = vector.shape_cast %get3A_288 : vector<1x16xf32> to vector<16xf32>
    %get3A_290 = arith.constant 0 : i32
    %get3A_291 = arith.index_cast %get3A_290 : i32 to index
    %get3A_292 = arith.constant 304 : index
    %get3A_293 = tpu.vector_load %arg5[%get3A_291, %get3A_292] {strides = array<i32>} : memref<2x1024xf32, #tpu.memory_space<vmem>>, vector<1x16xf32>,
    %get3A_294 = vector.shape_cast %get3A_293 : vector<1x16xf32> to vector<16xf32>
    %sub3A_295 = arith.subf %get3A_289, %get3A_294 : vector<16xf32>
    %swap3A_296 = arith.constant 304 : index
    %swap3A_297 = tpu.vector_load %arg6[%swap3A_296] {strides = array<i32>} : memref<1024xf32, #tpu.memory_space<vmem>>, vector<16xf32>,
    %swap3A_298 = vector.shape_cast %swap3A_297 : vector<16xf32> to vector<16xf32>
    %swap3A_299 = vector.shape_cast %sub3A_295 : vector<16xf32> to vector<16xf32>
    tpu.vector_store %arg6[%swap3A_296], %swap3A_299 {strides = array<i32>} : memref<1024xf32, #tpu.memory_space<vmem>>, vector<16xf32>,
    %get3A_300 = arith.constant 1 : i32
    %get3A_301 = arith.index_cast %get3A_300 : i32 to index
    %get3A_302 = arith.constant 320 : index
    %get3A_303 = tpu.vector_load %arg5[%get3A_301, %get3A_302] {strides = array<i32>} : memref<2x1024xf32, #tpu.memory_space<vmem>>, vector<1x16xf32>,
    %get3A_304 = vector.shape_cast %get3A_303 : vector<1x16xf32> to vector<16xf32>
    %get3A_305 = arith.constant 0 : i32
    %get3A_306 = arith.index_cast %get3A_305 : i32 to index
    %get3A_307 = arith.constant 320 : index
    %get3A_308 = tpu.vector_load %arg5[%get3A_306, %get3A_307] {strides = array<i32>} : memref<2x1024xf32, #tpu.memory_space<vmem>>, vector<1x16xf32>,
    %get3A_309 = vector.shape_cast %get3A_308 : vector<1x16xf32> to vector<16xf32>
    %sub3A_310 = arith.subf %get3A_304, %get3A_309 : vector<16xf32>
    %swap3A_311 = arith.constant 320 : index
    %swap3A_312 = tpu.vector_load %arg6[%swap3A_311] {strides = array<i32>} : memref<1024xf32, #tpu.memory_space<vmem>>, vector<16xf32>,
    %swap3A_313 = vector.shape_cast %swap3A_312 : vector<16xf32> to vector<16xf32>
    %swap3A_314 = vector.shape_cast %sub3A_310 : vector<16xf32> to vector<16xf32>
    tpu.vector_store %arg6[%swap3A_311], %swap3A_314 {strides = array<i32>} : memref<1024xf32, #tpu.memory_space<vmem>>, vector<16xf32>,
    %get3A_315 = arith.constant 1 : i32
    %get3A_316 = arith.index_cast %get3A_315 : i32 to index
    %get3A_317 = arith.constant 336 : index
    %get3A_318 = tpu.vector_load %arg5[%get3A_316, %get3A_317] {strides = array<i32>} : memref<2x1024xf32, #tpu.memory_space<vmem>>, vector<1x16xf32>,
    %get3A_319 = vector.shape_cast %get3A_318 : vector<1x16xf32> to vector<16xf32>
    %get3A_320 = arith.constant 0 : i32
    %get3A_321 = arith.index_cast %get3A_320 : i32 to index
    %get3A_322 = arith.constant 336 : index
    %get3A_323 = tpu.vector_load %arg5[%get3A_321, %get3A_322] {strides = array<i32>} : memref<2x1024xf32, #tpu.memory_space<vmem>>, vector<1x16xf32>,
    %get3A_324 = vector.shape_cast %get3A_323 : vector<1x16xf32> to vector<16xf32>
    %sub3A_325 = arith.subf %get3A_319, %get3A_324 : vector<16xf32>
    %swap3A_326 = arith.constant 336 : index
    %swap3A_327 = tpu.vector_load %arg6[%swap3A_326] {strides = array<i32>} : memref<1024xf32, #tpu.memory_space<vmem>>, vector<16xf32>,
    %swap3A_328 = vector.shape_cast %swap3A_327 : vector<16xf32> to vector<16xf32>
    %swap3A_329 = vector.shape_cast %sub3A_325 : vector<16xf32> to vector<16xf32>
    tpu.vector_store %arg6[%swap3A_326], %swap3A_329 {strides = array<i32>} : memref<1024xf32, #tpu.memory_space<vmem>>, vector<16xf32>,
    %get3A_330 = arith.constant 1 : i32
    %get3A_331 = arith.index_cast %get3A_330 : i32 to index
    %get3A_332 = arith.constant 352 : index
    %get3A_333 = tpu.vector_load %arg5[%get3A_331, %get3A_332] {strides = array<i32>} : memref<2x1024xf32, #tpu.memory_space<vmem>>, vector<1x16xf32>,
    %get3A_334 = vector.shape_cast %get3A_333 : vector<1x16xf32> to vector<16xf32>
    %get3A_335 = arith.constant 0 : i32
    %get3A_336 = arith.index_cast %get3A_335 : i32 to index
    %get3A_337 = arith.constant 352 : index
    %get3A_338 = tpu.vector_load %arg5[%get3A_336, %get3A_337] {strides = array<i32>} : memref<2x1024xf32, #tpu.memory_space<vmem>>, vector<1x16xf32>,
    %get3A_339 = vector.shape_cast %get3A_338 : vector<1x16xf32> to vector<16xf32>
    %sub3A_340 = arith.subf %get3A_334, %get3A_339 : vector<16xf32>
    %swap3A_341 = arith.constant 352 : index
    %swap3A_342 = tpu.vector_load %arg6[%swap3A_341] {strides = array<i32>} : memref<1024xf32, #tpu.memory_space<vmem>>, vector<16xf32>,
    %swap3A_343 = vector.shape_cast %swap3A_342 : vector<16xf32> to vector<16xf32>
    %swap3A_344 = vector.shape_cast %sub3A_340 : vector<16xf32> to vector<16xf32>
    tpu.vector_store %arg6[%swap3A_341], %swap3A_344 {strides = array<i32>} : memref<1024xf32, #tpu.memory_space<vmem>>, vector<16xf32>,
    %get3A_345 = arith.constant 1 : i32
    %get3A_346 = arith.index_cast %get3A_345 : i32 to index
    %get3A_347 = arith.constant 368 : index
    %get3A_348 = tpu.vector_load %arg5[%get3A_346, %get3A_347] {strides = array<i32>} : memref<2x1024xf32, #tpu.memory_space<vmem>>, vector<1x16xf32>,
    %get3A_349 = vector.shape_cast %get3A_348 : vector<1x16xf32> to vector<16xf32>
    %get3A_350 = arith.constant 0 : i32
    %get3A_351 = arith.index_cast %get3A_350 : i32 to index
    %get3A_352 = arith.constant 368 : index
    %get3A_353 = tpu.vector_load %arg5[%get3A_351, %get3A_352] {strides = array<i32>} : memref<2x1024xf32, #tpu.memory_space<vmem>>, vector<1x16xf32>,
    %get3A_354 = vector.shape_cast %get3A_353 : vector<1x16xf32> to vector<16xf32>
    %sub3A_355 = arith.subf %get3A_349, %get3A_354 : vector<16xf32>
    %swap3A_356 = arith.constant 368 : index
    %swap3A_357 = tpu.vector_load %arg6[%swap3A_356] {strides = array<i32>} : memref<1024xf32, #tpu.memory_space<vmem>>, vector<16xf32>,
    %swap3A_358 = vector.shape_cast %swap3A_357 : vector<16xf32> to vector<16xf32>
    %swap3A_359 = vector.shape_cast %sub3A_355 : vector<16xf32> to vector<16xf32>
    tpu.vector_store %arg6[%swap3A_356], %swap3A_359 {strides = array<i32>} : memref<1024xf32, #tpu.memory_space<vmem>>, vector<16xf32>,
    %get3A_360 = arith.constant 1 : i32
    %get3A_361 = arith.index_cast %get3A_360 : i32 to index
    %get3A_362 = arith.constant 384 : index
    %get3A_363 = tpu.vector_load %arg5[%get3A_361, %get3A_362] {strides = array<i32>} : memref<2x1024xf32, #tpu.memory_space<vmem>>, vector<1x16xf32>,
    %get3A_364 = vector.shape_cast %get3A_363 : vector<1x16xf32> to vector<16xf32>
    %get3A_365 = arith.constant 0 : i32
    %get3A_366 = arith.index_cast %get3A_365 : i32 to index
    %get3A_367 = arith.constant 384 : index
    %get3A_368 = tpu.vector_load %arg5[%get3A_366, %get3A_367] {strides = array<i32>} : memref<2x1024xf32, #tpu.memory_space<vmem>>, vector<1x16xf32>,
    %get3A_369 = vector.shape_cast %get3A_368 : vector<1x16xf32> to vector<16xf32>
    %sub3A_370 = arith.subf %get3A_364, %get3A_369 : vector<16xf32>
    %swap3A_371 = arith.constant 384 : index
    %swap3A_372 = tpu.vector_load %arg6[%swap3A_371] {strides = array<i32>} : memref<1024xf32, #tpu.memory_space<vmem>>, vector<16xf32>,
    %swap3A_373 = vector.shape_cast %swap3A_372 : vector<16xf32> to vector<16xf32>
    %swap3A_374 = vector.shape_cast %sub3A_370 : vector<16xf32> to vector<16xf32>
    tpu.vector_store %arg6[%swap3A_371], %swap3A_374 {strides = array<i32>} : memref<1024xf32, #tpu.memory_space<vmem>>, vector<16xf32>,
    %get3A_375 = arith.constant 1 : i32
    %get3A_376 = arith.index_cast %get3A_375 : i32 to index
    %get3A_377 = arith.constant 400 : index
    %get3A_378 = tpu.vector_load %arg5[%get3A_376, %get3A_377] {strides = array<i32>} : memref<2x1024xf32, #tpu.memory_space<vmem>>, vector<1x16xf32>,
    %get3A_379 = vector.shape_cast %get3A_378 : vector<1x16xf32> to vector<16xf32>
    %get3A_380 = arith.constant 0 : i32
    %get3A_381 = arith.index_cast %get3A_380 : i32 to index
    %get3A_382 = arith.constant 400 : index
    %get3A_383 = tpu.vector_load %arg5[%get3A_381, %get3A_382] {strides = array<i32>} : memref<2x1024xf32, #tpu.memory_space<vmem>>, vector<1x16xf32>,
    %get3A_384 = vector.shape_cast %get3A_383 : vector<1x16xf32> to vector<16xf32>
    %sub3A_385 = arith.subf %get3A_379, %get3A_384 : vector<16xf32>
    %swap3A_386 = arith.constant 400 : index
    %swap3A_387 = tpu.vector_load %arg6[%swap3A_386] {strides = array<i32>} : memref<1024xf32, #tpu.memory_space<vmem>>, vector<16xf32>,
    %swap3A_388 = vector.shape_cast %swap3A_387 : vector<16xf32> to vector<16xf32>
    %swap3A_389 = vector.shape_cast %sub3A_385 : vector<16xf32> to vector<16xf32>
    tpu.vector_store %arg6[%swap3A_386], %swap3A_389 {strides = array<i32>} : memref<1024xf32, #tpu.memory_space<vmem>>, vector<16xf32>,
    %get3A_390 = arith.constant 1 : i32
    %get3A_391 = arith.index_cast %get3A_390 : i32 to index
    %get3A_392 = arith.constant 416 : index
    %get3A_393 = tpu.vector_load %arg5[%get3A_391, %get3A_392] {strides = array<i32>} : memref<2x1024xf32, #tpu.memory_space<vmem>>, vector<1x16xf32>,
    %get3A_394 = vector.shape_cast %get3A_393 : vector<1x16xf32> to vector<16xf32>
    %get3A_395 = arith.constant 0 : i32
    %get3A_396 = arith.index_cast %get3A_395 : i32 to index
    %get3A_397 = arith.constant 416 : index
    %get3A_398 = tpu.vector_load %arg5[%get3A_396, %get3A_397] {strides = array<i32>} : memref<2x1024xf32, #tpu.memory_space<vmem>>, vector<1x16xf32>,
    %get3A_399 = vector.shape_cast %get3A_398 : vector<1x16xf32> to vector<16xf32>
    %sub3A_400 = arith.subf %get3A_394, %get3A_399 : vector<16xf32>
    %swap3A_401 = arith.constant 416 : index
    %swap3A_402 = tpu.vector_load %arg6[%swap3A_401] {strides = array<i32>} : memref<1024xf32, #tpu.memory_space<vmem>>, vector<16xf32>,
    %swap3A_403 = vector.shape_cast %swap3A_402 : vector<16xf32> to vector<16xf32>
    %swap3A_404 = vector.shape_cast %sub3A_400 : vector<16xf32> to vector<16xf32>
    tpu.vector_store %arg6[%swap3A_401], %swap3A_404 {strides = array<i32>} : memref<1024xf32, #tpu.memory_space<vmem>>, vector<16xf32>,
    %get3A_405 = arith.constant 1 : i32
    %get3A_406 = arith.index_cast %get3A_405 : i32 to index
    %get3A_407 = arith.constant 432 : index
    %get3A_408 = tpu.vector_load %arg5[%get3A_406, %get3A_407] {strides = array<i32>} : memref<2x1024xf32, #tpu.memory_space<vmem>>, vector<1x16xf32>,
    %get3A_409 = vector.shape_cast %get3A_408 : vector<1x16xf32> to vector<16xf32>
    %get3A_410 = arith.constant 0 : i32
    %get3A_411 = arith.index_cast %get3A_410 : i32 to index
    %get3A_412 = arith.constant 432 : index
    %get3A_413 = tpu.vector_load %arg5[%get3A_411, %get3A_412] {strides = array<i32>} : memref<2x1024xf32, #tpu.memory_space<vmem>>, vector<1x16xf32>,
    %get3A_414 = vector.shape_cast %get3A_413 : vector<1x16xf32> to vector<16xf32>
    %sub3A_415 = arith.subf %get3A_409, %get3A_414 : vector<16xf32>
    %swap3A_416 = arith.constant 432 : index
    %swap3A_417 = tpu.vector_load %arg6[%swap3A_416] {strides = array<i32>} : memref<1024xf32, #tpu.memory_space<vmem>>, vector<16xf32>,
    %swap3A_418 = vector.shape_cast %swap3A_417 : vector<16xf32> to vector<16xf32>
    %swap3A_419 = vector.shape_cast %sub3A_415 : vector<16xf32> to vector<16xf32>
    tpu.vector_store %arg6[%swap3A_416], %swap3A_419 {strides = array<i32>} : memref<1024xf32, #tpu.memory_space<vmem>>, vector<16xf32>,
    %get3A_420 = arith.constant 1 : i32
    %get3A_421 = arith.index_cast %get3A_420 : i32 to index
    %get3A_422 = arith.constant 448 : index
    %get3A_423 = tpu.vector_load %arg5[%get3A_421, %get3A_422] {strides = array<i32>} : memref<2x1024xf32, #tpu.memory_space<vmem>>, vector<1x16xf32>,
    %get3A_424 = vector.shape_cast %get3A_423 : vector<1x16xf32> to vector<16xf32>
    %get3A_425 = arith.constant 0 : i32
    %get3A_426 = arith.index_cast %get3A_425 : i32 to index
    %get3A_427 = arith.constant 448 : index
    %get3A_428 = tpu.vector_load %arg5[%get3A_426, %get3A_427] {strides = array<i32>} : memref<2x1024xf32, #tpu.memory_space<vmem>>, vector<1x16xf32>,
    %get3A_429 = vector.shape_cast %get3A_428 : vector<1x16xf32> to vector<16xf32>
    %sub3A_430 = arith.subf %get3A_424, %get3A_429 : vector<16xf32>
    %swap3A_431 = arith.constant 448 : index
    %swap3A_432 = tpu.vector_load %arg6[%swap3A_431] {strides = array<i32>} : memref<1024xf32, #tpu.memory_space<vmem>>, vector<16xf32>,
    %swap3A_433 = vector.shape_cast %swap3A_432 : vector<16xf32> to vector<16xf32>
    %swap3A_434 = vector.shape_cast %sub3A_430 : vector<16xf32> to vector<16xf32>
    tpu.vector_store %arg6[%swap3A_431], %swap3A_434 {strides = array<i32>} : memref<1024xf32, #tpu.memory_space<vmem>>, vector<16xf32>,
    %get3A_435 = arith.constant 1 : i32
    %get3A_436 = arith.index_cast %get3A_435 : i32 to index
    %get3A_437 = arith.constant 464 : index
    %get3A_438 = tpu.vector_load %arg5[%get3A_436, %get3A_437] {strides = array<i32>} : memref<2x1024xf32, #tpu.memory_space<vmem>>, vector<1x16xf32>,
    %get3A_439 = vector.shape_cast %get3A_438 : vector<1x16xf32> to vector<16xf32>
    %get3A_440 = arith.constant 0 : i32
    %get3A_441 = arith.index_cast %get3A_440 : i32 to index
    %get3A_442 = arith.constant 464 : index
    %get3A_443 = tpu.vector_load %arg5[%get3A_441, %get3A_442] {strides = array<i32>} : memref<2x1024xf32, #tpu.memory_space<vmem>>, vector<1x16xf32>,
    %get3A_444 = vector.shape_cast %get3A_443 : vector<1x16xf32> to vector<16xf32>
    %sub3A_445 = arith.subf %get3A_439, %get3A_444 : vector<16xf32>
    %swap3A_446 = arith.constant 464 : index
    %swap3A_447 = tpu.vector_load %arg6[%swap3A_446] {strides = array<i32>} : memref<1024xf32, #tpu.memory_space<vmem>>, vector<16xf32>,
    %swap3A_448 = vector.shape_cast %swap3A_447 : vector<16xf32> to vector<16xf32>
    %swap3A_449 = vector.shape_cast %sub3A_445 : vector<16xf32> to vector<16xf32>
    tpu.vector_store %arg6[%swap3A_446], %swap3A_449 {strides = array<i32>} : memref<1024xf32, #tpu.memory_space<vmem>>, vector<16xf32>,
    %get3A_450 = arith.constant 1 : i32
    %get3A_451 = arith.index_cast %get3A_450 : i32 to index
    %get3A_452 = arith.constant 480 : index
    %get3A_453 = tpu.vector_load %arg5[%get3A_451, %get3A_452] {strides = array<i32>} : memref<2x1024xf32, #tpu.memory_space<vmem>>, vector<1x16xf32>,
    %get3A_454 = vector.shape_cast %get3A_453 : vector<1x16xf32> to vector<16xf32>
    %get3A_455 = arith.constant 0 : i32
    %get3A_456 = arith.index_cast %get3A_455 : i32 to index
    %get3A_457 = arith.constant 480 : index
    %get3A_458 = tpu.vector_load %arg5[%get3A_456, %get3A_457] {strides = array<i32>} : memref<2x1024xf32, #tpu.memory_space<vmem>>, vector<1x16xf32>,
    %get3A_459 = vector.shape_cast %get3A_458 : vector<1x16xf32> to vector<16xf32>
    %sub3A_460 = arith.subf %get3A_454, %get3A_459 : vector<16xf32>
    %swap3A_461 = arith.constant 480 : index
    %swap3A_462 = tpu.vector_load %arg6[%swap3A_461] {strides = array<i32>} : memref<1024xf32, #tpu.memory_space<vmem>>, vector<16xf32>,
    %swap3A_463 = vector.shape_cast %swap3A_462 : vector<16xf32> to vector<16xf32>
    %swap3A_464 = vector.shape_cast %sub3A_460 : vector<16xf32> to vector<16xf32>
    tpu.vector_store %arg6[%swap3A_461], %swap3A_464 {strides = array<i32>} : memref<1024xf32, #tpu.memory_space<vmem>>, vector<16xf32>,
    %get3A_465 = arith.constant 1 : i32
    %get3A_466 = arith.index_cast %get3A_465 : i32 to index
    %get3A_467 = arith.constant 496 : index
    %get3A_468 = tpu.vector_load %arg5[%get3A_466, %get3A_467] {strides = array<i32>} : memref<2x1024xf32, #tpu.memory_space<vmem>>, vector<1x16xf32>,
    %get3A_469 = vector.shape_cast %get3A_468 : vector<1x16xf32> to vector<16xf32>
    %get3A_470 = arith.constant 0 : i32
    %get3A_471 = arith.index_cast %get3A_470 : i32 to index
    %get3A_472 = arith.constant 496 : index
    %get3A_473 = tpu.vector_load %arg5[%get3A_471, %get3A_472] {strides = array<i32>} : memref<2x1024xf32, #tpu.memory_space<vmem>>, vector<1x16xf32>,
    %get3A_474 = vector.shape_cast %get3A_473 : vector<1x16xf32> to vector<16xf32>
    %sub3A_475 = arith.subf %get3A_469, %get3A_474 : vector<16xf32>
    %swap3A_476 = arith.constant 496 : index
    %swap3A_477 = tpu.vector_load %arg6[%swap3A_476] {strides = array<i32>} : memref<1024xf32, #tpu.memory_space<vmem>>, vector<16xf32>,
    %swap3A_478 = vector.shape_cast %swap3A_477 : vector<16xf32> to vector<16xf32>
    %swap3A_479 = vector.shape_cast %sub3A_475 : vector<16xf32> to vector<16xf32>
    tpu.vector_store %arg6[%swap3A_476], %swap3A_479 {strides = array<i32>} : memref<1024xf32, #tpu.memory_space<vmem>>, vector<16xf32>,
    %get3A_480 = arith.constant 1 : i32
    %get3A_481 = arith.index_cast %get3A_480 : i32 to index
    %get3A_482 = arith.constant 512 : index
    %get3A_483 = tpu.vector_load %arg5[%get3A_481, %get3A_482] {strides = array<i32>} : memref<2x1024xf32, #tpu.memory_space<vmem>>, vector<1x16xf32>,
    %get3A_484 = vector.shape_cast %get3A_483 : vector<1x16xf32> to vector<16xf32>
    %get3A_485 = arith.constant 0 : i32
    %get3A_486 = arith.index_cast %get3A_485 : i32 to index
    %get3A_487 = arith.constant 512 : index
    %get3A_488 = tpu.vector_load %arg5[%get3A_486, %get3A_487] {strides = array<i32>} : memref<2x1024xf32, #tpu.memory_space<vmem>>, vector<1x16xf32>,
    %get3A_489 = vector.shape_cast %get3A_488 : vector<1x16xf32> to vector<16xf32>
    %sub3A_490 = arith.subf %get3A_484, %get3A_489 : vector<16xf32>
    %swap3A_491 = arith.constant 512 : index
    %swap3A_492 = tpu.vector_load %arg6[%swap3A_491] {strides = array<i32>} : memref<1024xf32, #tpu.memory_space<vmem>>, vector<16xf32>,
    %swap3A_493 = vector.shape_cast %swap3A_492 : vector<16xf32> to vector<16xf32>
    %swap3A_494 = vector.shape_cast %sub3A_490 : vector<16xf32> to vector<16xf32>
    tpu.vector_store %arg6[%swap3A_491], %swap3A_494 {strides = array<i32>} : memref<1024xf32, #tpu.memory_space<vmem>>, vector<16xf32>,
    %get3A_495 = arith.constant 1 : i32
    %get3A_496 = arith.index_cast %get3A_495 : i32 to index
    %get3A_497 = arith.constant 528 : index
    %get3A_498 = tpu.vector_load %arg5[%get3A_496, %get3A_497] {strides = array<i32>} : memref<2x1024xf32, #tpu.memory_space<vmem>>, vector<1x16xf32>,
    %get3A_499 = vector.shape_cast %get3A_498 : vector<1x16xf32> to vector<16xf32>
    %get3A_500 = arith.constant 0 : i32
    %get3A_501 = arith.index_cast %get3A_500 : i32 to index
    %get3A_502 = arith.constant 528 : index
    %get3A_503 = tpu.vector_load %arg5[%get3A_501, %get3A_502] {strides = array<i32>} : memref<2x1024xf32, #tpu.memory_space<vmem>>, vector<1x16xf32>,
    %get3A_504 = vector.shape_cast %get3A_503 : vector<1x16xf32> to vector<16xf32>
    %sub3A_505 = arith.subf %get3A_499, %get3A_504 : vector<16xf32>
    %swap3A_506 = arith.constant 528 : index
    %swap3A_507 = tpu.vector_load %arg6[%swap3A_506] {strides = array<i32>} : memref<1024xf32, #tpu.memory_space<vmem>>, vector<16xf32>,
    %swap3A_508 = vector.shape_cast %swap3A_507 : vector<16xf32> to vector<16xf32>
    %swap3A_509 = vector.shape_cast %sub3A_505 : vector<16xf32> to vector<16xf32>
    tpu.vector_store %arg6[%swap3A_506], %swap3A_509 {strides = array<i32>} : memref<1024xf32, #tpu.memory_space<vmem>>, vector<16xf32>,
    %get3A_510 = arith.constant 1 : i32
    %get3A_511 = arith.index_cast %get3A_510 : i32 to index
    %get3A_512 = arith.constant 544 : index
    %get3A_513 = tpu.vector_load %arg5[%get3A_511, %get3A_512] {strides = array<i32>} : memref<2x1024xf32, #tpu.memory_space<vmem>>, vector<1x16xf32>,
    %get3A_514 = vector.shape_cast %get3A_513 : vector<1x16xf32> to vector<16xf32>
    %get3A_515 = arith.constant 0 : i32
    %get3A_516 = arith.index_cast %get3A_515 : i32 to index
    %get3A_517 = arith.constant 544 : index
    %get3A_518 = tpu.vector_load %arg5[%get3A_516, %get3A_517] {strides = array<i32>} : memref<2x1024xf32, #tpu.memory_space<vmem>>, vector<1x16xf32>,
    %get3A_519 = vector.shape_cast %get3A_518 : vector<1x16xf32> to vector<16xf32>
    %sub3A_520 = arith.subf %get3A_514, %get3A_519 : vector<16xf32>
    %swap3A_521 = arith.constant 544 : index
    %swap3A_522 = tpu.vector_load %arg6[%swap3A_521] {strides = array<i32>} : memref<1024xf32, #tpu.memory_space<vmem>>, vector<16xf32>,
    %swap3A_523 = vector.shape_cast %swap3A_522 : vector<16xf32> to vector<16xf32>
    %swap3A_524 = vector.shape_cast %sub3A_520 : vector<16xf32> to vector<16xf32>
    tpu.vector_store %arg6[%swap3A_521], %swap3A_524 {strides = array<i32>} : memref<1024xf32, #tpu.memory_space<vmem>>, vector<16xf32>,
    %get3A_525 = arith.constant 1 : i32
    %get3A_526 = arith.index_cast %get3A_525 : i32 to index
    %get3A_527 = arith.constant 560 : index
    %get3A_528 = tpu.vector_load %arg5[%get3A_526, %get3A_527] {strides = array<i32>} : memref<2x1024xf32, #tpu.memory_space<vmem>>, vector<1x16xf32>,
    %get3A_529 = vector.shape_cast %get3A_528 : vector<1x16xf32> to vector<16xf32>
    %get3A_530 = arith.constant 0 : i32
    %get3A_531 = arith.index_cast %get3A_530 : i32 to index
    %get3A_532 = arith.constant 560 : index
    %get3A_533 = tpu.vector_load %arg5[%get3A_531, %get3A_532] {strides = array<i32>} : memref<2x1024xf32, #tpu.memory_space<vmem>>, vector<1x16xf32>,
    %get3A_534 = vector.shape_cast %get3A_533 : vector<1x16xf32> to vector<16xf32>
    %sub3A_535 = arith.subf %get3A_529, %get3A_534 : vector<16xf32>
    %swap3A_536 = arith.constant 560 : index
    %swap3A_537 = tpu.vector_load %arg6[%swap3A_536] {strides = array<i32>} : memref<1024xf32, #tpu.memory_space<vmem>>, vector<16xf32>,
    %swap3A_538 = vector.shape_cast %swap3A_537 : vector<16xf32> to vector<16xf32>
    %swap3A_539 = vector.shape_cast %sub3A_535 : vector<16xf32> to vector<16xf32>
    tpu.vector_store %arg6[%swap3A_536], %swap3A_539 {strides = array<i32>} : memref<1024xf32, #tpu.memory_space<vmem>>, vector<16xf32>,
    %get3A_540 = arith.constant 1 : i32
    %get3A_541 = arith.index_cast %get3A_540 : i32 to index
    %get3A_542 = arith.constant 576 : index
    %get3A_543 = tpu.vector_load %arg5[%get3A_541, %get3A_542] {strides = array<i32>} : memref<2x1024xf32, #tpu.memory_space<vmem>>, vector<1x16xf32>,
    %get3A_544 = vector.shape_cast %get3A_543 : vector<1x16xf32> to vector<16xf32>
    %get3A_545 = arith.constant 0 : i32
    %get3A_546 = arith.index_cast %get3A_545 : i32 to index
    %get3A_547 = arith.constant 576 : index
    %get3A_548 = tpu.vector_load %arg5[%get3A_546, %get3A_547] {strides = array<i32>} : memref<2x1024xf32, #tpu.memory_space<vmem>>, vector<1x16xf32>,
    %get3A_549 = vector.shape_cast %get3A_548 : vector<1x16xf32> to vector<16xf32>
    %sub3A_550 = arith.subf %get3A_544, %get3A_549 : vector<16xf32>
    %swap3A_551 = arith.constant 576 : index
    %swap3A_552 = tpu.vector_load %arg6[%swap3A_551] {strides = array<i32>} : memref<1024xf32, #tpu.memory_space<vmem>>, vector<16xf32>,
    %swap3A_553 = vector.shape_cast %swap3A_552 : vector<16xf32> to vector<16xf32>
    %swap3A_554 = vector.shape_cast %sub3A_550 : vector<16xf32> to vector<16xf32>
    tpu.vector_store %arg6[%swap3A_551], %swap3A_554 {strides = array<i32>} : memref<1024xf32, #tpu.memory_space<vmem>>, vector<16xf32>,
    %get3A_555 = arith.constant 1 : i32
    %get3A_556 = arith.index_cast %get3A_555 : i32 to index
    %get3A_557 = arith.constant 592 : index
    %get3A_558 = tpu.vector_load %arg5[%get3A_556, %get3A_557] {strides = array<i32>} : memref<2x1024xf32, #tpu.memory_space<vmem>>, vector<1x16xf32>,
    %get3A_559 = vector.shape_cast %get3A_558 : vector<1x16xf32> to vector<16xf32>
    %get3A_560 = arith.constant 0 : i32
    %get3A_561 = arith.index_cast %get3A_560 : i32 to index
    %get3A_562 = arith.constant 592 : index
    %get3A_563 = tpu.vector_load %arg5[%get3A_561, %get3A_562] {strides = array<i32>} : memref<2x1024xf32, #tpu.memory_space<vmem>>, vector<1x16xf32>,
    %get3A_564 = vector.shape_cast %get3A_563 : vector<1x16xf32> to vector<16xf32>
    %sub3A_565 = arith.subf %get3A_559, %get3A_564 : vector<16xf32>
    %swap3A_566 = arith.constant 592 : index
    %swap3A_567 = tpu.vector_load %arg6[%swap3A_566] {strides = array<i32>} : memref<1024xf32, #tpu.memory_space<vmem>>, vector<16xf32>,
    %swap3A_568 = vector.shape_cast %swap3A_567 : vector<16xf32> to vector<16xf32>
    %swap3A_569 = vector.shape_cast %sub3A_565 : vector<16xf32> to vector<16xf32>
    tpu.vector_store %arg6[%swap3A_566], %swap3A_569 {strides = array<i32>} : memref<1024xf32, #tpu.memory_space<vmem>>, vector<16xf32>,
    %get3A_570 = arith.constant 1 : i32
    %get3A_571 = arith.index_cast %get3A_570 : i32 to index
    %get3A_572 = arith.constant 608 : index
    %get3A_573 = tpu.vector_load %arg5[%get3A_571, %get3A_572] {strides = array<i32>} : memref<2x1024xf32, #tpu.memory_space<vmem>>, vector<1x16xf32>,
    %get3A_574 = vector.shape_cast %get3A_573 : vector<1x16xf32> to vector<16xf32>
    %get3A_575 = arith.constant 0 : i32
    %get3A_576 = arith.index_cast %get3A_575 : i32 to index
    %get3A_577 = arith.constant 608 : index
    %get3A_578 = tpu.vector_load %arg5[%get3A_576, %get3A_577] {strides = array<i32>} : memref<2x1024xf32, #tpu.memory_space<vmem>>, vector<1x16xf32>,
    %get3A_579 = vector.shape_cast %get3A_578 : vector<1x16xf32> to vector<16xf32>
    %sub3A_580 = arith.subf %get3A_574, %get3A_579 : vector<16xf32>
    %swap3A_581 = arith.constant 608 : index
    %swap3A_582 = tpu.vector_load %arg6[%swap3A_581] {strides = array<i32>} : memref<1024xf32, #tpu.memory_space<vmem>>, vector<16xf32>,
    %swap3A_583 = vector.shape_cast %swap3A_582 : vector<16xf32> to vector<16xf32>
    %swap3A_584 = vector.shape_cast %sub3A_580 : vector<16xf32> to vector<16xf32>
    tpu.vector_store %arg6[%swap3A_581], %swap3A_584 {strides = array<i32>} : memref<1024xf32, #tpu.memory_space<vmem>>, vector<16xf32>,
    %get3A_585 = arith.constant 1 : i32
    %get3A_586 = arith.index_cast %get3A_585 : i32 to index
    %get3A_587 = arith.constant 624 : index
    %get3A_588 = tpu.vector_load %arg5[%get3A_586, %get3A_587] {strides = array<i32>} : memref<2x1024xf32, #tpu.memory_space<vmem>>, vector<1x16xf32>,
    %get3A_589 = vector.shape_cast %get3A_588 : vector<1x16xf32> to vector<16xf32>
    %get3A_590 = arith.constant 0 : i32
    %get3A_591 = arith.index_cast %get3A_590 : i32 to index
    %get3A_592 = arith.constant 624 : index
    %get3A_593 = tpu.vector_load %arg5[%get3A_591, %get3A_592] {strides = array<i32>} : memref<2x1024xf32, #tpu.memory_space<vmem>>, vector<1x16xf32>,
    %get3A_594 = vector.shape_cast %get3A_593 : vector<1x16xf32> to vector<16xf32>
    %sub3A_595 = arith.subf %get3A_589, %get3A_594 : vector<16xf32>
    %swap3A_596 = arith.constant 624 : index
    %swap3A_597 = tpu.vector_load %arg6[%swap3A_596] {strides = array<i32>} : memref<1024xf32, #tpu.memory_space<vmem>>, vector<16xf32>,
    %swap3A_598 = vector.shape_cast %swap3A_597 : vector<16xf32> to vector<16xf32>
    %swap3A_599 = vector.shape_cast %sub3A_595 : vector<16xf32> to vector<16xf32>
    tpu.vector_store %arg6[%swap3A_596], %swap3A_599 {strides = array<i32>} : memref<1024xf32, #tpu.memory_space<vmem>>, vector<16xf32>,
    %get3A_600 = arith.constant 1 : i32
    %get3A_601 = arith.index_cast %get3A_600 : i32 to index
    %get3A_602 = arith.constant 640 : index
    %get3A_603 = tpu.vector_load %arg5[%get3A_601, %get3A_602] {strides = array<i32>} : memref<2x1024xf32, #tpu.memory_space<vmem>>, vector<1x16xf32>,
    %get3A_604 = vector.shape_cast %get3A_603 : vector<1x16xf32> to vector<16xf32>
    %get3A_605 = arith.constant 0 : i32
    %get3A_606 = arith.index_cast %get3A_605 : i32 to index
    %get3A_607 = arith.constant 640 : index
    %get3A_608 = tpu.vector_load %arg5[%get3A_606, %get3A_607] {strides = array<i32>} : memref<2x1024xf32, #tpu.memory_space<vmem>>, vector<1x16xf32>,
    %get3A_609 = vector.shape_cast %get3A_608 : vector<1x16xf32> to vector<16xf32>
    %sub3A_610 = arith.subf %get3A_604, %get3A_609 : vector<16xf32>
    %swap3A_611 = arith.constant 640 : index
    %swap3A_612 = tpu.vector_load %arg6[%swap3A_611] {strides = array<i32>} : memref<1024xf32, #tpu.memory_space<vmem>>, vector<16xf32>,
    %swap3A_613 = vector.shape_cast %swap3A_612 : vector<16xf32> to vector<16xf32>
    %swap3A_614 = vector.shape_cast %sub3A_610 : vector<16xf32> to vector<16xf32>
    tpu.vector_store %arg6[%swap3A_611], %swap3A_614 {strides = array<i32>} : memref<1024xf32, #tpu.memory_space<vmem>>, vector<16xf32>,
    %get3A_615 = arith.constant 1 : i32
    %get3A_616 = arith.index_cast %get3A_615 : i32 to index
    %get3A_617 = arith.constant 656 : index
    %get3A_618 = tpu.vector_load %arg5[%get3A_616, %get3A_617] {strides = array<i32>} : memref<2x1024xf32, #tpu.memory_space<vmem>>, vector<1x16xf32>,
    %get3A_619 = vector.shape_cast %get3A_618 : vector<1x16xf32> to vector<16xf32>
    %get3A_620 = arith.constant 0 : i32
    %get3A_621 = arith.index_cast %get3A_620 : i32 to index
    %get3A_622 = arith.constant 656 : index
    %get3A_623 = tpu.vector_load %arg5[%get3A_621, %get3A_622] {strides = array<i32>} : memref<2x1024xf32, #tpu.memory_space<vmem>>, vector<1x16xf32>,
    %get3A_624 = vector.shape_cast %get3A_623 : vector<1x16xf32> to vector<16xf32>
    %sub3A_625 = arith.subf %get3A_619, %get3A_624 : vector<16xf32>
    %swap3A_626 = arith.constant 656 : index
    %swap3A_627 = tpu.vector_load %arg6[%swap3A_626] {strides = array<i32>} : memref<1024xf32, #tpu.memory_space<vmem>>, vector<16xf32>,
    %swap3A_628 = vector.shape_cast %swap3A_627 : vector<16xf32> to vector<16xf32>
    %swap3A_629 = vector.shape_cast %sub3A_625 : vector<16xf32> to vector<16xf32>
    tpu.vector_store %arg6[%swap3A_626], %swap3A_629 {strides = array<i32>} : memref<1024xf32, #tpu.memory_space<vmem>>, vector<16xf32>,
    %get3A_630 = arith.constant 1 : i32
    %get3A_631 = arith.index_cast %get3A_630 : i32 to index
    %get3A_632 = arith.constant 672 : index
    %get3A_633 = tpu.vector_load %arg5[%get3A_631, %get3A_632] {strides = array<i32>} : memref<2x1024xf32, #tpu.memory_space<vmem>>, vector<1x16xf32>,
    %get3A_634 = vector.shape_cast %get3A_633 : vector<1x16xf32> to vector<16xf32>
    %get3A_635 = arith.constant 0 : i32
    %get3A_636 = arith.index_cast %get3A_635 : i32 to index
    %get3A_637 = arith.constant 672 : index
    %get3A_638 = tpu.vector_load %arg5[%get3A_636, %get3A_637] {strides = array<i32>} : memref<2x1024xf32, #tpu.memory_space<vmem>>, vector<1x16xf32>,
    %get3A_639 = vector.shape_cast %get3A_638 : vector<1x16xf32> to vector<16xf32>
    %sub3A_640 = arith.subf %get3A_634, %get3A_639 : vector<16xf32>
    %swap3A_641 = arith.constant 672 : index
    %swap3A_642 = tpu.vector_load %arg6[%swap3A_641] {strides = array<i32>} : memref<1024xf32, #tpu.memory_space<vmem>>, vector<16xf32>,
    %swap3A_643 = vector.shape_cast %swap3A_642 : vector<16xf32> to vector<16xf32>
    %swap3A_644 = vector.shape_cast %sub3A_640 : vector<16xf32> to vector<16xf32>
    tpu.vector_store %arg6[%swap3A_641], %swap3A_644 {strides = array<i32>} : memref<1024xf32, #tpu.memory_space<vmem>>, vector<16xf32>,
    %get3A_645 = arith.constant 1 : i32
    %get3A_646 = arith.index_cast %get3A_645 : i32 to index
    %get3A_647 = arith.constant 688 : index
    %get3A_648 = tpu.vector_load %arg5[%get3A_646, %get3A_647] {strides = array<i32>} : memref<2x1024xf32, #tpu.memory_space<vmem>>, vector<1x16xf32>,
    %get3A_649 = vector.shape_cast %get3A_648 : vector<1x16xf32> to vector<16xf32>
    %get3A_650 = arith.constant 0 : i32
    %get3A_651 = arith.index_cast %get3A_650 : i32 to index
    %get3A_652 = arith.constant 688 : index
    %get3A_653 = tpu.vector_load %arg5[%get3A_651, %get3A_652] {strides = array<i32>} : memref<2x1024xf32, #tpu.memory_space<vmem>>, vector<1x16xf32>,
    %get3A_654 = vector.shape_cast %get3A_653 : vector<1x16xf32> to vector<16xf32>
    %sub3A_655 = arith.subf %get3A_649, %get3A_654 : vector<16xf32>
    %swap3A_656 = arith.constant 688 : index
    %swap3A_657 = tpu.vector_load %arg6[%swap3A_656] {strides = array<i32>} : memref<1024xf32, #tpu.memory_space<vmem>>, vector<16xf32>,
    %swap3A_658 = vector.shape_cast %swap3A_657 : vector<16xf32> to vector<16xf32>
    %swap3A_659 = vector.shape_cast %sub3A_655 : vector<16xf32> to vector<16xf32>
    tpu.vector_store %arg6[%swap3A_656], %swap3A_659 {strides = array<i32>} : memref<1024xf32, #tpu.memory_space<vmem>>, vector<16xf32>,
    %get3A_660 = arith.constant 1 : i32
    %get3A_661 = arith.index_cast %get3A_660 : i32 to index
    %get3A_662 = arith.constant 704 : index
    %get3A_663 = tpu.vector_load %arg5[%get3A_661, %get3A_662] {strides = array<i32>} : memref<2x1024xf32, #tpu.memory_space<vmem>>, vector<1x16xf32>,
    %get3A_664 = vector.shape_cast %get3A_663 : vector<1x16xf32> to vector<16xf32>
    %get3A_665 = arith.constant 0 : i32
    %get3A_666 = arith.index_cast %get3A_665 : i32 to index
    %get3A_667 = arith.constant 704 : index
    %get3A_668 = tpu.vector_load %arg5[%get3A_666, %get3A_667] {strides = array<i32>} : memref<2x1024xf32, #tpu.memory_space<vmem>>, vector<1x16xf32>,
    %get3A_669 = vector.shape_cast %get3A_668 : vector<1x16xf32> to vector<16xf32>
    %sub3A_670 = arith.subf %get3A_664, %get3A_669 : vector<16xf32>
    %swap3A_671 = arith.constant 704 : index
    %swap3A_672 = tpu.vector_load %arg6[%swap3A_671] {strides = array<i32>} : memref<1024xf32, #tpu.memory_space<vmem>>, vector<16xf32>,
    %swap3A_673 = vector.shape_cast %swap3A_672 : vector<16xf32> to vector<16xf32>
    %swap3A_674 = vector.shape_cast %sub3A_670 : vector<16xf32> to vector<16xf32>
    tpu.vector_store %arg6[%swap3A_671], %swap3A_674 {strides = array<i32>} : memref<1024xf32, #tpu.memory_space<vmem>>, vector<16xf32>,
    %get3A_675 = arith.constant 1 : i32
    %get3A_676 = arith.index_cast %get3A_675 : i32 to index
    %get3A_677 = arith.constant 720 : index
    %get3A_678 = tpu.vector_load %arg5[%get3A_676, %get3A_677] {strides = array<i32>} : memref<2x1024xf32, #tpu.memory_space<vmem>>, vector<1x16xf32>,
    %get3A_679 = vector.shape_cast %get3A_678 : vector<1x16xf32> to vector<16xf32>
    %get3A_680 = arith.constant 0 : i32
    %get3A_681 = arith.index_cast %get3A_680 : i32 to index
    %get3A_682 = arith.constant 720 : index
    %get3A_683 = tpu.vector_load %arg5[%get3A_681, %get3A_682] {strides = array<i32>} : memref<2x1024xf32, #tpu.memory_space<vmem>>, vector<1x16xf32>,
    %get3A_684 = vector.shape_cast %get3A_683 : vector<1x16xf32> to vector<16xf32>
    %sub3A_685 = arith.subf %get3A_679, %get3A_684 : vector<16xf32>
    %swap3A_686 = arith.constant 720 : index
    %swap3A_687 = tpu.vector_load %arg6[%swap3A_686] {strides = array<i32>} : memref<1024xf32, #tpu.memory_space<vmem>>, vector<16xf32>,
    %swap3A_688 = vector.shape_cast %swap3A_687 : vector<16xf32> to vector<16xf32>
    %swap3A_689 = vector.shape_cast %sub3A_685 : vector<16xf32> to vector<16xf32>
    tpu.vector_store %arg6[%swap3A_686], %swap3A_689 {strides = array<i32>} : memref<1024xf32, #tpu.memory_space<vmem>>, vector<16xf32>,
    %get3A_690 = arith.constant 1 : i32
    %get3A_691 = arith.index_cast %get3A_690 : i32 to index
    %get3A_692 = arith.constant 736 : index
    %get3A_693 = tpu.vector_load %arg5[%get3A_691, %get3A_692] {strides = array<i32>} : memref<2x1024xf32, #tpu.memory_space<vmem>>, vector<1x16xf32>,
    %get3A_694 = vector.shape_cast %get3A_693 : vector<1x16xf32> to vector<16xf32>
    %get3A_695 = arith.constant 0 : i32
    %get3A_696 = arith.index_cast %get3A_695 : i32 to index
    %get3A_697 = arith.constant 736 : index
    %get3A_698 = tpu.vector_load %arg5[%get3A_696, %get3A_697] {strides = array<i32>} : memref<2x1024xf32, #tpu.memory_space<vmem>>, vector<1x16xf32>,
    %get3A_699 = vector.shape_cast %get3A_698 : vector<1x16xf32> to vector<16xf32>
    %sub3A_700 = arith.subf %get3A_694, %get3A_699 : vector<16xf32>
    %swap3A_701 = arith.constant 736 : index
    %swap3A_702 = tpu.vector_load %arg6[%swap3A_701] {strides = array<i32>} : memref<1024xf32, #tpu.memory_space<vmem>>, vector<16xf32>,
    %swap3A_703 = vector.shape_cast %swap3A_702 : vector<16xf32> to vector<16xf32>
    %swap3A_704 = vector.shape_cast %sub3A_700 : vector<16xf32> to vector<16xf32>
    tpu.vector_store %arg6[%swap3A_701], %swap3A_704 {strides = array<i32>} : memref<1024xf32, #tpu.memory_space<vmem>>, vector<16xf32>,
    %get3A_705 = arith.constant 1 : i32
    %get3A_706 = arith.index_cast %get3A_705 : i32 to index
    %get3A_707 = arith.constant 752 : index
    %get3A_708 = tpu.vector_load %arg5[%get3A_706, %get3A_707] {strides = array<i32>} : memref<2x1024xf32, #tpu.memory_space<vmem>>, vector<1x16xf32>,
    %get3A_709 = vector.shape_cast %get3A_708 : vector<1x16xf32> to vector<16xf32>
    %get3A_710 = arith.constant 0 : i32
    %get3A_711 = arith.index_cast %get3A_710 : i32 to index
    %get3A_712 = arith.constant 752 : index
    %get3A_713 = tpu.vector_load %arg5[%get3A_711, %get3A_712] {strides = array<i32>} : memref<2x1024xf32, #tpu.memory_space<vmem>>, vector<1x16xf32>,
    %get3A_714 = vector.shape_cast %get3A_713 : vector<1x16xf32> to vector<16xf32>
    %sub3A_715 = arith.subf %get3A_709, %get3A_714 : vector<16xf32>
    %swap3A_716 = arith.constant 752 : index
    %swap3A_717 = tpu.vector_load %arg6[%swap3A_716] {strides = array<i32>} : memref<1024xf32, #tpu.memory_space<vmem>>, vector<16xf32>,
    %swap3A_718 = vector.shape_cast %swap3A_717 : vector<16xf32> to vector<16xf32>
    %swap3A_719 = vector.shape_cast %sub3A_715 : vector<16xf32> to vector<16xf32>
    tpu.vector_store %arg6[%swap3A_716], %swap3A_719 {strides = array<i32>} : memref<1024xf32, #tpu.memory_space<vmem>>, vector<16xf32>,
    %get3A_720 = arith.constant 1 : i32
    %get3A_721 = arith.index_cast %get3A_720 : i32 to index
    %get3A_722 = arith.constant 768 : index
    %get3A_723 = tpu.vector_load %arg5[%get3A_721, %get3A_722] {strides = array<i32>} : memref<2x1024xf32, #tpu.memory_space<vmem>>, vector<1x16xf32>,
    %get3A_724 = vector.shape_cast %get3A_723 : vector<1x16xf32> to vector<16xf32>
    %get3A_725 = arith.constant 0 : i32
    %get3A_726 = arith.index_cast %get3A_725 : i32 to index
    %get3A_727 = arith.constant 768 : index
    %get3A_728 = tpu.vector_load %arg5[%get3A_726, %get3A_727] {strides = array<i32>} : memref<2x1024xf32, #tpu.memory_space<vmem>>, vector<1x16xf32>,
    %get3A_729 = vector.shape_cast %get3A_728 : vector<1x16xf32> to vector<16xf32>
    %sub3A_730 = arith.subf %get3A_724, %get3A_729 : vector<16xf32>
    %swap3A_731 = arith.constant 768 : index
    %swap3A_732 = tpu.vector_load %arg6[%swap3A_731] {strides = array<i32>} : memref<1024xf32, #tpu.memory_space<vmem>>, vector<16xf32>,
    %swap3A_733 = vector.shape_cast %swap3A_732 : vector<16xf32> to vector<16xf32>
    %swap3A_734 = vector.shape_cast %sub3A_730 : vector<16xf32> to vector<16xf32>
    tpu.vector_store %arg6[%swap3A_731], %swap3A_734 {strides = array<i32>} : memref<1024xf32, #tpu.memory_space<vmem>>, vector<16xf32>,
    %get3A_735 = arith.constant 1 : i32
    %get3A_736 = arith.index_cast %get3A_735 : i32 to index
    %get3A_737 = arith.constant 784 : index
    %get3A_738 = tpu.vector_load %arg5[%get3A_736, %get3A_737] {strides = array<i32>} : memref<2x1024xf32, #tpu.memory_space<vmem>>, vector<1x16xf32>,
    %get3A_739 = vector.shape_cast %get3A_738 : vector<1x16xf32> to vector<16xf32>
    %get3A_740 = arith.constant 0 : i32
    %get3A_741 = arith.index_cast %get3A_740 : i32 to index
    %get3A_742 = arith.constant 784 : index
    %get3A_743 = tpu.vector_load %arg5[%get3A_741, %get3A_742] {strides = array<i32>} : memref<2x1024xf32, #tpu.memory_space<vmem>>, vector<1x16xf32>,
    %get3A_744 = vector.shape_cast %get3A_743 : vector<1x16xf32> to vector<16xf32>
    %sub3A_745 = arith.subf %get3A_739, %get3A_744 : vector<16xf32>
    %swap3A_746 = arith.constant 784 : index
    %swap3A_747 = tpu.vector_load %arg6[%swap3A_746] {strides = array<i32>} : memref<1024xf32, #tpu.memory_space<vmem>>, vector<16xf32>,
    %swap3A_748 = vector.shape_cast %swap3A_747 : vector<16xf32> to vector<16xf32>
    %swap3A_749 = vector.shape_cast %sub3A_745 : vector<16xf32> to vector<16xf32>
    tpu.vector_store %arg6[%swap3A_746], %swap3A_749 {strides = array<i32>} : memref<1024xf32, #tpu.memory_space<vmem>>, vector<16xf32>,
    %get3A_750 = arith.constant 1 : i32
    %get3A_751 = arith.index_cast %get3A_750 : i32 to index
    %get3A_752 = arith.constant 800 : index
    %get3A_753 = tpu.vector_load %arg5[%get3A_751, %get3A_752] {strides = array<i32>} : memref<2x1024xf32, #tpu.memory_space<vmem>>, vector<1x16xf32>,
    %get3A_754 = vector.shape_cast %get3A_753 : vector<1x16xf32> to vector<16xf32>
    %get3A_755 = arith.constant 0 : i32
    %get3A_756 = arith.index_cast %get3A_755 : i32 to index
    %get3A_757 = arith.constant 800 : index
    %get3A_758 = tpu.vector_load %arg5[%get3A_756, %get3A_757] {strides = array<i32>} : memref<2x1024xf32, #tpu.memory_space<vmem>>, vector<1x16xf32>,
    %get3A_759 = vector.shape_cast %get3A_758 : vector<1x16xf32> to vector<16xf32>
    %sub3A_760 = arith.subf %get3A_754, %get3A_759 : vector<16xf32>
    %swap3A_761 = arith.constant 800 : index
    %swap3A_762 = tpu.vector_load %arg6[%swap3A_761] {strides = array<i32>} : memref<1024xf32, #tpu.memory_space<vmem>>, vector<16xf32>,
    %swap3A_763 = vector.shape_cast %swap3A_762 : vector<16xf32> to vector<16xf32>
    %swap3A_764 = vector.shape_cast %sub3A_760 : vector<16xf32> to vector<16xf32>
    tpu.vector_store %arg6[%swap3A_761], %swap3A_764 {strides = array<i32>} : memref<1024xf32, #tpu.memory_space<vmem>>, vector<16xf32>,
    %get3A_765 = arith.constant 1 : i32
    %get3A_766 = arith.index_cast %get3A_765 : i32 to index
    %get3A_767 = arith.constant 816 : index
    %get3A_768 = tpu.vector_load %arg5[%get3A_766, %get3A_767] {strides = array<i32>} : memref<2x1024xf32, #tpu.memory_space<vmem>>, vector<1x16xf32>,
    %get3A_769 = vector.shape_cast %get3A_768 : vector<1x16xf32> to vector<16xf32>
    %get3A_770 = arith.constant 0 : i32
    %get3A_771 = arith.index_cast %get3A_770 : i32 to index
    %get3A_772 = arith.constant 816 : index
    %get3A_773 = tpu.vector_load %arg5[%get3A_771, %get3A_772] {strides = array<i32>} : memref<2x1024xf32, #tpu.memory_space<vmem>>, vector<1x16xf32>,
    %get3A_774 = vector.shape_cast %get3A_773 : vector<1x16xf32> to vector<16xf32>
    %sub3A_775 = arith.subf %get3A_769, %get3A_774 : vector<16xf32>
    %swap3A_776 = arith.constant 816 : index
    %swap3A_777 = tpu.vector_load %arg6[%swap3A_776] {strides = array<i32>} : memref<1024xf32, #tpu.memory_space<vmem>>, vector<16xf32>,
    %swap3A_778 = vector.shape_cast %swap3A_777 : vector<16xf32> to vector<16xf32>
    %swap3A_779 = vector.shape_cast %sub3A_775 : vector<16xf32> to vector<16xf32>
    tpu.vector_store %arg6[%swap3A_776], %swap3A_779 {strides = array<i32>} : memref<1024xf32, #tpu.memory_space<vmem>>, vector<16xf32>,
    %get3A_780 = arith.constant 1 : i32
    %get3A_781 = arith.index_cast %get3A_780 : i32 to index
    %get3A_782 = arith.constant 832 : index
    %get3A_783 = tpu.vector_load %arg5[%get3A_781, %get3A_782] {strides = array<i32>} : memref<2x1024xf32, #tpu.memory_space<vmem>>, vector<1x16xf32>,
    %get3A_784 = vector.shape_cast %get3A_783 : vector<1x16xf32> to vector<16xf32>
    %get3A_785 = arith.constant 0 : i32
    %get3A_786 = arith.index_cast %get3A_785 : i32 to index
    %get3A_787 = arith.constant 832 : index
    %get3A_788 = tpu.vector_load %arg5[%get3A_786, %get3A_787] {strides = array<i32>} : memref<2x1024xf32, #tpu.memory_space<vmem>>, vector<1x16xf32>,
    %get3A_789 = vector.shape_cast %get3A_788 : vector<1x16xf32> to vector<16xf32>
    %sub3A_790 = arith.subf %get3A_784, %get3A_789 : vector<16xf32>
    %swap3A_791 = arith.constant 832 : index
    %swap3A_792 = tpu.vector_load %arg6[%swap3A_791] {strides = array<i32>} : memref<1024xf32, #tpu.memory_space<vmem>>, vector<16xf32>,
    %swap3A_793 = vector.shape_cast %swap3A_792 : vector<16xf32> to vector<16xf32>
    %swap3A_794 = vector.shape_cast %sub3A_790 : vector<16xf32> to vector<16xf32>
    tpu.vector_store %arg6[%swap3A_791], %swap3A_794 {strides = array<i32>} : memref<1024xf32, #tpu.memory_space<vmem>>, vector<16xf32>,
    %get3A_795 = arith.constant 1 : i32
    %get3A_796 = arith.index_cast %get3A_795 : i32 to index
    %get3A_797 = arith.constant 848 : index
    %get3A_798 = tpu.vector_load %arg5[%get3A_796, %get3A_797] {strides = array<i32>} : memref<2x1024xf32, #tpu.memory_space<vmem>>, vector<1x16xf32>,
    %get3A_799 = vector.shape_cast %get3A_798 : vector<1x16xf32> to vector<16xf32>
    %get3A_800 = arith.constant 0 : i32
    %get3A_801 = arith.index_cast %get3A_800 : i32 to index
    %get3A_802 = arith.constant 848 : index
    %get3A_803 = tpu.vector_load %arg5[%get3A_801, %get3A_802] {strides = array<i32>} : memref<2x1024xf32, #tpu.memory_space<vmem>>, vector<1x16xf32>,
    %get3A_804 = vector.shape_cast %get3A_803 : vector<1x16xf32> to vector<16xf32>
    %sub3A_805 = arith.subf %get3A_799, %get3A_804 : vector<16xf32>
    %swap3A_806 = arith.constant 848 : index
    %swap3A_807 = tpu.vector_load %arg6[%swap3A_806] {strides = array<i32>} : memref<1024xf32, #tpu.memory_space<vmem>>, vector<16xf32>,
    %swap3A_808 = vector.shape_cast %swap3A_807 : vector<16xf32> to vector<16xf32>
    %swap3A_809 = vector.shape_cast %sub3A_805 : vector<16xf32> to vector<16xf32>
    tpu.vector_store %arg6[%swap3A_806], %swap3A_809 {strides = array<i32>} : memref<1024xf32, #tpu.memory_space<vmem>>, vector<16xf32>,
    %get3A_810 = arith.constant 1 : i32
    %get3A_811 = arith.index_cast %get3A_810 : i32 to index
    %get3A_812 = arith.constant 864 : index
    %get3A_813 = tpu.vector_load %arg5[%get3A_811, %get3A_812] {strides = array<i32>} : memref<2x1024xf32, #tpu.memory_space<vmem>>, vector<1x16xf32>,
    %get3A_814 = vector.shape_cast %get3A_813 : vector<1x16xf32> to vector<16xf32>
    %get3A_815 = arith.constant 0 : i32
    %get3A_816 = arith.index_cast %get3A_815 : i32 to index
    %get3A_817 = arith.constant 864 : index
    %get3A_818 = tpu.vector_load %arg5[%get3A_816, %get3A_817] {strides = array<i32>} : memref<2x1024xf32, #tpu.memory_space<vmem>>, vector<1x16xf32>,
    %get3A_819 = vector.shape_cast %get3A_818 : vector<1x16xf32> to vector<16xf32>
    %sub3A_820 = arith.subf %get3A_814, %get3A_819 : vector<16xf32>
    %swap3A_821 = arith.constant 864 : index
    %swap3A_822 = tpu.vector_load %arg6[%swap3A_821] {strides = array<i32>} : memref<1024xf32, #tpu.memory_space<vmem>>, vector<16xf32>,
    %swap3A_823 = vector.shape_cast %swap3A_822 : vector<16xf32> to vector<16xf32>
    %swap3A_824 = vector.shape_cast %sub3A_820 : vector<16xf32> to vector<16xf32>
    tpu.vector_store %arg6[%swap3A_821], %swap3A_824 {strides = array<i32>} : memref<1024xf32, #tpu.memory_space<vmem>>, vector<16xf32>,
    %get3A_825 = arith.constant 1 : i32
    %get3A_826 = arith.index_cast %get3A_825 : i32 to index
    %get3A_827 = arith.constant 880 : index
    %get3A_828 = tpu.vector_load %arg5[%get3A_826, %get3A_827] {strides = array<i32>} : memref<2x1024xf32, #tpu.memory_space<vmem>>, vector<1x16xf32>,
    %get3A_829 = vector.shape_cast %get3A_828 : vector<1x16xf32> to vector<16xf32>
    %get3A_830 = arith.constant 0 : i32
    %get3A_831 = arith.index_cast %get3A_830 : i32 to index
    %get3A_832 = arith.constant 880 : index
    %get3A_833 = tpu.vector_load %arg5[%get3A_831, %get3A_832] {strides = array<i32>} : memref<2x1024xf32, #tpu.memory_space<vmem>>, vector<1x16xf32>,
    %get3A_834 = vector.shape_cast %get3A_833 : vector<1x16xf32> to vector<16xf32>
    %sub3A_835 = arith.subf %get3A_829, %get3A_834 : vector<16xf32>
    %swap3A_836 = arith.constant 880 : index
    %swap3A_837 = tpu.vector_load %arg6[%swap3A_836] {strides = array<i32>} : memref<1024xf32, #tpu.memory_space<vmem>>, vector<16xf32>,
    %swap3A_838 = vector.shape_cast %swap3A_837 : vector<16xf32> to vector<16xf32>
    %swap3A_839 = vector.shape_cast %sub3A_835 : vector<16xf32> to vector<16xf32>
    tpu.vector_store %arg6[%swap3A_836], %swap3A_839 {strides = array<i32>} : memref<1024xf32, #tpu.memory_space<vmem>>, vector<16xf32>,
    %get3A_840 = arith.constant 1 : i32
    %get3A_841 = arith.index_cast %get3A_840 : i32 to index
    %get3A_842 = arith.constant 896 : index
    %get3A_843 = tpu.vector_load %arg5[%get3A_841, %get3A_842] {strides = array<i32>} : memref<2x1024xf32, #tpu.memory_space<vmem>>, vector<1x16xf32>,
    %get3A_844 = vector.shape_cast %get3A_843 : vector<1x16xf32> to vector<16xf32>
    %get3A_845 = arith.constant 0 : i32
    %get3A_846 = arith.index_cast %get3A_845 : i32 to index
    %get3A_847 = arith.constant 896 : index
    %get3A_848 = tpu.vector_load %arg5[%get3A_846, %get3A_847] {strides = array<i32>} : memref<2x1024xf32, #tpu.memory_space<vmem>>, vector<1x16xf32>,
    %get3A_849 = vector.shape_cast %get3A_848 : vector<1x16xf32> to vector<16xf32>
    %sub3A_850 = arith.subf %get3A_844, %get3A_849 : vector<16xf32>
    %swap3A_851 = arith.constant 896 : index
    %swap3A_852 = tpu.vector_load %arg6[%swap3A_851] {strides = array<i32>} : memref<1024xf32, #tpu.memory_space<vmem>>, vector<16xf32>,
    %swap3A_853 = vector.shape_cast %swap3A_852 : vector<16xf32> to vector<16xf32>
    %swap3A_854 = vector.shape_cast %sub3A_850 : vector<16xf32> to vector<16xf32>
    tpu.vector_store %arg6[%swap3A_851], %swap3A_854 {strides = array<i32>} : memref<1024xf32, #tpu.memory_space<vmem>>, vector<16xf32>,
    %get3A_855 = arith.constant 1 : i32
    %get3A_856 = arith.index_cast %get3A_855 : i32 to index
    %get3A_857 = arith.constant 912 : index
    %get3A_858 = tpu.vector_load %arg5[%get3A_856, %get3A_857] {strides = array<i32>} : memref<2x1024xf32, #tpu.memory_space<vmem>>, vector<1x16xf32>,
    %get3A_859 = vector.shape_cast %get3A_858 : vector<1x16xf32> to vector<16xf32>
    %get3A_860 = arith.constant 0 : i32
    %get3A_861 = arith.index_cast %get3A_860 : i32 to index
    %get3A_862 = arith.constant 912 : index
    %get3A_863 = tpu.vector_load %arg5[%get3A_861, %get3A_862] {strides = array<i32>} : memref<2x1024xf32, #tpu.memory_space<vmem>>, vector<1x16xf32>,
    %get3A_864 = vector.shape_cast %get3A_863 : vector<1x16xf32> to vector<16xf32>
    %sub3A_865 = arith.subf %get3A_859, %get3A_864 : vector<16xf32>
    %swap3A_866 = arith.constant 912 : index
    %swap3A_867 = tpu.vector_load %arg6[%swap3A_866] {strides = array<i32>} : memref<1024xf32, #tpu.memory_space<vmem>>, vector<16xf32>,
    %swap3A_868 = vector.shape_cast %swap3A_867 : vector<16xf32> to vector<16xf32>
    %swap3A_869 = vector.shape_cast %sub3A_865 : vector<16xf32> to vector<16xf32>
    tpu.vector_store %arg6[%swap3A_866], %swap3A_869 {strides = array<i32>} : memref<1024xf32, #tpu.memory_space<vmem>>, vector<16xf32>,
    %get3A_870 = arith.constant 1 : i32
    %get3A_871 = arith.index_cast %get3A_870 : i32 to index
    %get3A_872 = arith.constant 928 : index
    %get3A_873 = tpu.vector_load %arg5[%get3A_871, %get3A_872] {strides = array<i32>} : memref<2x1024xf32, #tpu.memory_space<vmem>>, vector<1x16xf32>,
    %get3A_874 = vector.shape_cast %get3A_873 : vector<1x16xf32> to vector<16xf32>
    %get3A_875 = arith.constant 0 : i32
    %get3A_876 = arith.index_cast %get3A_875 : i32 to index
    %get3A_877 = arith.constant 928 : index
    %get3A_878 = tpu.vector_load %arg5[%get3A_876, %get3A_877] {strides = array<i32>} : memref<2x1024xf32, #tpu.memory_space<vmem>>, vector<1x16xf32>,
    %get3A_879 = vector.shape_cast %get3A_878 : vector<1x16xf32> to vector<16xf32>
    %sub3A_880 = arith.subf %get3A_874, %get3A_879 : vector<16xf32>
    %swap3A_881 = arith.constant 928 : index
    %swap3A_882 = tpu.vector_load %arg6[%swap3A_881] {strides = array<i32>} : memref<1024xf32, #tpu.memory_space<vmem>>, vector<16xf32>,
    %swap3A_883 = vector.shape_cast %swap3A_882 : vector<16xf32> to vector<16xf32>
    %swap3A_884 = vector.shape_cast %sub3A_880 : vector<16xf32> to vector<16xf32>
    tpu.vector_store %arg6[%swap3A_881], %swap3A_884 {strides = array<i32>} : memref<1024xf32, #tpu.memory_space<vmem>>, vector<16xf32>,
    %get3A_885 = arith.constant 1 : i32
    %get3A_886 = arith.index_cast %get3A_885 : i32 to index
    %get3A_887 = arith.constant 944 : index
    %get3A_888 = tpu.vector_load %arg5[%get3A_886, %get3A_887] {strides = array<i32>} : memref<2x1024xf32, #tpu.memory_space<vmem>>, vector<1x16xf32>,
    %get3A_889 = vector.shape_cast %get3A_888 : vector<1x16xf32> to vector<16xf32>
    %get3A_890 = arith.constant 0 : i32
    %get3A_891 = arith.index_cast %get3A_890 : i32 to index
    %get3A_892 = arith.constant 944 : index
    %get3A_893 = tpu.vector_load %arg5[%get3A_891, %get3A_892] {strides = array<i32>} : memref<2x1024xf32, #tpu.memory_space<vmem>>, vector<1x16xf32>,
    %get3A_894 = vector.shape_cast %get3A_893 : vector<1x16xf32> to vector<16xf32>
    %sub3A_895 = arith.subf %get3A_889, %get3A_894 : vector<16xf32>
    %swap3A_896 = arith.constant 944 : index
    %swap3A_897 = tpu.vector_load %arg6[%swap3A_896] {strides = array<i32>} : memref<1024xf32, #tpu.memory_space<vmem>>, vector<16xf32>,
    %swap3A_898 = vector.shape_cast %swap3A_897 : vector<16xf32> to vector<16xf32>
    %swap3A_899 = vector.shape_cast %sub3A_895 : vector<16xf32> to vector<16xf32>
    tpu.vector_store %arg6[%swap3A_896], %swap3A_899 {strides = array<i32>} : memref<1024xf32, #tpu.memory_space<vmem>>, vector<16xf32>,
    %get3A_900 = arith.constant 1 : i32
    %get3A_901 = arith.index_cast %get3A_900 : i32 to index
    %get3A_902 = arith.constant 960 : index
    %get3A_903 = tpu.vector_load %arg5[%get3A_901, %get3A_902] {strides = array<i32>} : memref<2x1024xf32, #tpu.memory_space<vmem>>, vector<1x16xf32>,
    %get3A_904 = vector.shape_cast %get3A_903 : vector<1x16xf32> to vector<16xf32>
    %get3A_905 = arith.constant 0 : i32
    %get3A_906 = arith.index_cast %get3A_905 : i32 to index
    %get3A_907 = arith.constant 960 : index
    %get3A_908 = tpu.vector_load %arg5[%get3A_906, %get3A_907] {strides = array<i32>} : memref<2x1024xf32, #tpu.memory_space<vmem>>, vector<1x16xf32>,
    %get3A_909 = vector.shape_cast %get3A_908 : vector<1x16xf32> to vector<16xf32>
    %sub3A_910 = arith.subf %get3A_904, %get3A_909 : vector<16xf32>
    %swap3A_911 = arith.constant 960 : index
    %swap3A_912 = tpu.vector_load %arg6[%swap3A_911] {strides = array<i32>} : memref<1024xf32, #tpu.memory_space<vmem>>, vector<16xf32>,
    %swap3A_913 = vector.shape_cast %swap3A_912 : vector<16xf32> to vector<16xf32>
    %swap3A_914 = vector.shape_cast %sub3A_910 : vector<16xf32> to vector<16xf32>
    tpu.vector_store %arg6[%swap3A_911], %swap3A_914 {strides = array<i32>} : memref<1024xf32, #tpu.memory_space<vmem>>, vector<16xf32>,
    %get3A_915 = arith.constant 1 : i32
    %get3A_916 = arith.index_cast %get3A_915 : i32 to index
    %get3A_917 = arith.constant 976 : index
    %get3A_918 = tpu.vector_load %arg5[%get3A_916, %get3A_917] {strides = array<i32>} : memref<2x1024xf32, #tpu.memory_space<vmem>>, vector<1x16xf32>,
    %get3A_919 = vector.shape_cast %get3A_918 : vector<1x16xf32> to vector<16xf32>
    %get3A_920 = arith.constant 0 : i32
    %get3A_921 = arith.index_cast %get3A_920 : i32 to index
    %get3A_922 = arith.constant 976 : index
    %get3A_923 = tpu.vector_load %arg5[%get3A_921, %get3A_922] {strides = array<i32>} : memref<2x1024xf32, #tpu.memory_space<vmem>>, vector<1x16xf32>,
    %get3A_924 = vector.shape_cast %get3A_923 : vector<1x16xf32> to vector<16xf32>
    %sub3A_925 = arith.subf %get3A_919, %get3A_924 : vector<16xf32>
    %swap3A_926 = arith.constant 976 : index
    %swap3A_927 = tpu.vector_load %arg6[%swap3A_926] {strides = array<i32>} : memref<1024xf32, #tpu.memory_space<vmem>>, vector<16xf32>,
    %swap3A_928 = vector.shape_cast %swap3A_927 : vector<16xf32> to vector<16xf32>
    %swap3A_929 = vector.shape_cast %sub3A_925 : vector<16xf32> to vector<16xf32>
    tpu.vector_store %arg6[%swap3A_926], %swap3A_929 {strides = array<i32>} : memref<1024xf32, #tpu.memory_space<vmem>>, vector<16xf32>,
    %get3A_930 = arith.constant 1 : i32
    %get3A_931 = arith.index_cast %get3A_930 : i32 to index
    %get3A_932 = arith.constant 992 : index
    %get3A_933 = tpu.vector_load %arg5[%get3A_931, %get3A_932] {strides = array<i32>} : memref<2x1024xf32, #tpu.memory_space<vmem>>, vector<1x16xf32>,
    %get3A_934 = vector.shape_cast %get3A_933 : vector<1x16xf32> to vector<16xf32>
    %get3A_935 = arith.constant 0 : i32
    %get3A_936 = arith.index_cast %get3A_935 : i32 to index
    %get3A_937 = arith.constant 992 : index
    %get3A_938 = tpu.vector_load %arg5[%get3A_936, %get3A_937] {strides = array<i32>} : memref<2x1024xf32, #tpu.memory_space<vmem>>, vector<1x16xf32>,
    %get3A_939 = vector.shape_cast %get3A_938 : vector<1x16xf32> to vector<16xf32>
    %sub3A_940 = arith.subf %get3A_934, %get3A_939 : vector<16xf32>
    %swap3A_941 = arith.constant 992 : index
    %swap3A_942 = tpu.vector_load %arg6[%swap3A_941] {strides = array<i32>} : memref<1024xf32, #tpu.memory_space<vmem>>, vector<16xf32>,
    %swap3A_943 = vector.shape_cast %swap3A_942 : vector<16xf32> to vector<16xf32>
    %swap3A_944 = vector.shape_cast %sub3A_940 : vector<16xf32> to vector<16xf32>
    tpu.vector_store %arg6[%swap3A_941], %swap3A_944 {strides = array<i32>} : memref<1024xf32, #tpu.memory_space<vmem>>, vector<16xf32>,
    %get3A_945 = arith.constant 1 : i32
    %get3A_946 = arith.index_cast %get3A_945 : i32 to index
    %get3A_947 = arith.constant 1008 : index
    %get3A_948 = tpu.vector_load %arg5[%get3A_946, %get3A_947] {strides = array<i32>} : memref<2x1024xf32, #tpu.memory_space<vmem>>, vector<1x16xf32>,
    %get3A_949 = vector.shape_cast %get3A_948 : vector<1x16xf32> to vector<16xf32>
    %get3A_950 = arith.constant 0 : i32
    %get3A_951 = arith.index_cast %get3A_950 : i32 to index
    %get3A_952 = arith.constant 1008 : index
    %get3A_953 = tpu.vector_load %arg5[%get3A_951, %get3A_952] {strides = array<i32>} : memref<2x1024xf32, #tpu.memory_space<vmem>>, vector<1x16xf32>,
    %get3A_954 = vector.shape_cast %get3A_953 : vector<1x16xf32> to vector<16xf32>
    %sub3A_955 = arith.subf %get3A_949, %get3A_954 : vector<16xf32>
    %swap3A_956 = arith.constant 1008 : index
    %swap3A_957 = tpu.vector_load %arg6[%swap3A_956] {strides = array<i32>} : memref<1024xf32, #tpu.memory_space<vmem>>, vector<16xf32>,
    %swap3A_958 = vector.shape_cast %swap3A_957 : vector<16xf32> to vector<16xf32>
    %swap3A_959 = vector.shape_cast %sub3A_955 : vector<16xf32> to vector<16xf32>
    tpu.vector_store %arg6[%swap3A_956], %swap3A_959 {strides = array<i32>} : memref<1024xf32, #tpu.memory_space<vmem>>, vector<16xf32>,
    %get3A_960 = arith.constant 0 : index
    %get3A_961 = tpu.vector_load %arg7[%get3A_960] {strides = array<i32>} : memref<128xi32, #tpu.memory_space<vmem>>, vector<16xi32>,
    %get3A_962 = vector.shape_cast %get3A_961 : vector<16xi32> to vector<16xi32>
    %convert_element_type3A = arith.sitofp %get3A_962 : vector<16xi32> to vector<16xf32>
    %mul3A_963 = arith.constant 0 : i32
    %mul3A_964 = vector.broadcast %mul3A_963 : i32 to vector<16xi32>
    %mul3A_965 = arith.muli %mul3A_964, %iota3A : vector<16xi32>
    %add3A_966 = arith.constant 0 : i32
    %add3A_967 = vector.broadcast %add3A_966 : i32 to vector<16xi32>
    %add3A_968 = arith.addi %add3A_967, %mul3A_965 : vector<16xi32>
    %lt3A = arith.constant 0 : i32
    %lt3A_969 = vector.broadcast %lt3A : i32 to vector<16xi32>
    %lt3A_970 = arith.cmpi slt, %add3A_968, %lt3A_969 : vector<16xi32>
    %add3A_971 = arith.constant 16 : i32
    %add3A_972 = vector.broadcast %add3A_971 : i32 to vector<16xi32>
    %add3A_973 = arith.addi %add3A_968, %add3A_972 : vector<16xi32>
    %select_n3A = arith.select %lt3A_970, %add3A_973, %add3A_968 : vector<16xi1>, vector<16xi32>
    %reshape3A = vector.shape_cast %select_n3A : vector<16xi32> to vector<16x1xi32>
    %gather3A = vector.shape_cast %reshape3A : vector<16x1xi32> to vector<16xi32>
    %gather3A_974 = tpu.dynamic_gather %convert_element_type3A[%gather3A] in [0] : vector<16xf32>, vector<16xi32> -> vector<16xf32>
    %mul3A_975 = arith.constant 0 : i32
    %mul3A_976 = vector.broadcast %mul3A_975 : i32 to vector<16xi32>
    %mul3A_977 = arith.muli %mul3A_976, %iota3A : vector<16xi32>
    %add3A_978 = arith.constant 1 : i32
    %add3A_979 = vector.broadcast %add3A_978 : i32 to vector<16xi32>
    %add3A_980 = arith.addi %add3A_979, %mul3A_977 : vector<16xi32>
    %lt3A_981 = arith.constant 0 : i32
    %lt3A_982 = vector.broadcast %lt3A_981 : i32 to vector<16xi32>
    %lt3A_983 = arith.cmpi slt, %add3A_980, %lt3A_982 : vector<16xi32>
    %add3A_984 = arith.constant 16 : i32
    %add3A_985 = vector.broadcast %add3A_984 : i32 to vector<16xi32>
    %add3A_986 = arith.addi %add3A_980, %add3A_985 : vector<16xi32>
    %select_n3A_987 = arith.select %lt3A_983, %add3A_986, %add3A_980 : vector<16xi1>, vector<16xi32>
    %reshape3A_988 = vector.shape_cast %select_n3A_987 : vector<16xi32> to vector<16x1xi32>
    %gather3A_989 = vector.shape_cast %reshape3A_988 : vector<16x1xi32> to vector<16xi32>
    %gather3A_990 = tpu.dynamic_gather %convert_element_type3A[%gather3A_989] in [0] : vector<16xf32>, vector<16xi32> -> vector<16xf32>
    %mul3A_991 = arith.constant 0 : i32
    %mul3A_992 = vector.broadcast %mul3A_991 : i32 to vector<16xi32>
    %mul3A_993 = arith.muli %mul3A_992, %iota3A : vector<16xi32>
    %add3A_994 = arith.constant 2 : i32
    %add3A_995 = vector.broadcast %add3A_994 : i32 to vector<16xi32>
    %add3A_996 = arith.addi %add3A_995, %mul3A_993 : vector<16xi32>
    %lt3A_997 = arith.constant 0 : i32
    %lt3A_998 = vector.broadcast %lt3A_997 : i32 to vector<16xi32>
    %lt3A_999 = arith.cmpi slt, %add3A_996, %lt3A_998 : vector<16xi32>
    %add3A_1000 = arith.constant 16 : i32
    %add3A_1001 = vector.broadcast %add3A_1000 : i32 to vector<16xi32>
    %add3A_1002 = arith.addi %add3A_996, %add3A_1001 : vector<16xi32>
    %select_n3A_1003 = arith.select %lt3A_999, %add3A_1002, %add3A_996 : vector<16xi1>, vector<16xi32>
    %reshape3A_1004 = vector.shape_cast %select_n3A_1003 : vector<16xi32> to vector<16x1xi32>
    %gather3A_1005 = vector.shape_cast %reshape3A_1004 : vector<16x1xi32> to vector<16xi32>
    %gather3A_1006 = tpu.dynamic_gather %convert_element_type3A[%gather3A_1005] in [0] : vector<16xf32>, vector<16xi32> -> vector<16xf32>
    %mul3A_1007 = arith.constant 0 : i32
    %mul3A_1008 = vector.broadcast %mul3A_1007 : i32 to vector<16xi32>
    %mul3A_1009 = arith.muli %mul3A_1008, %iota3A : vector<16xi32>
    %add3A_1010 = arith.constant 3 : i32
    %add3A_1011 = vector.broadcast %add3A_1010 : i32 to vector<16xi32>
    %add3A_1012 = arith.addi %add3A_1011, %mul3A_1009 : vector<16xi32>
    %lt3A_1013 = arith.constant 0 : i32
    %lt3A_1014 = vector.broadcast %lt3A_1013 : i32 to vector<16xi32>
    %lt3A_1015 = arith.cmpi slt, %add3A_1012, %lt3A_1014 : vector<16xi32>
    %add3A_1016 = arith.constant 16 : i32
    %add3A_1017 = vector.broadcast %add3A_1016 : i32 to vector<16xi32>
    %add3A_1018 = arith.addi %add3A_1012, %add3A_1017 : vector<16xi32>
    %select_n3A_1019 = arith.select %lt3A_1015, %add3A_1018, %add3A_1012 : vector<16xi1>, vector<16xi32>
    %reshape3A_1020 = vector.shape_cast %select_n3A_1019 : vector<16xi32> to vector<16x1xi32>
    %gather3A_1021 = vector.shape_cast %reshape3A_1020 : vector<16x1xi32> to vector<16xi32>
    %gather3A_1022 = tpu.dynamic_gather %convert_element_type3A[%gather3A_1021] in [0] : vector<16xf32>, vector<16xi32> -> vector<16xf32>
    %mul3A_1023 = arith.constant 0 : i32
    %mul3A_1024 = vector.broadcast %mul3A_1023 : i32 to vector<16xi32>
    %mul3A_1025 = arith.muli %mul3A_1024, %iota3A : vector<16xi32>
    %add3A_1026 = arith.constant 4 : i32
    %add3A_1027 = vector.broadcast %add3A_1026 : i32 to vector<16xi32>
    %add3A_1028 = arith.addi %add3A_1027, %mul3A_1025 : vector<16xi32>
    %lt3A_1029 = arith.constant 0 : i32
    %lt3A_1030 = vector.broadcast %lt3A_1029 : i32 to vector<16xi32>
    %lt3A_1031 = arith.cmpi slt, %add3A_1028, %lt3A_1030 : vector<16xi32>
    %add3A_1032 = arith.constant 16 : i32
    %add3A_1033 = vector.broadcast %add3A_1032 : i32 to vector<16xi32>
    %add3A_1034 = arith.addi %add3A_1028, %add3A_1033 : vector<16xi32>
    %select_n3A_1035 = arith.select %lt3A_1031, %add3A_1034, %add3A_1028 : vector<16xi1>, vector<16xi32>
    %reshape3A_1036 = vector.shape_cast %select_n3A_1035 : vector<16xi32> to vector<16x1xi32>
    %gather3A_1037 = vector.shape_cast %reshape3A_1036 : vector<16x1xi32> to vector<16xi32>
    %gather3A_1038 = tpu.dynamic_gather %convert_element_type3A[%gather3A_1037] in [0] : vector<16xf32>, vector<16xi32> -> vector<16xf32>
    %mul3A_1039 = arith.constant 0 : i32
    %mul3A_1040 = vector.broadcast %mul3A_1039 : i32 to vector<16xi32>
    %mul3A_1041 = arith.muli %mul3A_1040, %iota3A : vector<16xi32>
    %add3A_1042 = arith.constant 5 : i32
    %add3A_1043 = vector.broadcast %add3A_1042 : i32 to vector<16xi32>
    %add3A_1044 = arith.addi %add3A_1043, %mul3A_1041 : vector<16xi32>
    %lt3A_1045 = arith.constant 0 : i32
    %lt3A_1046 = vector.broadcast %lt3A_1045 : i32 to vector<16xi32>
    %lt3A_1047 = arith.cmpi slt, %add3A_1044, %lt3A_1046 : vector<16xi32>
    %add3A_1048 = arith.constant 16 : i32
    %add3A_1049 = vector.broadcast %add3A_1048 : i32 to vector<16xi32>
    %add3A_1050 = arith.addi %add3A_1044, %add3A_1049 : vector<16xi32>
    %select_n3A_1051 = arith.select %lt3A_1047, %add3A_1050, %add3A_1044 : vector<16xi1>, vector<16xi32>
    %reshape3A_1052 = vector.shape_cast %select_n3A_1051 : vector<16xi32> to vector<16x1xi32>
    %gather3A_1053 = vector.shape_cast %reshape3A_1052 : vector<16x1xi32> to vector<16xi32>
    %gather3A_1054 = tpu.dynamic_gather %convert_element_type3A[%gather3A_1053] in [0] : vector<16xf32>, vector<16xi32> -> vector<16xf32>
    %mul3A_1055 = arith.constant 0 : i32
    %mul3A_1056 = vector.broadcast %mul3A_1055 : i32 to vector<16xi32>
    %mul3A_1057 = arith.muli %mul3A_1056, %iota3A : vector<16xi32>
    %add3A_1058 = arith.constant 6 : i32
    %add3A_1059 = vector.broadcast %add3A_1058 : i32 to vector<16xi32>
    %add3A_1060 = arith.addi %add3A_1059, %mul3A_1057 : vector<16xi32>
    %lt3A_1061 = arith.constant 0 : i32
    %lt3A_1062 = vector.broadcast %lt3A_1061 : i32 to vector<16xi32>
    %lt3A_1063 = arith.cmpi slt, %add3A_1060, %lt3A_1062 : vector<16xi32>
    %add3A_1064 = arith.constant 16 : i32
    %add3A_1065 = vector.broadcast %add3A_1064 : i32 to vector<16xi32>
    %add3A_1066 = arith.addi %add3A_1060, %add3A_1065 : vector<16xi32>
    %select_n3A_1067 = arith.select %lt3A_1063, %add3A_1066, %add3A_1060 : vector<16xi1>, vector<16xi32>
    %reshape3A_1068 = vector.shape_cast %select_n3A_1067 : vector<16xi32> to vector<16x1xi32>
    %gather3A_1069 = vector.shape_cast %reshape3A_1068 : vector<16x1xi32> to vector<16xi32>
    %gather3A_1070 = tpu.dynamic_gather %convert_element_type3A[%gather3A_1069] in [0] : vector<16xf32>, vector<16xi32> -> vector<16xf32>
    %mul3A_1071 = arith.constant 0 : i32
    %mul3A_1072 = vector.broadcast %mul3A_1071 : i32 to vector<16xi32>
    %mul3A_1073 = arith.muli %mul3A_1072, %iota3A : vector<16xi32>
    %add3A_1074 = arith.constant 7 : i32
    %add3A_1075 = vector.broadcast %add3A_1074 : i32 to vector<16xi32>
    %add3A_1076 = arith.addi %add3A_1075, %mul3A_1073 : vector<16xi32>
    %lt3A_1077 = arith.constant 0 : i32
    %lt3A_1078 = vector.broadcast %lt3A_1077 : i32 to vector<16xi32>
    %lt3A_1079 = arith.cmpi slt, %add3A_1076, %lt3A_1078 : vector<16xi32>
    %add3A_1080 = arith.constant 16 : i32
    %add3A_1081 = vector.broadcast %add3A_1080 : i32 to vector<16xi32>
    %add3A_1082 = arith.addi %add3A_1076, %add3A_1081 : vector<16xi32>
    %select_n3A_1083 = arith.select %lt3A_1079, %add3A_1082, %add3A_1076 : vector<16xi1>, vector<16xi32>
    %reshape3A_1084 = vector.shape_cast %select_n3A_1083 : vector<16xi32> to vector<16x1xi32>
    %gather3A_1085 = vector.shape_cast %reshape3A_1084 : vector<16x1xi32> to vector<16xi32>
    %gather3A_1086 = tpu.dynamic_gather %convert_element_type3A[%gather3A_1085] in [0] : vector<16xf32>, vector<16xi32> -> vector<16xf32>
    %mul3A_1087 = arith.constant 0 : i32
    %mul3A_1088 = vector.broadcast %mul3A_1087 : i32 to vector<16xi32>
    %mul3A_1089 = arith.muli %mul3A_1088, %iota3A : vector<16xi32>
    %add3A_1090 = arith.constant 8 : i32
    %add3A_1091 = vector.broadcast %add3A_1090 : i32 to vector<16xi32>
    %add3A_1092 = arith.addi %add3A_1091, %mul3A_1089 : vector<16xi32>
    %lt3A_1093 = arith.constant 0 : i32
    %lt3A_1094 = vector.broadcast %lt3A_1093 : i32 to vector<16xi32>
    %lt3A_1095 = arith.cmpi slt, %add3A_1092, %lt3A_1094 : vector<16xi32>
    %add3A_1096 = arith.constant 16 : i32
    %add3A_1097 = vector.broadcast %add3A_1096 : i32 to vector<16xi32>
    %add3A_1098 = arith.addi %add3A_1092, %add3A_1097 : vector<16xi32>
    %select_n3A_1099 = arith.select %lt3A_1095, %add3A_1098, %add3A_1092 : vector<16xi1>, vector<16xi32>
    %reshape3A_1100 = vector.shape_cast %select_n3A_1099 : vector<16xi32> to vector<16x1xi32>
    %gather3A_1101 = vector.shape_cast %reshape3A_1100 : vector<16x1xi32> to vector<16xi32>
    %gather3A_1102 = tpu.dynamic_gather %convert_element_type3A[%gather3A_1101] in [0] : vector<16xf32>, vector<16xi32> -> vector<16xf32>
    %mul3A_1103 = arith.constant 0 : i32
    %mul3A_1104 = vector.broadcast %mul3A_1103 : i32 to vector<16xi32>
    %mul3A_1105 = arith.muli %mul3A_1104, %iota3A : vector<16xi32>
    %add3A_1106 = arith.constant 9 : i32
    %add3A_1107 = vector.broadcast %add3A_1106 : i32 to vector<16xi32>
    %add3A_1108 = arith.addi %add3A_1107, %mul3A_1105 : vector<16xi32>
    %lt3A_1109 = arith.constant 0 : i32
    %lt3A_1110 = vector.broadcast %lt3A_1109 : i32 to vector<16xi32>
    %lt3A_1111 = arith.cmpi slt, %add3A_1108, %lt3A_1110 : vector<16xi32>
    %add3A_1112 = arith.constant 16 : i32
    %add3A_1113 = vector.broadcast %add3A_1112 : i32 to vector<16xi32>
    %add3A_1114 = arith.addi %add3A_1108, %add3A_1113 : vector<16xi32>
    %select_n3A_1115 = arith.select %lt3A_1111, %add3A_1114, %add3A_1108 : vector<16xi1>, vector<16xi32>
    %reshape3A_1116 = vector.shape_cast %select_n3A_1115 : vector<16xi32> to vector<16x1xi32>
    %gather3A_1117 = vector.shape_cast %reshape3A_1116 : vector<16x1xi32> to vector<16xi32>
    %gather3A_1118 = tpu.dynamic_gather %convert_element_type3A[%gather3A_1117] in [0] : vector<16xf32>, vector<16xi32> -> vector<16xf32>
    %mul3A_1119 = arith.constant 0 : i32
    %mul3A_1120 = vector.broadcast %mul3A_1119 : i32 to vector<16xi32>
    %mul3A_1121 = arith.muli %mul3A_1120, %iota3A : vector<16xi32>
    %add3A_1122 = arith.constant 10 : i32
    %add3A_1123 = vector.broadcast %add3A_1122 : i32 to vector<16xi32>
    %add3A_1124 = arith.addi %add3A_1123, %mul3A_1121 : vector<16xi32>
    %lt3A_1125 = arith.constant 0 : i32
    %lt3A_1126 = vector.broadcast %lt3A_1125 : i32 to vector<16xi32>
    %lt3A_1127 = arith.cmpi slt, %add3A_1124, %lt3A_1126 : vector<16xi32>
    %add3A_1128 = arith.constant 16 : i32
    %add3A_1129 = vector.broadcast %add3A_1128 : i32 to vector<16xi32>
    %add3A_1130 = arith.addi %add3A_1124, %add3A_1129 : vector<16xi32>
    %select_n3A_1131 = arith.select %lt3A_1127, %add3A_1130, %add3A_1124 : vector<16xi1>, vector<16xi32>
    %reshape3A_1132 = vector.shape_cast %select_n3A_1131 : vector<16xi32> to vector<16x1xi32>
    %gather3A_1133 = vector.shape_cast %reshape3A_1132 : vector<16x1xi32> to vector<16xi32>
    %gather3A_1134 = tpu.dynamic_gather %convert_element_type3A[%gather3A_1133] in [0] : vector<16xf32>, vector<16xi32> -> vector<16xf32>
    %mul3A_1135 = arith.constant 0 : i32
    %mul3A_1136 = vector.broadcast %mul3A_1135 : i32 to vector<16xi32>
    %mul3A_1137 = arith.muli %mul3A_1136, %iota3A : vector<16xi32>
    %add3A_1138 = arith.constant 11 : i32
    %add3A_1139 = vector.broadcast %add3A_1138 : i32 to vector<16xi32>
    %add3A_1140 = arith.addi %add3A_1139, %mul3A_1137 : vector<16xi32>
    %lt3A_1141 = arith.constant 0 : i32
    %lt3A_1142 = vector.broadcast %lt3A_1141 : i32 to vector<16xi32>
    %lt3A_1143 = arith.cmpi slt, %add3A_1140, %lt3A_1142 : vector<16xi32>
    %add3A_1144 = arith.constant 16 : i32
    %add3A_1145 = vector.broadcast %add3A_1144 : i32 to vector<16xi32>
    %add3A_1146 = arith.addi %add3A_1140, %add3A_1145 : vector<16xi32>
    %select_n3A_1147 = arith.select %lt3A_1143, %add3A_1146, %add3A_1140 : vector<16xi1>, vector<16xi32>
    %reshape3A_1148 = vector.shape_cast %select_n3A_1147 : vector<16xi32> to vector<16x1xi32>
    %gather3A_1149 = vector.shape_cast %reshape3A_1148 : vector<16x1xi32> to vector<16xi32>
    %gather3A_1150 = tpu.dynamic_gather %convert_element_type3A[%gather3A_1149] in [0] : vector<16xf32>, vector<16xi32> -> vector<16xf32>
    %mul3A_1151 = arith.constant 0 : i32
    %mul3A_1152 = vector.broadcast %mul3A_1151 : i32 to vector<16xi32>
    %mul3A_1153 = arith.muli %mul3A_1152, %iota3A : vector<16xi32>
    %add3A_1154 = arith.constant 12 : i32
    %add3A_1155 = vector.broadcast %add3A_1154 : i32 to vector<16xi32>
    %add3A_1156 = arith.addi %add3A_1155, %mul3A_1153 : vector<16xi32>
    %lt3A_1157 = arith.constant 0 : i32
    %lt3A_1158 = vector.broadcast %lt3A_1157 : i32 to vector<16xi32>
    %lt3A_1159 = arith.cmpi slt, %add3A_1156, %lt3A_1158 : vector<16xi32>
    %add3A_1160 = arith.constant 16 : i32
    %add3A_1161 = vector.broadcast %add3A_1160 : i32 to vector<16xi32>
    %add3A_1162 = arith.addi %add3A_1156, %add3A_1161 : vector<16xi32>
    %select_n3A_1163 = arith.select %lt3A_1159, %add3A_1162, %add3A_1156 : vector<16xi1>, vector<16xi32>
    %reshape3A_1164 = vector.shape_cast %select_n3A_1163 : vector<16xi32> to vector<16x1xi32>
    %gather3A_1165 = vector.shape_cast %reshape3A_1164 : vector<16x1xi32> to vector<16xi32>
    %gather3A_1166 = tpu.dynamic_gather %convert_element_type3A[%gather3A_1165] in [0] : vector<16xf32>, vector<16xi32> -> vector<16xf32>
    %mul3A_1167 = arith.constant 0 : i32
    %mul3A_1168 = vector.broadcast %mul3A_1167 : i32 to vector<16xi32>
    %mul3A_1169 = arith.muli %mul3A_1168, %iota3A : vector<16xi32>
    %add3A_1170 = arith.constant 13 : i32
    %add3A_1171 = vector.broadcast %add3A_1170 : i32 to vector<16xi32>
    %add3A_1172 = arith.addi %add3A_1171, %mul3A_1169 : vector<16xi32>
    %lt3A_1173 = arith.constant 0 : i32
    %lt3A_1174 = vector.broadcast %lt3A_1173 : i32 to vector<16xi32>
    %lt3A_1175 = arith.cmpi slt, %add3A_1172, %lt3A_1174 : vector<16xi32>
    %add3A_1176 = arith.constant 16 : i32
    %add3A_1177 = vector.broadcast %add3A_1176 : i32 to vector<16xi32>
    %add3A_1178 = arith.addi %add3A_1172, %add3A_1177 : vector<16xi32>
    %select_n3A_1179 = arith.select %lt3A_1175, %add3A_1178, %add3A_1172 : vector<16xi1>, vector<16xi32>
    %reshape3A_1180 = vector.shape_cast %select_n3A_1179 : vector<16xi32> to vector<16x1xi32>
    %gather3A_1181 = vector.shape_cast %reshape3A_1180 : vector<16x1xi32> to vector<16xi32>
    %gather3A_1182 = tpu.dynamic_gather %convert_element_type3A[%gather3A_1181] in [0] : vector<16xf32>, vector<16xi32> -> vector<16xf32>
    %mul3A_1183 = arith.constant 0 : i32
    %mul3A_1184 = vector.broadcast %mul3A_1183 : i32 to vector<16xi32>
    %mul3A_1185 = arith.muli %mul3A_1184, %iota3A : vector<16xi32>
    %add3A_1186 = arith.constant 14 : i32
    %add3A_1187 = vector.broadcast %add3A_1186 : i32 to vector<16xi32>
    %add3A_1188 = arith.addi %add3A_1187, %mul3A_1185 : vector<16xi32>
    %lt3A_1189 = arith.constant 0 : i32
    %lt3A_1190 = vector.broadcast %lt3A_1189 : i32 to vector<16xi32>
    %lt3A_1191 = arith.cmpi slt, %add3A_1188, %lt3A_1190 : vector<16xi32>
    %add3A_1192 = arith.constant 16 : i32
    %add3A_1193 = vector.broadcast %add3A_1192 : i32 to vector<16xi32>
    %add3A_1194 = arith.addi %add3A_1188, %add3A_1193 : vector<16xi32>
    %select_n3A_1195 = arith.select %lt3A_1191, %add3A_1194, %add3A_1188 : vector<16xi1>, vector<16xi32>
    %reshape3A_1196 = vector.shape_cast %select_n3A_1195 : vector<16xi32> to vector<16x1xi32>
    %gather3A_1197 = vector.shape_cast %reshape3A_1196 : vector<16x1xi32> to vector<16xi32>
    %gather3A_1198 = tpu.dynamic_gather %convert_element_type3A[%gather3A_1197] in [0] : vector<16xf32>, vector<16xi32> -> vector<16xf32>
    %mul3A_1199 = arith.constant 0 : i32
    %mul3A_1200 = vector.broadcast %mul3A_1199 : i32 to vector<16xi32>
    %mul3A_1201 = arith.muli %mul3A_1200, %iota3A : vector<16xi32>
    %add3A_1202 = arith.constant 15 : i32
    %add3A_1203 = vector.broadcast %add3A_1202 : i32 to vector<16xi32>
    %add3A_1204 = arith.addi %add3A_1203, %mul3A_1201 : vector<16xi32>
    %lt3A_1205 = arith.constant 0 : i32
    %lt3A_1206 = vector.broadcast %lt3A_1205 : i32 to vector<16xi32>
    %lt3A_1207 = arith.cmpi slt, %add3A_1204, %lt3A_1206 : vector<16xi32>
    %add3A_1208 = arith.constant 16 : i32
    %add3A_1209 = vector.broadcast %add3A_1208 : i32 to vector<16xi32>
    %add3A_1210 = arith.addi %add3A_1204, %add3A_1209 : vector<16xi32>
    %select_n3A_1211 = arith.select %lt3A_1207, %add3A_1210, %add3A_1204 : vector<16xi1>, vector<16xi32>
    %reshape3A_1212 = vector.shape_cast %select_n3A_1211 : vector<16xi32> to vector<16x1xi32>
    %gather3A_1213 = vector.shape_cast %reshape3A_1212 : vector<16x1xi32> to vector<16xi32>
    %gather3A_1214 = tpu.dynamic_gather %convert_element_type3A[%gather3A_1213] in [0] : vector<16xf32>, vector<16xi32> -> vector<16xf32>
    %get3A_1215 = arith.constant 16 : index
    %get3A_1216 = tpu.vector_load %arg7[%get3A_1215] {strides = array<i32>} : memref<128xi32, #tpu.memory_space<vmem>>, vector<16xi32>,
    %get3A_1217 = vector.shape_cast %get3A_1216 : vector<16xi32> to vector<16xi32>
    %convert_element_type3A_1218 = arith.sitofp %get3A_1217 : vector<16xi32> to vector<16xf32>
    %mul3A_1219 = arith.constant 0 : i32
    %mul3A_1220 = vector.broadcast %mul3A_1219 : i32 to vector<16xi32>
    %mul3A_1221 = arith.muli %mul3A_1220, %iota3A : vector<16xi32>
    %add3A_1222 = arith.constant 0 : i32
    %add3A_1223 = vector.broadcast %add3A_1222 : i32 to vector<16xi32>
    %add3A_1224 = arith.addi %add3A_1223, %mul3A_1221 : vector<16xi32>
    %lt3A_1225 = arith.constant 0 : i32
    %lt3A_1226 = vector.broadcast %lt3A_1225 : i32 to vector<16xi32>
    %lt3A_1227 = arith.cmpi slt, %add3A_1224, %lt3A_1226 : vector<16xi32>
    %add3A_1228 = arith.constant 16 : i32
    %add3A_1229 = vector.broadcast %add3A_1228 : i32 to vector<16xi32>
    %add3A_1230 = arith.addi %add3A_1224, %add3A_1229 : vector<16xi32>
    %select_n3A_1231 = arith.select %lt3A_1227, %add3A_1230, %add3A_1224 : vector<16xi1>, vector<16xi32>
    %reshape3A_1232 = vector.shape_cast %select_n3A_1231 : vector<16xi32> to vector<16x1xi32>
    %gather3A_1233 = vector.shape_cast %reshape3A_1232 : vector<16x1xi32> to vector<16xi32>
    %gather3A_1234 = tpu.dynamic_gather %convert_element_type3A_1218[%gather3A_1233] in [0] : vector<16xf32>, vector<16xi32> -> vector<16xf32>
    %mul3A_1235 = arith.constant 0 : i32
    %mul3A_1236 = vector.broadcast %mul3A_1235 : i32 to vector<16xi32>
    %mul3A_1237 = arith.muli %mul3A_1236, %iota3A : vector<16xi32>
    %add3A_1238 = arith.constant 1 : i32
    %add3A_1239 = vector.broadcast %add3A_1238 : i32 to vector<16xi32>
    %add3A_1240 = arith.addi %add3A_1239, %mul3A_1237 : vector<16xi32>
    %lt3A_1241 = arith.constant 0 : i32
    %lt3A_1242 = vector.broadcast %lt3A_1241 : i32 to vector<16xi32>
    %lt3A_1243 = arith.cmpi slt, %add3A_1240, %lt3A_1242 : vector<16xi32>
    %add3A_1244 = arith.constant 16 : i32
    %add3A_1245 = vector.broadcast %add3A_1244 : i32 to vector<16xi32>
    %add3A_1246 = arith.addi %add3A_1240, %add3A_1245 : vector<16xi32>
    %select_n3A_1247 = arith.select %lt3A_1243, %add3A_1246, %add3A_1240 : vector<16xi1>, vector<16xi32>
    %reshape3A_1248 = vector.shape_cast %select_n3A_1247 : vector<16xi32> to vector<16x1xi32>
    %gather3A_1249 = vector.shape_cast %reshape3A_1248 : vector<16x1xi32> to vector<16xi32>
    %gather3A_1250 = tpu.dynamic_gather %convert_element_type3A_1218[%gather3A_1249] in [0] : vector<16xf32>, vector<16xi32> -> vector<16xf32>
    %mul3A_1251 = arith.constant 0 : i32
    %mul3A_1252 = vector.broadcast %mul3A_1251 : i32 to vector<16xi32>
    %mul3A_1253 = arith.muli %mul3A_1252, %iota3A : vector<16xi32>
    %add3A_1254 = arith.constant 2 : i32
    %add3A_1255 = vector.broadcast %add3A_1254 : i32 to vector<16xi32>
    %add3A_1256 = arith.addi %add3A_1255, %mul3A_1253 : vector<16xi32>
    %lt3A_1257 = arith.constant 0 : i32
    %lt3A_1258 = vector.broadcast %lt3A_1257 : i32 to vector<16xi32>
    %lt3A_1259 = arith.cmpi slt, %add3A_1256, %lt3A_1258 : vector<16xi32>
    %add3A_1260 = arith.constant 16 : i32
    %add3A_1261 = vector.broadcast %add3A_1260 : i32 to vector<16xi32>
    %add3A_1262 = arith.addi %add3A_1256, %add3A_1261 : vector<16xi32>
    %select_n3A_1263 = arith.select %lt3A_1259, %add3A_1262, %add3A_1256 : vector<16xi1>, vector<16xi32>
    %reshape3A_1264 = vector.shape_cast %select_n3A_1263 : vector<16xi32> to vector<16x1xi32>
    %gather3A_1265 = vector.shape_cast %reshape3A_1264 : vector<16x1xi32> to vector<16xi32>
    %gather3A_1266 = tpu.dynamic_gather %convert_element_type3A_1218[%gather3A_1265] in [0] : vector<16xf32>, vector<16xi32> -> vector<16xf32>
    %mul3A_1267 = arith.constant 0 : i32
    %mul3A_1268 = vector.broadcast %mul3A_1267 : i32 to vector<16xi32>
    %mul3A_1269 = arith.muli %mul3A_1268, %iota3A : vector<16xi32>
    %add3A_1270 = arith.constant 3 : i32
    %add3A_1271 = vector.broadcast %add3A_1270 : i32 to vector<16xi32>
    %add3A_1272 = arith.addi %add3A_1271, %mul3A_1269 : vector<16xi32>
    %lt3A_1273 = arith.constant 0 : i32
    %lt3A_1274 = vector.broadcast %lt3A_1273 : i32 to vector<16xi32>
    %lt3A_1275 = arith.cmpi slt, %add3A_1272, %lt3A_1274 : vector<16xi32>
    %add3A_1276 = arith.constant 16 : i32
    %add3A_1277 = vector.broadcast %add3A_1276 : i32 to vector<16xi32>
    %add3A_1278 = arith.addi %add3A_1272, %add3A_1277 : vector<16xi32>
    %select_n3A_1279 = arith.select %lt3A_1275, %add3A_1278, %add3A_1272 : vector<16xi1>, vector<16xi32>
    %reshape3A_1280 = vector.shape_cast %select_n3A_1279 : vector<16xi32> to vector<16x1xi32>
    %gather3A_1281 = vector.shape_cast %reshape3A_1280 : vector<16x1xi32> to vector<16xi32>
    %gather3A_1282 = tpu.dynamic_gather %convert_element_type3A_1218[%gather3A_1281] in [0] : vector<16xf32>, vector<16xi32> -> vector<16xf32>
    %mul3A_1283 = arith.constant 0 : i32
    %mul3A_1284 = vector.broadcast %mul3A_1283 : i32 to vector<16xi32>
    %mul3A_1285 = arith.muli %mul3A_1284, %iota3A : vector<16xi32>
    %add3A_1286 = arith.constant 4 : i32
    %add3A_1287 = vector.broadcast %add3A_1286 : i32 to vector<16xi32>
    %add3A_1288 = arith.addi %add3A_1287, %mul3A_1285 : vector<16xi32>
    %lt3A_1289 = arith.constant 0 : i32
    %lt3A_1290 = vector.broadcast %lt3A_1289 : i32 to vector<16xi32>
    %lt3A_1291 = arith.cmpi slt, %add3A_1288, %lt3A_1290 : vector<16xi32>
    %add3A_1292 = arith.constant 16 : i32
    %add3A_1293 = vector.broadcast %add3A_1292 : i32 to vector<16xi32>
    %add3A_1294 = arith.addi %add3A_1288, %add3A_1293 : vector<16xi32>
    %select_n3A_1295 = arith.select %lt3A_1291, %add3A_1294, %add3A_1288 : vector<16xi1>, vector<16xi32>
    %reshape3A_1296 = vector.shape_cast %select_n3A_1295 : vector<16xi32> to vector<16x1xi32>
    %gather3A_1297 = vector.shape_cast %reshape3A_1296 : vector<16x1xi32> to vector<16xi32>
    %gather3A_1298 = tpu.dynamic_gather %convert_element_type3A_1218[%gather3A_1297] in [0] : vector<16xf32>, vector<16xi32> -> vector<16xf32>
    %mul3A_1299 = arith.constant 0 : i32
    %mul3A_1300 = vector.broadcast %mul3A_1299 : i32 to vector<16xi32>
    %mul3A_1301 = arith.muli %mul3A_1300, %iota3A : vector<16xi32>
    %add3A_1302 = arith.constant 5 : i32
    %add3A_1303 = vector.broadcast %add3A_1302 : i32 to vector<16xi32>
    %add3A_1304 = arith.addi %add3A_1303, %mul3A_1301 : vector<16xi32>
    %lt3A_1305 = arith.constant 0 : i32
    %lt3A_1306 = vector.broadcast %lt3A_1305 : i32 to vector<16xi32>
    %lt3A_1307 = arith.cmpi slt, %add3A_1304, %lt3A_1306 : vector<16xi32>
    %add3A_1308 = arith.constant 16 : i32
    %add3A_1309 = vector.broadcast %add3A_1308 : i32 to vector<16xi32>
    %add3A_1310 = arith.addi %add3A_1304, %add3A_1309 : vector<16xi32>
    %select_n3A_1311 = arith.select %lt3A_1307, %add3A_1310, %add3A_1304 : vector<16xi1>, vector<16xi32>
    %reshape3A_1312 = vector.shape_cast %select_n3A_1311 : vector<16xi32> to vector<16x1xi32>
    %gather3A_1313 = vector.shape_cast %reshape3A_1312 : vector<16x1xi32> to vector<16xi32>
    %gather3A_1314 = tpu.dynamic_gather %convert_element_type3A_1218[%gather3A_1313] in [0] : vector<16xf32>, vector<16xi32> -> vector<16xf32>
    %mul3A_1315 = arith.constant 0 : i32
    %mul3A_1316 = vector.broadcast %mul3A_1315 : i32 to vector<16xi32>
    %mul3A_1317 = arith.muli %mul3A_1316, %iota3A : vector<16xi32>
    %add3A_1318 = arith.constant 6 : i32
    %add3A_1319 = vector.broadcast %add3A_1318 : i32 to vector<16xi32>
    %add3A_1320 = arith.addi %add3A_1319, %mul3A_1317 : vector<16xi32>
    %lt3A_1321 = arith.constant 0 : i32
    %lt3A_1322 = vector.broadcast %lt3A_1321 : i32 to vector<16xi32>
    %lt3A_1323 = arith.cmpi slt, %add3A_1320, %lt3A_1322 : vector<16xi32>
    %add3A_1324 = arith.constant 16 : i32
    %add3A_1325 = vector.broadcast %add3A_1324 : i32 to vector<16xi32>
    %add3A_1326 = arith.addi %add3A_1320, %add3A_1325 : vector<16xi32>
    %select_n3A_1327 = arith.select %lt3A_1323, %add3A_1326, %add3A_1320 : vector<16xi1>, vector<16xi32>
    %reshape3A_1328 = vector.shape_cast %select_n3A_1327 : vector<16xi32> to vector<16x1xi32>
    %gather3A_1329 = vector.shape_cast %reshape3A_1328 : vector<16x1xi32> to vector<16xi32>
    %gather3A_1330 = tpu.dynamic_gather %convert_element_type3A_1218[%gather3A_1329] in [0] : vector<16xf32>, vector<16xi32> -> vector<16xf32>
    %mul3A_1331 = arith.constant 0 : i32
    %mul3A_1332 = vector.broadcast %mul3A_1331 : i32 to vector<16xi32>
    %mul3A_1333 = arith.muli %mul3A_1332, %iota3A : vector<16xi32>
    %add3A_1334 = arith.constant 7 : i32
    %add3A_1335 = vector.broadcast %add3A_1334 : i32 to vector<16xi32>
    %add3A_1336 = arith.addi %add3A_1335, %mul3A_1333 : vector<16xi32>
    %lt3A_1337 = arith.constant 0 : i32
    %lt3A_1338 = vector.broadcast %lt3A_1337 : i32 to vector<16xi32>
    %lt3A_1339 = arith.cmpi slt, %add3A_1336, %lt3A_1338 : vector<16xi32>
    %add3A_1340 = arith.constant 16 : i32
    %add3A_1341 = vector.broadcast %add3A_1340 : i32 to vector<16xi32>
    %add3A_1342 = arith.addi %add3A_1336, %add3A_1341 : vector<16xi32>
    %select_n3A_1343 = arith.select %lt3A_1339, %add3A_1342, %add3A_1336 : vector<16xi1>, vector<16xi32>
    %reshape3A_1344 = vector.shape_cast %select_n3A_1343 : vector<16xi32> to vector<16x1xi32>
    %gather3A_1345 = vector.shape_cast %reshape3A_1344 : vector<16x1xi32> to vector<16xi32>
    %gather3A_1346 = tpu.dynamic_gather %convert_element_type3A_1218[%gather3A_1345] in [0] : vector<16xf32>, vector<16xi32> -> vector<16xf32>
    %mul3A_1347 = arith.constant 0 : i32
    %mul3A_1348 = vector.broadcast %mul3A_1347 : i32 to vector<16xi32>
    %mul3A_1349 = arith.muli %mul3A_1348, %iota3A : vector<16xi32>
    %add3A_1350 = arith.constant 8 : i32
    %add3A_1351 = vector.broadcast %add3A_1350 : i32 to vector<16xi32>
    %add3A_1352 = arith.addi %add3A_1351, %mul3A_1349 : vector<16xi32>
    %lt3A_1353 = arith.constant 0 : i32
    %lt3A_1354 = vector.broadcast %lt3A_1353 : i32 to vector<16xi32>
    %lt3A_1355 = arith.cmpi slt, %add3A_1352, %lt3A_1354 : vector<16xi32>
    %add3A_1356 = arith.constant 16 : i32
    %add3A_1357 = vector.broadcast %add3A_1356 : i32 to vector<16xi32>
    %add3A_1358 = arith.addi %add3A_1352, %add3A_1357 : vector<16xi32>
    %select_n3A_1359 = arith.select %lt3A_1355, %add3A_1358, %add3A_1352 : vector<16xi1>, vector<16xi32>
    %reshape3A_1360 = vector.shape_cast %select_n3A_1359 : vector<16xi32> to vector<16x1xi32>
    %gather3A_1361 = vector.shape_cast %reshape3A_1360 : vector<16x1xi32> to vector<16xi32>
    %gather3A_1362 = tpu.dynamic_gather %convert_element_type3A_1218[%gather3A_1361] in [0] : vector<16xf32>, vector<16xi32> -> vector<16xf32>
    %mul3A_1363 = arith.constant 0 : i32
    %mul3A_1364 = vector.broadcast %mul3A_1363 : i32 to vector<16xi32>
    %mul3A_1365 = arith.muli %mul3A_1364, %iota3A : vector<16xi32>
    %add3A_1366 = arith.constant 9 : i32
    %add3A_1367 = vector.broadcast %add3A_1366 : i32 to vector<16xi32>
    %add3A_1368 = arith.addi %add3A_1367, %mul3A_1365 : vector<16xi32>
    %lt3A_1369 = arith.constant 0 : i32
    %lt3A_1370 = vector.broadcast %lt3A_1369 : i32 to vector<16xi32>
    %lt3A_1371 = arith.cmpi slt, %add3A_1368, %lt3A_1370 : vector<16xi32>
    %add3A_1372 = arith.constant 16 : i32
    %add3A_1373 = vector.broadcast %add3A_1372 : i32 to vector<16xi32>
    %add3A_1374 = arith.addi %add3A_1368, %add3A_1373 : vector<16xi32>
    %select_n3A_1375 = arith.select %lt3A_1371, %add3A_1374, %add3A_1368 : vector<16xi1>, vector<16xi32>
    %reshape3A_1376 = vector.shape_cast %select_n3A_1375 : vector<16xi32> to vector<16x1xi32>
    %gather3A_1377 = vector.shape_cast %reshape3A_1376 : vector<16x1xi32> to vector<16xi32>
    %gather3A_1378 = tpu.dynamic_gather %convert_element_type3A_1218[%gather3A_1377] in [0] : vector<16xf32>, vector<16xi32> -> vector<16xf32>
    %mul3A_1379 = arith.constant 0 : i32
    %mul3A_1380 = vector.broadcast %mul3A_1379 : i32 to vector<16xi32>
    %mul3A_1381 = arith.muli %mul3A_1380, %iota3A : vector<16xi32>
    %add3A_1382 = arith.constant 10 : i32
    %add3A_1383 = vector.broadcast %add3A_1382 : i32 to vector<16xi32>
    %add3A_1384 = arith.addi %add3A_1383, %mul3A_1381 : vector<16xi32>
    %lt3A_1385 = arith.constant 0 : i32
    %lt3A_1386 = vector.broadcast %lt3A_1385 : i32 to vector<16xi32>
    %lt3A_1387 = arith.cmpi slt, %add3A_1384, %lt3A_1386 : vector<16xi32>
    %add3A_1388 = arith.constant 16 : i32
    %add3A_1389 = vector.broadcast %add3A_1388 : i32 to vector<16xi32>
    %add3A_1390 = arith.addi %add3A_1384, %add3A_1389 : vector<16xi32>
    %select_n3A_1391 = arith.select %lt3A_1387, %add3A_1390, %add3A_1384 : vector<16xi1>, vector<16xi32>
    %reshape3A_1392 = vector.shape_cast %select_n3A_1391 : vector<16xi32> to vector<16x1xi32>
    %gather3A_1393 = vector.shape_cast %reshape3A_1392 : vector<16x1xi32> to vector<16xi32>
    %gather3A_1394 = tpu.dynamic_gather %convert_element_type3A_1218[%gather3A_1393] in [0] : vector<16xf32>, vector<16xi32> -> vector<16xf32>
    %mul3A_1395 = arith.constant 0 : i32
    %mul3A_1396 = vector.broadcast %mul3A_1395 : i32 to vector<16xi32>
    %mul3A_1397 = arith.muli %mul3A_1396, %iota3A : vector<16xi32>
    %add3A_1398 = arith.constant 11 : i32
    %add3A_1399 = vector.broadcast %add3A_1398 : i32 to vector<16xi32>
    %add3A_1400 = arith.addi %add3A_1399, %mul3A_1397 : vector<16xi32>
    %lt3A_1401 = arith.constant 0 : i32
    %lt3A_1402 = vector.broadcast %lt3A_1401 : i32 to vector<16xi32>
    %lt3A_1403 = arith.cmpi slt, %add3A_1400, %lt3A_1402 : vector<16xi32>
    %add3A_1404 = arith.constant 16 : i32
    %add3A_1405 = vector.broadcast %add3A_1404 : i32 to vector<16xi32>
    %add3A_1406 = arith.addi %add3A_1400, %add3A_1405 : vector<16xi32>
    %select_n3A_1407 = arith.select %lt3A_1403, %add3A_1406, %add3A_1400 : vector<16xi1>, vector<16xi32>
    %reshape3A_1408 = vector.shape_cast %select_n3A_1407 : vector<16xi32> to vector<16x1xi32>
    %gather3A_1409 = vector.shape_cast %reshape3A_1408 : vector<16x1xi32> to vector<16xi32>
    %gather3A_1410 = tpu.dynamic_gather %convert_element_type3A_1218[%gather3A_1409] in [0] : vector<16xf32>, vector<16xi32> -> vector<16xf32>
    %mul3A_1411 = arith.constant 0 : i32
    %mul3A_1412 = vector.broadcast %mul3A_1411 : i32 to vector<16xi32>
    %mul3A_1413 = arith.muli %mul3A_1412, %iota3A : vector<16xi32>
    %add3A_1414 = arith.constant 12 : i32
    %add3A_1415 = vector.broadcast %add3A_1414 : i32 to vector<16xi32>
    %add3A_1416 = arith.addi %add3A_1415, %mul3A_1413 : vector<16xi32>
    %lt3A_1417 = arith.constant 0 : i32
    %lt3A_1418 = vector.broadcast %lt3A_1417 : i32 to vector<16xi32>
    %lt3A_1419 = arith.cmpi slt, %add3A_1416, %lt3A_1418 : vector<16xi32>
    %add3A_1420 = arith.constant 16 : i32
    %add3A_1421 = vector.broadcast %add3A_1420 : i32 to vector<16xi32>
    %add3A_1422 = arith.addi %add3A_1416, %add3A_1421 : vector<16xi32>
    %select_n3A_1423 = arith.select %lt3A_1419, %add3A_1422, %add3A_1416 : vector<16xi1>, vector<16xi32>
    %reshape3A_1424 = vector.shape_cast %select_n3A_1423 : vector<16xi32> to vector<16x1xi32>
    %gather3A_1425 = vector.shape_cast %reshape3A_1424 : vector<16x1xi32> to vector<16xi32>
    %gather3A_1426 = tpu.dynamic_gather %convert_element_type3A_1218[%gather3A_1425] in [0] : vector<16xf32>, vector<16xi32> -> vector<16xf32>
    %mul3A_1427 = arith.constant 0 : i32
    %mul3A_1428 = vector.broadcast %mul3A_1427 : i32 to vector<16xi32>
    %mul3A_1429 = arith.muli %mul3A_1428, %iota3A : vector<16xi32>
    %add3A_1430 = arith.constant 13 : i32
    %add3A_1431 = vector.broadcast %add3A_1430 : i32 to vector<16xi32>
    %add3A_1432 = arith.addi %add3A_1431, %mul3A_1429 : vector<16xi32>
    %lt3A_1433 = arith.constant 0 : i32
    %lt3A_1434 = vector.broadcast %lt3A_1433 : i32 to vector<16xi32>
    %lt3A_1435 = arith.cmpi slt, %add3A_1432, %lt3A_1434 : vector<16xi32>
    %add3A_1436 = arith.constant 16 : i32
    %add3A_1437 = vector.broadcast %add3A_1436 : i32 to vector<16xi32>
    %add3A_1438 = arith.addi %add3A_1432, %add3A_1437 : vector<16xi32>
    %select_n3A_1439 = arith.select %lt3A_1435, %add3A_1438, %add3A_1432 : vector<16xi1>, vector<16xi32>
    %reshape3A_1440 = vector.shape_cast %select_n3A_1439 : vector<16xi32> to vector<16x1xi32>
    %gather3A_1441 = vector.shape_cast %reshape3A_1440 : vector<16x1xi32> to vector<16xi32>
    %gather3A_1442 = tpu.dynamic_gather %convert_element_type3A_1218[%gather3A_1441] in [0] : vector<16xf32>, vector<16xi32> -> vector<16xf32>
    %mul3A_1443 = arith.constant 0 : i32
    %mul3A_1444 = vector.broadcast %mul3A_1443 : i32 to vector<16xi32>
    %mul3A_1445 = arith.muli %mul3A_1444, %iota3A : vector<16xi32>
    %add3A_1446 = arith.constant 14 : i32
    %add3A_1447 = vector.broadcast %add3A_1446 : i32 to vector<16xi32>
    %add3A_1448 = arith.addi %add3A_1447, %mul3A_1445 : vector<16xi32>
    %lt3A_1449 = arith.constant 0 : i32
    %lt3A_1450 = vector.broadcast %lt3A_1449 : i32 to vector<16xi32>
    %lt3A_1451 = arith.cmpi slt, %add3A_1448, %lt3A_1450 : vector<16xi32>
    %add3A_1452 = arith.constant 16 : i32
    %add3A_1453 = vector.broadcast %add3A_1452 : i32 to vector<16xi32>
    %add3A_1454 = arith.addi %add3A_1448, %add3A_1453 : vector<16xi32>
    %select_n3A_1455 = arith.select %lt3A_1451, %add3A_1454, %add3A_1448 : vector<16xi1>, vector<16xi32>
    %reshape3A_1456 = vector.shape_cast %select_n3A_1455 : vector<16xi32> to vector<16x1xi32>
    %gather3A_1457 = vector.shape_cast %reshape3A_1456 : vector<16x1xi32> to vector<16xi32>
    %gather3A_1458 = tpu.dynamic_gather %convert_element_type3A_1218[%gather3A_1457] in [0] : vector<16xf32>, vector<16xi32> -> vector<16xf32>
    %mul3A_1459 = arith.constant 0 : i32
    %mul3A_1460 = vector.broadcast %mul3A_1459 : i32 to vector<16xi32>
    %mul3A_1461 = arith.muli %mul3A_1460, %iota3A : vector<16xi32>
    %add3A_1462 = arith.constant 15 : i32
    %add3A_1463 = vector.broadcast %add3A_1462 : i32 to vector<16xi32>
    %add3A_1464 = arith.addi %add3A_1463, %mul3A_1461 : vector<16xi32>
    %lt3A_1465 = arith.constant 0 : i32
    %lt3A_1466 = vector.broadcast %lt3A_1465 : i32 to vector<16xi32>
    %lt3A_1467 = arith.cmpi slt, %add3A_1464, %lt3A_1466 : vector<16xi32>
    %add3A_1468 = arith.constant 16 : i32
    %add3A_1469 = vector.broadcast %add3A_1468 : i32 to vector<16xi32>
    %add3A_1470 = arith.addi %add3A_1464, %add3A_1469 : vector<16xi32>
    %select_n3A_1471 = arith.select %lt3A_1467, %add3A_1470, %add3A_1464 : vector<16xi1>, vector<16xi32>
    %reshape3A_1472 = vector.shape_cast %select_n3A_1471 : vector<16xi32> to vector<16x1xi32>
    %gather3A_1473 = vector.shape_cast %reshape3A_1472 : vector<16x1xi32> to vector<16xi32>
    %gather3A_1474 = tpu.dynamic_gather %convert_element_type3A_1218[%gather3A_1473] in [0] : vector<16xf32>, vector<16xi32> -> vector<16xf32>
    %scan3A = arith.constant 0 : i32
    %scan3A_1475 = arith.constant 64 : i32
    %scan3A_1476 = arith.addi %scan3A, %scan3A_1475 : i32
    %scan3A_1477 = arith.constant 1 : i32
    scf.for %scan3A_3340 = %scan3A to %scan3A_1476 step %scan3A_1477  : i32 {
      %mul3A_3341 = arith.constant 16 : i32
      %mul3A_3342 = arith.muli %scan3A_3340, %mul3A_3341 : i32
      %get3A_3343 = arith.constant 0 : i32
      %get3A_3344 = arith.index_cast %get3A_3343 : i32 to index
      %get3A_3345 = arith.index_cast %mul3A_3342 : i32 to index
      %get3A_3346 = tpu.vector_load %arg5[%get3A_3344, %get3A_3345] {strides = array<i32>} : memref<2x1024xf32, #tpu.memory_space<vmem>>, vector<1x16xf32>,
      %get3A_3347 = vector.shape_cast %get3A_3346 : vector<1x16xf32> to vector<16xf32>
      %mul3A_3348 = arith.constant 16 : i32
      %mul3A_3349 = arith.muli %scan3A_3340, %mul3A_3348 : i32
      %get3A_3350 = arith.index_cast %mul3A_3349 : i32 to index
      %get3A_3351 = tpu.vector_load %arg6[%get3A_3350] {strides = array<i32>} : memref<1024xf32, #tpu.memory_space<vmem>>, vector<16xf32>,
      %get3A_3352 = vector.shape_cast %get3A_3351 : vector<16xf32> to vector<16xf32>
      %mul3A_3353 = arith.mulf %gather3A_974, %get3A_3352 : vector<16xf32>
      %add3A_3354 = arith.addf %get3A_3347, %mul3A_3353 : vector<16xf32>
      %mul3A_3355 = arith.constant 16 : i32
      %mul3A_3356 = arith.muli %scan3A_3340, %mul3A_3355 : i32
      %swap3A_3357 = arith.constant 0 : i32
      %swap3A_3358 = arith.index_cast %swap3A_3357 : i32 to index
      %swap3A_3359 = arith.index_cast %mul3A_3356 : i32 to index
      %swap3A_3360 = tpu.vector_load %arg8[%swap3A_3358, %swap3A_3359] {strides = array<i32>} : memref<32x1024xf32, #tpu.memory_space<vmem>>, vector<1x16xf32>,
      %swap3A_3361 = vector.shape_cast %swap3A_3360 : vector<1x16xf32> to vector<16xf32>
      %swap3A_3362 = vector.shape_cast %add3A_3354 : vector<16xf32> to vector<1x16xf32>
      tpu.vector_store %arg8[%swap3A_3358, %swap3A_3359], %swap3A_3362 {strides = array<i32>} : memref<32x1024xf32, #tpu.memory_space<vmem>>, vector<1x16xf32>,
      %mul3A_3363 = arith.mulf %gather3A_990, %get3A_3352 : vector<16xf32>
      %add3A_3364 = arith.addf %get3A_3347, %mul3A_3363 : vector<16xf32>
      %mul3A_3365 = arith.constant 16 : i32
      %mul3A_3366 = arith.muli %scan3A_3340, %mul3A_3365 : i32
      %swap3A_3367 = arith.constant 1 : i32
      %swap3A_3368 = arith.index_cast %swap3A_3367 : i32 to index
      %swap3A_3369 = arith.index_cast %mul3A_3366 : i32 to index
      %swap3A_3370 = tpu.vector_load %arg8[%swap3A_3368, %swap3A_3369] {strides = array<i32>} : memref<32x1024xf32, #tpu.memory_space<vmem>>, vector<1x16xf32>,
      %swap3A_3371 = vector.shape_cast %swap3A_3370 : vector<1x16xf32> to vector<16xf32>
      %swap3A_3372 = vector.shape_cast %add3A_3364 : vector<16xf32> to vector<1x16xf32>
      tpu.vector_store %arg8[%swap3A_3368, %swap3A_3369], %swap3A_3372 {strides = array<i32>} : memref<32x1024xf32, #tpu.memory_space<vmem>>, vector<1x16xf32>,
      %mul3A_3373 = arith.mulf %gather3A_1006, %get3A_3352 : vector<16xf32>
      %add3A_3374 = arith.addf %get3A_3347, %mul3A_3373 : vector<16xf32>
      %mul3A_3375 = arith.constant 16 : i32
      %mul3A_3376 = arith.muli %scan3A_3340, %mul3A_3375 : i32
      %swap3A_3377 = arith.constant 2 : i32
      %swap3A_3378 = arith.index_cast %swap3A_3377 : i32 to index
      %swap3A_3379 = arith.index_cast %mul3A_3376 : i32 to index
      %swap3A_3380 = tpu.vector_load %arg8[%swap3A_3378, %swap3A_3379] {strides = array<i32>} : memref<32x1024xf32, #tpu.memory_space<vmem>>, vector<1x16xf32>,
      %swap3A_3381 = vector.shape_cast %swap3A_3380 : vector<1x16xf32> to vector<16xf32>
      %swap3A_3382 = vector.shape_cast %add3A_3374 : vector<16xf32> to vector<1x16xf32>
      tpu.vector_store %arg8[%swap3A_3378, %swap3A_3379], %swap3A_3382 {strides = array<i32>} : memref<32x1024xf32, #tpu.memory_space<vmem>>, vector<1x16xf32>,
      %mul3A_3383 = arith.mulf %gather3A_1022, %get3A_3352 : vector<16xf32>
      %add3A_3384 = arith.addf %get3A_3347, %mul3A_3383 : vector<16xf32>
      %mul3A_3385 = arith.constant 16 : i32
      %mul3A_3386 = arith.muli %scan3A_3340, %mul3A_3385 : i32
      %swap3A_3387 = arith.constant 3 : i32
      %swap3A_3388 = arith.index_cast %swap3A_3387 : i32 to index
      %swap3A_3389 = arith.index_cast %mul3A_3386 : i32 to index
      %swap3A_3390 = tpu.vector_load %arg8[%swap3A_3388, %swap3A_3389] {strides = array<i32>} : memref<32x1024xf32, #tpu.memory_space<vmem>>, vector<1x16xf32>,
      %swap3A_3391 = vector.shape_cast %swap3A_3390 : vector<1x16xf32> to vector<16xf32>
      %swap3A_3392 = vector.shape_cast %add3A_3384 : vector<16xf32> to vector<1x16xf32>
      tpu.vector_store %arg8[%swap3A_3388, %swap3A_3389], %swap3A_3392 {strides = array<i32>} : memref<32x1024xf32, #tpu.memory_space<vmem>>, vector<1x16xf32>,
      %mul3A_3393 = arith.mulf %gather3A_1038, %get3A_3352 : vector<16xf32>
      %add3A_3394 = arith.addf %get3A_3347, %mul3A_3393 : vector<16xf32>
      %mul3A_3395 = arith.constant 16 : i32
      %mul3A_3396 = arith.muli %scan3A_3340, %mul3A_3395 : i32
      %swap3A_3397 = arith.constant 4 : i32
      %swap3A_3398 = arith.index_cast %swap3A_3397 : i32 to index
      %swap3A_3399 = arith.index_cast %mul3A_3396 : i32 to index
      %swap3A_3400 = tpu.vector_load %arg8[%swap3A_3398, %swap3A_3399] {strides = array<i32>} : memref<32x1024xf32, #tpu.memory_space<vmem>>, vector<1x16xf32>,
      %swap3A_3401 = vector.shape_cast %swap3A_3400 : vector<1x16xf32> to vector<16xf32>
      %swap3A_3402 = vector.shape_cast %add3A_3394 : vector<16xf32> to vector<1x16xf32>
      tpu.vector_store %arg8[%swap3A_3398, %swap3A_3399], %swap3A_3402 {strides = array<i32>} : memref<32x1024xf32, #tpu.memory_space<vmem>>, vector<1x16xf32>,
      %mul3A_3403 = arith.mulf %gather3A_1054, %get3A_3352 : vector<16xf32>
      %add3A_3404 = arith.addf %get3A_3347, %mul3A_3403 : vector<16xf32>
      %mul3A_3405 = arith.constant 16 : i32
      %mul3A_3406 = arith.muli %scan3A_3340, %mul3A_3405 : i32
      %swap3A_3407 = arith.constant 5 : i32
      %swap3A_3408 = arith.index_cast %swap3A_3407 : i32 to index
      %swap3A_3409 = arith.index_cast %mul3A_3406 : i32 to index
      %swap3A_3410 = tpu.vector_load %arg8[%swap3A_3408, %swap3A_3409] {strides = array<i32>} : memref<32x1024xf32, #tpu.memory_space<vmem>>, vector<1x16xf32>,
      %swap3A_3411 = vector.shape_cast %swap3A_3410 : vector<1x16xf32> to vector<16xf32>
      %swap3A_3412 = vector.shape_cast %add3A_3404 : vector<16xf32> to vector<1x16xf32>
      tpu.vector_store %arg8[%swap3A_3408, %swap3A_3409], %swap3A_3412 {strides = array<i32>} : memref<32x1024xf32, #tpu.memory_space<vmem>>, vector<1x16xf32>,
      %mul3A_3413 = arith.mulf %gather3A_1070, %get3A_3352 : vector<16xf32>
      %add3A_3414 = arith.addf %get3A_3347, %mul3A_3413 : vector<16xf32>
      %mul3A_3415 = arith.constant 16 : i32
      %mul3A_3416 = arith.muli %scan3A_3340, %mul3A_3415 : i32
      %swap3A_3417 = arith.constant 6 : i32
      %swap3A_3418 = arith.index_cast %swap3A_3417 : i32 to index
      %swap3A_3419 = arith.index_cast %mul3A_3416 : i32 to index
      %swap3A_3420 = tpu.vector_load %arg8[%swap3A_3418, %swap3A_3419] {strides = array<i32>} : memref<32x1024xf32, #tpu.memory_space<vmem>>, vector<1x16xf32>,
      %swap3A_3421 = vector.shape_cast %swap3A_3420 : vector<1x16xf32> to vector<16xf32>
      %swap3A_3422 = vector.shape_cast %add3A_3414 : vector<16xf32> to vector<1x16xf32>
      tpu.vector_store %arg8[%swap3A_3418, %swap3A_3419], %swap3A_3422 {strides = array<i32>} : memref<32x1024xf32, #tpu.memory_space<vmem>>, vector<1x16xf32>,
      %mul3A_3423 = arith.mulf %gather3A_1086, %get3A_3352 : vector<16xf32>
      %add3A_3424 = arith.addf %get3A_3347, %mul3A_3423 : vector<16xf32>
      %mul3A_3425 = arith.constant 16 : i32
      %mul3A_3426 = arith.muli %scan3A_3340, %mul3A_3425 : i32
      %swap3A_3427 = arith.constant 7 : i32
      %swap3A_3428 = arith.index_cast %swap3A_3427 : i32 to index
      %swap3A_3429 = arith.index_cast %mul3A_3426 : i32 to index
      %swap3A_3430 = tpu.vector_load %arg8[%swap3A_3428, %swap3A_3429] {strides = array<i32>} : memref<32x1024xf32, #tpu.memory_space<vmem>>, vector<1x16xf32>,
      %swap3A_3431 = vector.shape_cast %swap3A_3430 : vector<1x16xf32> to vector<16xf32>
      %swap3A_3432 = vector.shape_cast %add3A_3424 : vector<16xf32> to vector<1x16xf32>
      tpu.vector_store %arg8[%swap3A_3428, %swap3A_3429], %swap3A_3432 {strides = array<i32>} : memref<32x1024xf32, #tpu.memory_space<vmem>>, vector<1x16xf32>,
      %mul3A_3433 = arith.mulf %gather3A_1102, %get3A_3352 : vector<16xf32>
      %add3A_3434 = arith.addf %get3A_3347, %mul3A_3433 : vector<16xf32>
      %mul3A_3435 = arith.constant 16 : i32
      %mul3A_3436 = arith.muli %scan3A_3340, %mul3A_3435 : i32
      %swap3A_3437 = arith.constant 8 : i32
      %swap3A_3438 = arith.index_cast %swap3A_3437 : i32 to index
      %swap3A_3439 = arith.index_cast %mul3A_3436 : i32 to index
      %swap3A_3440 = tpu.vector_load %arg8[%swap3A_3438, %swap3A_3439] {strides = array<i32>} : memref<32x1024xf32, #tpu.memory_space<vmem>>, vector<1x16xf32>,
      %swap3A_3441 = vector.shape_cast %swap3A_3440 : vector<1x16xf32> to vector<16xf32>
      %swap3A_3442 = vector.shape_cast %add3A_3434 : vector<16xf32> to vector<1x16xf32>
      tpu.vector_store %arg8[%swap3A_3438, %swap3A_3439], %swap3A_3442 {strides = array<i32>} : memref<32x1024xf32, #tpu.memory_space<vmem>>, vector<1x16xf32>,
      %mul3A_3443 = arith.mulf %gather3A_1118, %get3A_3352 : vector<16xf32>
      %add3A_3444 = arith.addf %get3A_3347, %mul3A_3443 : vector<16xf32>
      %mul3A_3445 = arith.constant 16 : i32
      %mul3A_3446 = arith.muli %scan3A_3340, %mul3A_3445 : i32
      %swap3A_3447 = arith.constant 9 : i32
      %swap3A_3448 = arith.index_cast %swap3A_3447 : i32 to index
      %swap3A_3449 = arith.index_cast %mul3A_3446 : i32 to index
      %swap3A_3450 = tpu.vector_load %arg8[%swap3A_3448, %swap3A_3449] {strides = array<i32>} : memref<32x1024xf32, #tpu.memory_space<vmem>>, vector<1x16xf32>,
      %swap3A_3451 = vector.shape_cast %swap3A_3450 : vector<1x16xf32> to vector<16xf32>
      %swap3A_3452 = vector.shape_cast %add3A_3444 : vector<16xf32> to vector<1x16xf32>
      tpu.vector_store %arg8[%swap3A_3448, %swap3A_3449], %swap3A_3452 {strides = array<i32>} : memref<32x1024xf32, #tpu.memory_space<vmem>>, vector<1x16xf32>,
      %mul3A_3453 = arith.mulf %gather3A_1134, %get3A_3352 : vector<16xf32>
      %add3A_3454 = arith.addf %get3A_3347, %mul3A_3453 : vector<16xf32>
      %mul3A_3455 = arith.constant 16 : i32
      %mul3A_3456 = arith.muli %scan3A_3340, %mul3A_3455 : i32
      %swap3A_3457 = arith.constant 10 : i32
      %swap3A_3458 = arith.index_cast %swap3A_3457 : i32 to index
      %swap3A_3459 = arith.index_cast %mul3A_3456 : i32 to index
      %swap3A_3460 = tpu.vector_load %arg8[%swap3A_3458, %swap3A_3459] {strides = array<i32>} : memref<32x1024xf32, #tpu.memory_space<vmem>>, vector<1x16xf32>,
      %swap3A_3461 = vector.shape_cast %swap3A_3460 : vector<1x16xf32> to vector<16xf32>
      %swap3A_3462 = vector.shape_cast %add3A_3454 : vector<16xf32> to vector<1x16xf32>
      tpu.vector_store %arg8[%swap3A_3458, %swap3A_3459], %swap3A_3462 {strides = array<i32>} : memref<32x1024xf32, #tpu.memory_space<vmem>>, vector<1x16xf32>,
      %mul3A_3463 = arith.mulf %gather3A_1150, %get3A_3352 : vector<16xf32>
      %add3A_3464 = arith.addf %get3A_3347, %mul3A_3463 : vector<16xf32>
      %mul3A_3465 = arith.constant 16 : i32
      %mul3A_3466 = arith.muli %scan3A_3340, %mul3A_3465 : i32
      %swap3A_3467 = arith.constant 11 : i32
      %swap3A_3468 = arith.index_cast %swap3A_3467 : i32 to index
      %swap3A_3469 = arith.index_cast %mul3A_3466 : i32 to index
      %swap3A_3470 = tpu.vector_load %arg8[%swap3A_3468, %swap3A_3469] {strides = array<i32>} : memref<32x1024xf32, #tpu.memory_space<vmem>>, vector<1x16xf32>,
      %swap3A_3471 = vector.shape_cast %swap3A_3470 : vector<1x16xf32> to vector<16xf32>
      %swap3A_3472 = vector.shape_cast %add3A_3464 : vector<16xf32> to vector<1x16xf32>
      tpu.vector_store %arg8[%swap3A_3468, %swap3A_3469], %swap3A_3472 {strides = array<i32>} : memref<32x1024xf32, #tpu.memory_space<vmem>>, vector<1x16xf32>,
      %mul3A_3473 = arith.mulf %gather3A_1166, %get3A_3352 : vector<16xf32>
      %add3A_3474 = arith.addf %get3A_3347, %mul3A_3473 : vector<16xf32>
      %mul3A_3475 = arith.constant 16 : i32
      %mul3A_3476 = arith.muli %scan3A_3340, %mul3A_3475 : i32
      %swap3A_3477 = arith.constant 12 : i32
      %swap3A_3478 = arith.index_cast %swap3A_3477 : i32 to index
      %swap3A_3479 = arith.index_cast %mul3A_3476 : i32 to index
      %swap3A_3480 = tpu.vector_load %arg8[%swap3A_3478, %swap3A_3479] {strides = array<i32>} : memref<32x1024xf32, #tpu.memory_space<vmem>>, vector<1x16xf32>,
      %swap3A_3481 = vector.shape_cast %swap3A_3480 : vector<1x16xf32> to vector<16xf32>
      %swap3A_3482 = vector.shape_cast %add3A_3474 : vector<16xf32> to vector<1x16xf32>
      tpu.vector_store %arg8[%swap3A_3478, %swap3A_3479], %swap3A_3482 {strides = array<i32>} : memref<32x1024xf32, #tpu.memory_space<vmem>>, vector<1x16xf32>,
      %mul3A_3483 = arith.mulf %gather3A_1182, %get3A_3352 : vector<16xf32>
      %add3A_3484 = arith.addf %get3A_3347, %mul3A_3483 : vector<16xf32>
      %mul3A_3485 = arith.constant 16 : i32
      %mul3A_3486 = arith.muli %scan3A_3340, %mul3A_3485 : i32
      %swap3A_3487 = arith.constant 13 : i32
      %swap3A_3488 = arith.index_cast %swap3A_3487 : i32 to index
      %swap3A_3489 = arith.index_cast %mul3A_3486 : i32 to index
      %swap3A_3490 = tpu.vector_load %arg8[%swap3A_3488, %swap3A_3489] {strides = array<i32>} : memref<32x1024xf32, #tpu.memory_space<vmem>>, vector<1x16xf32>,
      %swap3A_3491 = vector.shape_cast %swap3A_3490 : vector<1x16xf32> to vector<16xf32>
      %swap3A_3492 = vector.shape_cast %add3A_3484 : vector<16xf32> to vector<1x16xf32>
      tpu.vector_store %arg8[%swap3A_3488, %swap3A_3489], %swap3A_3492 {strides = array<i32>} : memref<32x1024xf32, #tpu.memory_space<vmem>>, vector<1x16xf32>,
      %mul3A_3493 = arith.mulf %gather3A_1198, %get3A_3352 : vector<16xf32>
      %add3A_3494 = arith.addf %get3A_3347, %mul3A_3493 : vector<16xf32>
      %mul3A_3495 = arith.constant 16 : i32
      %mul3A_3496 = arith.muli %scan3A_3340, %mul3A_3495 : i32
      %swap3A_3497 = arith.constant 14 : i32
      %swap3A_3498 = arith.index_cast %swap3A_3497 : i32 to index
      %swap3A_3499 = arith.index_cast %mul3A_3496 : i32 to index
      %swap3A_3500 = tpu.vector_load %arg8[%swap3A_3498, %swap3A_3499] {strides = array<i32>} : memref<32x1024xf32, #tpu.memory_space<vmem>>, vector<1x16xf32>,
      %swap3A_3501 = vector.shape_cast %swap3A_3500 : vector<1x16xf32> to vector<16xf32>
      %swap3A_3502 = vector.shape_cast %add3A_3494 : vector<16xf32> to vector<1x16xf32>
      tpu.vector_store %arg8[%swap3A_3498, %swap3A_3499], %swap3A_3502 {strides = array<i32>} : memref<32x1024xf32, #tpu.memory_space<vmem>>, vector<1x16xf32>,
      %mul3A_3503 = arith.mulf %gather3A_1214, %get3A_3352 : vector<16xf32>
      %add3A_3504 = arith.addf %get3A_3347, %mul3A_3503 : vector<16xf32>
      %mul3A_3505 = arith.constant 16 : i32
      %mul3A_3506 = arith.muli %scan3A_3340, %mul3A_3505 : i32
      %swap3A_3507 = arith.constant 15 : i32
      %swap3A_3508 = arith.index_cast %swap3A_3507 : i32 to index
      %swap3A_3509 = arith.index_cast %mul3A_3506 : i32 to index
      %swap3A_3510 = tpu.vector_load %arg8[%swap3A_3508, %swap3A_3509] {strides = array<i32>} : memref<32x1024xf32, #tpu.memory_space<vmem>>, vector<1x16xf32>,
      %swap3A_3511 = vector.shape_cast %swap3A_3510 : vector<1x16xf32> to vector<16xf32>
      %swap3A_3512 = vector.shape_cast %add3A_3504 : vector<16xf32> to vector<1x16xf32>
      tpu.vector_store %arg8[%swap3A_3508, %swap3A_3509], %swap3A_3512 {strides = array<i32>} : memref<32x1024xf32, #tpu.memory_space<vmem>>, vector<1x16xf32>,
      %mul3A_3513 = arith.mulf %gather3A_1234, %get3A_3352 : vector<16xf32>
      %add3A_3514 = arith.addf %get3A_3347, %mul3A_3513 : vector<16xf32>
      %mul3A_3515 = arith.constant 16 : i32
      %mul3A_3516 = arith.muli %scan3A_3340, %mul3A_3515 : i32
      %swap3A_3517 = arith.constant 16 : i32
      %swap3A_3518 = arith.index_cast %swap3A_3517 : i32 to index
      %swap3A_3519 = arith.index_cast %mul3A_3516 : i32 to index
      %swap3A_3520 = tpu.vector_load %arg8[%swap3A_3518, %swap3A_3519] {strides = array<i32>} : memref<32x1024xf32, #tpu.memory_space<vmem>>, vector<1x16xf32>,
      %swap3A_3521 = vector.shape_cast %swap3A_3520 : vector<1x16xf32> to vector<16xf32>
      %swap3A_3522 = vector.shape_cast %add3A_3514 : vector<16xf32> to vector<1x16xf32>
      tpu.vector_store %arg8[%swap3A_3518, %swap3A_3519], %swap3A_3522 {strides = array<i32>} : memref<32x1024xf32, #tpu.memory_space<vmem>>, vector<1x16xf32>,
      %mul3A_3523 = arith.mulf %gather3A_1250, %get3A_3352 : vector<16xf32>
      %add3A_3524 = arith.addf %get3A_3347, %mul3A_3523 : vector<16xf32>
      %mul3A_3525 = arith.constant 16 : i32
      %mul3A_3526 = arith.muli %scan3A_3340, %mul3A_3525 : i32
      %swap3A_3527 = arith.constant 17 : i32
      %swap3A_3528 = arith.index_cast %swap3A_3527 : i32 to index
      %swap3A_3529 = arith.index_cast %mul3A_3526 : i32 to index
      %swap3A_3530 = tpu.vector_load %arg8[%swap3A_3528, %swap3A_3529] {strides = array<i32>} : memref<32x1024xf32, #tpu.memory_space<vmem>>, vector<1x16xf32>,
      %swap3A_3531 = vector.shape_cast %swap3A_3530 : vector<1x16xf32> to vector<16xf32>
      %swap3A_3532 = vector.shape_cast %add3A_3524 : vector<16xf32> to vector<1x16xf32>
      tpu.vector_store %arg8[%swap3A_3528, %swap3A_3529], %swap3A_3532 {strides = array<i32>} : memref<32x1024xf32, #tpu.memory_space<vmem>>, vector<1x16xf32>,
      %mul3A_3533 = arith.mulf %gather3A_1266, %get3A_3352 : vector<16xf32>
      %add3A_3534 = arith.addf %get3A_3347, %mul3A_3533 : vector<16xf32>
      %mul3A_3535 = arith.constant 16 : i32
      %mul3A_3536 = arith.muli %scan3A_3340, %mul3A_3535 : i32
      %swap3A_3537 = arith.constant 18 : i32
      %swap3A_3538 = arith.index_cast %swap3A_3537 : i32 to index
      %swap3A_3539 = arith.index_cast %mul3A_3536 : i32 to index
      %swap3A_3540 = tpu.vector_load %arg8[%swap3A_3538, %swap3A_3539] {strides = array<i32>} : memref<32x1024xf32, #tpu.memory_space<vmem>>, vector<1x16xf32>,
      %swap3A_3541 = vector.shape_cast %swap3A_3540 : vector<1x16xf32> to vector<16xf32>
      %swap3A_3542 = vector.shape_cast %add3A_3534 : vector<16xf32> to vector<1x16xf32>
      tpu.vector_store %arg8[%swap3A_3538, %swap3A_3539], %swap3A_3542 {strides = array<i32>} : memref<32x1024xf32, #tpu.memory_space<vmem>>, vector<1x16xf32>,
      %mul3A_3543 = arith.mulf %gather3A_1282, %get3A_3352 : vector<16xf32>
      %add3A_3544 = arith.addf %get3A_3347, %mul3A_3543 : vector<16xf32>
      %mul3A_3545 = arith.constant 16 : i32
      %mul3A_3546 = arith.muli %scan3A_3340, %mul3A_3545 : i32
      %swap3A_3547 = arith.constant 19 : i32
      %swap3A_3548 = arith.index_cast %swap3A_3547 : i32 to index
      %swap3A_3549 = arith.index_cast %mul3A_3546 : i32 to index
      %swap3A_3550 = tpu.vector_load %arg8[%swap3A_3548, %swap3A_3549] {strides = array<i32>} : memref<32x1024xf32, #tpu.memory_space<vmem>>, vector<1x16xf32>,
      %swap3A_3551 = vector.shape_cast %swap3A_3550 : vector<1x16xf32> to vector<16xf32>
      %swap3A_3552 = vector.shape_cast %add3A_3544 : vector<16xf32> to vector<1x16xf32>
      tpu.vector_store %arg8[%swap3A_3548, %swap3A_3549], %swap3A_3552 {strides = array<i32>} : memref<32x1024xf32, #tpu.memory_space<vmem>>, vector<1x16xf32>,
      %mul3A_3553 = arith.mulf %gather3A_1298, %get3A_3352 : vector<16xf32>
      %add3A_3554 = arith.addf %get3A_3347, %mul3A_3553 : vector<16xf32>
      %mul3A_3555 = arith.constant 16 : i32
      %mul3A_3556 = arith.muli %scan3A_3340, %mul3A_3555 : i32
      %swap3A_3557 = arith.constant 20 : i32
      %swap3A_3558 = arith.index_cast %swap3A_3557 : i32 to index
      %swap3A_3559 = arith.index_cast %mul3A_3556 : i32 to index
      %swap3A_3560 = tpu.vector_load %arg8[%swap3A_3558, %swap3A_3559] {strides = array<i32>} : memref<32x1024xf32, #tpu.memory_space<vmem>>, vector<1x16xf32>,
      %swap3A_3561 = vector.shape_cast %swap3A_3560 : vector<1x16xf32> to vector<16xf32>
      %swap3A_3562 = vector.shape_cast %add3A_3554 : vector<16xf32> to vector<1x16xf32>
      tpu.vector_store %arg8[%swap3A_3558, %swap3A_3559], %swap3A_3562 {strides = array<i32>} : memref<32x1024xf32, #tpu.memory_space<vmem>>, vector<1x16xf32>,
      %mul3A_3563 = arith.mulf %gather3A_1314, %get3A_3352 : vector<16xf32>
      %add3A_3564 = arith.addf %get3A_3347, %mul3A_3563 : vector<16xf32>
      %mul3A_3565 = arith.constant 16 : i32
      %mul3A_3566 = arith.muli %scan3A_3340, %mul3A_3565 : i32
      %swap3A_3567 = arith.constant 21 : i32
      %swap3A_3568 = arith.index_cast %swap3A_3567 : i32 to index
      %swap3A_3569 = arith.index_cast %mul3A_3566 : i32 to index
      %swap3A_3570 = tpu.vector_load %arg8[%swap3A_3568, %swap3A_3569] {strides = array<i32>} : memref<32x1024xf32, #tpu.memory_space<vmem>>, vector<1x16xf32>,
      %swap3A_3571 = vector.shape_cast %swap3A_3570 : vector<1x16xf32> to vector<16xf32>
      %swap3A_3572 = vector.shape_cast %add3A_3564 : vector<16xf32> to vector<1x16xf32>
      tpu.vector_store %arg8[%swap3A_3568, %swap3A_3569], %swap3A_3572 {strides = array<i32>} : memref<32x1024xf32, #tpu.memory_space<vmem>>, vector<1x16xf32>,
      %mul3A_3573 = arith.mulf %gather3A_1330, %get3A_3352 : vector<16xf32>
      %add3A_3574 = arith.addf %get3A_3347, %mul3A_3573 : vector<16xf32>
      %mul3A_3575 = arith.constant 16 : i32
      %mul3A_3576 = arith.muli %scan3A_3340, %mul3A_3575 : i32
      %swap3A_3577 = arith.constant 22 : i32
      %swap3A_3578 = arith.index_cast %swap3A_3577 : i32 to index
      %swap3A_3579 = arith.index_cast %mul3A_3576 : i32 to index
      %swap3A_3580 = tpu.vector_load %arg8[%swap3A_3578, %swap3A_3579] {strides = array<i32>} : memref<32x1024xf32, #tpu.memory_space<vmem>>, vector<1x16xf32>,
      %swap3A_3581 = vector.shape_cast %swap3A_3580 : vector<1x16xf32> to vector<16xf32>
      %swap3A_3582 = vector.shape_cast %add3A_3574 : vector<16xf32> to vector<1x16xf32>
      tpu.vector_store %arg8[%swap3A_3578, %swap3A_3579], %swap3A_3582 {strides = array<i32>} : memref<32x1024xf32, #tpu.memory_space<vmem>>, vector<1x16xf32>,
      %mul3A_3583 = arith.mulf %gather3A_1346, %get3A_3352 : vector<16xf32>
      %add3A_3584 = arith.addf %get3A_3347, %mul3A_3583 : vector<16xf32>
      %mul3A_3585 = arith.constant 16 : i32
      %mul3A_3586 = arith.muli %scan3A_3340, %mul3A_3585 : i32
      %swap3A_3587 = arith.constant 23 : i32
      %swap3A_3588 = arith.index_cast %swap3A_3587 : i32 to index
      %swap3A_3589 = arith.index_cast %mul3A_3586 : i32 to index
      %swap3A_3590 = tpu.vector_load %arg8[%swap3A_3588, %swap3A_3589] {strides = array<i32>} : memref<32x1024xf32, #tpu.memory_space<vmem>>, vector<1x16xf32>,
      %swap3A_3591 = vector.shape_cast %swap3A_3590 : vector<1x16xf32> to vector<16xf32>
      %swap3A_3592 = vector.shape_cast %add3A_3584 : vector<16xf32> to vector<1x16xf32>
      tpu.vector_store %arg8[%swap3A_3588, %swap3A_3589], %swap3A_3592 {strides = array<i32>} : memref<32x1024xf32, #tpu.memory_space<vmem>>, vector<1x16xf32>,
      %mul3A_3593 = arith.mulf %gather3A_1362, %get3A_3352 : vector<16xf32>
      %add3A_3594 = arith.addf %get3A_3347, %mul3A_3593 : vector<16xf32>
      %mul3A_3595 = arith.constant 16 : i32
      %mul3A_3596 = arith.muli %scan3A_3340, %mul3A_3595 : i32
      %swap3A_3597 = arith.constant 24 : i32
      %swap3A_3598 = arith.index_cast %swap3A_3597 : i32 to index
      %swap3A_3599 = arith.index_cast %mul3A_3596 : i32 to index
      %swap3A_3600 = tpu.vector_load %arg8[%swap3A_3598, %swap3A_3599] {strides = array<i32>} : memref<32x1024xf32, #tpu.memory_space<vmem>>, vector<1x16xf32>,
      %swap3A_3601 = vector.shape_cast %swap3A_3600 : vector<1x16xf32> to vector<16xf32>
      %swap3A_3602 = vector.shape_cast %add3A_3594 : vector<16xf32> to vector<1x16xf32>
      tpu.vector_store %arg8[%swap3A_3598, %swap3A_3599], %swap3A_3602 {strides = array<i32>} : memref<32x1024xf32, #tpu.memory_space<vmem>>, vector<1x16xf32>,
      %mul3A_3603 = arith.mulf %gather3A_1378, %get3A_3352 : vector<16xf32>
      %add3A_3604 = arith.addf %get3A_3347, %mul3A_3603 : vector<16xf32>
      %mul3A_3605 = arith.constant 16 : i32
      %mul3A_3606 = arith.muli %scan3A_3340, %mul3A_3605 : i32
      %swap3A_3607 = arith.constant 25 : i32
      %swap3A_3608 = arith.index_cast %swap3A_3607 : i32 to index
      %swap3A_3609 = arith.index_cast %mul3A_3606 : i32 to index
      %swap3A_3610 = tpu.vector_load %arg8[%swap3A_3608, %swap3A_3609] {strides = array<i32>} : memref<32x1024xf32, #tpu.memory_space<vmem>>, vector<1x16xf32>,
      %swap3A_3611 = vector.shape_cast %swap3A_3610 : vector<1x16xf32> to vector<16xf32>
      %swap3A_3612 = vector.shape_cast %add3A_3604 : vector<16xf32> to vector<1x16xf32>
      tpu.vector_store %arg8[%swap3A_3608, %swap3A_3609], %swap3A_3612 {strides = array<i32>} : memref<32x1024xf32, #tpu.memory_space<vmem>>, vector<1x16xf32>,
      %mul3A_3613 = arith.mulf %gather3A_1394, %get3A_3352 : vector<16xf32>
      %add3A_3614 = arith.addf %get3A_3347, %mul3A_3613 : vector<16xf32>
      %mul3A_3615 = arith.constant 16 : i32
      %mul3A_3616 = arith.muli %scan3A_3340, %mul3A_3615 : i32
      %swap3A_3617 = arith.constant 26 : i32
      %swap3A_3618 = arith.index_cast %swap3A_3617 : i32 to index
      %swap3A_3619 = arith.index_cast %mul3A_3616 : i32 to index
      %swap3A_3620 = tpu.vector_load %arg8[%swap3A_3618, %swap3A_3619] {strides = array<i32>} : memref<32x1024xf32, #tpu.memory_space<vmem>>, vector<1x16xf32>,
      %swap3A_3621 = vector.shape_cast %swap3A_3620 : vector<1x16xf32> to vector<16xf32>
      %swap3A_3622 = vector.shape_cast %add3A_3614 : vector<16xf32> to vector<1x16xf32>
      tpu.vector_store %arg8[%swap3A_3618, %swap3A_3619], %swap3A_3622 {strides = array<i32>} : memref<32x1024xf32, #tpu.memory_space<vmem>>, vector<1x16xf32>,
      %mul3A_3623 = arith.mulf %gather3A_1410, %get3A_3352 : vector<16xf32>
      %add3A_3624 = arith.addf %get3A_3347, %mul3A_3623 : vector<16xf32>
      %mul3A_3625 = arith.constant 16 : i32
      %mul3A_3626 = arith.muli %scan3A_3340, %mul3A_3625 : i32
      %swap3A_3627 = arith.constant 27 : i32
      %swap3A_3628 = arith.index_cast %swap3A_3627 : i32 to index
      %swap3A_3629 = arith.index_cast %mul3A_3626 : i32 to index
      %swap3A_3630 = tpu.vector_load %arg8[%swap3A_3628, %swap3A_3629] {strides = array<i32>} : memref<32x1024xf32, #tpu.memory_space<vmem>>, vector<1x16xf32>,
      %swap3A_3631 = vector.shape_cast %swap3A_3630 : vector<1x16xf32> to vector<16xf32>
      %swap3A_3632 = vector.shape_cast %add3A_3624 : vector<16xf32> to vector<1x16xf32>
      tpu.vector_store %arg8[%swap3A_3628, %swap3A_3629], %swap3A_3632 {strides = array<i32>} : memref<32x1024xf32, #tpu.memory_space<vmem>>, vector<1x16xf32>,
      %mul3A_3633 = arith.mulf %gather3A_1426, %get3A_3352 : vector<16xf32>
      %add3A_3634 = arith.addf %get3A_3347, %mul3A_3633 : vector<16xf32>
      %mul3A_3635 = arith.constant 16 : i32
      %mul3A_3636 = arith.muli %scan3A_3340, %mul3A_3635 : i32
      %swap3A_3637 = arith.constant 28 : i32
      %swap3A_3638 = arith.index_cast %swap3A_3637 : i32 to index
      %swap3A_3639 = arith.index_cast %mul3A_3636 : i32 to index
      %swap3A_3640 = tpu.vector_load %arg8[%swap3A_3638, %swap3A_3639] {strides = array<i32>} : memref<32x1024xf32, #tpu.memory_space<vmem>>, vector<1x16xf32>,
      %swap3A_3641 = vector.shape_cast %swap3A_3640 : vector<1x16xf32> to vector<16xf32>
      %swap3A_3642 = vector.shape_cast %add3A_3634 : vector<16xf32> to vector<1x16xf32>
      tpu.vector_store %arg8[%swap3A_3638, %swap3A_3639], %swap3A_3642 {strides = array<i32>} : memref<32x1024xf32, #tpu.memory_space<vmem>>, vector<1x16xf32>,
      %mul3A_3643 = arith.mulf %gather3A_1442, %get3A_3352 : vector<16xf32>
      %add3A_3644 = arith.addf %get3A_3347, %mul3A_3643 : vector<16xf32>
      %mul3A_3645 = arith.constant 16 : i32
      %mul3A_3646 = arith.muli %scan3A_3340, %mul3A_3645 : i32
      %swap3A_3647 = arith.constant 29 : i32
      %swap3A_3648 = arith.index_cast %swap3A_3647 : i32 to index
      %swap3A_3649 = arith.index_cast %mul3A_3646 : i32 to index
      %swap3A_3650 = tpu.vector_load %arg8[%swap3A_3648, %swap3A_3649] {strides = array<i32>} : memref<32x1024xf32, #tpu.memory_space<vmem>>, vector<1x16xf32>,
      %swap3A_3651 = vector.shape_cast %swap3A_3650 : vector<1x16xf32> to vector<16xf32>
      %swap3A_3652 = vector.shape_cast %add3A_3644 : vector<16xf32> to vector<1x16xf32>
      tpu.vector_store %arg8[%swap3A_3648, %swap3A_3649], %swap3A_3652 {strides = array<i32>} : memref<32x1024xf32, #tpu.memory_space<vmem>>, vector<1x16xf32>,
      %mul3A_3653 = arith.mulf %gather3A_1458, %get3A_3352 : vector<16xf32>
      %add3A_3654 = arith.addf %get3A_3347, %mul3A_3653 : vector<16xf32>
      %mul3A_3655 = arith.constant 16 : i32
      %mul3A_3656 = arith.muli %scan3A_3340, %mul3A_3655 : i32
      %swap3A_3657 = arith.constant 30 : i32
      %swap3A_3658 = arith.index_cast %swap3A_3657 : i32 to index
      %swap3A_3659 = arith.index_cast %mul3A_3656 : i32 to index
      %swap3A_3660 = tpu.vector_load %arg8[%swap3A_3658, %swap3A_3659] {strides = array<i32>} : memref<32x1024xf32, #tpu.memory_space<vmem>>, vector<1x16xf32>,
      %swap3A_3661 = vector.shape_cast %swap3A_3660 : vector<1x16xf32> to vector<16xf32>
      %swap3A_3662 = vector.shape_cast %add3A_3654 : vector<16xf32> to vector<1x16xf32>
      tpu.vector_store %arg8[%swap3A_3658, %swap3A_3659], %swap3A_3662 {strides = array<i32>} : memref<32x1024xf32, #tpu.memory_space<vmem>>, vector<1x16xf32>,
      %mul3A_3663 = arith.mulf %gather3A_1474, %get3A_3352 : vector<16xf32>
      %add3A_3664 = arith.addf %get3A_3347, %mul3A_3663 : vector<16xf32>
      %mul3A_3665 = arith.constant 16 : i32
      %mul3A_3666 = arith.muli %scan3A_3340, %mul3A_3665 : i32
      %swap3A_3667 = arith.constant 31 : i32
      %swap3A_3668 = arith.index_cast %swap3A_3667 : i32 to index
      %swap3A_3669 = arith.index_cast %mul3A_3666 : i32 to index
      %swap3A_3670 = tpu.vector_load %arg8[%swap3A_3668, %swap3A_3669] {strides = array<i32>} : memref<32x1024xf32, #tpu.memory_space<vmem>>, vector<1x16xf32>,
      %swap3A_3671 = vector.shape_cast %swap3A_3670 : vector<1x16xf32> to vector<16xf32>
      %swap3A_3672 = vector.shape_cast %add3A_3664 : vector<16xf32> to vector<1x16xf32>
      tpu.vector_store %arg8[%swap3A_3668, %swap3A_3669], %swap3A_3672 {strides = array<i32>} : memref<32x1024xf32, #tpu.memory_space<vmem>>, vector<1x16xf32>,
    }
    %scan3A_1478 = arith.constant 64 : i32
    %add3A_1479 = arith.constant 0 : i32
    %add3A_1480 = arith.addi %mul3A_2, %add3A_1479 : i32
    %dma_start3A = arith.constant 0 : i32
    %dma_start3A_1481 = arith.constant 0 : i32
    %dma_start3A_1482 = tpu.memref_slice %arg4[%dma_start3A, %add3A_1480, %dma_start3A_1481] : memref<4x4096x1024xf32, #tpu.memory_space<hbm>> -> memref<1x32x1024xf32, #tpu.memory_space<hbm>>
    %dma_start3A_1483 = tpu.memref_squeeze %dma_start3A_1482 : memref<1x32x1024xf32, #tpu.memory_space<hbm>> -> memref<32x1024xf32, #tpu.memory_space<hbm>>
    %dma_start3A_1484 = arith.constant 0 : i32
    %dma_start3A_1485 = tpu.memref_slice %arg4[%dma_start3A, %add3A_1480, %dma_start3A_1484] : memref<4x4096x1024xf32, #tpu.memory_space<hbm>> -> memref<1x32x1024xf32, #tpu.memory_space<hbm>>
    %dma_start3A_1486 = tpu.memref_squeeze %dma_start3A_1485 : memref<1x32x1024xf32, #tpu.memory_space<hbm>> -> memref<32x1024xf32, #tpu.memory_space<hbm>>
    tpu.enqueue_dma source(%arg8 : memref<32x1024xf32, #tpu.memory_space<vmem>>) target(%dma_start3A_1486 : memref<32x1024xf32, #tpu.memory_space<hbm>>) target_semaphore(%arg12 : memref<!tpu.dma_semaphore, #tpu.memory_space<semaphore_mem>>)
    %add3A_1487 = arith.constant 0 : i32
    %add3A_1488 = arith.addi %mul3A_2, %add3A_1487 : i32
    %dma_start3A_1489 = arith.constant 1 : i32
    %dma_start3A_1490 = arith.constant 0 : i32
    %dma_start3A_1491 = tpu.memref_slice %arg4[%dma_start3A_1489, %add3A_1488, %dma_start3A_1490] : memref<4x4096x1024xf32, #tpu.memory_space<hbm>> -> memref<1x32x1024xf32, #tpu.memory_space<hbm>>
    %dma_start3A_1492 = tpu.memref_squeeze %dma_start3A_1491 : memref<1x32x1024xf32, #tpu.memory_space<hbm>> -> memref<32x1024xf32, #tpu.memory_space<hbm>>
    %dma_start3A_1493 = arith.constant 0 : i32
    %dma_start3A_1494 = tpu.memref_slice %arg4[%dma_start3A_1489, %add3A_1488, %dma_start3A_1493] : memref<4x4096x1024xf32, #tpu.memory_space<hbm>> -> memref<1x32x1024xf32, #tpu.memory_space<hbm>>
    %dma_start3A_1495 = tpu.memref_squeeze %dma_start3A_1494 : memref<1x32x1024xf32, #tpu.memory_space<hbm>> -> memref<32x1024xf32, #tpu.memory_space<hbm>>
    tpu.enqueue_dma source(%arg8 : memref<32x1024xf32, #tpu.memory_space<vmem>>) target(%dma_start3A_1495 : memref<32x1024xf32, #tpu.memory_space<hbm>>) target_semaphore(%arg12 : memref<!tpu.dma_semaphore, #tpu.memory_space<semaphore_mem>>)
    %add3A_1496 = arith.constant 0 : i32
    %add3A_1497 = arith.addi %mul3A_2, %add3A_1496 : i32
    %dma_start3A_1498 = arith.constant 2 : i32
    %dma_start3A_1499 = arith.constant 0 : i32
    %dma_start3A_1500 = tpu.memref_slice %arg4[%dma_start3A_1498, %add3A_1497, %dma_start3A_1499] : memref<4x4096x1024xf32, #tpu.memory_space<hbm>> -> memref<1x32x1024xf32, #tpu.memory_space<hbm>>
    %dma_start3A_1501 = tpu.memref_squeeze %dma_start3A_1500 : memref<1x32x1024xf32, #tpu.memory_space<hbm>> -> memref<32x1024xf32, #tpu.memory_space<hbm>>
    %dma_start3A_1502 = arith.constant 0 : i32
    %dma_start3A_1503 = tpu.memref_slice %arg4[%dma_start3A_1498, %add3A_1497, %dma_start3A_1502] : memref<4x4096x1024xf32, #tpu.memory_space<hbm>> -> memref<1x32x1024xf32, #tpu.memory_space<hbm>>
    %dma_start3A_1504 = tpu.memref_squeeze %dma_start3A_1503 : memref<1x32x1024xf32, #tpu.memory_space<hbm>> -> memref<32x1024xf32, #tpu.memory_space<hbm>>
    tpu.enqueue_dma source(%arg8 : memref<32x1024xf32, #tpu.memory_space<vmem>>) target(%dma_start3A_1504 : memref<32x1024xf32, #tpu.memory_space<hbm>>) target_semaphore(%arg12 : memref<!tpu.dma_semaphore, #tpu.memory_space<semaphore_mem>>)
    %add3A_1505 = arith.constant 0 : i32
    %add3A_1506 = arith.addi %mul3A_2, %add3A_1505 : i32
    %dma_start3A_1507 = arith.constant 3 : i32
    %dma_start3A_1508 = arith.constant 0 : i32
    %dma_start3A_1509 = tpu.memref_slice %arg4[%dma_start3A_1507, %add3A_1506, %dma_start3A_1508] : memref<4x4096x1024xf32, #tpu.memory_space<hbm>> -> memref<1x32x1024xf32, #tpu.memory_space<hbm>>
    %dma_start3A_1510 = tpu.memref_squeeze %dma_start3A_1509 : memref<1x32x1024xf32, #tpu.memory_space<hbm>> -> memref<32x1024xf32, #tpu.memory_space<hbm>>
    %dma_start3A_1511 = arith.constant 0 : i32
    %dma_start3A_1512 = tpu.memref_slice %arg4[%dma_start3A_1507, %add3A_1506, %dma_start3A_1511] : memref<4x4096x1024xf32, #tpu.memory_space<hbm>> -> memref<1x32x1024xf32, #tpu.memory_space<hbm>>
    %dma_start3A_1513 = tpu.memref_squeeze %dma_start3A_1512 : memref<1x32x1024xf32, #tpu.memory_space<hbm>> -> memref<32x1024xf32, #tpu.memory_space<hbm>>
    tpu.enqueue_dma source(%arg8 : memref<32x1024xf32, #tpu.memory_space<vmem>>) target(%dma_start3A_1513 : memref<32x1024xf32, #tpu.memory_space<hbm>>) target_semaphore(%arg12 : memref<!tpu.dma_semaphore, #tpu.memory_space<semaphore_mem>>)
    %get3A_1514 = arith.constant 32 : index
    %get3A_1515 = tpu.vector_load %arg7[%get3A_1514] {strides = array<i32>} : memref<128xi32, #tpu.memory_space<vmem>>, vector<16xi32>,
    %get3A_1516 = vector.shape_cast %get3A_1515 : vector<16xi32> to vector<16xi32>
    %convert_element_type3A_1517 = arith.sitofp %get3A_1516 : vector<16xi32> to vector<16xf32>
    %mul3A_1518 = arith.constant 0 : i32
    %mul3A_1519 = vector.broadcast %mul3A_1518 : i32 to vector<16xi32>
    %mul3A_1520 = arith.muli %mul3A_1519, %iota3A : vector<16xi32>
    %add3A_1521 = arith.constant 0 : i32
    %add3A_1522 = vector.broadcast %add3A_1521 : i32 to vector<16xi32>
    %add3A_1523 = arith.addi %add3A_1522, %mul3A_1520 : vector<16xi32>
    %lt3A_1524 = arith.constant 0 : i32
    %lt3A_1525 = vector.broadcast %lt3A_1524 : i32 to vector<16xi32>
    %lt3A_1526 = arith.cmpi slt, %add3A_1523, %lt3A_1525 : vector<16xi32>
    %add3A_1527 = arith.constant 16 : i32
    %add3A_1528 = vector.broadcast %add3A_1527 : i32 to vector<16xi32>
    %add3A_1529 = arith.addi %add3A_1523, %add3A_1528 : vector<16xi32>
    %select_n3A_1530 = arith.select %lt3A_1526, %add3A_1529, %add3A_1523 : vector<16xi1>, vector<16xi32>
    %reshape3A_1531 = vector.shape_cast %select_n3A_1530 : vector<16xi32> to vector<16x1xi32>
    %gather3A_1532 = vector.shape_cast %reshape3A_1531 : vector<16x1xi32> to vector<16xi32>
    %gather3A_1533 = tpu.dynamic_gather %convert_element_type3A_1517[%gather3A_1532] in [0] : vector<16xf32>, vector<16xi32> -> vector<16xf32>
    %mul3A_1534 = arith.constant 0 : i32
    %mul3A_1535 = vector.broadcast %mul3A_1534 : i32 to vector<16xi32>
    %mul3A_1536 = arith.muli %mul3A_1535, %iota3A : vector<16xi32>
    %add3A_1537 = arith.constant 1 : i32
    %add3A_1538 = vector.broadcast %add3A_1537 : i32 to vector<16xi32>
    %add3A_1539 = arith.addi %add3A_1538, %mul3A_1536 : vector<16xi32>
    %lt3A_1540 = arith.constant 0 : i32
    %lt3A_1541 = vector.broadcast %lt3A_1540 : i32 to vector<16xi32>
    %lt3A_1542 = arith.cmpi slt, %add3A_1539, %lt3A_1541 : vector<16xi32>
    %add3A_1543 = arith.constant 16 : i32
    %add3A_1544 = vector.broadcast %add3A_1543 : i32 to vector<16xi32>
    %add3A_1545 = arith.addi %add3A_1539, %add3A_1544 : vector<16xi32>
    %select_n3A_1546 = arith.select %lt3A_1542, %add3A_1545, %add3A_1539 : vector<16xi1>, vector<16xi32>
    %reshape3A_1547 = vector.shape_cast %select_n3A_1546 : vector<16xi32> to vector<16x1xi32>
    %gather3A_1548 = vector.shape_cast %reshape3A_1547 : vector<16x1xi32> to vector<16xi32>
    %gather3A_1549 = tpu.dynamic_gather %convert_element_type3A_1517[%gather3A_1548] in [0] : vector<16xf32>, vector<16xi32> -> vector<16xf32>
    %mul3A_1550 = arith.constant 0 : i32
    %mul3A_1551 = vector.broadcast %mul3A_1550 : i32 to vector<16xi32>
    %mul3A_1552 = arith.muli %mul3A_1551, %iota3A : vector<16xi32>
    %add3A_1553 = arith.constant 2 : i32
    %add3A_1554 = vector.broadcast %add3A_1553 : i32 to vector<16xi32>
    %add3A_1555 = arith.addi %add3A_1554, %mul3A_1552 : vector<16xi32>
    %lt3A_1556 = arith.constant 0 : i32
    %lt3A_1557 = vector.broadcast %lt3A_1556 : i32 to vector<16xi32>
    %lt3A_1558 = arith.cmpi slt, %add3A_1555, %lt3A_1557 : vector<16xi32>
    %add3A_1559 = arith.constant 16 : i32
    %add3A_1560 = vector.broadcast %add3A_1559 : i32 to vector<16xi32>
    %add3A_1561 = arith.addi %add3A_1555, %add3A_1560 : vector<16xi32>
    %select_n3A_1562 = arith.select %lt3A_1558, %add3A_1561, %add3A_1555 : vector<16xi1>, vector<16xi32>
    %reshape3A_1563 = vector.shape_cast %select_n3A_1562 : vector<16xi32> to vector<16x1xi32>
    %gather3A_1564 = vector.shape_cast %reshape3A_1563 : vector<16x1xi32> to vector<16xi32>
    %gather3A_1565 = tpu.dynamic_gather %convert_element_type3A_1517[%gather3A_1564] in [0] : vector<16xf32>, vector<16xi32> -> vector<16xf32>
    %mul3A_1566 = arith.constant 0 : i32
    %mul3A_1567 = vector.broadcast %mul3A_1566 : i32 to vector<16xi32>
    %mul3A_1568 = arith.muli %mul3A_1567, %iota3A : vector<16xi32>
    %add3A_1569 = arith.constant 3 : i32
    %add3A_1570 = vector.broadcast %add3A_1569 : i32 to vector<16xi32>
    %add3A_1571 = arith.addi %add3A_1570, %mul3A_1568 : vector<16xi32>
    %lt3A_1572 = arith.constant 0 : i32
    %lt3A_1573 = vector.broadcast %lt3A_1572 : i32 to vector<16xi32>
    %lt3A_1574 = arith.cmpi slt, %add3A_1571, %lt3A_1573 : vector<16xi32>
    %add3A_1575 = arith.constant 16 : i32
    %add3A_1576 = vector.broadcast %add3A_1575 : i32 to vector<16xi32>
    %add3A_1577 = arith.addi %add3A_1571, %add3A_1576 : vector<16xi32>
    %select_n3A_1578 = arith.select %lt3A_1574, %add3A_1577, %add3A_1571 : vector<16xi1>, vector<16xi32>
    %reshape3A_1579 = vector.shape_cast %select_n3A_1578 : vector<16xi32> to vector<16x1xi32>
    %gather3A_1580 = vector.shape_cast %reshape3A_1579 : vector<16x1xi32> to vector<16xi32>
    %gather3A_1581 = tpu.dynamic_gather %convert_element_type3A_1517[%gather3A_1580] in [0] : vector<16xf32>, vector<16xi32> -> vector<16xf32>
    %mul3A_1582 = arith.constant 0 : i32
    %mul3A_1583 = vector.broadcast %mul3A_1582 : i32 to vector<16xi32>
    %mul3A_1584 = arith.muli %mul3A_1583, %iota3A : vector<16xi32>
    %add3A_1585 = arith.constant 4 : i32
    %add3A_1586 = vector.broadcast %add3A_1585 : i32 to vector<16xi32>
    %add3A_1587 = arith.addi %add3A_1586, %mul3A_1584 : vector<16xi32>
    %lt3A_1588 = arith.constant 0 : i32
    %lt3A_1589 = vector.broadcast %lt3A_1588 : i32 to vector<16xi32>
    %lt3A_1590 = arith.cmpi slt, %add3A_1587, %lt3A_1589 : vector<16xi32>
    %add3A_1591 = arith.constant 16 : i32
    %add3A_1592 = vector.broadcast %add3A_1591 : i32 to vector<16xi32>
    %add3A_1593 = arith.addi %add3A_1587, %add3A_1592 : vector<16xi32>
    %select_n3A_1594 = arith.select %lt3A_1590, %add3A_1593, %add3A_1587 : vector<16xi1>, vector<16xi32>
    %reshape3A_1595 = vector.shape_cast %select_n3A_1594 : vector<16xi32> to vector<16x1xi32>
    %gather3A_1596 = vector.shape_cast %reshape3A_1595 : vector<16x1xi32> to vector<16xi32>
    %gather3A_1597 = tpu.dynamic_gather %convert_element_type3A_1517[%gather3A_1596] in [0] : vector<16xf32>, vector<16xi32> -> vector<16xf32>
    %mul3A_1598 = arith.constant 0 : i32
    %mul3A_1599 = vector.broadcast %mul3A_1598 : i32 to vector<16xi32>
    %mul3A_1600 = arith.muli %mul3A_1599, %iota3A : vector<16xi32>
    %add3A_1601 = arith.constant 5 : i32
    %add3A_1602 = vector.broadcast %add3A_1601 : i32 to vector<16xi32>
    %add3A_1603 = arith.addi %add3A_1602, %mul3A_1600 : vector<16xi32>
    %lt3A_1604 = arith.constant 0 : i32
    %lt3A_1605 = vector.broadcast %lt3A_1604 : i32 to vector<16xi32>
    %lt3A_1606 = arith.cmpi slt, %add3A_1603, %lt3A_1605 : vector<16xi32>
    %add3A_1607 = arith.constant 16 : i32
    %add3A_1608 = vector.broadcast %add3A_1607 : i32 to vector<16xi32>
    %add3A_1609 = arith.addi %add3A_1603, %add3A_1608 : vector<16xi32>
    %select_n3A_1610 = arith.select %lt3A_1606, %add3A_1609, %add3A_1603 : vector<16xi1>, vector<16xi32>
    %reshape3A_1611 = vector.shape_cast %select_n3A_1610 : vector<16xi32> to vector<16x1xi32>
    %gather3A_1612 = vector.shape_cast %reshape3A_1611 : vector<16x1xi32> to vector<16xi32>
    %gather3A_1613 = tpu.dynamic_gather %convert_element_type3A_1517[%gather3A_1612] in [0] : vector<16xf32>, vector<16xi32> -> vector<16xf32>
    %mul3A_1614 = arith.constant 0 : i32
    %mul3A_1615 = vector.broadcast %mul3A_1614 : i32 to vector<16xi32>
    %mul3A_1616 = arith.muli %mul3A_1615, %iota3A : vector<16xi32>
    %add3A_1617 = arith.constant 6 : i32
    %add3A_1618 = vector.broadcast %add3A_1617 : i32 to vector<16xi32>
    %add3A_1619 = arith.addi %add3A_1618, %mul3A_1616 : vector<16xi32>
    %lt3A_1620 = arith.constant 0 : i32
    %lt3A_1621 = vector.broadcast %lt3A_1620 : i32 to vector<16xi32>
    %lt3A_1622 = arith.cmpi slt, %add3A_1619, %lt3A_1621 : vector<16xi32>
    %add3A_1623 = arith.constant 16 : i32
    %add3A_1624 = vector.broadcast %add3A_1623 : i32 to vector<16xi32>
    %add3A_1625 = arith.addi %add3A_1619, %add3A_1624 : vector<16xi32>
    %select_n3A_1626 = arith.select %lt3A_1622, %add3A_1625, %add3A_1619 : vector<16xi1>, vector<16xi32>
    %reshape3A_1627 = vector.shape_cast %select_n3A_1626 : vector<16xi32> to vector<16x1xi32>
    %gather3A_1628 = vector.shape_cast %reshape3A_1627 : vector<16x1xi32> to vector<16xi32>
    %gather3A_1629 = tpu.dynamic_gather %convert_element_type3A_1517[%gather3A_1628] in [0] : vector<16xf32>, vector<16xi32> -> vector<16xf32>
    %mul3A_1630 = arith.constant 0 : i32
    %mul3A_1631 = vector.broadcast %mul3A_1630 : i32 to vector<16xi32>
    %mul3A_1632 = arith.muli %mul3A_1631, %iota3A : vector<16xi32>
    %add3A_1633 = arith.constant 7 : i32
    %add3A_1634 = vector.broadcast %add3A_1633 : i32 to vector<16xi32>
    %add3A_1635 = arith.addi %add3A_1634, %mul3A_1632 : vector<16xi32>
    %lt3A_1636 = arith.constant 0 : i32
    %lt3A_1637 = vector.broadcast %lt3A_1636 : i32 to vector<16xi32>
    %lt3A_1638 = arith.cmpi slt, %add3A_1635, %lt3A_1637 : vector<16xi32>
    %add3A_1639 = arith.constant 16 : i32
    %add3A_1640 = vector.broadcast %add3A_1639 : i32 to vector<16xi32>
    %add3A_1641 = arith.addi %add3A_1635, %add3A_1640 : vector<16xi32>
    %select_n3A_1642 = arith.select %lt3A_1638, %add3A_1641, %add3A_1635 : vector<16xi1>, vector<16xi32>
    %reshape3A_1643 = vector.shape_cast %select_n3A_1642 : vector<16xi32> to vector<16x1xi32>
    %gather3A_1644 = vector.shape_cast %reshape3A_1643 : vector<16x1xi32> to vector<16xi32>
    %gather3A_1645 = tpu.dynamic_gather %convert_element_type3A_1517[%gather3A_1644] in [0] : vector<16xf32>, vector<16xi32> -> vector<16xf32>
    %mul3A_1646 = arith.constant 0 : i32
    %mul3A_1647 = vector.broadcast %mul3A_1646 : i32 to vector<16xi32>
    %mul3A_1648 = arith.muli %mul3A_1647, %iota3A : vector<16xi32>
    %add3A_1649 = arith.constant 8 : i32
    %add3A_1650 = vector.broadcast %add3A_1649 : i32 to vector<16xi32>
    %add3A_1651 = arith.addi %add3A_1650, %mul3A_1648 : vector<16xi32>
    %lt3A_1652 = arith.constant 0 : i32
    %lt3A_1653 = vector.broadcast %lt3A_1652 : i32 to vector<16xi32>
    %lt3A_1654 = arith.cmpi slt, %add3A_1651, %lt3A_1653 : vector<16xi32>
    %add3A_1655 = arith.constant 16 : i32
    %add3A_1656 = vector.broadcast %add3A_1655 : i32 to vector<16xi32>
    %add3A_1657 = arith.addi %add3A_1651, %add3A_1656 : vector<16xi32>
    %select_n3A_1658 = arith.select %lt3A_1654, %add3A_1657, %add3A_1651 : vector<16xi1>, vector<16xi32>
    %reshape3A_1659 = vector.shape_cast %select_n3A_1658 : vector<16xi32> to vector<16x1xi32>
    %gather3A_1660 = vector.shape_cast %reshape3A_1659 : vector<16x1xi32> to vector<16xi32>
    %gather3A_1661 = tpu.dynamic_gather %convert_element_type3A_1517[%gather3A_1660] in [0] : vector<16xf32>, vector<16xi32> -> vector<16xf32>
    %mul3A_1662 = arith.constant 0 : i32
    %mul3A_1663 = vector.broadcast %mul3A_1662 : i32 to vector<16xi32>
    %mul3A_1664 = arith.muli %mul3A_1663, %iota3A : vector<16xi32>
    %add3A_1665 = arith.constant 9 : i32
    %add3A_1666 = vector.broadcast %add3A_1665 : i32 to vector<16xi32>
    %add3A_1667 = arith.addi %add3A_1666, %mul3A_1664 : vector<16xi32>
    %lt3A_1668 = arith.constant 0 : i32
    %lt3A_1669 = vector.broadcast %lt3A_1668 : i32 to vector<16xi32>
    %lt3A_1670 = arith.cmpi slt, %add3A_1667, %lt3A_1669 : vector<16xi32>
    %add3A_1671 = arith.constant 16 : i32
    %add3A_1672 = vector.broadcast %add3A_1671 : i32 to vector<16xi32>
    %add3A_1673 = arith.addi %add3A_1667, %add3A_1672 : vector<16xi32>
    %select_n3A_1674 = arith.select %lt3A_1670, %add3A_1673, %add3A_1667 : vector<16xi1>, vector<16xi32>
    %reshape3A_1675 = vector.shape_cast %select_n3A_1674 : vector<16xi32> to vector<16x1xi32>
    %gather3A_1676 = vector.shape_cast %reshape3A_1675 : vector<16x1xi32> to vector<16xi32>
    %gather3A_1677 = tpu.dynamic_gather %convert_element_type3A_1517[%gather3A_1676] in [0] : vector<16xf32>, vector<16xi32> -> vector<16xf32>
    %mul3A_1678 = arith.constant 0 : i32
    %mul3A_1679 = vector.broadcast %mul3A_1678 : i32 to vector<16xi32>
    %mul3A_1680 = arith.muli %mul3A_1679, %iota3A : vector<16xi32>
    %add3A_1681 = arith.constant 10 : i32
    %add3A_1682 = vector.broadcast %add3A_1681 : i32 to vector<16xi32>
    %add3A_1683 = arith.addi %add3A_1682, %mul3A_1680 : vector<16xi32>
    %lt3A_1684 = arith.constant 0 : i32
    %lt3A_1685 = vector.broadcast %lt3A_1684 : i32 to vector<16xi32>
    %lt3A_1686 = arith.cmpi slt, %add3A_1683, %lt3A_1685 : vector<16xi32>
    %add3A_1687 = arith.constant 16 : i32
    %add3A_1688 = vector.broadcast %add3A_1687 : i32 to vector<16xi32>
    %add3A_1689 = arith.addi %add3A_1683, %add3A_1688 : vector<16xi32>
    %select_n3A_1690 = arith.select %lt3A_1686, %add3A_1689, %add3A_1683 : vector<16xi1>, vector<16xi32>
    %reshape3A_1691 = vector.shape_cast %select_n3A_1690 : vector<16xi32> to vector<16x1xi32>
    %gather3A_1692 = vector.shape_cast %reshape3A_1691 : vector<16x1xi32> to vector<16xi32>
    %gather3A_1693 = tpu.dynamic_gather %convert_element_type3A_1517[%gather3A_1692] in [0] : vector<16xf32>, vector<16xi32> -> vector<16xf32>
    %mul3A_1694 = arith.constant 0 : i32
    %mul3A_1695 = vector.broadcast %mul3A_1694 : i32 to vector<16xi32>
    %mul3A_1696 = arith.muli %mul3A_1695, %iota3A : vector<16xi32>
    %add3A_1697 = arith.constant 11 : i32
    %add3A_1698 = vector.broadcast %add3A_1697 : i32 to vector<16xi32>
    %add3A_1699 = arith.addi %add3A_1698, %mul3A_1696 : vector<16xi32>
    %lt3A_1700 = arith.constant 0 : i32
    %lt3A_1701 = vector.broadcast %lt3A_1700 : i32 to vector<16xi32>
    %lt3A_1702 = arith.cmpi slt, %add3A_1699, %lt3A_1701 : vector<16xi32>
    %add3A_1703 = arith.constant 16 : i32
    %add3A_1704 = vector.broadcast %add3A_1703 : i32 to vector<16xi32>
    %add3A_1705 = arith.addi %add3A_1699, %add3A_1704 : vector<16xi32>
    %select_n3A_1706 = arith.select %lt3A_1702, %add3A_1705, %add3A_1699 : vector<16xi1>, vector<16xi32>
    %reshape3A_1707 = vector.shape_cast %select_n3A_1706 : vector<16xi32> to vector<16x1xi32>
    %gather3A_1708 = vector.shape_cast %reshape3A_1707 : vector<16x1xi32> to vector<16xi32>
    %gather3A_1709 = tpu.dynamic_gather %convert_element_type3A_1517[%gather3A_1708] in [0] : vector<16xf32>, vector<16xi32> -> vector<16xf32>
    %mul3A_1710 = arith.constant 0 : i32
    %mul3A_1711 = vector.broadcast %mul3A_1710 : i32 to vector<16xi32>
    %mul3A_1712 = arith.muli %mul3A_1711, %iota3A : vector<16xi32>
    %add3A_1713 = arith.constant 12 : i32
    %add3A_1714 = vector.broadcast %add3A_1713 : i32 to vector<16xi32>
    %add3A_1715 = arith.addi %add3A_1714, %mul3A_1712 : vector<16xi32>
    %lt3A_1716 = arith.constant 0 : i32
    %lt3A_1717 = vector.broadcast %lt3A_1716 : i32 to vector<16xi32>
    %lt3A_1718 = arith.cmpi slt, %add3A_1715, %lt3A_1717 : vector<16xi32>
    %add3A_1719 = arith.constant 16 : i32
    %add3A_1720 = vector.broadcast %add3A_1719 : i32 to vector<16xi32>
    %add3A_1721 = arith.addi %add3A_1715, %add3A_1720 : vector<16xi32>
    %select_n3A_1722 = arith.select %lt3A_1718, %add3A_1721, %add3A_1715 : vector<16xi1>, vector<16xi32>
    %reshape3A_1723 = vector.shape_cast %select_n3A_1722 : vector<16xi32> to vector<16x1xi32>
    %gather3A_1724 = vector.shape_cast %reshape3A_1723 : vector<16x1xi32> to vector<16xi32>
    %gather3A_1725 = tpu.dynamic_gather %convert_element_type3A_1517[%gather3A_1724] in [0] : vector<16xf32>, vector<16xi32> -> vector<16xf32>
    %mul3A_1726 = arith.constant 0 : i32
    %mul3A_1727 = vector.broadcast %mul3A_1726 : i32 to vector<16xi32>
    %mul3A_1728 = arith.muli %mul3A_1727, %iota3A : vector<16xi32>
    %add3A_1729 = arith.constant 13 : i32
    %add3A_1730 = vector.broadcast %add3A_1729 : i32 to vector<16xi32>
    %add3A_1731 = arith.addi %add3A_1730, %mul3A_1728 : vector<16xi32>
    %lt3A_1732 = arith.constant 0 : i32
    %lt3A_1733 = vector.broadcast %lt3A_1732 : i32 to vector<16xi32>
    %lt3A_1734 = arith.cmpi slt, %add3A_1731, %lt3A_1733 : vector<16xi32>
    %add3A_1735 = arith.constant 16 : i32
    %add3A_1736 = vector.broadcast %add3A_1735 : i32 to vector<16xi32>
    %add3A_1737 = arith.addi %add3A_1731, %add3A_1736 : vector<16xi32>
    %select_n3A_1738 = arith.select %lt3A_1734, %add3A_1737, %add3A_1731 : vector<16xi1>, vector<16xi32>
    %reshape3A_1739 = vector.shape_cast %select_n3A_1738 : vector<16xi32> to vector<16x1xi32>
    %gather3A_1740 = vector.shape_cast %reshape3A_1739 : vector<16x1xi32> to vector<16xi32>
    %gather3A_1741 = tpu.dynamic_gather %convert_element_type3A_1517[%gather3A_1740] in [0] : vector<16xf32>, vector<16xi32> -> vector<16xf32>
    %mul3A_1742 = arith.constant 0 : i32
    %mul3A_1743 = vector.broadcast %mul3A_1742 : i32 to vector<16xi32>
    %mul3A_1744 = arith.muli %mul3A_1743, %iota3A : vector<16xi32>
    %add3A_1745 = arith.constant 14 : i32
    %add3A_1746 = vector.broadcast %add3A_1745 : i32 to vector<16xi32>
    %add3A_1747 = arith.addi %add3A_1746, %mul3A_1744 : vector<16xi32>
    %lt3A_1748 = arith.constant 0 : i32
    %lt3A_1749 = vector.broadcast %lt3A_1748 : i32 to vector<16xi32>
    %lt3A_1750 = arith.cmpi slt, %add3A_1747, %lt3A_1749 : vector<16xi32>
    %add3A_1751 = arith.constant 16 : i32
    %add3A_1752 = vector.broadcast %add3A_1751 : i32 to vector<16xi32>
    %add3A_1753 = arith.addi %add3A_1747, %add3A_1752 : vector<16xi32>
    %select_n3A_1754 = arith.select %lt3A_1750, %add3A_1753, %add3A_1747 : vector<16xi1>, vector<16xi32>
    %reshape3A_1755 = vector.shape_cast %select_n3A_1754 : vector<16xi32> to vector<16x1xi32>
    %gather3A_1756 = vector.shape_cast %reshape3A_1755 : vector<16x1xi32> to vector<16xi32>
    %gather3A_1757 = tpu.dynamic_gather %convert_element_type3A_1517[%gather3A_1756] in [0] : vector<16xf32>, vector<16xi32> -> vector<16xf32>
    %mul3A_1758 = arith.constant 0 : i32
    %mul3A_1759 = vector.broadcast %mul3A_1758 : i32 to vector<16xi32>
    %mul3A_1760 = arith.muli %mul3A_1759, %iota3A : vector<16xi32>
    %add3A_1761 = arith.constant 15 : i32
    %add3A_1762 = vector.broadcast %add3A_1761 : i32 to vector<16xi32>
    %add3A_1763 = arith.addi %add3A_1762, %mul3A_1760 : vector<16xi32>
    %lt3A_1764 = arith.constant 0 : i32
    %lt3A_1765 = vector.broadcast %lt3A_1764 : i32 to vector<16xi32>
    %lt3A_1766 = arith.cmpi slt, %add3A_1763, %lt3A_1765 : vector<16xi32>
    %add3A_1767 = arith.constant 16 : i32
    %add3A_1768 = vector.broadcast %add3A_1767 : i32 to vector<16xi32>
    %add3A_1769 = arith.addi %add3A_1763, %add3A_1768 : vector<16xi32>
    %select_n3A_1770 = arith.select %lt3A_1766, %add3A_1769, %add3A_1763 : vector<16xi1>, vector<16xi32>
    %reshape3A_1771 = vector.shape_cast %select_n3A_1770 : vector<16xi32> to vector<16x1xi32>
    %gather3A_1772 = vector.shape_cast %reshape3A_1771 : vector<16x1xi32> to vector<16xi32>
    %gather3A_1773 = tpu.dynamic_gather %convert_element_type3A_1517[%gather3A_1772] in [0] : vector<16xf32>, vector<16xi32> -> vector<16xf32>
    %get3A_1774 = arith.constant 48 : index
    %get3A_1775 = tpu.vector_load %arg7[%get3A_1774] {strides = array<i32>} : memref<128xi32, #tpu.memory_space<vmem>>, vector<16xi32>,
    %get3A_1776 = vector.shape_cast %get3A_1775 : vector<16xi32> to vector<16xi32>
    %convert_element_type3A_1777 = arith.sitofp %get3A_1776 : vector<16xi32> to vector<16xf32>
    %mul3A_1778 = arith.constant 0 : i32
    %mul3A_1779 = vector.broadcast %mul3A_1778 : i32 to vector<16xi32>
    %mul3A_1780 = arith.muli %mul3A_1779, %iota3A : vector<16xi32>
    %add3A_1781 = arith.constant 0 : i32
    %add3A_1782 = vector.broadcast %add3A_1781 : i32 to vector<16xi32>
    %add3A_1783 = arith.addi %add3A_1782, %mul3A_1780 : vector<16xi32>
    %lt3A_1784 = arith.constant 0 : i32
    %lt3A_1785 = vector.broadcast %lt3A_1784 : i32 to vector<16xi32>
    %lt3A_1786 = arith.cmpi slt, %add3A_1783, %lt3A_1785 : vector<16xi32>
    %add3A_1787 = arith.constant 16 : i32
    %add3A_1788 = vector.broadcast %add3A_1787 : i32 to vector<16xi32>
    %add3A_1789 = arith.addi %add3A_1783, %add3A_1788 : vector<16xi32>
    %select_n3A_1790 = arith.select %lt3A_1786, %add3A_1789, %add3A_1783 : vector<16xi1>, vector<16xi32>
    %reshape3A_1791 = vector.shape_cast %select_n3A_1790 : vector<16xi32> to vector<16x1xi32>
    %gather3A_1792 = vector.shape_cast %reshape3A_1791 : vector<16x1xi32> to vector<16xi32>
    %gather3A_1793 = tpu.dynamic_gather %convert_element_type3A_1777[%gather3A_1792] in [0] : vector<16xf32>, vector<16xi32> -> vector<16xf32>
    %mul3A_1794 = arith.constant 0 : i32
    %mul3A_1795 = vector.broadcast %mul3A_1794 : i32 to vector<16xi32>
    %mul3A_1796 = arith.muli %mul3A_1795, %iota3A : vector<16xi32>
    %add3A_1797 = arith.constant 1 : i32
    %add3A_1798 = vector.broadcast %add3A_1797 : i32 to vector<16xi32>
    %add3A_1799 = arith.addi %add3A_1798, %mul3A_1796 : vector<16xi32>
    %lt3A_1800 = arith.constant 0 : i32
    %lt3A_1801 = vector.broadcast %lt3A_1800 : i32 to vector<16xi32>
    %lt3A_1802 = arith.cmpi slt, %add3A_1799, %lt3A_1801 : vector<16xi32>
    %add3A_1803 = arith.constant 16 : i32
    %add3A_1804 = vector.broadcast %add3A_1803 : i32 to vector<16xi32>
    %add3A_1805 = arith.addi %add3A_1799, %add3A_1804 : vector<16xi32>
    %select_n3A_1806 = arith.select %lt3A_1802, %add3A_1805, %add3A_1799 : vector<16xi1>, vector<16xi32>
    %reshape3A_1807 = vector.shape_cast %select_n3A_1806 : vector<16xi32> to vector<16x1xi32>
    %gather3A_1808 = vector.shape_cast %reshape3A_1807 : vector<16x1xi32> to vector<16xi32>
    %gather3A_1809 = tpu.dynamic_gather %convert_element_type3A_1777[%gather3A_1808] in [0] : vector<16xf32>, vector<16xi32> -> vector<16xf32>
    %mul3A_1810 = arith.constant 0 : i32
    %mul3A_1811 = vector.broadcast %mul3A_1810 : i32 to vector<16xi32>
    %mul3A_1812 = arith.muli %mul3A_1811, %iota3A : vector<16xi32>
    %add3A_1813 = arith.constant 2 : i32
    %add3A_1814 = vector.broadcast %add3A_1813 : i32 to vector<16xi32>
    %add3A_1815 = arith.addi %add3A_1814, %mul3A_1812 : vector<16xi32>
    %lt3A_1816 = arith.constant 0 : i32
    %lt3A_1817 = vector.broadcast %lt3A_1816 : i32 to vector<16xi32>
    %lt3A_1818 = arith.cmpi slt, %add3A_1815, %lt3A_1817 : vector<16xi32>
    %add3A_1819 = arith.constant 16 : i32
    %add3A_1820 = vector.broadcast %add3A_1819 : i32 to vector<16xi32>
    %add3A_1821 = arith.addi %add3A_1815, %add3A_1820 : vector<16xi32>
    %select_n3A_1822 = arith.select %lt3A_1818, %add3A_1821, %add3A_1815 : vector<16xi1>, vector<16xi32>
    %reshape3A_1823 = vector.shape_cast %select_n3A_1822 : vector<16xi32> to vector<16x1xi32>
    %gather3A_1824 = vector.shape_cast %reshape3A_1823 : vector<16x1xi32> to vector<16xi32>
    %gather3A_1825 = tpu.dynamic_gather %convert_element_type3A_1777[%gather3A_1824] in [0] : vector<16xf32>, vector<16xi32> -> vector<16xf32>
    %mul3A_1826 = arith.constant 0 : i32
    %mul3A_1827 = vector.broadcast %mul3A_1826 : i32 to vector<16xi32>
    %mul3A_1828 = arith.muli %mul3A_1827, %iota3A : vector<16xi32>
    %add3A_1829 = arith.constant 3 : i32
    %add3A_1830 = vector.broadcast %add3A_1829 : i32 to vector<16xi32>
    %add3A_1831 = arith.addi %add3A_1830, %mul3A_1828 : vector<16xi32>
    %lt3A_1832 = arith.constant 0 : i32
    %lt3A_1833 = vector.broadcast %lt3A_1832 : i32 to vector<16xi32>
    %lt3A_1834 = arith.cmpi slt, %add3A_1831, %lt3A_1833 : vector<16xi32>
    %add3A_1835 = arith.constant 16 : i32
    %add3A_1836 = vector.broadcast %add3A_1835 : i32 to vector<16xi32>
    %add3A_1837 = arith.addi %add3A_1831, %add3A_1836 : vector<16xi32>
    %select_n3A_1838 = arith.select %lt3A_1834, %add3A_1837, %add3A_1831 : vector<16xi1>, vector<16xi32>
    %reshape3A_1839 = vector.shape_cast %select_n3A_1838 : vector<16xi32> to vector<16x1xi32>
    %gather3A_1840 = vector.shape_cast %reshape3A_1839 : vector<16x1xi32> to vector<16xi32>
    %gather3A_1841 = tpu.dynamic_gather %convert_element_type3A_1777[%gather3A_1840] in [0] : vector<16xf32>, vector<16xi32> -> vector<16xf32>
    %mul3A_1842 = arith.constant 0 : i32
    %mul3A_1843 = vector.broadcast %mul3A_1842 : i32 to vector<16xi32>
    %mul3A_1844 = arith.muli %mul3A_1843, %iota3A : vector<16xi32>
    %add3A_1845 = arith.constant 4 : i32
    %add3A_1846 = vector.broadcast %add3A_1845 : i32 to vector<16xi32>
    %add3A_1847 = arith.addi %add3A_1846, %mul3A_1844 : vector<16xi32>
    %lt3A_1848 = arith.constant 0 : i32
    %lt3A_1849 = vector.broadcast %lt3A_1848 : i32 to vector<16xi32>
    %lt3A_1850 = arith.cmpi slt, %add3A_1847, %lt3A_1849 : vector<16xi32>
    %add3A_1851 = arith.constant 16 : i32
    %add3A_1852 = vector.broadcast %add3A_1851 : i32 to vector<16xi32>
    %add3A_1853 = arith.addi %add3A_1847, %add3A_1852 : vector<16xi32>
    %select_n3A_1854 = arith.select %lt3A_1850, %add3A_1853, %add3A_1847 : vector<16xi1>, vector<16xi32>
    %reshape3A_1855 = vector.shape_cast %select_n3A_1854 : vector<16xi32> to vector<16x1xi32>
    %gather3A_1856 = vector.shape_cast %reshape3A_1855 : vector<16x1xi32> to vector<16xi32>
    %gather3A_1857 = tpu.dynamic_gather %convert_element_type3A_1777[%gather3A_1856] in [0] : vector<16xf32>, vector<16xi32> -> vector<16xf32>
    %mul3A_1858 = arith.constant 0 : i32
    %mul3A_1859 = vector.broadcast %mul3A_1858 : i32 to vector<16xi32>
    %mul3A_1860 = arith.muli %mul3A_1859, %iota3A : vector<16xi32>
    %add3A_1861 = arith.constant 5 : i32
    %add3A_1862 = vector.broadcast %add3A_1861 : i32 to vector<16xi32>
    %add3A_1863 = arith.addi %add3A_1862, %mul3A_1860 : vector<16xi32>
    %lt3A_1864 = arith.constant 0 : i32
    %lt3A_1865 = vector.broadcast %lt3A_1864 : i32 to vector<16xi32>
    %lt3A_1866 = arith.cmpi slt, %add3A_1863, %lt3A_1865 : vector<16xi32>
    %add3A_1867 = arith.constant 16 : i32
    %add3A_1868 = vector.broadcast %add3A_1867 : i32 to vector<16xi32>
    %add3A_1869 = arith.addi %add3A_1863, %add3A_1868 : vector<16xi32>
    %select_n3A_1870 = arith.select %lt3A_1866, %add3A_1869, %add3A_1863 : vector<16xi1>, vector<16xi32>
    %reshape3A_1871 = vector.shape_cast %select_n3A_1870 : vector<16xi32> to vector<16x1xi32>
    %gather3A_1872 = vector.shape_cast %reshape3A_1871 : vector<16x1xi32> to vector<16xi32>
    %gather3A_1873 = tpu.dynamic_gather %convert_element_type3A_1777[%gather3A_1872] in [0] : vector<16xf32>, vector<16xi32> -> vector<16xf32>
    %mul3A_1874 = arith.constant 0 : i32
    %mul3A_1875 = vector.broadcast %mul3A_1874 : i32 to vector<16xi32>
    %mul3A_1876 = arith.muli %mul3A_1875, %iota3A : vector<16xi32>
    %add3A_1877 = arith.constant 6 : i32
    %add3A_1878 = vector.broadcast %add3A_1877 : i32 to vector<16xi32>
    %add3A_1879 = arith.addi %add3A_1878, %mul3A_1876 : vector<16xi32>
    %lt3A_1880 = arith.constant 0 : i32
    %lt3A_1881 = vector.broadcast %lt3A_1880 : i32 to vector<16xi32>
    %lt3A_1882 = arith.cmpi slt, %add3A_1879, %lt3A_1881 : vector<16xi32>
    %add3A_1883 = arith.constant 16 : i32
    %add3A_1884 = vector.broadcast %add3A_1883 : i32 to vector<16xi32>
    %add3A_1885 = arith.addi %add3A_1879, %add3A_1884 : vector<16xi32>
    %select_n3A_1886 = arith.select %lt3A_1882, %add3A_1885, %add3A_1879 : vector<16xi1>, vector<16xi32>
    %reshape3A_1887 = vector.shape_cast %select_n3A_1886 : vector<16xi32> to vector<16x1xi32>
    %gather3A_1888 = vector.shape_cast %reshape3A_1887 : vector<16x1xi32> to vector<16xi32>
    %gather3A_1889 = tpu.dynamic_gather %convert_element_type3A_1777[%gather3A_1888] in [0] : vector<16xf32>, vector<16xi32> -> vector<16xf32>
    %mul3A_1890 = arith.constant 0 : i32
    %mul3A_1891 = vector.broadcast %mul3A_1890 : i32 to vector<16xi32>
    %mul3A_1892 = arith.muli %mul3A_1891, %iota3A : vector<16xi32>
    %add3A_1893 = arith.constant 7 : i32
    %add3A_1894 = vector.broadcast %add3A_1893 : i32 to vector<16xi32>
    %add3A_1895 = arith.addi %add3A_1894, %mul3A_1892 : vector<16xi32>
    %lt3A_1896 = arith.constant 0 : i32
    %lt3A_1897 = vector.broadcast %lt3A_1896 : i32 to vector<16xi32>
    %lt3A_1898 = arith.cmpi slt, %add3A_1895, %lt3A_1897 : vector<16xi32>
    %add3A_1899 = arith.constant 16 : i32
    %add3A_1900 = vector.broadcast %add3A_1899 : i32 to vector<16xi32>
    %add3A_1901 = arith.addi %add3A_1895, %add3A_1900 : vector<16xi32>
    %select_n3A_1902 = arith.select %lt3A_1898, %add3A_1901, %add3A_1895 : vector<16xi1>, vector<16xi32>
    %reshape3A_1903 = vector.shape_cast %select_n3A_1902 : vector<16xi32> to vector<16x1xi32>
    %gather3A_1904 = vector.shape_cast %reshape3A_1903 : vector<16x1xi32> to vector<16xi32>
    %gather3A_1905 = tpu.dynamic_gather %convert_element_type3A_1777[%gather3A_1904] in [0] : vector<16xf32>, vector<16xi32> -> vector<16xf32>
    %mul3A_1906 = arith.constant 0 : i32
    %mul3A_1907 = vector.broadcast %mul3A_1906 : i32 to vector<16xi32>
    %mul3A_1908 = arith.muli %mul3A_1907, %iota3A : vector<16xi32>
    %add3A_1909 = arith.constant 8 : i32
    %add3A_1910 = vector.broadcast %add3A_1909 : i32 to vector<16xi32>
    %add3A_1911 = arith.addi %add3A_1910, %mul3A_1908 : vector<16xi32>
    %lt3A_1912 = arith.constant 0 : i32
    %lt3A_1913 = vector.broadcast %lt3A_1912 : i32 to vector<16xi32>
    %lt3A_1914 = arith.cmpi slt, %add3A_1911, %lt3A_1913 : vector<16xi32>
    %add3A_1915 = arith.constant 16 : i32
    %add3A_1916 = vector.broadcast %add3A_1915 : i32 to vector<16xi32>
    %add3A_1917 = arith.addi %add3A_1911, %add3A_1916 : vector<16xi32>
    %select_n3A_1918 = arith.select %lt3A_1914, %add3A_1917, %add3A_1911 : vector<16xi1>, vector<16xi32>
    %reshape3A_1919 = vector.shape_cast %select_n3A_1918 : vector<16xi32> to vector<16x1xi32>
    %gather3A_1920 = vector.shape_cast %reshape3A_1919 : vector<16x1xi32> to vector<16xi32>
    %gather3A_1921 = tpu.dynamic_gather %convert_element_type3A_1777[%gather3A_1920] in [0] : vector<16xf32>, vector<16xi32> -> vector<16xf32>
    %mul3A_1922 = arith.constant 0 : i32
    %mul3A_1923 = vector.broadcast %mul3A_1922 : i32 to vector<16xi32>
    %mul3A_1924 = arith.muli %mul3A_1923, %iota3A : vector<16xi32>
    %add3A_1925 = arith.constant 9 : i32
    %add3A_1926 = vector.broadcast %add3A_1925 : i32 to vector<16xi32>
    %add3A_1927 = arith.addi %add3A_1926, %mul3A_1924 : vector<16xi32>
    %lt3A_1928 = arith.constant 0 : i32
    %lt3A_1929 = vector.broadcast %lt3A_1928 : i32 to vector<16xi32>
    %lt3A_1930 = arith.cmpi slt, %add3A_1927, %lt3A_1929 : vector<16xi32>
    %add3A_1931 = arith.constant 16 : i32
    %add3A_1932 = vector.broadcast %add3A_1931 : i32 to vector<16xi32>
    %add3A_1933 = arith.addi %add3A_1927, %add3A_1932 : vector<16xi32>
    %select_n3A_1934 = arith.select %lt3A_1930, %add3A_1933, %add3A_1927 : vector<16xi1>, vector<16xi32>
    %reshape3A_1935 = vector.shape_cast %select_n3A_1934 : vector<16xi32> to vector<16x1xi32>
    %gather3A_1936 = vector.shape_cast %reshape3A_1935 : vector<16x1xi32> to vector<16xi32>
    %gather3A_1937 = tpu.dynamic_gather %convert_element_type3A_1777[%gather3A_1936] in [0] : vector<16xf32>, vector<16xi32> -> vector<16xf32>
    %mul3A_1938 = arith.constant 0 : i32
    %mul3A_1939 = vector.broadcast %mul3A_1938 : i32 to vector<16xi32>
    %mul3A_1940 = arith.muli %mul3A_1939, %iota3A : vector<16xi32>
    %add3A_1941 = arith.constant 10 : i32
    %add3A_1942 = vector.broadcast %add3A_1941 : i32 to vector<16xi32>
    %add3A_1943 = arith.addi %add3A_1942, %mul3A_1940 : vector<16xi32>
    %lt3A_1944 = arith.constant 0 : i32
    %lt3A_1945 = vector.broadcast %lt3A_1944 : i32 to vector<16xi32>
    %lt3A_1946 = arith.cmpi slt, %add3A_1943, %lt3A_1945 : vector<16xi32>
    %add3A_1947 = arith.constant 16 : i32
    %add3A_1948 = vector.broadcast %add3A_1947 : i32 to vector<16xi32>
    %add3A_1949 = arith.addi %add3A_1943, %add3A_1948 : vector<16xi32>
    %select_n3A_1950 = arith.select %lt3A_1946, %add3A_1949, %add3A_1943 : vector<16xi1>, vector<16xi32>
    %reshape3A_1951 = vector.shape_cast %select_n3A_1950 : vector<16xi32> to vector<16x1xi32>
    %gather3A_1952 = vector.shape_cast %reshape3A_1951 : vector<16x1xi32> to vector<16xi32>
    %gather3A_1953 = tpu.dynamic_gather %convert_element_type3A_1777[%gather3A_1952] in [0] : vector<16xf32>, vector<16xi32> -> vector<16xf32>
    %mul3A_1954 = arith.constant 0 : i32
    %mul3A_1955 = vector.broadcast %mul3A_1954 : i32 to vector<16xi32>
    %mul3A_1956 = arith.muli %mul3A_1955, %iota3A : vector<16xi32>
    %add3A_1957 = arith.constant 11 : i32
    %add3A_1958 = vector.broadcast %add3A_1957 : i32 to vector<16xi32>
    %add3A_1959 = arith.addi %add3A_1958, %mul3A_1956 : vector<16xi32>
    %lt3A_1960 = arith.constant 0 : i32
    %lt3A_1961 = vector.broadcast %lt3A_1960 : i32 to vector<16xi32>
    %lt3A_1962 = arith.cmpi slt, %add3A_1959, %lt3A_1961 : vector<16xi32>
    %add3A_1963 = arith.constant 16 : i32
    %add3A_1964 = vector.broadcast %add3A_1963 : i32 to vector<16xi32>
    %add3A_1965 = arith.addi %add3A_1959, %add3A_1964 : vector<16xi32>
    %select_n3A_1966 = arith.select %lt3A_1962, %add3A_1965, %add3A_1959 : vector<16xi1>, vector<16xi32>
    %reshape3A_1967 = vector.shape_cast %select_n3A_1966 : vector<16xi32> to vector<16x1xi32>
    %gather3A_1968 = vector.shape_cast %reshape3A_1967 : vector<16x1xi32> to vector<16xi32>
    %gather3A_1969 = tpu.dynamic_gather %convert_element_type3A_1777[%gather3A_1968] in [0] : vector<16xf32>, vector<16xi32> -> vector<16xf32>
    %mul3A_1970 = arith.constant 0 : i32
    %mul3A_1971 = vector.broadcast %mul3A_1970 : i32 to vector<16xi32>
    %mul3A_1972 = arith.muli %mul3A_1971, %iota3A : vector<16xi32>
    %add3A_1973 = arith.constant 12 : i32
    %add3A_1974 = vector.broadcast %add3A_1973 : i32 to vector<16xi32>
    %add3A_1975 = arith.addi %add3A_1974, %mul3A_1972 : vector<16xi32>
    %lt3A_1976 = arith.constant 0 : i32
    %lt3A_1977 = vector.broadcast %lt3A_1976 : i32 to vector<16xi32>
    %lt3A_1978 = arith.cmpi slt, %add3A_1975, %lt3A_1977 : vector<16xi32>
    %add3A_1979 = arith.constant 16 : i32
    %add3A_1980 = vector.broadcast %add3A_1979 : i32 to vector<16xi32>
    %add3A_1981 = arith.addi %add3A_1975, %add3A_1980 : vector<16xi32>
    %select_n3A_1982 = arith.select %lt3A_1978, %add3A_1981, %add3A_1975 : vector<16xi1>, vector<16xi32>
    %reshape3A_1983 = vector.shape_cast %select_n3A_1982 : vector<16xi32> to vector<16x1xi32>
    %gather3A_1984 = vector.shape_cast %reshape3A_1983 : vector<16x1xi32> to vector<16xi32>
    %gather3A_1985 = tpu.dynamic_gather %convert_element_type3A_1777[%gather3A_1984] in [0] : vector<16xf32>, vector<16xi32> -> vector<16xf32>
    %mul3A_1986 = arith.constant 0 : i32
    %mul3A_1987 = vector.broadcast %mul3A_1986 : i32 to vector<16xi32>
    %mul3A_1988 = arith.muli %mul3A_1987, %iota3A : vector<16xi32>
    %add3A_1989 = arith.constant 13 : i32
    %add3A_1990 = vector.broadcast %add3A_1989 : i32 to vector<16xi32>
    %add3A_1991 = arith.addi %add3A_1990, %mul3A_1988 : vector<16xi32>
    %lt3A_1992 = arith.constant 0 : i32
    %lt3A_1993 = vector.broadcast %lt3A_1992 : i32 to vector<16xi32>
    %lt3A_1994 = arith.cmpi slt, %add3A_1991, %lt3A_1993 : vector<16xi32>
    %add3A_1995 = arith.constant 16 : i32
    %add3A_1996 = vector.broadcast %add3A_1995 : i32 to vector<16xi32>
    %add3A_1997 = arith.addi %add3A_1991, %add3A_1996 : vector<16xi32>
    %select_n3A_1998 = arith.select %lt3A_1994, %add3A_1997, %add3A_1991 : vector<16xi1>, vector<16xi32>
    %reshape3A_1999 = vector.shape_cast %select_n3A_1998 : vector<16xi32> to vector<16x1xi32>
    %gather3A_2000 = vector.shape_cast %reshape3A_1999 : vector<16x1xi32> to vector<16xi32>
    %gather3A_2001 = tpu.dynamic_gather %convert_element_type3A_1777[%gather3A_2000] in [0] : vector<16xf32>, vector<16xi32> -> vector<16xf32>
    %mul3A_2002 = arith.constant 0 : i32
    %mul3A_2003 = vector.broadcast %mul3A_2002 : i32 to vector<16xi32>
    %mul3A_2004 = arith.muli %mul3A_2003, %iota3A : vector<16xi32>
    %add3A_2005 = arith.constant 14 : i32
    %add3A_2006 = vector.broadcast %add3A_2005 : i32 to vector<16xi32>
    %add3A_2007 = arith.addi %add3A_2006, %mul3A_2004 : vector<16xi32>
    %lt3A_2008 = arith.constant 0 : i32
    %lt3A_2009 = vector.broadcast %lt3A_2008 : i32 to vector<16xi32>
    %lt3A_2010 = arith.cmpi slt, %add3A_2007, %lt3A_2009 : vector<16xi32>
    %add3A_2011 = arith.constant 16 : i32
    %add3A_2012 = vector.broadcast %add3A_2011 : i32 to vector<16xi32>
    %add3A_2013 = arith.addi %add3A_2007, %add3A_2012 : vector<16xi32>
    %select_n3A_2014 = arith.select %lt3A_2010, %add3A_2013, %add3A_2007 : vector<16xi1>, vector<16xi32>
    %reshape3A_2015 = vector.shape_cast %select_n3A_2014 : vector<16xi32> to vector<16x1xi32>
    %gather3A_2016 = vector.shape_cast %reshape3A_2015 : vector<16x1xi32> to vector<16xi32>
    %gather3A_2017 = tpu.dynamic_gather %convert_element_type3A_1777[%gather3A_2016] in [0] : vector<16xf32>, vector<16xi32> -> vector<16xf32>
    %mul3A_2018 = arith.constant 0 : i32
    %mul3A_2019 = vector.broadcast %mul3A_2018 : i32 to vector<16xi32>
    %mul3A_2020 = arith.muli %mul3A_2019, %iota3A : vector<16xi32>
    %add3A_2021 = arith.constant 15 : i32
    %add3A_2022 = vector.broadcast %add3A_2021 : i32 to vector<16xi32>
    %add3A_2023 = arith.addi %add3A_2022, %mul3A_2020 : vector<16xi32>
    %lt3A_2024 = arith.constant 0 : i32
    %lt3A_2025 = vector.broadcast %lt3A_2024 : i32 to vector<16xi32>
    %lt3A_2026 = arith.cmpi slt, %add3A_2023, %lt3A_2025 : vector<16xi32>
    %add3A_2027 = arith.constant 16 : i32
    %add3A_2028 = vector.broadcast %add3A_2027 : i32 to vector<16xi32>
    %add3A_2029 = arith.addi %add3A_2023, %add3A_2028 : vector<16xi32>
    %select_n3A_2030 = arith.select %lt3A_2026, %add3A_2029, %add3A_2023 : vector<16xi1>, vector<16xi32>
    %reshape3A_2031 = vector.shape_cast %select_n3A_2030 : vector<16xi32> to vector<16x1xi32>
    %gather3A_2032 = vector.shape_cast %reshape3A_2031 : vector<16x1xi32> to vector<16xi32>
    %gather3A_2033 = tpu.dynamic_gather %convert_element_type3A_1777[%gather3A_2032] in [0] : vector<16xf32>, vector<16xi32> -> vector<16xf32>
    %scan3A_2034 = arith.constant 0 : i32
    %scan3A_2035 = arith.constant 64 : i32
    %scan3A_2036 = arith.addi %scan3A_2034, %scan3A_2035 : i32
    %scan3A_2037 = arith.constant 1 : i32
    scf.for %scan3A_3340 = %scan3A_2034 to %scan3A_2036 step %scan3A_2037  : i32 {
      %mul3A_3341 = arith.constant 16 : i32
      %mul3A_3342 = arith.muli %scan3A_3340, %mul3A_3341 : i32
      %get3A_3343 = arith.constant 0 : i32
      %get3A_3344 = arith.index_cast %get3A_3343 : i32 to index
      %get3A_3345 = arith.index_cast %mul3A_3342 : i32 to index
      %get3A_3346 = tpu.vector_load %arg5[%get3A_3344, %get3A_3345] {strides = array<i32>} : memref<2x1024xf32, #tpu.memory_space<vmem>>, vector<1x16xf32>,
      %get3A_3347 = vector.shape_cast %get3A_3346 : vector<1x16xf32> to vector<16xf32>
      %mul3A_3348 = arith.constant 16 : i32
      %mul3A_3349 = arith.muli %scan3A_3340, %mul3A_3348 : i32
      %get3A_3350 = arith.index_cast %mul3A_3349 : i32 to index
      %get3A_3351 = tpu.vector_load %arg6[%get3A_3350] {strides = array<i32>} : memref<1024xf32, #tpu.memory_space<vmem>>, vector<16xf32>,
      %get3A_3352 = vector.shape_cast %get3A_3351 : vector<16xf32> to vector<16xf32>
      %mul3A_3353 = arith.mulf %gather3A_1533, %get3A_3352 : vector<16xf32>
      %add3A_3354 = arith.addf %get3A_3347, %mul3A_3353 : vector<16xf32>
      %mul3A_3355 = arith.constant 16 : i32
      %mul3A_3356 = arith.muli %scan3A_3340, %mul3A_3355 : i32
      %swap3A_3357 = arith.constant 0 : i32
      %swap3A_3358 = arith.index_cast %swap3A_3357 : i32 to index
      %swap3A_3359 = arith.index_cast %mul3A_3356 : i32 to index
      %swap3A_3360 = tpu.vector_load %arg9[%swap3A_3358, %swap3A_3359] {strides = array<i32>} : memref<32x1024xf32, #tpu.memory_space<vmem>>, vector<1x16xf32>,
      %swap3A_3361 = vector.shape_cast %swap3A_3360 : vector<1x16xf32> to vector<16xf32>
      %swap3A_3362 = vector.shape_cast %add3A_3354 : vector<16xf32> to vector<1x16xf32>
      tpu.vector_store %arg9[%swap3A_3358, %swap3A_3359], %swap3A_3362 {strides = array<i32>} : memref<32x1024xf32, #tpu.memory_space<vmem>>, vector<1x16xf32>,
      %mul3A_3363 = arith.mulf %gather3A_1549, %get3A_3352 : vector<16xf32>
      %add3A_3364 = arith.addf %get3A_3347, %mul3A_3363 : vector<16xf32>
      %mul3A_3365 = arith.constant 16 : i32
      %mul3A_3366 = arith.muli %scan3A_3340, %mul3A_3365 : i32
      %swap3A_3367 = arith.constant 1 : i32
      %swap3A_3368 = arith.index_cast %swap3A_3367 : i32 to index
      %swap3A_3369 = arith.index_cast %mul3A_3366 : i32 to index
      %swap3A_3370 = tpu.vector_load %arg9[%swap3A_3368, %swap3A_3369] {strides = array<i32>} : memref<32x1024xf32, #tpu.memory_space<vmem>>, vector<1x16xf32>,
      %swap3A_3371 = vector.shape_cast %swap3A_3370 : vector<1x16xf32> to vector<16xf32>
      %swap3A_3372 = vector.shape_cast %add3A_3364 : vector<16xf32> to vector<1x16xf32>
      tpu.vector_store %arg9[%swap3A_3368, %swap3A_3369], %swap3A_3372 {strides = array<i32>} : memref<32x1024xf32, #tpu.memory_space<vmem>>, vector<1x16xf32>,
      %mul3A_3373 = arith.mulf %gather3A_1565, %get3A_3352 : vector<16xf32>
      %add3A_3374 = arith.addf %get3A_3347, %mul3A_3373 : vector<16xf32>
      %mul3A_3375 = arith.constant 16 : i32
      %mul3A_3376 = arith.muli %scan3A_3340, %mul3A_3375 : i32
      %swap3A_3377 = arith.constant 2 : i32
      %swap3A_3378 = arith.index_cast %swap3A_3377 : i32 to index
      %swap3A_3379 = arith.index_cast %mul3A_3376 : i32 to index
      %swap3A_3380 = tpu.vector_load %arg9[%swap3A_3378, %swap3A_3379] {strides = array<i32>} : memref<32x1024xf32, #tpu.memory_space<vmem>>, vector<1x16xf32>,
      %swap3A_3381 = vector.shape_cast %swap3A_3380 : vector<1x16xf32> to vector<16xf32>
      %swap3A_3382 = vector.shape_cast %add3A_3374 : vector<16xf32> to vector<1x16xf32>
      tpu.vector_store %arg9[%swap3A_3378, %swap3A_3379], %swap3A_3382 {strides = array<i32>} : memref<32x1024xf32, #tpu.memory_space<vmem>>, vector<1x16xf32>,
      %mul3A_3383 = arith.mulf %gather3A_1581, %get3A_3352 : vector<16xf32>
      %add3A_3384 = arith.addf %get3A_3347, %mul3A_3383 : vector<16xf32>
      %mul3A_3385 = arith.constant 16 : i32
      %mul3A_3386 = arith.muli %scan3A_3340, %mul3A_3385 : i32
      %swap3A_3387 = arith.constant 3 : i32
      %swap3A_3388 = arith.index_cast %swap3A_3387 : i32 to index
      %swap3A_3389 = arith.index_cast %mul3A_3386 : i32 to index
      %swap3A_3390 = tpu.vector_load %arg9[%swap3A_3388, %swap3A_3389] {strides = array<i32>} : memref<32x1024xf32, #tpu.memory_space<vmem>>, vector<1x16xf32>,
      %swap3A_3391 = vector.shape_cast %swap3A_3390 : vector<1x16xf32> to vector<16xf32>
      %swap3A_3392 = vector.shape_cast %add3A_3384 : vector<16xf32> to vector<1x16xf32>
      tpu.vector_store %arg9[%swap3A_3388, %swap3A_3389], %swap3A_3392 {strides = array<i32>} : memref<32x1024xf32, #tpu.memory_space<vmem>>, vector<1x16xf32>,
      %mul3A_3393 = arith.mulf %gather3A_1597, %get3A_3352 : vector<16xf32>
      %add3A_3394 = arith.addf %get3A_3347, %mul3A_3393 : vector<16xf32>
      %mul3A_3395 = arith.constant 16 : i32
      %mul3A_3396 = arith.muli %scan3A_3340, %mul3A_3395 : i32
      %swap3A_3397 = arith.constant 4 : i32
      %swap3A_3398 = arith.index_cast %swap3A_3397 : i32 to index
      %swap3A_3399 = arith.index_cast %mul3A_3396 : i32 to index
      %swap3A_3400 = tpu.vector_load %arg9[%swap3A_3398, %swap3A_3399] {strides = array<i32>} : memref<32x1024xf32, #tpu.memory_space<vmem>>, vector<1x16xf32>,
      %swap3A_3401 = vector.shape_cast %swap3A_3400 : vector<1x16xf32> to vector<16xf32>
      %swap3A_3402 = vector.shape_cast %add3A_3394 : vector<16xf32> to vector<1x16xf32>
      tpu.vector_store %arg9[%swap3A_3398, %swap3A_3399], %swap3A_3402 {strides = array<i32>} : memref<32x1024xf32, #tpu.memory_space<vmem>>, vector<1x16xf32>,
      %mul3A_3403 = arith.mulf %gather3A_1613, %get3A_3352 : vector<16xf32>
      %add3A_3404 = arith.addf %get3A_3347, %mul3A_3403 : vector<16xf32>
      %mul3A_3405 = arith.constant 16 : i32
      %mul3A_3406 = arith.muli %scan3A_3340, %mul3A_3405 : i32
      %swap3A_3407 = arith.constant 5 : i32
      %swap3A_3408 = arith.index_cast %swap3A_3407 : i32 to index
      %swap3A_3409 = arith.index_cast %mul3A_3406 : i32 to index
      %swap3A_3410 = tpu.vector_load %arg9[%swap3A_3408, %swap3A_3409] {strides = array<i32>} : memref<32x1024xf32, #tpu.memory_space<vmem>>, vector<1x16xf32>,
      %swap3A_3411 = vector.shape_cast %swap3A_3410 : vector<1x16xf32> to vector<16xf32>
      %swap3A_3412 = vector.shape_cast %add3A_3404 : vector<16xf32> to vector<1x16xf32>
      tpu.vector_store %arg9[%swap3A_3408, %swap3A_3409], %swap3A_3412 {strides = array<i32>} : memref<32x1024xf32, #tpu.memory_space<vmem>>, vector<1x16xf32>,
      %mul3A_3413 = arith.mulf %gather3A_1629, %get3A_3352 : vector<16xf32>
      %add3A_3414 = arith.addf %get3A_3347, %mul3A_3413 : vector<16xf32>
      %mul3A_3415 = arith.constant 16 : i32
      %mul3A_3416 = arith.muli %scan3A_3340, %mul3A_3415 : i32
      %swap3A_3417 = arith.constant 6 : i32
      %swap3A_3418 = arith.index_cast %swap3A_3417 : i32 to index
      %swap3A_3419 = arith.index_cast %mul3A_3416 : i32 to index
      %swap3A_3420 = tpu.vector_load %arg9[%swap3A_3418, %swap3A_3419] {strides = array<i32>} : memref<32x1024xf32, #tpu.memory_space<vmem>>, vector<1x16xf32>,
      %swap3A_3421 = vector.shape_cast %swap3A_3420 : vector<1x16xf32> to vector<16xf32>
      %swap3A_3422 = vector.shape_cast %add3A_3414 : vector<16xf32> to vector<1x16xf32>
      tpu.vector_store %arg9[%swap3A_3418, %swap3A_3419], %swap3A_3422 {strides = array<i32>} : memref<32x1024xf32, #tpu.memory_space<vmem>>, vector<1x16xf32>,
      %mul3A_3423 = arith.mulf %gather3A_1645, %get3A_3352 : vector<16xf32>
      %add3A_3424 = arith.addf %get3A_3347, %mul3A_3423 : vector<16xf32>
      %mul3A_3425 = arith.constant 16 : i32
      %mul3A_3426 = arith.muli %scan3A_3340, %mul3A_3425 : i32
      %swap3A_3427 = arith.constant 7 : i32
      %swap3A_3428 = arith.index_cast %swap3A_3427 : i32 to index
      %swap3A_3429 = arith.index_cast %mul3A_3426 : i32 to index
      %swap3A_3430 = tpu.vector_load %arg9[%swap3A_3428, %swap3A_3429] {strides = array<i32>} : memref<32x1024xf32, #tpu.memory_space<vmem>>, vector<1x16xf32>,
      %swap3A_3431 = vector.shape_cast %swap3A_3430 : vector<1x16xf32> to vector<16xf32>
      %swap3A_3432 = vector.shape_cast %add3A_3424 : vector<16xf32> to vector<1x16xf32>
      tpu.vector_store %arg9[%swap3A_3428, %swap3A_3429], %swap3A_3432 {strides = array<i32>} : memref<32x1024xf32, #tpu.memory_space<vmem>>, vector<1x16xf32>,
      %mul3A_3433 = arith.mulf %gather3A_1661, %get3A_3352 : vector<16xf32>
      %add3A_3434 = arith.addf %get3A_3347, %mul3A_3433 : vector<16xf32>
      %mul3A_3435 = arith.constant 16 : i32
      %mul3A_3436 = arith.muli %scan3A_3340, %mul3A_3435 : i32
      %swap3A_3437 = arith.constant 8 : i32
      %swap3A_3438 = arith.index_cast %swap3A_3437 : i32 to index
      %swap3A_3439 = arith.index_cast %mul3A_3436 : i32 to index
      %swap3A_3440 = tpu.vector_load %arg9[%swap3A_3438, %swap3A_3439] {strides = array<i32>} : memref<32x1024xf32, #tpu.memory_space<vmem>>, vector<1x16xf32>,
      %swap3A_3441 = vector.shape_cast %swap3A_3440 : vector<1x16xf32> to vector<16xf32>
      %swap3A_3442 = vector.shape_cast %add3A_3434 : vector<16xf32> to vector<1x16xf32>
      tpu.vector_store %arg9[%swap3A_3438, %swap3A_3439], %swap3A_3442 {strides = array<i32>} : memref<32x1024xf32, #tpu.memory_space<vmem>>, vector<1x16xf32>,
      %mul3A_3443 = arith.mulf %gather3A_1677, %get3A_3352 : vector<16xf32>
      %add3A_3444 = arith.addf %get3A_3347, %mul3A_3443 : vector<16xf32>
      %mul3A_3445 = arith.constant 16 : i32
      %mul3A_3446 = arith.muli %scan3A_3340, %mul3A_3445 : i32
      %swap3A_3447 = arith.constant 9 : i32
      %swap3A_3448 = arith.index_cast %swap3A_3447 : i32 to index
      %swap3A_3449 = arith.index_cast %mul3A_3446 : i32 to index
      %swap3A_3450 = tpu.vector_load %arg9[%swap3A_3448, %swap3A_3449] {strides = array<i32>} : memref<32x1024xf32, #tpu.memory_space<vmem>>, vector<1x16xf32>,
      %swap3A_3451 = vector.shape_cast %swap3A_3450 : vector<1x16xf32> to vector<16xf32>
      %swap3A_3452 = vector.shape_cast %add3A_3444 : vector<16xf32> to vector<1x16xf32>
      tpu.vector_store %arg9[%swap3A_3448, %swap3A_3449], %swap3A_3452 {strides = array<i32>} : memref<32x1024xf32, #tpu.memory_space<vmem>>, vector<1x16xf32>,
      %mul3A_3453 = arith.mulf %gather3A_1693, %get3A_3352 : vector<16xf32>
      %add3A_3454 = arith.addf %get3A_3347, %mul3A_3453 : vector<16xf32>
      %mul3A_3455 = arith.constant 16 : i32
      %mul3A_3456 = arith.muli %scan3A_3340, %mul3A_3455 : i32
      %swap3A_3457 = arith.constant 10 : i32
      %swap3A_3458 = arith.index_cast %swap3A_3457 : i32 to index
      %swap3A_3459 = arith.index_cast %mul3A_3456 : i32 to index
      %swap3A_3460 = tpu.vector_load %arg9[%swap3A_3458, %swap3A_3459] {strides = array<i32>} : memref<32x1024xf32, #tpu.memory_space<vmem>>, vector<1x16xf32>,
      %swap3A_3461 = vector.shape_cast %swap3A_3460 : vector<1x16xf32> to vector<16xf32>
      %swap3A_3462 = vector.shape_cast %add3A_3454 : vector<16xf32> to vector<1x16xf32>
      tpu.vector_store %arg9[%swap3A_3458, %swap3A_3459], %swap3A_3462 {strides = array<i32>} : memref<32x1024xf32, #tpu.memory_space<vmem>>, vector<1x16xf32>,
      %mul3A_3463 = arith.mulf %gather3A_1709, %get3A_3352 : vector<16xf32>
      %add3A_3464 = arith.addf %get3A_3347, %mul3A_3463 : vector<16xf32>
      %mul3A_3465 = arith.constant 16 : i32
      %mul3A_3466 = arith.muli %scan3A_3340, %mul3A_3465 : i32
      %swap3A_3467 = arith.constant 11 : i32
      %swap3A_3468 = arith.index_cast %swap3A_3467 : i32 to index
      %swap3A_3469 = arith.index_cast %mul3A_3466 : i32 to index
      %swap3A_3470 = tpu.vector_load %arg9[%swap3A_3468, %swap3A_3469] {strides = array<i32>} : memref<32x1024xf32, #tpu.memory_space<vmem>>, vector<1x16xf32>,
      %swap3A_3471 = vector.shape_cast %swap3A_3470 : vector<1x16xf32> to vector<16xf32>
      %swap3A_3472 = vector.shape_cast %add3A_3464 : vector<16xf32> to vector<1x16xf32>
      tpu.vector_store %arg9[%swap3A_3468, %swap3A_3469], %swap3A_3472 {strides = array<i32>} : memref<32x1024xf32, #tpu.memory_space<vmem>>, vector<1x16xf32>,
      %mul3A_3473 = arith.mulf %gather3A_1725, %get3A_3352 : vector<16xf32>
      %add3A_3474 = arith.addf %get3A_3347, %mul3A_3473 : vector<16xf32>
      %mul3A_3475 = arith.constant 16 : i32
      %mul3A_3476 = arith.muli %scan3A_3340, %mul3A_3475 : i32
      %swap3A_3477 = arith.constant 12 : i32
      %swap3A_3478 = arith.index_cast %swap3A_3477 : i32 to index
      %swap3A_3479 = arith.index_cast %mul3A_3476 : i32 to index
      %swap3A_3480 = tpu.vector_load %arg9[%swap3A_3478, %swap3A_3479] {strides = array<i32>} : memref<32x1024xf32, #tpu.memory_space<vmem>>, vector<1x16xf32>,
      %swap3A_3481 = vector.shape_cast %swap3A_3480 : vector<1x16xf32> to vector<16xf32>
      %swap3A_3482 = vector.shape_cast %add3A_3474 : vector<16xf32> to vector<1x16xf32>
      tpu.vector_store %arg9[%swap3A_3478, %swap3A_3479], %swap3A_3482 {strides = array<i32>} : memref<32x1024xf32, #tpu.memory_space<vmem>>, vector<1x16xf32>,
      %mul3A_3483 = arith.mulf %gather3A_1741, %get3A_3352 : vector<16xf32>
      %add3A_3484 = arith.addf %get3A_3347, %mul3A_3483 : vector<16xf32>
      %mul3A_3485 = arith.constant 16 : i32
      %mul3A_3486 = arith.muli %scan3A_3340, %mul3A_3485 : i32
      %swap3A_3487 = arith.constant 13 : i32
      %swap3A_3488 = arith.index_cast %swap3A_3487 : i32 to index
      %swap3A_3489 = arith.index_cast %mul3A_3486 : i32 to index
      %swap3A_3490 = tpu.vector_load %arg9[%swap3A_3488, %swap3A_3489] {strides = array<i32>} : memref<32x1024xf32, #tpu.memory_space<vmem>>, vector<1x16xf32>,
      %swap3A_3491 = vector.shape_cast %swap3A_3490 : vector<1x16xf32> to vector<16xf32>
      %swap3A_3492 = vector.shape_cast %add3A_3484 : vector<16xf32> to vector<1x16xf32>
      tpu.vector_store %arg9[%swap3A_3488, %swap3A_3489], %swap3A_3492 {strides = array<i32>} : memref<32x1024xf32, #tpu.memory_space<vmem>>, vector<1x16xf32>,
      %mul3A_3493 = arith.mulf %gather3A_1757, %get3A_3352 : vector<16xf32>
      %add3A_3494 = arith.addf %get3A_3347, %mul3A_3493 : vector<16xf32>
      %mul3A_3495 = arith.constant 16 : i32
      %mul3A_3496 = arith.muli %scan3A_3340, %mul3A_3495 : i32
      %swap3A_3497 = arith.constant 14 : i32
      %swap3A_3498 = arith.index_cast %swap3A_3497 : i32 to index
      %swap3A_3499 = arith.index_cast %mul3A_3496 : i32 to index
      %swap3A_3500 = tpu.vector_load %arg9[%swap3A_3498, %swap3A_3499] {strides = array<i32>} : memref<32x1024xf32, #tpu.memory_space<vmem>>, vector<1x16xf32>,
      %swap3A_3501 = vector.shape_cast %swap3A_3500 : vector<1x16xf32> to vector<16xf32>
      %swap3A_3502 = vector.shape_cast %add3A_3494 : vector<16xf32> to vector<1x16xf32>
      tpu.vector_store %arg9[%swap3A_3498, %swap3A_3499], %swap3A_3502 {strides = array<i32>} : memref<32x1024xf32, #tpu.memory_space<vmem>>, vector<1x16xf32>,
      %mul3A_3503 = arith.mulf %gather3A_1773, %get3A_3352 : vector<16xf32>
      %add3A_3504 = arith.addf %get3A_3347, %mul3A_3503 : vector<16xf32>
      %mul3A_3505 = arith.constant 16 : i32
      %mul3A_3506 = arith.muli %scan3A_3340, %mul3A_3505 : i32
      %swap3A_3507 = arith.constant 15 : i32
      %swap3A_3508 = arith.index_cast %swap3A_3507 : i32 to index
      %swap3A_3509 = arith.index_cast %mul3A_3506 : i32 to index
      %swap3A_3510 = tpu.vector_load %arg9[%swap3A_3508, %swap3A_3509] {strides = array<i32>} : memref<32x1024xf32, #tpu.memory_space<vmem>>, vector<1x16xf32>,
      %swap3A_3511 = vector.shape_cast %swap3A_3510 : vector<1x16xf32> to vector<16xf32>
      %swap3A_3512 = vector.shape_cast %add3A_3504 : vector<16xf32> to vector<1x16xf32>
      tpu.vector_store %arg9[%swap3A_3508, %swap3A_3509], %swap3A_3512 {strides = array<i32>} : memref<32x1024xf32, #tpu.memory_space<vmem>>, vector<1x16xf32>,
      %mul3A_3513 = arith.mulf %gather3A_1793, %get3A_3352 : vector<16xf32>
      %add3A_3514 = arith.addf %get3A_3347, %mul3A_3513 : vector<16xf32>
      %mul3A_3515 = arith.constant 16 : i32
      %mul3A_3516 = arith.muli %scan3A_3340, %mul3A_3515 : i32
      %swap3A_3517 = arith.constant 16 : i32
      %swap3A_3518 = arith.index_cast %swap3A_3517 : i32 to index
      %swap3A_3519 = arith.index_cast %mul3A_3516 : i32 to index
      %swap3A_3520 = tpu.vector_load %arg9[%swap3A_3518, %swap3A_3519] {strides = array<i32>} : memref<32x1024xf32, #tpu.memory_space<vmem>>, vector<1x16xf32>,
      %swap3A_3521 = vector.shape_cast %swap3A_3520 : vector<1x16xf32> to vector<16xf32>
      %swap3A_3522 = vector.shape_cast %add3A_3514 : vector<16xf32> to vector<1x16xf32>
      tpu.vector_store %arg9[%swap3A_3518, %swap3A_3519], %swap3A_3522 {strides = array<i32>} : memref<32x1024xf32, #tpu.memory_space<vmem>>, vector<1x16xf32>,
      %mul3A_3523 = arith.mulf %gather3A_1809, %get3A_3352 : vector<16xf32>
      %add3A_3524 = arith.addf %get3A_3347, %mul3A_3523 : vector<16xf32>
      %mul3A_3525 = arith.constant 16 : i32
      %mul3A_3526 = arith.muli %scan3A_3340, %mul3A_3525 : i32
      %swap3A_3527 = arith.constant 17 : i32
      %swap3A_3528 = arith.index_cast %swap3A_3527 : i32 to index
      %swap3A_3529 = arith.index_cast %mul3A_3526 : i32 to index
      %swap3A_3530 = tpu.vector_load %arg9[%swap3A_3528, %swap3A_3529] {strides = array<i32>} : memref<32x1024xf32, #tpu.memory_space<vmem>>, vector<1x16xf32>,
      %swap3A_3531 = vector.shape_cast %swap3A_3530 : vector<1x16xf32> to vector<16xf32>
      %swap3A_3532 = vector.shape_cast %add3A_3524 : vector<16xf32> to vector<1x16xf32>
      tpu.vector_store %arg9[%swap3A_3528, %swap3A_3529], %swap3A_3532 {strides = array<i32>} : memref<32x1024xf32, #tpu.memory_space<vmem>>, vector<1x16xf32>,
      %mul3A_3533 = arith.mulf %gather3A_1825, %get3A_3352 : vector<16xf32>
      %add3A_3534 = arith.addf %get3A_3347, %mul3A_3533 : vector<16xf32>
      %mul3A_3535 = arith.constant 16 : i32
      %mul3A_3536 = arith.muli %scan3A_3340, %mul3A_3535 : i32
      %swap3A_3537 = arith.constant 18 : i32
      %swap3A_3538 = arith.index_cast %swap3A_3537 : i32 to index
      %swap3A_3539 = arith.index_cast %mul3A_3536 : i32 to index
      %swap3A_3540 = tpu.vector_load %arg9[%swap3A_3538, %swap3A_3539] {strides = array<i32>} : memref<32x1024xf32, #tpu.memory_space<vmem>>, vector<1x16xf32>,
      %swap3A_3541 = vector.shape_cast %swap3A_3540 : vector<1x16xf32> to vector<16xf32>
      %swap3A_3542 = vector.shape_cast %add3A_3534 : vector<16xf32> to vector<1x16xf32>
      tpu.vector_store %arg9[%swap3A_3538, %swap3A_3539], %swap3A_3542 {strides = array<i32>} : memref<32x1024xf32, #tpu.memory_space<vmem>>, vector<1x16xf32>,
      %mul3A_3543 = arith.mulf %gather3A_1841, %get3A_3352 : vector<16xf32>
      %add3A_3544 = arith.addf %get3A_3347, %mul3A_3543 : vector<16xf32>
      %mul3A_3545 = arith.constant 16 : i32
      %mul3A_3546 = arith.muli %scan3A_3340, %mul3A_3545 : i32
      %swap3A_3547 = arith.constant 19 : i32
      %swap3A_3548 = arith.index_cast %swap3A_3547 : i32 to index
      %swap3A_3549 = arith.index_cast %mul3A_3546 : i32 to index
      %swap3A_3550 = tpu.vector_load %arg9[%swap3A_3548, %swap3A_3549] {strides = array<i32>} : memref<32x1024xf32, #tpu.memory_space<vmem>>, vector<1x16xf32>,
      %swap3A_3551 = vector.shape_cast %swap3A_3550 : vector<1x16xf32> to vector<16xf32>
      %swap3A_3552 = vector.shape_cast %add3A_3544 : vector<16xf32> to vector<1x16xf32>
      tpu.vector_store %arg9[%swap3A_3548, %swap3A_3549], %swap3A_3552 {strides = array<i32>} : memref<32x1024xf32, #tpu.memory_space<vmem>>, vector<1x16xf32>,
      %mul3A_3553 = arith.mulf %gather3A_1857, %get3A_3352 : vector<16xf32>
      %add3A_3554 = arith.addf %get3A_3347, %mul3A_3553 : vector<16xf32>
      %mul3A_3555 = arith.constant 16 : i32
      %mul3A_3556 = arith.muli %scan3A_3340, %mul3A_3555 : i32
      %swap3A_3557 = arith.constant 20 : i32
      %swap3A_3558 = arith.index_cast %swap3A_3557 : i32 to index
      %swap3A_3559 = arith.index_cast %mul3A_3556 : i32 to index
      %swap3A_3560 = tpu.vector_load %arg9[%swap3A_3558, %swap3A_3559] {strides = array<i32>} : memref<32x1024xf32, #tpu.memory_space<vmem>>, vector<1x16xf32>,
      %swap3A_3561 = vector.shape_cast %swap3A_3560 : vector<1x16xf32> to vector<16xf32>
      %swap3A_3562 = vector.shape_cast %add3A_3554 : vector<16xf32> to vector<1x16xf32>
      tpu.vector_store %arg9[%swap3A_3558, %swap3A_3559], %swap3A_3562 {strides = array<i32>} : memref<32x1024xf32, #tpu.memory_space<vmem>>, vector<1x16xf32>,
      %mul3A_3563 = arith.mulf %gather3A_1873, %get3A_3352 : vector<16xf32>
      %add3A_3564 = arith.addf %get3A_3347, %mul3A_3563 : vector<16xf32>
      %mul3A_3565 = arith.constant 16 : i32
      %mul3A_3566 = arith.muli %scan3A_3340, %mul3A_3565 : i32
      %swap3A_3567 = arith.constant 21 : i32
      %swap3A_3568 = arith.index_cast %swap3A_3567 : i32 to index
      %swap3A_3569 = arith.index_cast %mul3A_3566 : i32 to index
      %swap3A_3570 = tpu.vector_load %arg9[%swap3A_3568, %swap3A_3569] {strides = array<i32>} : memref<32x1024xf32, #tpu.memory_space<vmem>>, vector<1x16xf32>,
      %swap3A_3571 = vector.shape_cast %swap3A_3570 : vector<1x16xf32> to vector<16xf32>
      %swap3A_3572 = vector.shape_cast %add3A_3564 : vector<16xf32> to vector<1x16xf32>
      tpu.vector_store %arg9[%swap3A_3568, %swap3A_3569], %swap3A_3572 {strides = array<i32>} : memref<32x1024xf32, #tpu.memory_space<vmem>>, vector<1x16xf32>,
      %mul3A_3573 = arith.mulf %gather3A_1889, %get3A_3352 : vector<16xf32>
      %add3A_3574 = arith.addf %get3A_3347, %mul3A_3573 : vector<16xf32>
      %mul3A_3575 = arith.constant 16 : i32
      %mul3A_3576 = arith.muli %scan3A_3340, %mul3A_3575 : i32
      %swap3A_3577 = arith.constant 22 : i32
      %swap3A_3578 = arith.index_cast %swap3A_3577 : i32 to index
      %swap3A_3579 = arith.index_cast %mul3A_3576 : i32 to index
      %swap3A_3580 = tpu.vector_load %arg9[%swap3A_3578, %swap3A_3579] {strides = array<i32>} : memref<32x1024xf32, #tpu.memory_space<vmem>>, vector<1x16xf32>,
      %swap3A_3581 = vector.shape_cast %swap3A_3580 : vector<1x16xf32> to vector<16xf32>
      %swap3A_3582 = vector.shape_cast %add3A_3574 : vector<16xf32> to vector<1x16xf32>
      tpu.vector_store %arg9[%swap3A_3578, %swap3A_3579], %swap3A_3582 {strides = array<i32>} : memref<32x1024xf32, #tpu.memory_space<vmem>>, vector<1x16xf32>,
      %mul3A_3583 = arith.mulf %gather3A_1905, %get3A_3352 : vector<16xf32>
      %add3A_3584 = arith.addf %get3A_3347, %mul3A_3583 : vector<16xf32>
      %mul3A_3585 = arith.constant 16 : i32
      %mul3A_3586 = arith.muli %scan3A_3340, %mul3A_3585 : i32
      %swap3A_3587 = arith.constant 23 : i32
      %swap3A_3588 = arith.index_cast %swap3A_3587 : i32 to index
      %swap3A_3589 = arith.index_cast %mul3A_3586 : i32 to index
      %swap3A_3590 = tpu.vector_load %arg9[%swap3A_3588, %swap3A_3589] {strides = array<i32>} : memref<32x1024xf32, #tpu.memory_space<vmem>>, vector<1x16xf32>,
      %swap3A_3591 = vector.shape_cast %swap3A_3590 : vector<1x16xf32> to vector<16xf32>
      %swap3A_3592 = vector.shape_cast %add3A_3584 : vector<16xf32> to vector<1x16xf32>
      tpu.vector_store %arg9[%swap3A_3588, %swap3A_3589], %swap3A_3592 {strides = array<i32>} : memref<32x1024xf32, #tpu.memory_space<vmem>>, vector<1x16xf32>,
      %mul3A_3593 = arith.mulf %gather3A_1921, %get3A_3352 : vector<16xf32>
      %add3A_3594 = arith.addf %get3A_3347, %mul3A_3593 : vector<16xf32>
      %mul3A_3595 = arith.constant 16 : i32
      %mul3A_3596 = arith.muli %scan3A_3340, %mul3A_3595 : i32
      %swap3A_3597 = arith.constant 24 : i32
      %swap3A_3598 = arith.index_cast %swap3A_3597 : i32 to index
      %swap3A_3599 = arith.index_cast %mul3A_3596 : i32 to index
      %swap3A_3600 = tpu.vector_load %arg9[%swap3A_3598, %swap3A_3599] {strides = array<i32>} : memref<32x1024xf32, #tpu.memory_space<vmem>>, vector<1x16xf32>,
      %swap3A_3601 = vector.shape_cast %swap3A_3600 : vector<1x16xf32> to vector<16xf32>
      %swap3A_3602 = vector.shape_cast %add3A_3594 : vector<16xf32> to vector<1x16xf32>
      tpu.vector_store %arg9[%swap3A_3598, %swap3A_3599], %swap3A_3602 {strides = array<i32>} : memref<32x1024xf32, #tpu.memory_space<vmem>>, vector<1x16xf32>,
      %mul3A_3603 = arith.mulf %gather3A_1937, %get3A_3352 : vector<16xf32>
      %add3A_3604 = arith.addf %get3A_3347, %mul3A_3603 : vector<16xf32>
      %mul3A_3605 = arith.constant 16 : i32
      %mul3A_3606 = arith.muli %scan3A_3340, %mul3A_3605 : i32
      %swap3A_3607 = arith.constant 25 : i32
      %swap3A_3608 = arith.index_cast %swap3A_3607 : i32 to index
      %swap3A_3609 = arith.index_cast %mul3A_3606 : i32 to index
      %swap3A_3610 = tpu.vector_load %arg9[%swap3A_3608, %swap3A_3609] {strides = array<i32>} : memref<32x1024xf32, #tpu.memory_space<vmem>>, vector<1x16xf32>,
      %swap3A_3611 = vector.shape_cast %swap3A_3610 : vector<1x16xf32> to vector<16xf32>
      %swap3A_3612 = vector.shape_cast %add3A_3604 : vector<16xf32> to vector<1x16xf32>
      tpu.vector_store %arg9[%swap3A_3608, %swap3A_3609], %swap3A_3612 {strides = array<i32>} : memref<32x1024xf32, #tpu.memory_space<vmem>>, vector<1x16xf32>,
      %mul3A_3613 = arith.mulf %gather3A_1953, %get3A_3352 : vector<16xf32>
      %add3A_3614 = arith.addf %get3A_3347, %mul3A_3613 : vector<16xf32>
      %mul3A_3615 = arith.constant 16 : i32
      %mul3A_3616 = arith.muli %scan3A_3340, %mul3A_3615 : i32
      %swap3A_3617 = arith.constant 26 : i32
      %swap3A_3618 = arith.index_cast %swap3A_3617 : i32 to index
      %swap3A_3619 = arith.index_cast %mul3A_3616 : i32 to index
      %swap3A_3620 = tpu.vector_load %arg9[%swap3A_3618, %swap3A_3619] {strides = array<i32>} : memref<32x1024xf32, #tpu.memory_space<vmem>>, vector<1x16xf32>,
      %swap3A_3621 = vector.shape_cast %swap3A_3620 : vector<1x16xf32> to vector<16xf32>
      %swap3A_3622 = vector.shape_cast %add3A_3614 : vector<16xf32> to vector<1x16xf32>
      tpu.vector_store %arg9[%swap3A_3618, %swap3A_3619], %swap3A_3622 {strides = array<i32>} : memref<32x1024xf32, #tpu.memory_space<vmem>>, vector<1x16xf32>,
      %mul3A_3623 = arith.mulf %gather3A_1969, %get3A_3352 : vector<16xf32>
      %add3A_3624 = arith.addf %get3A_3347, %mul3A_3623 : vector<16xf32>
      %mul3A_3625 = arith.constant 16 : i32
      %mul3A_3626 = arith.muli %scan3A_3340, %mul3A_3625 : i32
      %swap3A_3627 = arith.constant 27 : i32
      %swap3A_3628 = arith.index_cast %swap3A_3627 : i32 to index
      %swap3A_3629 = arith.index_cast %mul3A_3626 : i32 to index
      %swap3A_3630 = tpu.vector_load %arg9[%swap3A_3628, %swap3A_3629] {strides = array<i32>} : memref<32x1024xf32, #tpu.memory_space<vmem>>, vector<1x16xf32>,
      %swap3A_3631 = vector.shape_cast %swap3A_3630 : vector<1x16xf32> to vector<16xf32>
      %swap3A_3632 = vector.shape_cast %add3A_3624 : vector<16xf32> to vector<1x16xf32>
      tpu.vector_store %arg9[%swap3A_3628, %swap3A_3629], %swap3A_3632 {strides = array<i32>} : memref<32x1024xf32, #tpu.memory_space<vmem>>, vector<1x16xf32>,
      %mul3A_3633 = arith.mulf %gather3A_1985, %get3A_3352 : vector<16xf32>
      %add3A_3634 = arith.addf %get3A_3347, %mul3A_3633 : vector<16xf32>
      %mul3A_3635 = arith.constant 16 : i32
      %mul3A_3636 = arith.muli %scan3A_3340, %mul3A_3635 : i32
      %swap3A_3637 = arith.constant 28 : i32
      %swap3A_3638 = arith.index_cast %swap3A_3637 : i32 to index
      %swap3A_3639 = arith.index_cast %mul3A_3636 : i32 to index
      %swap3A_3640 = tpu.vector_load %arg9[%swap3A_3638, %swap3A_3639] {strides = array<i32>} : memref<32x1024xf32, #tpu.memory_space<vmem>>, vector<1x16xf32>,
      %swap3A_3641 = vector.shape_cast %swap3A_3640 : vector<1x16xf32> to vector<16xf32>
      %swap3A_3642 = vector.shape_cast %add3A_3634 : vector<16xf32> to vector<1x16xf32>
      tpu.vector_store %arg9[%swap3A_3638, %swap3A_3639], %swap3A_3642 {strides = array<i32>} : memref<32x1024xf32, #tpu.memory_space<vmem>>, vector<1x16xf32>,
      %mul3A_3643 = arith.mulf %gather3A_2001, %get3A_3352 : vector<16xf32>
      %add3A_3644 = arith.addf %get3A_3347, %mul3A_3643 : vector<16xf32>
      %mul3A_3645 = arith.constant 16 : i32
      %mul3A_3646 = arith.muli %scan3A_3340, %mul3A_3645 : i32
      %swap3A_3647 = arith.constant 29 : i32
      %swap3A_3648 = arith.index_cast %swap3A_3647 : i32 to index
      %swap3A_3649 = arith.index_cast %mul3A_3646 : i32 to index
      %swap3A_3650 = tpu.vector_load %arg9[%swap3A_3648, %swap3A_3649] {strides = array<i32>} : memref<32x1024xf32, #tpu.memory_space<vmem>>, vector<1x16xf32>,
      %swap3A_3651 = vector.shape_cast %swap3A_3650 : vector<1x16xf32> to vector<16xf32>
      %swap3A_3652 = vector.shape_cast %add3A_3644 : vector<16xf32> to vector<1x16xf32>
      tpu.vector_store %arg9[%swap3A_3648, %swap3A_3649], %swap3A_3652 {strides = array<i32>} : memref<32x1024xf32, #tpu.memory_space<vmem>>, vector<1x16xf32>,
      %mul3A_3653 = arith.mulf %gather3A_2017, %get3A_3352 : vector<16xf32>
      %add3A_3654 = arith.addf %get3A_3347, %mul3A_3653 : vector<16xf32>
      %mul3A_3655 = arith.constant 16 : i32
      %mul3A_3656 = arith.muli %scan3A_3340, %mul3A_3655 : i32
      %swap3A_3657 = arith.constant 30 : i32
      %swap3A_3658 = arith.index_cast %swap3A_3657 : i32 to index
      %swap3A_3659 = arith.index_cast %mul3A_3656 : i32 to index
      %swap3A_3660 = tpu.vector_load %arg9[%swap3A_3658, %swap3A_3659] {strides = array<i32>} : memref<32x1024xf32, #tpu.memory_space<vmem>>, vector<1x16xf32>,
      %swap3A_3661 = vector.shape_cast %swap3A_3660 : vector<1x16xf32> to vector<16xf32>
      %swap3A_3662 = vector.shape_cast %add3A_3654 : vector<16xf32> to vector<1x16xf32>
      tpu.vector_store %arg9[%swap3A_3658, %swap3A_3659], %swap3A_3662 {strides = array<i32>} : memref<32x1024xf32, #tpu.memory_space<vmem>>, vector<1x16xf32>,
      %mul3A_3663 = arith.mulf %gather3A_2033, %get3A_3352 : vector<16xf32>
      %add3A_3664 = arith.addf %get3A_3347, %mul3A_3663 : vector<16xf32>
      %mul3A_3665 = arith.constant 16 : i32
      %mul3A_3666 = arith.muli %scan3A_3340, %mul3A_3665 : i32
      %swap3A_3667 = arith.constant 31 : i32
      %swap3A_3668 = arith.index_cast %swap3A_3667 : i32 to index
      %swap3A_3669 = arith.index_cast %mul3A_3666 : i32 to index
      %swap3A_3670 = tpu.vector_load %arg9[%swap3A_3668, %swap3A_3669] {strides = array<i32>} : memref<32x1024xf32, #tpu.memory_space<vmem>>, vector<1x16xf32>,
      %swap3A_3671 = vector.shape_cast %swap3A_3670 : vector<1x16xf32> to vector<16xf32>
      %swap3A_3672 = vector.shape_cast %add3A_3664 : vector<16xf32> to vector<1x16xf32>
      tpu.vector_store %arg9[%swap3A_3668, %swap3A_3669], %swap3A_3672 {strides = array<i32>} : memref<32x1024xf32, #tpu.memory_space<vmem>>, vector<1x16xf32>,
    }
    %scan3A_2038 = arith.constant 64 : i32
    %add3A_2039 = arith.constant 32 : i32
    %add3A_2040 = arith.addi %mul3A_2, %add3A_2039 : i32
    %dma_start3A_2041 = arith.constant 0 : i32
    %dma_start3A_2042 = arith.constant 0 : i32
    %dma_start3A_2043 = tpu.memref_slice %arg4[%dma_start3A_2041, %add3A_2040, %dma_start3A_2042] : memref<4x4096x1024xf32, #tpu.memory_space<hbm>> -> memref<1x32x1024xf32, #tpu.memory_space<hbm>>
    %dma_start3A_2044 = tpu.memref_squeeze %dma_start3A_2043 : memref<1x32x1024xf32, #tpu.memory_space<hbm>> -> memref<32x1024xf32, #tpu.memory_space<hbm>>
    %dma_start3A_2045 = arith.constant 0 : i32
    %dma_start3A_2046 = tpu.memref_slice %arg4[%dma_start3A_2041, %add3A_2040, %dma_start3A_2045] : memref<4x4096x1024xf32, #tpu.memory_space<hbm>> -> memref<1x32x1024xf32, #tpu.memory_space<hbm>>
    %dma_start3A_2047 = tpu.memref_squeeze %dma_start3A_2046 : memref<1x32x1024xf32, #tpu.memory_space<hbm>> -> memref<32x1024xf32, #tpu.memory_space<hbm>>
    tpu.enqueue_dma source(%arg9 : memref<32x1024xf32, #tpu.memory_space<vmem>>) target(%dma_start3A_2047 : memref<32x1024xf32, #tpu.memory_space<hbm>>) target_semaphore(%arg12 : memref<!tpu.dma_semaphore, #tpu.memory_space<semaphore_mem>>)
    %add3A_2048 = arith.constant 32 : i32
    %add3A_2049 = arith.addi %mul3A_2, %add3A_2048 : i32
    %dma_start3A_2050 = arith.constant 1 : i32
    %dma_start3A_2051 = arith.constant 0 : i32
    %dma_start3A_2052 = tpu.memref_slice %arg4[%dma_start3A_2050, %add3A_2049, %dma_start3A_2051] : memref<4x4096x1024xf32, #tpu.memory_space<hbm>> -> memref<1x32x1024xf32, #tpu.memory_space<hbm>>
    %dma_start3A_2053 = tpu.memref_squeeze %dma_start3A_2052 : memref<1x32x1024xf32, #tpu.memory_space<hbm>> -> memref<32x1024xf32, #tpu.memory_space<hbm>>
    %dma_start3A_2054 = arith.constant 0 : i32
    %dma_start3A_2055 = tpu.memref_slice %arg4[%dma_start3A_2050, %add3A_2049, %dma_start3A_2054] : memref<4x4096x1024xf32, #tpu.memory_space<hbm>> -> memref<1x32x1024xf32, #tpu.memory_space<hbm>>
    %dma_start3A_2056 = tpu.memref_squeeze %dma_start3A_2055 : memref<1x32x1024xf32, #tpu.memory_space<hbm>> -> memref<32x1024xf32, #tpu.memory_space<hbm>>
    tpu.enqueue_dma source(%arg9 : memref<32x1024xf32, #tpu.memory_space<vmem>>) target(%dma_start3A_2056 : memref<32x1024xf32, #tpu.memory_space<hbm>>) target_semaphore(%arg12 : memref<!tpu.dma_semaphore, #tpu.memory_space<semaphore_mem>>)
    %add3A_2057 = arith.constant 32 : i32
    %add3A_2058 = arith.addi %mul3A_2, %add3A_2057 : i32
    %dma_start3A_2059 = arith.constant 2 : i32
    %dma_start3A_2060 = arith.constant 0 : i32
    %dma_start3A_2061 = tpu.memref_slice %arg4[%dma_start3A_2059, %add3A_2058, %dma_start3A_2060] : memref<4x4096x1024xf32, #tpu.memory_space<hbm>> -> memref<1x32x1024xf32, #tpu.memory_space<hbm>>
    %dma_start3A_2062 = tpu.memref_squeeze %dma_start3A_2061 : memref<1x32x1024xf32, #tpu.memory_space<hbm>> -> memref<32x1024xf32, #tpu.memory_space<hbm>>
    %dma_start3A_2063 = arith.constant 0 : i32
    %dma_start3A_2064 = tpu.memref_slice %arg4[%dma_start3A_2059, %add3A_2058, %dma_start3A_2063] : memref<4x4096x1024xf32, #tpu.memory_space<hbm>> -> memref<1x32x1024xf32, #tpu.memory_space<hbm>>
    %dma_start3A_2065 = tpu.memref_squeeze %dma_start3A_2064 : memref<1x32x1024xf32, #tpu.memory_space<hbm>> -> memref<32x1024xf32, #tpu.memory_space<hbm>>
    tpu.enqueue_dma source(%arg9 : memref<32x1024xf32, #tpu.memory_space<vmem>>) target(%dma_start3A_2065 : memref<32x1024xf32, #tpu.memory_space<hbm>>) target_semaphore(%arg12 : memref<!tpu.dma_semaphore, #tpu.memory_space<semaphore_mem>>)
    %add3A_2066 = arith.constant 32 : i32
    %add3A_2067 = arith.addi %mul3A_2, %add3A_2066 : i32
    %dma_start3A_2068 = arith.constant 3 : i32
    %dma_start3A_2069 = arith.constant 0 : i32
    %dma_start3A_2070 = tpu.memref_slice %arg4[%dma_start3A_2068, %add3A_2067, %dma_start3A_2069] : memref<4x4096x1024xf32, #tpu.memory_space<hbm>> -> memref<1x32x1024xf32, #tpu.memory_space<hbm>>
    %dma_start3A_2071 = tpu.memref_squeeze %dma_start3A_2070 : memref<1x32x1024xf32, #tpu.memory_space<hbm>> -> memref<32x1024xf32, #tpu.memory_space<hbm>>
    %dma_start3A_2072 = arith.constant 0 : i32
    %dma_start3A_2073 = tpu.memref_slice %arg4[%dma_start3A_2068, %add3A_2067, %dma_start3A_2072] : memref<4x4096x1024xf32, #tpu.memory_space<hbm>> -> memref<1x32x1024xf32, #tpu.memory_space<hbm>>
    %dma_start3A_2074 = tpu.memref_squeeze %dma_start3A_2073 : memref<1x32x1024xf32, #tpu.memory_space<hbm>> -> memref<32x1024xf32, #tpu.memory_space<hbm>>
    tpu.enqueue_dma source(%arg9 : memref<32x1024xf32, #tpu.memory_space<vmem>>) target(%dma_start3A_2074 : memref<32x1024xf32, #tpu.memory_space<hbm>>) target_semaphore(%arg12 : memref<!tpu.dma_semaphore, #tpu.memory_space<semaphore_mem>>)
    %get3A_2075 = arith.constant 64 : index
    %get3A_2076 = tpu.vector_load %arg7[%get3A_2075] {strides = array<i32>} : memref<128xi32, #tpu.memory_space<vmem>>, vector<16xi32>,
    %get3A_2077 = vector.shape_cast %get3A_2076 : vector<16xi32> to vector<16xi32>
    %convert_element_type3A_2078 = arith.sitofp %get3A_2077 : vector<16xi32> to vector<16xf32>
    %mul3A_2079 = arith.constant 0 : i32
    %mul3A_2080 = vector.broadcast %mul3A_2079 : i32 to vector<16xi32>
    %mul3A_2081 = arith.muli %mul3A_2080, %iota3A : vector<16xi32>
    %add3A_2082 = arith.constant 0 : i32
    %add3A_2083 = vector.broadcast %add3A_2082 : i32 to vector<16xi32>
    %add3A_2084 = arith.addi %add3A_2083, %mul3A_2081 : vector<16xi32>
    %lt3A_2085 = arith.constant 0 : i32
    %lt3A_2086 = vector.broadcast %lt3A_2085 : i32 to vector<16xi32>
    %lt3A_2087 = arith.cmpi slt, %add3A_2084, %lt3A_2086 : vector<16xi32>
    %add3A_2088 = arith.constant 16 : i32
    %add3A_2089 = vector.broadcast %add3A_2088 : i32 to vector<16xi32>
    %add3A_2090 = arith.addi %add3A_2084, %add3A_2089 : vector<16xi32>
    %select_n3A_2091 = arith.select %lt3A_2087, %add3A_2090, %add3A_2084 : vector<16xi1>, vector<16xi32>
    %reshape3A_2092 = vector.shape_cast %select_n3A_2091 : vector<16xi32> to vector<16x1xi32>
    %gather3A_2093 = vector.shape_cast %reshape3A_2092 : vector<16x1xi32> to vector<16xi32>
    %gather3A_2094 = tpu.dynamic_gather %convert_element_type3A_2078[%gather3A_2093] in [0] : vector<16xf32>, vector<16xi32> -> vector<16xf32>
    %mul3A_2095 = arith.constant 0 : i32
    %mul3A_2096 = vector.broadcast %mul3A_2095 : i32 to vector<16xi32>
    %mul3A_2097 = arith.muli %mul3A_2096, %iota3A : vector<16xi32>
    %add3A_2098 = arith.constant 1 : i32
    %add3A_2099 = vector.broadcast %add3A_2098 : i32 to vector<16xi32>
    %add3A_2100 = arith.addi %add3A_2099, %mul3A_2097 : vector<16xi32>
    %lt3A_2101 = arith.constant 0 : i32
    %lt3A_2102 = vector.broadcast %lt3A_2101 : i32 to vector<16xi32>
    %lt3A_2103 = arith.cmpi slt, %add3A_2100, %lt3A_2102 : vector<16xi32>
    %add3A_2104 = arith.constant 16 : i32
    %add3A_2105 = vector.broadcast %add3A_2104 : i32 to vector<16xi32>
    %add3A_2106 = arith.addi %add3A_2100, %add3A_2105 : vector<16xi32>
    %select_n3A_2107 = arith.select %lt3A_2103, %add3A_2106, %add3A_2100 : vector<16xi1>, vector<16xi32>
    %reshape3A_2108 = vector.shape_cast %select_n3A_2107 : vector<16xi32> to vector<16x1xi32>
    %gather3A_2109 = vector.shape_cast %reshape3A_2108 : vector<16x1xi32> to vector<16xi32>
    %gather3A_2110 = tpu.dynamic_gather %convert_element_type3A_2078[%gather3A_2109] in [0] : vector<16xf32>, vector<16xi32> -> vector<16xf32>
    %mul3A_2111 = arith.constant 0 : i32
    %mul3A_2112 = vector.broadcast %mul3A_2111 : i32 to vector<16xi32>
    %mul3A_2113 = arith.muli %mul3A_2112, %iota3A : vector<16xi32>
    %add3A_2114 = arith.constant 2 : i32
    %add3A_2115 = vector.broadcast %add3A_2114 : i32 to vector<16xi32>
    %add3A_2116 = arith.addi %add3A_2115, %mul3A_2113 : vector<16xi32>
    %lt3A_2117 = arith.constant 0 : i32
    %lt3A_2118 = vector.broadcast %lt3A_2117 : i32 to vector<16xi32>
    %lt3A_2119 = arith.cmpi slt, %add3A_2116, %lt3A_2118 : vector<16xi32>
    %add3A_2120 = arith.constant 16 : i32
    %add3A_2121 = vector.broadcast %add3A_2120 : i32 to vector<16xi32>
    %add3A_2122 = arith.addi %add3A_2116, %add3A_2121 : vector<16xi32>
    %select_n3A_2123 = arith.select %lt3A_2119, %add3A_2122, %add3A_2116 : vector<16xi1>, vector<16xi32>
    %reshape3A_2124 = vector.shape_cast %select_n3A_2123 : vector<16xi32> to vector<16x1xi32>
    %gather3A_2125 = vector.shape_cast %reshape3A_2124 : vector<16x1xi32> to vector<16xi32>
    %gather3A_2126 = tpu.dynamic_gather %convert_element_type3A_2078[%gather3A_2125] in [0] : vector<16xf32>, vector<16xi32> -> vector<16xf32>
    %mul3A_2127 = arith.constant 0 : i32
    %mul3A_2128 = vector.broadcast %mul3A_2127 : i32 to vector<16xi32>
    %mul3A_2129 = arith.muli %mul3A_2128, %iota3A : vector<16xi32>
    %add3A_2130 = arith.constant 3 : i32
    %add3A_2131 = vector.broadcast %add3A_2130 : i32 to vector<16xi32>
    %add3A_2132 = arith.addi %add3A_2131, %mul3A_2129 : vector<16xi32>
    %lt3A_2133 = arith.constant 0 : i32
    %lt3A_2134 = vector.broadcast %lt3A_2133 : i32 to vector<16xi32>
    %lt3A_2135 = arith.cmpi slt, %add3A_2132, %lt3A_2134 : vector<16xi32>
    %add3A_2136 = arith.constant 16 : i32
    %add3A_2137 = vector.broadcast %add3A_2136 : i32 to vector<16xi32>
    %add3A_2138 = arith.addi %add3A_2132, %add3A_2137 : vector<16xi32>
    %select_n3A_2139 = arith.select %lt3A_2135, %add3A_2138, %add3A_2132 : vector<16xi1>, vector<16xi32>
    %reshape3A_2140 = vector.shape_cast %select_n3A_2139 : vector<16xi32> to vector<16x1xi32>
    %gather3A_2141 = vector.shape_cast %reshape3A_2140 : vector<16x1xi32> to vector<16xi32>
    %gather3A_2142 = tpu.dynamic_gather %convert_element_type3A_2078[%gather3A_2141] in [0] : vector<16xf32>, vector<16xi32> -> vector<16xf32>
    %mul3A_2143 = arith.constant 0 : i32
    %mul3A_2144 = vector.broadcast %mul3A_2143 : i32 to vector<16xi32>
    %mul3A_2145 = arith.muli %mul3A_2144, %iota3A : vector<16xi32>
    %add3A_2146 = arith.constant 4 : i32
    %add3A_2147 = vector.broadcast %add3A_2146 : i32 to vector<16xi32>
    %add3A_2148 = arith.addi %add3A_2147, %mul3A_2145 : vector<16xi32>
    %lt3A_2149 = arith.constant 0 : i32
    %lt3A_2150 = vector.broadcast %lt3A_2149 : i32 to vector<16xi32>
    %lt3A_2151 = arith.cmpi slt, %add3A_2148, %lt3A_2150 : vector<16xi32>
    %add3A_2152 = arith.constant 16 : i32
    %add3A_2153 = vector.broadcast %add3A_2152 : i32 to vector<16xi32>
    %add3A_2154 = arith.addi %add3A_2148, %add3A_2153 : vector<16xi32>
    %select_n3A_2155 = arith.select %lt3A_2151, %add3A_2154, %add3A_2148 : vector<16xi1>, vector<16xi32>
    %reshape3A_2156 = vector.shape_cast %select_n3A_2155 : vector<16xi32> to vector<16x1xi32>
    %gather3A_2157 = vector.shape_cast %reshape3A_2156 : vector<16x1xi32> to vector<16xi32>
    %gather3A_2158 = tpu.dynamic_gather %convert_element_type3A_2078[%gather3A_2157] in [0] : vector<16xf32>, vector<16xi32> -> vector<16xf32>
    %mul3A_2159 = arith.constant 0 : i32
    %mul3A_2160 = vector.broadcast %mul3A_2159 : i32 to vector<16xi32>
    %mul3A_2161 = arith.muli %mul3A_2160, %iota3A : vector<16xi32>
    %add3A_2162 = arith.constant 5 : i32
    %add3A_2163 = vector.broadcast %add3A_2162 : i32 to vector<16xi32>
    %add3A_2164 = arith.addi %add3A_2163, %mul3A_2161 : vector<16xi32>
    %lt3A_2165 = arith.constant 0 : i32
    %lt3A_2166 = vector.broadcast %lt3A_2165 : i32 to vector<16xi32>
    %lt3A_2167 = arith.cmpi slt, %add3A_2164, %lt3A_2166 : vector<16xi32>
    %add3A_2168 = arith.constant 16 : i32
    %add3A_2169 = vector.broadcast %add3A_2168 : i32 to vector<16xi32>
    %add3A_2170 = arith.addi %add3A_2164, %add3A_2169 : vector<16xi32>
    %select_n3A_2171 = arith.select %lt3A_2167, %add3A_2170, %add3A_2164 : vector<16xi1>, vector<16xi32>
    %reshape3A_2172 = vector.shape_cast %select_n3A_2171 : vector<16xi32> to vector<16x1xi32>
    %gather3A_2173 = vector.shape_cast %reshape3A_2172 : vector<16x1xi32> to vector<16xi32>
    %gather3A_2174 = tpu.dynamic_gather %convert_element_type3A_2078[%gather3A_2173] in [0] : vector<16xf32>, vector<16xi32> -> vector<16xf32>
    %mul3A_2175 = arith.constant 0 : i32
    %mul3A_2176 = vector.broadcast %mul3A_2175 : i32 to vector<16xi32>
    %mul3A_2177 = arith.muli %mul3A_2176, %iota3A : vector<16xi32>
    %add3A_2178 = arith.constant 6 : i32
    %add3A_2179 = vector.broadcast %add3A_2178 : i32 to vector<16xi32>
    %add3A_2180 = arith.addi %add3A_2179, %mul3A_2177 : vector<16xi32>
    %lt3A_2181 = arith.constant 0 : i32
    %lt3A_2182 = vector.broadcast %lt3A_2181 : i32 to vector<16xi32>
    %lt3A_2183 = arith.cmpi slt, %add3A_2180, %lt3A_2182 : vector<16xi32>
    %add3A_2184 = arith.constant 16 : i32
    %add3A_2185 = vector.broadcast %add3A_2184 : i32 to vector<16xi32>
    %add3A_2186 = arith.addi %add3A_2180, %add3A_2185 : vector<16xi32>
    %select_n3A_2187 = arith.select %lt3A_2183, %add3A_2186, %add3A_2180 : vector<16xi1>, vector<16xi32>
    %reshape3A_2188 = vector.shape_cast %select_n3A_2187 : vector<16xi32> to vector<16x1xi32>
    %gather3A_2189 = vector.shape_cast %reshape3A_2188 : vector<16x1xi32> to vector<16xi32>
    %gather3A_2190 = tpu.dynamic_gather %convert_element_type3A_2078[%gather3A_2189] in [0] : vector<16xf32>, vector<16xi32> -> vector<16xf32>
    %mul3A_2191 = arith.constant 0 : i32
    %mul3A_2192 = vector.broadcast %mul3A_2191 : i32 to vector<16xi32>
    %mul3A_2193 = arith.muli %mul3A_2192, %iota3A : vector<16xi32>
    %add3A_2194 = arith.constant 7 : i32
    %add3A_2195 = vector.broadcast %add3A_2194 : i32 to vector<16xi32>
    %add3A_2196 = arith.addi %add3A_2195, %mul3A_2193 : vector<16xi32>
    %lt3A_2197 = arith.constant 0 : i32
    %lt3A_2198 = vector.broadcast %lt3A_2197 : i32 to vector<16xi32>
    %lt3A_2199 = arith.cmpi slt, %add3A_2196, %lt3A_2198 : vector<16xi32>
    %add3A_2200 = arith.constant 16 : i32
    %add3A_2201 = vector.broadcast %add3A_2200 : i32 to vector<16xi32>
    %add3A_2202 = arith.addi %add3A_2196, %add3A_2201 : vector<16xi32>
    %select_n3A_2203 = arith.select %lt3A_2199, %add3A_2202, %add3A_2196 : vector<16xi1>, vector<16xi32>
    %reshape3A_2204 = vector.shape_cast %select_n3A_2203 : vector<16xi32> to vector<16x1xi32>
    %gather3A_2205 = vector.shape_cast %reshape3A_2204 : vector<16x1xi32> to vector<16xi32>
    %gather3A_2206 = tpu.dynamic_gather %convert_element_type3A_2078[%gather3A_2205] in [0] : vector<16xf32>, vector<16xi32> -> vector<16xf32>
    %mul3A_2207 = arith.constant 0 : i32
    %mul3A_2208 = vector.broadcast %mul3A_2207 : i32 to vector<16xi32>
    %mul3A_2209 = arith.muli %mul3A_2208, %iota3A : vector<16xi32>
    %add3A_2210 = arith.constant 8 : i32
    %add3A_2211 = vector.broadcast %add3A_2210 : i32 to vector<16xi32>
    %add3A_2212 = arith.addi %add3A_2211, %mul3A_2209 : vector<16xi32>
    %lt3A_2213 = arith.constant 0 : i32
    %lt3A_2214 = vector.broadcast %lt3A_2213 : i32 to vector<16xi32>
    %lt3A_2215 = arith.cmpi slt, %add3A_2212, %lt3A_2214 : vector<16xi32>
    %add3A_2216 = arith.constant 16 : i32
    %add3A_2217 = vector.broadcast %add3A_2216 : i32 to vector<16xi32>
    %add3A_2218 = arith.addi %add3A_2212, %add3A_2217 : vector<16xi32>
    %select_n3A_2219 = arith.select %lt3A_2215, %add3A_2218, %add3A_2212 : vector<16xi1>, vector<16xi32>
    %reshape3A_2220 = vector.shape_cast %select_n3A_2219 : vector<16xi32> to vector<16x1xi32>
    %gather3A_2221 = vector.shape_cast %reshape3A_2220 : vector<16x1xi32> to vector<16xi32>
    %gather3A_2222 = tpu.dynamic_gather %convert_element_type3A_2078[%gather3A_2221] in [0] : vector<16xf32>, vector<16xi32> -> vector<16xf32>
    %mul3A_2223 = arith.constant 0 : i32
    %mul3A_2224 = vector.broadcast %mul3A_2223 : i32 to vector<16xi32>
    %mul3A_2225 = arith.muli %mul3A_2224, %iota3A : vector<16xi32>
    %add3A_2226 = arith.constant 9 : i32
    %add3A_2227 = vector.broadcast %add3A_2226 : i32 to vector<16xi32>
    %add3A_2228 = arith.addi %add3A_2227, %mul3A_2225 : vector<16xi32>
    %lt3A_2229 = arith.constant 0 : i32
    %lt3A_2230 = vector.broadcast %lt3A_2229 : i32 to vector<16xi32>
    %lt3A_2231 = arith.cmpi slt, %add3A_2228, %lt3A_2230 : vector<16xi32>
    %add3A_2232 = arith.constant 16 : i32
    %add3A_2233 = vector.broadcast %add3A_2232 : i32 to vector<16xi32>
    %add3A_2234 = arith.addi %add3A_2228, %add3A_2233 : vector<16xi32>
    %select_n3A_2235 = arith.select %lt3A_2231, %add3A_2234, %add3A_2228 : vector<16xi1>, vector<16xi32>
    %reshape3A_2236 = vector.shape_cast %select_n3A_2235 : vector<16xi32> to vector<16x1xi32>
    %gather3A_2237 = vector.shape_cast %reshape3A_2236 : vector<16x1xi32> to vector<16xi32>
    %gather3A_2238 = tpu.dynamic_gather %convert_element_type3A_2078[%gather3A_2237] in [0] : vector<16xf32>, vector<16xi32> -> vector<16xf32>
    %mul3A_2239 = arith.constant 0 : i32
    %mul3A_2240 = vector.broadcast %mul3A_2239 : i32 to vector<16xi32>
    %mul3A_2241 = arith.muli %mul3A_2240, %iota3A : vector<16xi32>
    %add3A_2242 = arith.constant 10 : i32
    %add3A_2243 = vector.broadcast %add3A_2242 : i32 to vector<16xi32>
    %add3A_2244 = arith.addi %add3A_2243, %mul3A_2241 : vector<16xi32>
    %lt3A_2245 = arith.constant 0 : i32
    %lt3A_2246 = vector.broadcast %lt3A_2245 : i32 to vector<16xi32>
    %lt3A_2247 = arith.cmpi slt, %add3A_2244, %lt3A_2246 : vector<16xi32>
    %add3A_2248 = arith.constant 16 : i32
    %add3A_2249 = vector.broadcast %add3A_2248 : i32 to vector<16xi32>
    %add3A_2250 = arith.addi %add3A_2244, %add3A_2249 : vector<16xi32>
    %select_n3A_2251 = arith.select %lt3A_2247, %add3A_2250, %add3A_2244 : vector<16xi1>, vector<16xi32>
    %reshape3A_2252 = vector.shape_cast %select_n3A_2251 : vector<16xi32> to vector<16x1xi32>
    %gather3A_2253 = vector.shape_cast %reshape3A_2252 : vector<16x1xi32> to vector<16xi32>
    %gather3A_2254 = tpu.dynamic_gather %convert_element_type3A_2078[%gather3A_2253] in [0] : vector<16xf32>, vector<16xi32> -> vector<16xf32>
    %mul3A_2255 = arith.constant 0 : i32
    %mul3A_2256 = vector.broadcast %mul3A_2255 : i32 to vector<16xi32>
    %mul3A_2257 = arith.muli %mul3A_2256, %iota3A : vector<16xi32>
    %add3A_2258 = arith.constant 11 : i32
    %add3A_2259 = vector.broadcast %add3A_2258 : i32 to vector<16xi32>
    %add3A_2260 = arith.addi %add3A_2259, %mul3A_2257 : vector<16xi32>
    %lt3A_2261 = arith.constant 0 : i32
    %lt3A_2262 = vector.broadcast %lt3A_2261 : i32 to vector<16xi32>
    %lt3A_2263 = arith.cmpi slt, %add3A_2260, %lt3A_2262 : vector<16xi32>
    %add3A_2264 = arith.constant 16 : i32
    %add3A_2265 = vector.broadcast %add3A_2264 : i32 to vector<16xi32>
    %add3A_2266 = arith.addi %add3A_2260, %add3A_2265 : vector<16xi32>
    %select_n3A_2267 = arith.select %lt3A_2263, %add3A_2266, %add3A_2260 : vector<16xi1>, vector<16xi32>
    %reshape3A_2268 = vector.shape_cast %select_n3A_2267 : vector<16xi32> to vector<16x1xi32>
    %gather3A_2269 = vector.shape_cast %reshape3A_2268 : vector<16x1xi32> to vector<16xi32>
    %gather3A_2270 = tpu.dynamic_gather %convert_element_type3A_2078[%gather3A_2269] in [0] : vector<16xf32>, vector<16xi32> -> vector<16xf32>
    %mul3A_2271 = arith.constant 0 : i32
    %mul3A_2272 = vector.broadcast %mul3A_2271 : i32 to vector<16xi32>
    %mul3A_2273 = arith.muli %mul3A_2272, %iota3A : vector<16xi32>
    %add3A_2274 = arith.constant 12 : i32
    %add3A_2275 = vector.broadcast %add3A_2274 : i32 to vector<16xi32>
    %add3A_2276 = arith.addi %add3A_2275, %mul3A_2273 : vector<16xi32>
    %lt3A_2277 = arith.constant 0 : i32
    %lt3A_2278 = vector.broadcast %lt3A_2277 : i32 to vector<16xi32>
    %lt3A_2279 = arith.cmpi slt, %add3A_2276, %lt3A_2278 : vector<16xi32>
    %add3A_2280 = arith.constant 16 : i32
    %add3A_2281 = vector.broadcast %add3A_2280 : i32 to vector<16xi32>
    %add3A_2282 = arith.addi %add3A_2276, %add3A_2281 : vector<16xi32>
    %select_n3A_2283 = arith.select %lt3A_2279, %add3A_2282, %add3A_2276 : vector<16xi1>, vector<16xi32>
    %reshape3A_2284 = vector.shape_cast %select_n3A_2283 : vector<16xi32> to vector<16x1xi32>
    %gather3A_2285 = vector.shape_cast %reshape3A_2284 : vector<16x1xi32> to vector<16xi32>
    %gather3A_2286 = tpu.dynamic_gather %convert_element_type3A_2078[%gather3A_2285] in [0] : vector<16xf32>, vector<16xi32> -> vector<16xf32>
    %mul3A_2287 = arith.constant 0 : i32
    %mul3A_2288 = vector.broadcast %mul3A_2287 : i32 to vector<16xi32>
    %mul3A_2289 = arith.muli %mul3A_2288, %iota3A : vector<16xi32>
    %add3A_2290 = arith.constant 13 : i32
    %add3A_2291 = vector.broadcast %add3A_2290 : i32 to vector<16xi32>
    %add3A_2292 = arith.addi %add3A_2291, %mul3A_2289 : vector<16xi32>
    %lt3A_2293 = arith.constant 0 : i32
    %lt3A_2294 = vector.broadcast %lt3A_2293 : i32 to vector<16xi32>
    %lt3A_2295 = arith.cmpi slt, %add3A_2292, %lt3A_2294 : vector<16xi32>
    %add3A_2296 = arith.constant 16 : i32
    %add3A_2297 = vector.broadcast %add3A_2296 : i32 to vector<16xi32>
    %add3A_2298 = arith.addi %add3A_2292, %add3A_2297 : vector<16xi32>
    %select_n3A_2299 = arith.select %lt3A_2295, %add3A_2298, %add3A_2292 : vector<16xi1>, vector<16xi32>
    %reshape3A_2300 = vector.shape_cast %select_n3A_2299 : vector<16xi32> to vector<16x1xi32>
    %gather3A_2301 = vector.shape_cast %reshape3A_2300 : vector<16x1xi32> to vector<16xi32>
    %gather3A_2302 = tpu.dynamic_gather %convert_element_type3A_2078[%gather3A_2301] in [0] : vector<16xf32>, vector<16xi32> -> vector<16xf32>
    %mul3A_2303 = arith.constant 0 : i32
    %mul3A_2304 = vector.broadcast %mul3A_2303 : i32 to vector<16xi32>
    %mul3A_2305 = arith.muli %mul3A_2304, %iota3A : vector<16xi32>
    %add3A_2306 = arith.constant 14 : i32
    %add3A_2307 = vector.broadcast %add3A_2306 : i32 to vector<16xi32>
    %add3A_2308 = arith.addi %add3A_2307, %mul3A_2305 : vector<16xi32>
    %lt3A_2309 = arith.constant 0 : i32
    %lt3A_2310 = vector.broadcast %lt3A_2309 : i32 to vector<16xi32>
    %lt3A_2311 = arith.cmpi slt, %add3A_2308, %lt3A_2310 : vector<16xi32>
    %add3A_2312 = arith.constant 16 : i32
    %add3A_2313 = vector.broadcast %add3A_2312 : i32 to vector<16xi32>
    %add3A_2314 = arith.addi %add3A_2308, %add3A_2313 : vector<16xi32>
    %select_n3A_2315 = arith.select %lt3A_2311, %add3A_2314, %add3A_2308 : vector<16xi1>, vector<16xi32>
    %reshape3A_2316 = vector.shape_cast %select_n3A_2315 : vector<16xi32> to vector<16x1xi32>
    %gather3A_2317 = vector.shape_cast %reshape3A_2316 : vector<16x1xi32> to vector<16xi32>
    %gather3A_2318 = tpu.dynamic_gather %convert_element_type3A_2078[%gather3A_2317] in [0] : vector<16xf32>, vector<16xi32> -> vector<16xf32>
    %mul3A_2319 = arith.constant 0 : i32
    %mul3A_2320 = vector.broadcast %mul3A_2319 : i32 to vector<16xi32>
    %mul3A_2321 = arith.muli %mul3A_2320, %iota3A : vector<16xi32>
    %add3A_2322 = arith.constant 15 : i32
    %add3A_2323 = vector.broadcast %add3A_2322 : i32 to vector<16xi32>
    %add3A_2324 = arith.addi %add3A_2323, %mul3A_2321 : vector<16xi32>
    %lt3A_2325 = arith.constant 0 : i32
    %lt3A_2326 = vector.broadcast %lt3A_2325 : i32 to vector<16xi32>
    %lt3A_2327 = arith.cmpi slt, %add3A_2324, %lt3A_2326 : vector<16xi32>
    %add3A_2328 = arith.constant 16 : i32
    %add3A_2329 = vector.broadcast %add3A_2328 : i32 to vector<16xi32>
    %add3A_2330 = arith.addi %add3A_2324, %add3A_2329 : vector<16xi32>
    %select_n3A_2331 = arith.select %lt3A_2327, %add3A_2330, %add3A_2324 : vector<16xi1>, vector<16xi32>
    %reshape3A_2332 = vector.shape_cast %select_n3A_2331 : vector<16xi32> to vector<16x1xi32>
    %gather3A_2333 = vector.shape_cast %reshape3A_2332 : vector<16x1xi32> to vector<16xi32>
    %gather3A_2334 = tpu.dynamic_gather %convert_element_type3A_2078[%gather3A_2333] in [0] : vector<16xf32>, vector<16xi32> -> vector<16xf32>
    %get3A_2335 = arith.constant 80 : index
    %get3A_2336 = tpu.vector_load %arg7[%get3A_2335] {strides = array<i32>} : memref<128xi32, #tpu.memory_space<vmem>>, vector<16xi32>,
    %get3A_2337 = vector.shape_cast %get3A_2336 : vector<16xi32> to vector<16xi32>
    %convert_element_type3A_2338 = arith.sitofp %get3A_2337 : vector<16xi32> to vector<16xf32>
    %mul3A_2339 = arith.constant 0 : i32
    %mul3A_2340 = vector.broadcast %mul3A_2339 : i32 to vector<16xi32>
    %mul3A_2341 = arith.muli %mul3A_2340, %iota3A : vector<16xi32>
    %add3A_2342 = arith.constant 0 : i32
    %add3A_2343 = vector.broadcast %add3A_2342 : i32 to vector<16xi32>
    %add3A_2344 = arith.addi %add3A_2343, %mul3A_2341 : vector<16xi32>
    %lt3A_2345 = arith.constant 0 : i32
    %lt3A_2346 = vector.broadcast %lt3A_2345 : i32 to vector<16xi32>
    %lt3A_2347 = arith.cmpi slt, %add3A_2344, %lt3A_2346 : vector<16xi32>
    %add3A_2348 = arith.constant 16 : i32
    %add3A_2349 = vector.broadcast %add3A_2348 : i32 to vector<16xi32>
    %add3A_2350 = arith.addi %add3A_2344, %add3A_2349 : vector<16xi32>
    %select_n3A_2351 = arith.select %lt3A_2347, %add3A_2350, %add3A_2344 : vector<16xi1>, vector<16xi32>
    %reshape3A_2352 = vector.shape_cast %select_n3A_2351 : vector<16xi32> to vector<16x1xi32>
    %gather3A_2353 = vector.shape_cast %reshape3A_2352 : vector<16x1xi32> to vector<16xi32>
    %gather3A_2354 = tpu.dynamic_gather %convert_element_type3A_2338[%gather3A_2353] in [0] : vector<16xf32>, vector<16xi32> -> vector<16xf32>
    %mul3A_2355 = arith.constant 0 : i32
    %mul3A_2356 = vector.broadcast %mul3A_2355 : i32 to vector<16xi32>
    %mul3A_2357 = arith.muli %mul3A_2356, %iota3A : vector<16xi32>
    %add3A_2358 = arith.constant 1 : i32
    %add3A_2359 = vector.broadcast %add3A_2358 : i32 to vector<16xi32>
    %add3A_2360 = arith.addi %add3A_2359, %mul3A_2357 : vector<16xi32>
    %lt3A_2361 = arith.constant 0 : i32
    %lt3A_2362 = vector.broadcast %lt3A_2361 : i32 to vector<16xi32>
    %lt3A_2363 = arith.cmpi slt, %add3A_2360, %lt3A_2362 : vector<16xi32>
    %add3A_2364 = arith.constant 16 : i32
    %add3A_2365 = vector.broadcast %add3A_2364 : i32 to vector<16xi32>
    %add3A_2366 = arith.addi %add3A_2360, %add3A_2365 : vector<16xi32>
    %select_n3A_2367 = arith.select %lt3A_2363, %add3A_2366, %add3A_2360 : vector<16xi1>, vector<16xi32>
    %reshape3A_2368 = vector.shape_cast %select_n3A_2367 : vector<16xi32> to vector<16x1xi32>
    %gather3A_2369 = vector.shape_cast %reshape3A_2368 : vector<16x1xi32> to vector<16xi32>
    %gather3A_2370 = tpu.dynamic_gather %convert_element_type3A_2338[%gather3A_2369] in [0] : vector<16xf32>, vector<16xi32> -> vector<16xf32>
    %mul3A_2371 = arith.constant 0 : i32
    %mul3A_2372 = vector.broadcast %mul3A_2371 : i32 to vector<16xi32>
    %mul3A_2373 = arith.muli %mul3A_2372, %iota3A : vector<16xi32>
    %add3A_2374 = arith.constant 2 : i32
    %add3A_2375 = vector.broadcast %add3A_2374 : i32 to vector<16xi32>
    %add3A_2376 = arith.addi %add3A_2375, %mul3A_2373 : vector<16xi32>
    %lt3A_2377 = arith.constant 0 : i32
    %lt3A_2378 = vector.broadcast %lt3A_2377 : i32 to vector<16xi32>
    %lt3A_2379 = arith.cmpi slt, %add3A_2376, %lt3A_2378 : vector<16xi32>
    %add3A_2380 = arith.constant 16 : i32
    %add3A_2381 = vector.broadcast %add3A_2380 : i32 to vector<16xi32>
    %add3A_2382 = arith.addi %add3A_2376, %add3A_2381 : vector<16xi32>
    %select_n3A_2383 = arith.select %lt3A_2379, %add3A_2382, %add3A_2376 : vector<16xi1>, vector<16xi32>
    %reshape3A_2384 = vector.shape_cast %select_n3A_2383 : vector<16xi32> to vector<16x1xi32>
    %gather3A_2385 = vector.shape_cast %reshape3A_2384 : vector<16x1xi32> to vector<16xi32>
    %gather3A_2386 = tpu.dynamic_gather %convert_element_type3A_2338[%gather3A_2385] in [0] : vector<16xf32>, vector<16xi32> -> vector<16xf32>
    %mul3A_2387 = arith.constant 0 : i32
    %mul3A_2388 = vector.broadcast %mul3A_2387 : i32 to vector<16xi32>
    %mul3A_2389 = arith.muli %mul3A_2388, %iota3A : vector<16xi32>
    %add3A_2390 = arith.constant 3 : i32
    %add3A_2391 = vector.broadcast %add3A_2390 : i32 to vector<16xi32>
    %add3A_2392 = arith.addi %add3A_2391, %mul3A_2389 : vector<16xi32>
    %lt3A_2393 = arith.constant 0 : i32
    %lt3A_2394 = vector.broadcast %lt3A_2393 : i32 to vector<16xi32>
    %lt3A_2395 = arith.cmpi slt, %add3A_2392, %lt3A_2394 : vector<16xi32>
    %add3A_2396 = arith.constant 16 : i32
    %add3A_2397 = vector.broadcast %add3A_2396 : i32 to vector<16xi32>
    %add3A_2398 = arith.addi %add3A_2392, %add3A_2397 : vector<16xi32>
    %select_n3A_2399 = arith.select %lt3A_2395, %add3A_2398, %add3A_2392 : vector<16xi1>, vector<16xi32>
    %reshape3A_2400 = vector.shape_cast %select_n3A_2399 : vector<16xi32> to vector<16x1xi32>
    %gather3A_2401 = vector.shape_cast %reshape3A_2400 : vector<16x1xi32> to vector<16xi32>
    %gather3A_2402 = tpu.dynamic_gather %convert_element_type3A_2338[%gather3A_2401] in [0] : vector<16xf32>, vector<16xi32> -> vector<16xf32>
    %mul3A_2403 = arith.constant 0 : i32
    %mul3A_2404 = vector.broadcast %mul3A_2403 : i32 to vector<16xi32>
    %mul3A_2405 = arith.muli %mul3A_2404, %iota3A : vector<16xi32>
    %add3A_2406 = arith.constant 4 : i32
    %add3A_2407 = vector.broadcast %add3A_2406 : i32 to vector<16xi32>
    %add3A_2408 = arith.addi %add3A_2407, %mul3A_2405 : vector<16xi32>
    %lt3A_2409 = arith.constant 0 : i32
    %lt3A_2410 = vector.broadcast %lt3A_2409 : i32 to vector<16xi32>
    %lt3A_2411 = arith.cmpi slt, %add3A_2408, %lt3A_2410 : vector<16xi32>
    %add3A_2412 = arith.constant 16 : i32
    %add3A_2413 = vector.broadcast %add3A_2412 : i32 to vector<16xi32>
    %add3A_2414 = arith.addi %add3A_2408, %add3A_2413 : vector<16xi32>
    %select_n3A_2415 = arith.select %lt3A_2411, %add3A_2414, %add3A_2408 : vector<16xi1>, vector<16xi32>
    %reshape3A_2416 = vector.shape_cast %select_n3A_2415 : vector<16xi32> to vector<16x1xi32>
    %gather3A_2417 = vector.shape_cast %reshape3A_2416 : vector<16x1xi32> to vector<16xi32>
    %gather3A_2418 = tpu.dynamic_gather %convert_element_type3A_2338[%gather3A_2417] in [0] : vector<16xf32>, vector<16xi32> -> vector<16xf32>
    %mul3A_2419 = arith.constant 0 : i32
    %mul3A_2420 = vector.broadcast %mul3A_2419 : i32 to vector<16xi32>
    %mul3A_2421 = arith.muli %mul3A_2420, %iota3A : vector<16xi32>
    %add3A_2422 = arith.constant 5 : i32
    %add3A_2423 = vector.broadcast %add3A_2422 : i32 to vector<16xi32>
    %add3A_2424 = arith.addi %add3A_2423, %mul3A_2421 : vector<16xi32>
    %lt3A_2425 = arith.constant 0 : i32
    %lt3A_2426 = vector.broadcast %lt3A_2425 : i32 to vector<16xi32>
    %lt3A_2427 = arith.cmpi slt, %add3A_2424, %lt3A_2426 : vector<16xi32>
    %add3A_2428 = arith.constant 16 : i32
    %add3A_2429 = vector.broadcast %add3A_2428 : i32 to vector<16xi32>
    %add3A_2430 = arith.addi %add3A_2424, %add3A_2429 : vector<16xi32>
    %select_n3A_2431 = arith.select %lt3A_2427, %add3A_2430, %add3A_2424 : vector<16xi1>, vector<16xi32>
    %reshape3A_2432 = vector.shape_cast %select_n3A_2431 : vector<16xi32> to vector<16x1xi32>
    %gather3A_2433 = vector.shape_cast %reshape3A_2432 : vector<16x1xi32> to vector<16xi32>
    %gather3A_2434 = tpu.dynamic_gather %convert_element_type3A_2338[%gather3A_2433] in [0] : vector<16xf32>, vector<16xi32> -> vector<16xf32>
    %mul3A_2435 = arith.constant 0 : i32
    %mul3A_2436 = vector.broadcast %mul3A_2435 : i32 to vector<16xi32>
    %mul3A_2437 = arith.muli %mul3A_2436, %iota3A : vector<16xi32>
    %add3A_2438 = arith.constant 6 : i32
    %add3A_2439 = vector.broadcast %add3A_2438 : i32 to vector<16xi32>
    %add3A_2440 = arith.addi %add3A_2439, %mul3A_2437 : vector<16xi32>
    %lt3A_2441 = arith.constant 0 : i32
    %lt3A_2442 = vector.broadcast %lt3A_2441 : i32 to vector<16xi32>
    %lt3A_2443 = arith.cmpi slt, %add3A_2440, %lt3A_2442 : vector<16xi32>
    %add3A_2444 = arith.constant 16 : i32
    %add3A_2445 = vector.broadcast %add3A_2444 : i32 to vector<16xi32>
    %add3A_2446 = arith.addi %add3A_2440, %add3A_2445 : vector<16xi32>
    %select_n3A_2447 = arith.select %lt3A_2443, %add3A_2446, %add3A_2440 : vector<16xi1>, vector<16xi32>
    %reshape3A_2448 = vector.shape_cast %select_n3A_2447 : vector<16xi32> to vector<16x1xi32>
    %gather3A_2449 = vector.shape_cast %reshape3A_2448 : vector<16x1xi32> to vector<16xi32>
    %gather3A_2450 = tpu.dynamic_gather %convert_element_type3A_2338[%gather3A_2449] in [0] : vector<16xf32>, vector<16xi32> -> vector<16xf32>
    %mul3A_2451 = arith.constant 0 : i32
    %mul3A_2452 = vector.broadcast %mul3A_2451 : i32 to vector<16xi32>
    %mul3A_2453 = arith.muli %mul3A_2452, %iota3A : vector<16xi32>
    %add3A_2454 = arith.constant 7 : i32
    %add3A_2455 = vector.broadcast %add3A_2454 : i32 to vector<16xi32>
    %add3A_2456 = arith.addi %add3A_2455, %mul3A_2453 : vector<16xi32>
    %lt3A_2457 = arith.constant 0 : i32
    %lt3A_2458 = vector.broadcast %lt3A_2457 : i32 to vector<16xi32>
    %lt3A_2459 = arith.cmpi slt, %add3A_2456, %lt3A_2458 : vector<16xi32>
    %add3A_2460 = arith.constant 16 : i32
    %add3A_2461 = vector.broadcast %add3A_2460 : i32 to vector<16xi32>
    %add3A_2462 = arith.addi %add3A_2456, %add3A_2461 : vector<16xi32>
    %select_n3A_2463 = arith.select %lt3A_2459, %add3A_2462, %add3A_2456 : vector<16xi1>, vector<16xi32>
    %reshape3A_2464 = vector.shape_cast %select_n3A_2463 : vector<16xi32> to vector<16x1xi32>
    %gather3A_2465 = vector.shape_cast %reshape3A_2464 : vector<16x1xi32> to vector<16xi32>
    %gather3A_2466 = tpu.dynamic_gather %convert_element_type3A_2338[%gather3A_2465] in [0] : vector<16xf32>, vector<16xi32> -> vector<16xf32>
    %mul3A_2467 = arith.constant 0 : i32
    %mul3A_2468 = vector.broadcast %mul3A_2467 : i32 to vector<16xi32>
    %mul3A_2469 = arith.muli %mul3A_2468, %iota3A : vector<16xi32>
    %add3A_2470 = arith.constant 8 : i32
    %add3A_2471 = vector.broadcast %add3A_2470 : i32 to vector<16xi32>
    %add3A_2472 = arith.addi %add3A_2471, %mul3A_2469 : vector<16xi32>
    %lt3A_2473 = arith.constant 0 : i32
    %lt3A_2474 = vector.broadcast %lt3A_2473 : i32 to vector<16xi32>
    %lt3A_2475 = arith.cmpi slt, %add3A_2472, %lt3A_2474 : vector<16xi32>
    %add3A_2476 = arith.constant 16 : i32
    %add3A_2477 = vector.broadcast %add3A_2476 : i32 to vector<16xi32>
    %add3A_2478 = arith.addi %add3A_2472, %add3A_2477 : vector<16xi32>
    %select_n3A_2479 = arith.select %lt3A_2475, %add3A_2478, %add3A_2472 : vector<16xi1>, vector<16xi32>
    %reshape3A_2480 = vector.shape_cast %select_n3A_2479 : vector<16xi32> to vector<16x1xi32>
    %gather3A_2481 = vector.shape_cast %reshape3A_2480 : vector<16x1xi32> to vector<16xi32>
    %gather3A_2482 = tpu.dynamic_gather %convert_element_type3A_2338[%gather3A_2481] in [0] : vector<16xf32>, vector<16xi32> -> vector<16xf32>
    %mul3A_2483 = arith.constant 0 : i32
    %mul3A_2484 = vector.broadcast %mul3A_2483 : i32 to vector<16xi32>
    %mul3A_2485 = arith.muli %mul3A_2484, %iota3A : vector<16xi32>
    %add3A_2486 = arith.constant 9 : i32
    %add3A_2487 = vector.broadcast %add3A_2486 : i32 to vector<16xi32>
    %add3A_2488 = arith.addi %add3A_2487, %mul3A_2485 : vector<16xi32>
    %lt3A_2489 = arith.constant 0 : i32
    %lt3A_2490 = vector.broadcast %lt3A_2489 : i32 to vector<16xi32>
    %lt3A_2491 = arith.cmpi slt, %add3A_2488, %lt3A_2490 : vector<16xi32>
    %add3A_2492 = arith.constant 16 : i32
    %add3A_2493 = vector.broadcast %add3A_2492 : i32 to vector<16xi32>
    %add3A_2494 = arith.addi %add3A_2488, %add3A_2493 : vector<16xi32>
    %select_n3A_2495 = arith.select %lt3A_2491, %add3A_2494, %add3A_2488 : vector<16xi1>, vector<16xi32>
    %reshape3A_2496 = vector.shape_cast %select_n3A_2495 : vector<16xi32> to vector<16x1xi32>
    %gather3A_2497 = vector.shape_cast %reshape3A_2496 : vector<16x1xi32> to vector<16xi32>
    %gather3A_2498 = tpu.dynamic_gather %convert_element_type3A_2338[%gather3A_2497] in [0] : vector<16xf32>, vector<16xi32> -> vector<16xf32>
    %mul3A_2499 = arith.constant 0 : i32
    %mul3A_2500 = vector.broadcast %mul3A_2499 : i32 to vector<16xi32>
    %mul3A_2501 = arith.muli %mul3A_2500, %iota3A : vector<16xi32>
    %add3A_2502 = arith.constant 10 : i32
    %add3A_2503 = vector.broadcast %add3A_2502 : i32 to vector<16xi32>
    %add3A_2504 = arith.addi %add3A_2503, %mul3A_2501 : vector<16xi32>
    %lt3A_2505 = arith.constant 0 : i32
    %lt3A_2506 = vector.broadcast %lt3A_2505 : i32 to vector<16xi32>
    %lt3A_2507 = arith.cmpi slt, %add3A_2504, %lt3A_2506 : vector<16xi32>
    %add3A_2508 = arith.constant 16 : i32
    %add3A_2509 = vector.broadcast %add3A_2508 : i32 to vector<16xi32>
    %add3A_2510 = arith.addi %add3A_2504, %add3A_2509 : vector<16xi32>
    %select_n3A_2511 = arith.select %lt3A_2507, %add3A_2510, %add3A_2504 : vector<16xi1>, vector<16xi32>
    %reshape3A_2512 = vector.shape_cast %select_n3A_2511 : vector<16xi32> to vector<16x1xi32>
    %gather3A_2513 = vector.shape_cast %reshape3A_2512 : vector<16x1xi32> to vector<16xi32>
    %gather3A_2514 = tpu.dynamic_gather %convert_element_type3A_2338[%gather3A_2513] in [0] : vector<16xf32>, vector<16xi32> -> vector<16xf32>
    %mul3A_2515 = arith.constant 0 : i32
    %mul3A_2516 = vector.broadcast %mul3A_2515 : i32 to vector<16xi32>
    %mul3A_2517 = arith.muli %mul3A_2516, %iota3A : vector<16xi32>
    %add3A_2518 = arith.constant 11 : i32
    %add3A_2519 = vector.broadcast %add3A_2518 : i32 to vector<16xi32>
    %add3A_2520 = arith.addi %add3A_2519, %mul3A_2517 : vector<16xi32>
    %lt3A_2521 = arith.constant 0 : i32
    %lt3A_2522 = vector.broadcast %lt3A_2521 : i32 to vector<16xi32>
    %lt3A_2523 = arith.cmpi slt, %add3A_2520, %lt3A_2522 : vector<16xi32>
    %add3A_2524 = arith.constant 16 : i32
    %add3A_2525 = vector.broadcast %add3A_2524 : i32 to vector<16xi32>
    %add3A_2526 = arith.addi %add3A_2520, %add3A_2525 : vector<16xi32>
    %select_n3A_2527 = arith.select %lt3A_2523, %add3A_2526, %add3A_2520 : vector<16xi1>, vector<16xi32>
    %reshape3A_2528 = vector.shape_cast %select_n3A_2527 : vector<16xi32> to vector<16x1xi32>
    %gather3A_2529 = vector.shape_cast %reshape3A_2528 : vector<16x1xi32> to vector<16xi32>
    %gather3A_2530 = tpu.dynamic_gather %convert_element_type3A_2338[%gather3A_2529] in [0] : vector<16xf32>, vector<16xi32> -> vector<16xf32>
    %mul3A_2531 = arith.constant 0 : i32
    %mul3A_2532 = vector.broadcast %mul3A_2531 : i32 to vector<16xi32>
    %mul3A_2533 = arith.muli %mul3A_2532, %iota3A : vector<16xi32>
    %add3A_2534 = arith.constant 12 : i32
    %add3A_2535 = vector.broadcast %add3A_2534 : i32 to vector<16xi32>
    %add3A_2536 = arith.addi %add3A_2535, %mul3A_2533 : vector<16xi32>
    %lt3A_2537 = arith.constant 0 : i32
    %lt3A_2538 = vector.broadcast %lt3A_2537 : i32 to vector<16xi32>
    %lt3A_2539 = arith.cmpi slt, %add3A_2536, %lt3A_2538 : vector<16xi32>
    %add3A_2540 = arith.constant 16 : i32
    %add3A_2541 = vector.broadcast %add3A_2540 : i32 to vector<16xi32>
    %add3A_2542 = arith.addi %add3A_2536, %add3A_2541 : vector<16xi32>
    %select_n3A_2543 = arith.select %lt3A_2539, %add3A_2542, %add3A_2536 : vector<16xi1>, vector<16xi32>
    %reshape3A_2544 = vector.shape_cast %select_n3A_2543 : vector<16xi32> to vector<16x1xi32>
    %gather3A_2545 = vector.shape_cast %reshape3A_2544 : vector<16x1xi32> to vector<16xi32>
    %gather3A_2546 = tpu.dynamic_gather %convert_element_type3A_2338[%gather3A_2545] in [0] : vector<16xf32>, vector<16xi32> -> vector<16xf32>
    %mul3A_2547 = arith.constant 0 : i32
    %mul3A_2548 = vector.broadcast %mul3A_2547 : i32 to vector<16xi32>
    %mul3A_2549 = arith.muli %mul3A_2548, %iota3A : vector<16xi32>
    %add3A_2550 = arith.constant 13 : i32
    %add3A_2551 = vector.broadcast %add3A_2550 : i32 to vector<16xi32>
    %add3A_2552 = arith.addi %add3A_2551, %mul3A_2549 : vector<16xi32>
    %lt3A_2553 = arith.constant 0 : i32
    %lt3A_2554 = vector.broadcast %lt3A_2553 : i32 to vector<16xi32>
    %lt3A_2555 = arith.cmpi slt, %add3A_2552, %lt3A_2554 : vector<16xi32>
    %add3A_2556 = arith.constant 16 : i32
    %add3A_2557 = vector.broadcast %add3A_2556 : i32 to vector<16xi32>
    %add3A_2558 = arith.addi %add3A_2552, %add3A_2557 : vector<16xi32>
    %select_n3A_2559 = arith.select %lt3A_2555, %add3A_2558, %add3A_2552 : vector<16xi1>, vector<16xi32>
    %reshape3A_2560 = vector.shape_cast %select_n3A_2559 : vector<16xi32> to vector<16x1xi32>
    %gather3A_2561 = vector.shape_cast %reshape3A_2560 : vector<16x1xi32> to vector<16xi32>
    %gather3A_2562 = tpu.dynamic_gather %convert_element_type3A_2338[%gather3A_2561] in [0] : vector<16xf32>, vector<16xi32> -> vector<16xf32>
    %mul3A_2563 = arith.constant 0 : i32
    %mul3A_2564 = vector.broadcast %mul3A_2563 : i32 to vector<16xi32>
    %mul3A_2565 = arith.muli %mul3A_2564, %iota3A : vector<16xi32>
    %add3A_2566 = arith.constant 14 : i32
    %add3A_2567 = vector.broadcast %add3A_2566 : i32 to vector<16xi32>
    %add3A_2568 = arith.addi %add3A_2567, %mul3A_2565 : vector<16xi32>
    %lt3A_2569 = arith.constant 0 : i32
    %lt3A_2570 = vector.broadcast %lt3A_2569 : i32 to vector<16xi32>
    %lt3A_2571 = arith.cmpi slt, %add3A_2568, %lt3A_2570 : vector<16xi32>
    %add3A_2572 = arith.constant 16 : i32
    %add3A_2573 = vector.broadcast %add3A_2572 : i32 to vector<16xi32>
    %add3A_2574 = arith.addi %add3A_2568, %add3A_2573 : vector<16xi32>
    %select_n3A_2575 = arith.select %lt3A_2571, %add3A_2574, %add3A_2568 : vector<16xi1>, vector<16xi32>
    %reshape3A_2576 = vector.shape_cast %select_n3A_2575 : vector<16xi32> to vector<16x1xi32>
    %gather3A_2577 = vector.shape_cast %reshape3A_2576 : vector<16x1xi32> to vector<16xi32>
    %gather3A_2578 = tpu.dynamic_gather %convert_element_type3A_2338[%gather3A_2577] in [0] : vector<16xf32>, vector<16xi32> -> vector<16xf32>
    %mul3A_2579 = arith.constant 0 : i32
    %mul3A_2580 = vector.broadcast %mul3A_2579 : i32 to vector<16xi32>
    %mul3A_2581 = arith.muli %mul3A_2580, %iota3A : vector<16xi32>
    %add3A_2582 = arith.constant 15 : i32
    %add3A_2583 = vector.broadcast %add3A_2582 : i32 to vector<16xi32>
    %add3A_2584 = arith.addi %add3A_2583, %mul3A_2581 : vector<16xi32>
    %lt3A_2585 = arith.constant 0 : i32
    %lt3A_2586 = vector.broadcast %lt3A_2585 : i32 to vector<16xi32>
    %lt3A_2587 = arith.cmpi slt, %add3A_2584, %lt3A_2586 : vector<16xi32>
    %add3A_2588 = arith.constant 16 : i32
    %add3A_2589 = vector.broadcast %add3A_2588 : i32 to vector<16xi32>
    %add3A_2590 = arith.addi %add3A_2584, %add3A_2589 : vector<16xi32>
    %select_n3A_2591 = arith.select %lt3A_2587, %add3A_2590, %add3A_2584 : vector<16xi1>, vector<16xi32>
    %reshape3A_2592 = vector.shape_cast %select_n3A_2591 : vector<16xi32> to vector<16x1xi32>
    %gather3A_2593 = vector.shape_cast %reshape3A_2592 : vector<16x1xi32> to vector<16xi32>
    %gather3A_2594 = tpu.dynamic_gather %convert_element_type3A_2338[%gather3A_2593] in [0] : vector<16xf32>, vector<16xi32> -> vector<16xf32>
    %scan3A_2595 = arith.constant 0 : i32
    %scan3A_2596 = arith.constant 64 : i32
    %scan3A_2597 = arith.addi %scan3A_2595, %scan3A_2596 : i32
    %scan3A_2598 = arith.constant 1 : i32
    scf.for %scan3A_3340 = %scan3A_2595 to %scan3A_2597 step %scan3A_2598  : i32 {
      %mul3A_3341 = arith.constant 16 : i32
      %mul3A_3342 = arith.muli %scan3A_3340, %mul3A_3341 : i32
      %get3A_3343 = arith.constant 0 : i32
      %get3A_3344 = arith.index_cast %get3A_3343 : i32 to index
      %get3A_3345 = arith.index_cast %mul3A_3342 : i32 to index
      %get3A_3346 = tpu.vector_load %arg5[%get3A_3344, %get3A_3345] {strides = array<i32>} : memref<2x1024xf32, #tpu.memory_space<vmem>>, vector<1x16xf32>,
      %get3A_3347 = vector.shape_cast %get3A_3346 : vector<1x16xf32> to vector<16xf32>
      %mul3A_3348 = arith.constant 16 : i32
      %mul3A_3349 = arith.muli %scan3A_3340, %mul3A_3348 : i32
      %get3A_3350 = arith.index_cast %mul3A_3349 : i32 to index
      %get3A_3351 = tpu.vector_load %arg6[%get3A_3350] {strides = array<i32>} : memref<1024xf32, #tpu.memory_space<vmem>>, vector<16xf32>,
      %get3A_3352 = vector.shape_cast %get3A_3351 : vector<16xf32> to vector<16xf32>
      %mul3A_3353 = arith.mulf %gather3A_2094, %get3A_3352 : vector<16xf32>
      %add3A_3354 = arith.addf %get3A_3347, %mul3A_3353 : vector<16xf32>
      %mul3A_3355 = arith.constant 16 : i32
      %mul3A_3356 = arith.muli %scan3A_3340, %mul3A_3355 : i32
      %swap3A_3357 = arith.constant 0 : i32
      %swap3A_3358 = arith.index_cast %swap3A_3357 : i32 to index
      %swap3A_3359 = arith.index_cast %mul3A_3356 : i32 to index
      %swap3A_3360 = tpu.vector_load %arg10[%swap3A_3358, %swap3A_3359] {strides = array<i32>} : memref<32x1024xf32, #tpu.memory_space<vmem>>, vector<1x16xf32>,
      %swap3A_3361 = vector.shape_cast %swap3A_3360 : vector<1x16xf32> to vector<16xf32>
      %swap3A_3362 = vector.shape_cast %add3A_3354 : vector<16xf32> to vector<1x16xf32>
      tpu.vector_store %arg10[%swap3A_3358, %swap3A_3359], %swap3A_3362 {strides = array<i32>} : memref<32x1024xf32, #tpu.memory_space<vmem>>, vector<1x16xf32>,
      %mul3A_3363 = arith.mulf %gather3A_2110, %get3A_3352 : vector<16xf32>
      %add3A_3364 = arith.addf %get3A_3347, %mul3A_3363 : vector<16xf32>
      %mul3A_3365 = arith.constant 16 : i32
      %mul3A_3366 = arith.muli %scan3A_3340, %mul3A_3365 : i32
      %swap3A_3367 = arith.constant 1 : i32
      %swap3A_3368 = arith.index_cast %swap3A_3367 : i32 to index
      %swap3A_3369 = arith.index_cast %mul3A_3366 : i32 to index
      %swap3A_3370 = tpu.vector_load %arg10[%swap3A_3368, %swap3A_3369] {strides = array<i32>} : memref<32x1024xf32, #tpu.memory_space<vmem>>, vector<1x16xf32>,
      %swap3A_3371 = vector.shape_cast %swap3A_3370 : vector<1x16xf32> to vector<16xf32>
      %swap3A_3372 = vector.shape_cast %add3A_3364 : vector<16xf32> to vector<1x16xf32>
      tpu.vector_store %arg10[%swap3A_3368, %swap3A_3369], %swap3A_3372 {strides = array<i32>} : memref<32x1024xf32, #tpu.memory_space<vmem>>, vector<1x16xf32>,
      %mul3A_3373 = arith.mulf %gather3A_2126, %get3A_3352 : vector<16xf32>
      %add3A_3374 = arith.addf %get3A_3347, %mul3A_3373 : vector<16xf32>
      %mul3A_3375 = arith.constant 16 : i32
      %mul3A_3376 = arith.muli %scan3A_3340, %mul3A_3375 : i32
      %swap3A_3377 = arith.constant 2 : i32
      %swap3A_3378 = arith.index_cast %swap3A_3377 : i32 to index
      %swap3A_3379 = arith.index_cast %mul3A_3376 : i32 to index
      %swap3A_3380 = tpu.vector_load %arg10[%swap3A_3378, %swap3A_3379] {strides = array<i32>} : memref<32x1024xf32, #tpu.memory_space<vmem>>, vector<1x16xf32>,
      %swap3A_3381 = vector.shape_cast %swap3A_3380 : vector<1x16xf32> to vector<16xf32>
      %swap3A_3382 = vector.shape_cast %add3A_3374 : vector<16xf32> to vector<1x16xf32>
      tpu.vector_store %arg10[%swap3A_3378, %swap3A_3379], %swap3A_3382 {strides = array<i32>} : memref<32x1024xf32, #tpu.memory_space<vmem>>, vector<1x16xf32>,
      %mul3A_3383 = arith.mulf %gather3A_2142, %get3A_3352 : vector<16xf32>
      %add3A_3384 = arith.addf %get3A_3347, %mul3A_3383 : vector<16xf32>
      %mul3A_3385 = arith.constant 16 : i32
      %mul3A_3386 = arith.muli %scan3A_3340, %mul3A_3385 : i32
      %swap3A_3387 = arith.constant 3 : i32
      %swap3A_3388 = arith.index_cast %swap3A_3387 : i32 to index
      %swap3A_3389 = arith.index_cast %mul3A_3386 : i32 to index
      %swap3A_3390 = tpu.vector_load %arg10[%swap3A_3388, %swap3A_3389] {strides = array<i32>} : memref<32x1024xf32, #tpu.memory_space<vmem>>, vector<1x16xf32>,
      %swap3A_3391 = vector.shape_cast %swap3A_3390 : vector<1x16xf32> to vector<16xf32>
      %swap3A_3392 = vector.shape_cast %add3A_3384 : vector<16xf32> to vector<1x16xf32>
      tpu.vector_store %arg10[%swap3A_3388, %swap3A_3389], %swap3A_3392 {strides = array<i32>} : memref<32x1024xf32, #tpu.memory_space<vmem>>, vector<1x16xf32>,
      %mul3A_3393 = arith.mulf %gather3A_2158, %get3A_3352 : vector<16xf32>
      %add3A_3394 = arith.addf %get3A_3347, %mul3A_3393 : vector<16xf32>
      %mul3A_3395 = arith.constant 16 : i32
      %mul3A_3396 = arith.muli %scan3A_3340, %mul3A_3395 : i32
      %swap3A_3397 = arith.constant 4 : i32
      %swap3A_3398 = arith.index_cast %swap3A_3397 : i32 to index
      %swap3A_3399 = arith.index_cast %mul3A_3396 : i32 to index
      %swap3A_3400 = tpu.vector_load %arg10[%swap3A_3398, %swap3A_3399] {strides = array<i32>} : memref<32x1024xf32, #tpu.memory_space<vmem>>, vector<1x16xf32>,
      %swap3A_3401 = vector.shape_cast %swap3A_3400 : vector<1x16xf32> to vector<16xf32>
      %swap3A_3402 = vector.shape_cast %add3A_3394 : vector<16xf32> to vector<1x16xf32>
      tpu.vector_store %arg10[%swap3A_3398, %swap3A_3399], %swap3A_3402 {strides = array<i32>} : memref<32x1024xf32, #tpu.memory_space<vmem>>, vector<1x16xf32>,
      %mul3A_3403 = arith.mulf %gather3A_2174, %get3A_3352 : vector<16xf32>
      %add3A_3404 = arith.addf %get3A_3347, %mul3A_3403 : vector<16xf32>
      %mul3A_3405 = arith.constant 16 : i32
      %mul3A_3406 = arith.muli %scan3A_3340, %mul3A_3405 : i32
      %swap3A_3407 = arith.constant 5 : i32
      %swap3A_3408 = arith.index_cast %swap3A_3407 : i32 to index
      %swap3A_3409 = arith.index_cast %mul3A_3406 : i32 to index
      %swap3A_3410 = tpu.vector_load %arg10[%swap3A_3408, %swap3A_3409] {strides = array<i32>} : memref<32x1024xf32, #tpu.memory_space<vmem>>, vector<1x16xf32>,
      %swap3A_3411 = vector.shape_cast %swap3A_3410 : vector<1x16xf32> to vector<16xf32>
      %swap3A_3412 = vector.shape_cast %add3A_3404 : vector<16xf32> to vector<1x16xf32>
      tpu.vector_store %arg10[%swap3A_3408, %swap3A_3409], %swap3A_3412 {strides = array<i32>} : memref<32x1024xf32, #tpu.memory_space<vmem>>, vector<1x16xf32>,
      %mul3A_3413 = arith.mulf %gather3A_2190, %get3A_3352 : vector<16xf32>
      %add3A_3414 = arith.addf %get3A_3347, %mul3A_3413 : vector<16xf32>
      %mul3A_3415 = arith.constant 16 : i32
      %mul3A_3416 = arith.muli %scan3A_3340, %mul3A_3415 : i32
      %swap3A_3417 = arith.constant 6 : i32
      %swap3A_3418 = arith.index_cast %swap3A_3417 : i32 to index
      %swap3A_3419 = arith.index_cast %mul3A_3416 : i32 to index
      %swap3A_3420 = tpu.vector_load %arg10[%swap3A_3418, %swap3A_3419] {strides = array<i32>} : memref<32x1024xf32, #tpu.memory_space<vmem>>, vector<1x16xf32>,
      %swap3A_3421 = vector.shape_cast %swap3A_3420 : vector<1x16xf32> to vector<16xf32>
      %swap3A_3422 = vector.shape_cast %add3A_3414 : vector<16xf32> to vector<1x16xf32>
      tpu.vector_store %arg10[%swap3A_3418, %swap3A_3419], %swap3A_3422 {strides = array<i32>} : memref<32x1024xf32, #tpu.memory_space<vmem>>, vector<1x16xf32>,
      %mul3A_3423 = arith.mulf %gather3A_2206, %get3A_3352 : vector<16xf32>
      %add3A_3424 = arith.addf %get3A_3347, %mul3A_3423 : vector<16xf32>
      %mul3A_3425 = arith.constant 16 : i32
      %mul3A_3426 = arith.muli %scan3A_3340, %mul3A_3425 : i32
      %swap3A_3427 = arith.constant 7 : i32
      %swap3A_3428 = arith.index_cast %swap3A_3427 : i32 to index
      %swap3A_3429 = arith.index_cast %mul3A_3426 : i32 to index
      %swap3A_3430 = tpu.vector_load %arg10[%swap3A_3428, %swap3A_3429] {strides = array<i32>} : memref<32x1024xf32, #tpu.memory_space<vmem>>, vector<1x16xf32>,
      %swap3A_3431 = vector.shape_cast %swap3A_3430 : vector<1x16xf32> to vector<16xf32>
      %swap3A_3432 = vector.shape_cast %add3A_3424 : vector<16xf32> to vector<1x16xf32>
      tpu.vector_store %arg10[%swap3A_3428, %swap3A_3429], %swap3A_3432 {strides = array<i32>} : memref<32x1024xf32, #tpu.memory_space<vmem>>, vector<1x16xf32>,
      %mul3A_3433 = arith.mulf %gather3A_2222, %get3A_3352 : vector<16xf32>
      %add3A_3434 = arith.addf %get3A_3347, %mul3A_3433 : vector<16xf32>
      %mul3A_3435 = arith.constant 16 : i32
      %mul3A_3436 = arith.muli %scan3A_3340, %mul3A_3435 : i32
      %swap3A_3437 = arith.constant 8 : i32
      %swap3A_3438 = arith.index_cast %swap3A_3437 : i32 to index
      %swap3A_3439 = arith.index_cast %mul3A_3436 : i32 to index
      %swap3A_3440 = tpu.vector_load %arg10[%swap3A_3438, %swap3A_3439] {strides = array<i32>} : memref<32x1024xf32, #tpu.memory_space<vmem>>, vector<1x16xf32>,
      %swap3A_3441 = vector.shape_cast %swap3A_3440 : vector<1x16xf32> to vector<16xf32>
      %swap3A_3442 = vector.shape_cast %add3A_3434 : vector<16xf32> to vector<1x16xf32>
      tpu.vector_store %arg10[%swap3A_3438, %swap3A_3439], %swap3A_3442 {strides = array<i32>} : memref<32x1024xf32, #tpu.memory_space<vmem>>, vector<1x16xf32>,
      %mul3A_3443 = arith.mulf %gather3A_2238, %get3A_3352 : vector<16xf32>
      %add3A_3444 = arith.addf %get3A_3347, %mul3A_3443 : vector<16xf32>
      %mul3A_3445 = arith.constant 16 : i32
      %mul3A_3446 = arith.muli %scan3A_3340, %mul3A_3445 : i32
      %swap3A_3447 = arith.constant 9 : i32
      %swap3A_3448 = arith.index_cast %swap3A_3447 : i32 to index
      %swap3A_3449 = arith.index_cast %mul3A_3446 : i32 to index
      %swap3A_3450 = tpu.vector_load %arg10[%swap3A_3448, %swap3A_3449] {strides = array<i32>} : memref<32x1024xf32, #tpu.memory_space<vmem>>, vector<1x16xf32>,
      %swap3A_3451 = vector.shape_cast %swap3A_3450 : vector<1x16xf32> to vector<16xf32>
      %swap3A_3452 = vector.shape_cast %add3A_3444 : vector<16xf32> to vector<1x16xf32>
      tpu.vector_store %arg10[%swap3A_3448, %swap3A_3449], %swap3A_3452 {strides = array<i32>} : memref<32x1024xf32, #tpu.memory_space<vmem>>, vector<1x16xf32>,
      %mul3A_3453 = arith.mulf %gather3A_2254, %get3A_3352 : vector<16xf32>
      %add3A_3454 = arith.addf %get3A_3347, %mul3A_3453 : vector<16xf32>
      %mul3A_3455 = arith.constant 16 : i32
      %mul3A_3456 = arith.muli %scan3A_3340, %mul3A_3455 : i32
      %swap3A_3457 = arith.constant 10 : i32
      %swap3A_3458 = arith.index_cast %swap3A_3457 : i32 to index
      %swap3A_3459 = arith.index_cast %mul3A_3456 : i32 to index
      %swap3A_3460 = tpu.vector_load %arg10[%swap3A_3458, %swap3A_3459] {strides = array<i32>} : memref<32x1024xf32, #tpu.memory_space<vmem>>, vector<1x16xf32>,
      %swap3A_3461 = vector.shape_cast %swap3A_3460 : vector<1x16xf32> to vector<16xf32>
      %swap3A_3462 = vector.shape_cast %add3A_3454 : vector<16xf32> to vector<1x16xf32>
      tpu.vector_store %arg10[%swap3A_3458, %swap3A_3459], %swap3A_3462 {strides = array<i32>} : memref<32x1024xf32, #tpu.memory_space<vmem>>, vector<1x16xf32>,
      %mul3A_3463 = arith.mulf %gather3A_2270, %get3A_3352 : vector<16xf32>
      %add3A_3464 = arith.addf %get3A_3347, %mul3A_3463 : vector<16xf32>
      %mul3A_3465 = arith.constant 16 : i32
      %mul3A_3466 = arith.muli %scan3A_3340, %mul3A_3465 : i32
      %swap3A_3467 = arith.constant 11 : i32
      %swap3A_3468 = arith.index_cast %swap3A_3467 : i32 to index
      %swap3A_3469 = arith.index_cast %mul3A_3466 : i32 to index
      %swap3A_3470 = tpu.vector_load %arg10[%swap3A_3468, %swap3A_3469] {strides = array<i32>} : memref<32x1024xf32, #tpu.memory_space<vmem>>, vector<1x16xf32>,
      %swap3A_3471 = vector.shape_cast %swap3A_3470 : vector<1x16xf32> to vector<16xf32>
      %swap3A_3472 = vector.shape_cast %add3A_3464 : vector<16xf32> to vector<1x16xf32>
      tpu.vector_store %arg10[%swap3A_3468, %swap3A_3469], %swap3A_3472 {strides = array<i32>} : memref<32x1024xf32, #tpu.memory_space<vmem>>, vector<1x16xf32>,
      %mul3A_3473 = arith.mulf %gather3A_2286, %get3A_3352 : vector<16xf32>
      %add3A_3474 = arith.addf %get3A_3347, %mul3A_3473 : vector<16xf32>
      %mul3A_3475 = arith.constant 16 : i32
      %mul3A_3476 = arith.muli %scan3A_3340, %mul3A_3475 : i32
      %swap3A_3477 = arith.constant 12 : i32
      %swap3A_3478 = arith.index_cast %swap3A_3477 : i32 to index
      %swap3A_3479 = arith.index_cast %mul3A_3476 : i32 to index
      %swap3A_3480 = tpu.vector_load %arg10[%swap3A_3478, %swap3A_3479] {strides = array<i32>} : memref<32x1024xf32, #tpu.memory_space<vmem>>, vector<1x16xf32>,
      %swap3A_3481 = vector.shape_cast %swap3A_3480 : vector<1x16xf32> to vector<16xf32>
      %swap3A_3482 = vector.shape_cast %add3A_3474 : vector<16xf32> to vector<1x16xf32>
      tpu.vector_store %arg10[%swap3A_3478, %swap3A_3479], %swap3A_3482 {strides = array<i32>} : memref<32x1024xf32, #tpu.memory_space<vmem>>, vector<1x16xf32>,
      %mul3A_3483 = arith.mulf %gather3A_2302, %get3A_3352 : vector<16xf32>
      %add3A_3484 = arith.addf %get3A_3347, %mul3A_3483 : vector<16xf32>
      %mul3A_3485 = arith.constant 16 : i32
      %mul3A_3486 = arith.muli %scan3A_3340, %mul3A_3485 : i32
      %swap3A_3487 = arith.constant 13 : i32
      %swap3A_3488 = arith.index_cast %swap3A_3487 : i32 to index
      %swap3A_3489 = arith.index_cast %mul3A_3486 : i32 to index
      %swap3A_3490 = tpu.vector_load %arg10[%swap3A_3488, %swap3A_3489] {strides = array<i32>} : memref<32x1024xf32, #tpu.memory_space<vmem>>, vector<1x16xf32>,
      %swap3A_3491 = vector.shape_cast %swap3A_3490 : vector<1x16xf32> to vector<16xf32>
      %swap3A_3492 = vector.shape_cast %add3A_3484 : vector<16xf32> to vector<1x16xf32>
      tpu.vector_store %arg10[%swap3A_3488, %swap3A_3489], %swap3A_3492 {strides = array<i32>} : memref<32x1024xf32, #tpu.memory_space<vmem>>, vector<1x16xf32>,
      %mul3A_3493 = arith.mulf %gather3A_2318, %get3A_3352 : vector<16xf32>
      %add3A_3494 = arith.addf %get3A_3347, %mul3A_3493 : vector<16xf32>
      %mul3A_3495 = arith.constant 16 : i32
      %mul3A_3496 = arith.muli %scan3A_3340, %mul3A_3495 : i32
      %swap3A_3497 = arith.constant 14 : i32
      %swap3A_3498 = arith.index_cast %swap3A_3497 : i32 to index
      %swap3A_3499 = arith.index_cast %mul3A_3496 : i32 to index
      %swap3A_3500 = tpu.vector_load %arg10[%swap3A_3498, %swap3A_3499] {strides = array<i32>} : memref<32x1024xf32, #tpu.memory_space<vmem>>, vector<1x16xf32>,
      %swap3A_3501 = vector.shape_cast %swap3A_3500 : vector<1x16xf32> to vector<16xf32>
      %swap3A_3502 = vector.shape_cast %add3A_3494 : vector<16xf32> to vector<1x16xf32>
      tpu.vector_store %arg10[%swap3A_3498, %swap3A_3499], %swap3A_3502 {strides = array<i32>} : memref<32x1024xf32, #tpu.memory_space<vmem>>, vector<1x16xf32>,
      %mul3A_3503 = arith.mulf %gather3A_2334, %get3A_3352 : vector<16xf32>
      %add3A_3504 = arith.addf %get3A_3347, %mul3A_3503 : vector<16xf32>
      %mul3A_3505 = arith.constant 16 : i32
      %mul3A_3506 = arith.muli %scan3A_3340, %mul3A_3505 : i32
      %swap3A_3507 = arith.constant 15 : i32
      %swap3A_3508 = arith.index_cast %swap3A_3507 : i32 to index
      %swap3A_3509 = arith.index_cast %mul3A_3506 : i32 to index
      %swap3A_3510 = tpu.vector_load %arg10[%swap3A_3508, %swap3A_3509] {strides = array<i32>} : memref<32x1024xf32, #tpu.memory_space<vmem>>, vector<1x16xf32>,
      %swap3A_3511 = vector.shape_cast %swap3A_3510 : vector<1x16xf32> to vector<16xf32>
      %swap3A_3512 = vector.shape_cast %add3A_3504 : vector<16xf32> to vector<1x16xf32>
      tpu.vector_store %arg10[%swap3A_3508, %swap3A_3509], %swap3A_3512 {strides = array<i32>} : memref<32x1024xf32, #tpu.memory_space<vmem>>, vector<1x16xf32>,
      %mul3A_3513 = arith.mulf %gather3A_2354, %get3A_3352 : vector<16xf32>
      %add3A_3514 = arith.addf %get3A_3347, %mul3A_3513 : vector<16xf32>
      %mul3A_3515 = arith.constant 16 : i32
      %mul3A_3516 = arith.muli %scan3A_3340, %mul3A_3515 : i32
      %swap3A_3517 = arith.constant 16 : i32
      %swap3A_3518 = arith.index_cast %swap3A_3517 : i32 to index
      %swap3A_3519 = arith.index_cast %mul3A_3516 : i32 to index
      %swap3A_3520 = tpu.vector_load %arg10[%swap3A_3518, %swap3A_3519] {strides = array<i32>} : memref<32x1024xf32, #tpu.memory_space<vmem>>, vector<1x16xf32>,
      %swap3A_3521 = vector.shape_cast %swap3A_3520 : vector<1x16xf32> to vector<16xf32>
      %swap3A_3522 = vector.shape_cast %add3A_3514 : vector<16xf32> to vector<1x16xf32>
      tpu.vector_store %arg10[%swap3A_3518, %swap3A_3519], %swap3A_3522 {strides = array<i32>} : memref<32x1024xf32, #tpu.memory_space<vmem>>, vector<1x16xf32>,
      %mul3A_3523 = arith.mulf %gather3A_2370, %get3A_3352 : vector<16xf32>
      %add3A_3524 = arith.addf %get3A_3347, %mul3A_3523 : vector<16xf32>
      %mul3A_3525 = arith.constant 16 : i32
      %mul3A_3526 = arith.muli %scan3A_3340, %mul3A_3525 : i32
      %swap3A_3527 = arith.constant 17 : i32
      %swap3A_3528 = arith.index_cast %swap3A_3527 : i32 to index
      %swap3A_3529 = arith.index_cast %mul3A_3526 : i32 to index
      %swap3A_3530 = tpu.vector_load %arg10[%swap3A_3528, %swap3A_3529] {strides = array<i32>} : memref<32x1024xf32, #tpu.memory_space<vmem>>, vector<1x16xf32>,
      %swap3A_3531 = vector.shape_cast %swap3A_3530 : vector<1x16xf32> to vector<16xf32>
      %swap3A_3532 = vector.shape_cast %add3A_3524 : vector<16xf32> to vector<1x16xf32>
      tpu.vector_store %arg10[%swap3A_3528, %swap3A_3529], %swap3A_3532 {strides = array<i32>} : memref<32x1024xf32, #tpu.memory_space<vmem>>, vector<1x16xf32>,
      %mul3A_3533 = arith.mulf %gather3A_2386, %get3A_3352 : vector<16xf32>
      %add3A_3534 = arith.addf %get3A_3347, %mul3A_3533 : vector<16xf32>
      %mul3A_3535 = arith.constant 16 : i32
      %mul3A_3536 = arith.muli %scan3A_3340, %mul3A_3535 : i32
      %swap3A_3537 = arith.constant 18 : i32
      %swap3A_3538 = arith.index_cast %swap3A_3537 : i32 to index
      %swap3A_3539 = arith.index_cast %mul3A_3536 : i32 to index
      %swap3A_3540 = tpu.vector_load %arg10[%swap3A_3538, %swap3A_3539] {strides = array<i32>} : memref<32x1024xf32, #tpu.memory_space<vmem>>, vector<1x16xf32>,
      %swap3A_3541 = vector.shape_cast %swap3A_3540 : vector<1x16xf32> to vector<16xf32>
      %swap3A_3542 = vector.shape_cast %add3A_3534 : vector<16xf32> to vector<1x16xf32>
      tpu.vector_store %arg10[%swap3A_3538, %swap3A_3539], %swap3A_3542 {strides = array<i32>} : memref<32x1024xf32, #tpu.memory_space<vmem>>, vector<1x16xf32>,
      %mul3A_3543 = arith.mulf %gather3A_2402, %get3A_3352 : vector<16xf32>
      %add3A_3544 = arith.addf %get3A_3347, %mul3A_3543 : vector<16xf32>
      %mul3A_3545 = arith.constant 16 : i32
      %mul3A_3546 = arith.muli %scan3A_3340, %mul3A_3545 : i32
      %swap3A_3547 = arith.constant 19 : i32
      %swap3A_3548 = arith.index_cast %swap3A_3547 : i32 to index
      %swap3A_3549 = arith.index_cast %mul3A_3546 : i32 to index
      %swap3A_3550 = tpu.vector_load %arg10[%swap3A_3548, %swap3A_3549] {strides = array<i32>} : memref<32x1024xf32, #tpu.memory_space<vmem>>, vector<1x16xf32>,
      %swap3A_3551 = vector.shape_cast %swap3A_3550 : vector<1x16xf32> to vector<16xf32>
      %swap3A_3552 = vector.shape_cast %add3A_3544 : vector<16xf32> to vector<1x16xf32>
      tpu.vector_store %arg10[%swap3A_3548, %swap3A_3549], %swap3A_3552 {strides = array<i32>} : memref<32x1024xf32, #tpu.memory_space<vmem>>, vector<1x16xf32>,
      %mul3A_3553 = arith.mulf %gather3A_2418, %get3A_3352 : vector<16xf32>
      %add3A_3554 = arith.addf %get3A_3347, %mul3A_3553 : vector<16xf32>
      %mul3A_3555 = arith.constant 16 : i32
      %mul3A_3556 = arith.muli %scan3A_3340, %mul3A_3555 : i32
      %swap3A_3557 = arith.constant 20 : i32
      %swap3A_3558 = arith.index_cast %swap3A_3557 : i32 to index
      %swap3A_3559 = arith.index_cast %mul3A_3556 : i32 to index
      %swap3A_3560 = tpu.vector_load %arg10[%swap3A_3558, %swap3A_3559] {strides = array<i32>} : memref<32x1024xf32, #tpu.memory_space<vmem>>, vector<1x16xf32>,
      %swap3A_3561 = vector.shape_cast %swap3A_3560 : vector<1x16xf32> to vector<16xf32>
      %swap3A_3562 = vector.shape_cast %add3A_3554 : vector<16xf32> to vector<1x16xf32>
      tpu.vector_store %arg10[%swap3A_3558, %swap3A_3559], %swap3A_3562 {strides = array<i32>} : memref<32x1024xf32, #tpu.memory_space<vmem>>, vector<1x16xf32>,
      %mul3A_3563 = arith.mulf %gather3A_2434, %get3A_3352 : vector<16xf32>
      %add3A_3564 = arith.addf %get3A_3347, %mul3A_3563 : vector<16xf32>
      %mul3A_3565 = arith.constant 16 : i32
      %mul3A_3566 = arith.muli %scan3A_3340, %mul3A_3565 : i32
      %swap3A_3567 = arith.constant 21 : i32
      %swap3A_3568 = arith.index_cast %swap3A_3567 : i32 to index
      %swap3A_3569 = arith.index_cast %mul3A_3566 : i32 to index
      %swap3A_3570 = tpu.vector_load %arg10[%swap3A_3568, %swap3A_3569] {strides = array<i32>} : memref<32x1024xf32, #tpu.memory_space<vmem>>, vector<1x16xf32>,
      %swap3A_3571 = vector.shape_cast %swap3A_3570 : vector<1x16xf32> to vector<16xf32>
      %swap3A_3572 = vector.shape_cast %add3A_3564 : vector<16xf32> to vector<1x16xf32>
      tpu.vector_store %arg10[%swap3A_3568, %swap3A_3569], %swap3A_3572 {strides = array<i32>} : memref<32x1024xf32, #tpu.memory_space<vmem>>, vector<1x16xf32>,
      %mul3A_3573 = arith.mulf %gather3A_2450, %get3A_3352 : vector<16xf32>
      %add3A_3574 = arith.addf %get3A_3347, %mul3A_3573 : vector<16xf32>
      %mul3A_3575 = arith.constant 16 : i32
      %mul3A_3576 = arith.muli %scan3A_3340, %mul3A_3575 : i32
      %swap3A_3577 = arith.constant 22 : i32
      %swap3A_3578 = arith.index_cast %swap3A_3577 : i32 to index
      %swap3A_3579 = arith.index_cast %mul3A_3576 : i32 to index
      %swap3A_3580 = tpu.vector_load %arg10[%swap3A_3578, %swap3A_3579] {strides = array<i32>} : memref<32x1024xf32, #tpu.memory_space<vmem>>, vector<1x16xf32>,
      %swap3A_3581 = vector.shape_cast %swap3A_3580 : vector<1x16xf32> to vector<16xf32>
      %swap3A_3582 = vector.shape_cast %add3A_3574 : vector<16xf32> to vector<1x16xf32>
      tpu.vector_store %arg10[%swap3A_3578, %swap3A_3579], %swap3A_3582 {strides = array<i32>} : memref<32x1024xf32, #tpu.memory_space<vmem>>, vector<1x16xf32>,
      %mul3A_3583 = arith.mulf %gather3A_2466, %get3A_3352 : vector<16xf32>
      %add3A_3584 = arith.addf %get3A_3347, %mul3A_3583 : vector<16xf32>
      %mul3A_3585 = arith.constant 16 : i32
      %mul3A_3586 = arith.muli %scan3A_3340, %mul3A_3585 : i32
      %swap3A_3587 = arith.constant 23 : i32
      %swap3A_3588 = arith.index_cast %swap3A_3587 : i32 to index
      %swap3A_3589 = arith.index_cast %mul3A_3586 : i32 to index
      %swap3A_3590 = tpu.vector_load %arg10[%swap3A_3588, %swap3A_3589] {strides = array<i32>} : memref<32x1024xf32, #tpu.memory_space<vmem>>, vector<1x16xf32>,
      %swap3A_3591 = vector.shape_cast %swap3A_3590 : vector<1x16xf32> to vector<16xf32>
      %swap3A_3592 = vector.shape_cast %add3A_3584 : vector<16xf32> to vector<1x16xf32>
      tpu.vector_store %arg10[%swap3A_3588, %swap3A_3589], %swap3A_3592 {strides = array<i32>} : memref<32x1024xf32, #tpu.memory_space<vmem>>, vector<1x16xf32>,
      %mul3A_3593 = arith.mulf %gather3A_2482, %get3A_3352 : vector<16xf32>
      %add3A_3594 = arith.addf %get3A_3347, %mul3A_3593 : vector<16xf32>
      %mul3A_3595 = arith.constant 16 : i32
      %mul3A_3596 = arith.muli %scan3A_3340, %mul3A_3595 : i32
      %swap3A_3597 = arith.constant 24 : i32
      %swap3A_3598 = arith.index_cast %swap3A_3597 : i32 to index
      %swap3A_3599 = arith.index_cast %mul3A_3596 : i32 to index
      %swap3A_3600 = tpu.vector_load %arg10[%swap3A_3598, %swap3A_3599] {strides = array<i32>} : memref<32x1024xf32, #tpu.memory_space<vmem>>, vector<1x16xf32>,
      %swap3A_3601 = vector.shape_cast %swap3A_3600 : vector<1x16xf32> to vector<16xf32>
      %swap3A_3602 = vector.shape_cast %add3A_3594 : vector<16xf32> to vector<1x16xf32>
      tpu.vector_store %arg10[%swap3A_3598, %swap3A_3599], %swap3A_3602 {strides = array<i32>} : memref<32x1024xf32, #tpu.memory_space<vmem>>, vector<1x16xf32>,
      %mul3A_3603 = arith.mulf %gather3A_2498, %get3A_3352 : vector<16xf32>
      %add3A_3604 = arith.addf %get3A_3347, %mul3A_3603 : vector<16xf32>
      %mul3A_3605 = arith.constant 16 : i32
      %mul3A_3606 = arith.muli %scan3A_3340, %mul3A_3605 : i32
      %swap3A_3607 = arith.constant 25 : i32
      %swap3A_3608 = arith.index_cast %swap3A_3607 : i32 to index
      %swap3A_3609 = arith.index_cast %mul3A_3606 : i32 to index
      %swap3A_3610 = tpu.vector_load %arg10[%swap3A_3608, %swap3A_3609] {strides = array<i32>} : memref<32x1024xf32, #tpu.memory_space<vmem>>, vector<1x16xf32>,
      %swap3A_3611 = vector.shape_cast %swap3A_3610 : vector<1x16xf32> to vector<16xf32>
      %swap3A_3612 = vector.shape_cast %add3A_3604 : vector<16xf32> to vector<1x16xf32>
      tpu.vector_store %arg10[%swap3A_3608, %swap3A_3609], %swap3A_3612 {strides = array<i32>} : memref<32x1024xf32, #tpu.memory_space<vmem>>, vector<1x16xf32>,
      %mul3A_3613 = arith.mulf %gather3A_2514, %get3A_3352 : vector<16xf32>
      %add3A_3614 = arith.addf %get3A_3347, %mul3A_3613 : vector<16xf32>
      %mul3A_3615 = arith.constant 16 : i32
      %mul3A_3616 = arith.muli %scan3A_3340, %mul3A_3615 : i32
      %swap3A_3617 = arith.constant 26 : i32
      %swap3A_3618 = arith.index_cast %swap3A_3617 : i32 to index
      %swap3A_3619 = arith.index_cast %mul3A_3616 : i32 to index
      %swap3A_3620 = tpu.vector_load %arg10[%swap3A_3618, %swap3A_3619] {strides = array<i32>} : memref<32x1024xf32, #tpu.memory_space<vmem>>, vector<1x16xf32>,
      %swap3A_3621 = vector.shape_cast %swap3A_3620 : vector<1x16xf32> to vector<16xf32>
      %swap3A_3622 = vector.shape_cast %add3A_3614 : vector<16xf32> to vector<1x16xf32>
      tpu.vector_store %arg10[%swap3A_3618, %swap3A_3619], %swap3A_3622 {strides = array<i32>} : memref<32x1024xf32, #tpu.memory_space<vmem>>, vector<1x16xf32>,
      %mul3A_3623 = arith.mulf %gather3A_2530, %get3A_3352 : vector<16xf32>
      %add3A_3624 = arith.addf %get3A_3347, %mul3A_3623 : vector<16xf32>
      %mul3A_3625 = arith.constant 16 : i32
      %mul3A_3626 = arith.muli %scan3A_3340, %mul3A_3625 : i32
      %swap3A_3627 = arith.constant 27 : i32
      %swap3A_3628 = arith.index_cast %swap3A_3627 : i32 to index
      %swap3A_3629 = arith.index_cast %mul3A_3626 : i32 to index
      %swap3A_3630 = tpu.vector_load %arg10[%swap3A_3628, %swap3A_3629] {strides = array<i32>} : memref<32x1024xf32, #tpu.memory_space<vmem>>, vector<1x16xf32>,
      %swap3A_3631 = vector.shape_cast %swap3A_3630 : vector<1x16xf32> to vector<16xf32>
      %swap3A_3632 = vector.shape_cast %add3A_3624 : vector<16xf32> to vector<1x16xf32>
      tpu.vector_store %arg10[%swap3A_3628, %swap3A_3629], %swap3A_3632 {strides = array<i32>} : memref<32x1024xf32, #tpu.memory_space<vmem>>, vector<1x16xf32>,
      %mul3A_3633 = arith.mulf %gather3A_2546, %get3A_3352 : vector<16xf32>
      %add3A_3634 = arith.addf %get3A_3347, %mul3A_3633 : vector<16xf32>
      %mul3A_3635 = arith.constant 16 : i32
      %mul3A_3636 = arith.muli %scan3A_3340, %mul3A_3635 : i32
      %swap3A_3637 = arith.constant 28 : i32
      %swap3A_3638 = arith.index_cast %swap3A_3637 : i32 to index
      %swap3A_3639 = arith.index_cast %mul3A_3636 : i32 to index
      %swap3A_3640 = tpu.vector_load %arg10[%swap3A_3638, %swap3A_3639] {strides = array<i32>} : memref<32x1024xf32, #tpu.memory_space<vmem>>, vector<1x16xf32>,
      %swap3A_3641 = vector.shape_cast %swap3A_3640 : vector<1x16xf32> to vector<16xf32>
      %swap3A_3642 = vector.shape_cast %add3A_3634 : vector<16xf32> to vector<1x16xf32>
      tpu.vector_store %arg10[%swap3A_3638, %swap3A_3639], %swap3A_3642 {strides = array<i32>} : memref<32x1024xf32, #tpu.memory_space<vmem>>, vector<1x16xf32>,
      %mul3A_3643 = arith.mulf %gather3A_2562, %get3A_3352 : vector<16xf32>
      %add3A_3644 = arith.addf %get3A_3347, %mul3A_3643 : vector<16xf32>
      %mul3A_3645 = arith.constant 16 : i32
      %mul3A_3646 = arith.muli %scan3A_3340, %mul3A_3645 : i32
      %swap3A_3647 = arith.constant 29 : i32
      %swap3A_3648 = arith.index_cast %swap3A_3647 : i32 to index
      %swap3A_3649 = arith.index_cast %mul3A_3646 : i32 to index
      %swap3A_3650 = tpu.vector_load %arg10[%swap3A_3648, %swap3A_3649] {strides = array<i32>} : memref<32x1024xf32, #tpu.memory_space<vmem>>, vector<1x16xf32>,
      %swap3A_3651 = vector.shape_cast %swap3A_3650 : vector<1x16xf32> to vector<16xf32>
      %swap3A_3652 = vector.shape_cast %add3A_3644 : vector<16xf32> to vector<1x16xf32>
      tpu.vector_store %arg10[%swap3A_3648, %swap3A_3649], %swap3A_3652 {strides = array<i32>} : memref<32x1024xf32, #tpu.memory_space<vmem>>, vector<1x16xf32>,
      %mul3A_3653 = arith.mulf %gather3A_2578, %get3A_3352 : vector<16xf32>
      %add3A_3654 = arith.addf %get3A_3347, %mul3A_3653 : vector<16xf32>
      %mul3A_3655 = arith.constant 16 : i32
      %mul3A_3656 = arith.muli %scan3A_3340, %mul3A_3655 : i32
      %swap3A_3657 = arith.constant 30 : i32
      %swap3A_3658 = arith.index_cast %swap3A_3657 : i32 to index
      %swap3A_3659 = arith.index_cast %mul3A_3656 : i32 to index
      %swap3A_3660 = tpu.vector_load %arg10[%swap3A_3658, %swap3A_3659] {strides = array<i32>} : memref<32x1024xf32, #tpu.memory_space<vmem>>, vector<1x16xf32>,
      %swap3A_3661 = vector.shape_cast %swap3A_3660 : vector<1x16xf32> to vector<16xf32>
      %swap3A_3662 = vector.shape_cast %add3A_3654 : vector<16xf32> to vector<1x16xf32>
      tpu.vector_store %arg10[%swap3A_3658, %swap3A_3659], %swap3A_3662 {strides = array<i32>} : memref<32x1024xf32, #tpu.memory_space<vmem>>, vector<1x16xf32>,
      %mul3A_3663 = arith.mulf %gather3A_2594, %get3A_3352 : vector<16xf32>
      %add3A_3664 = arith.addf %get3A_3347, %mul3A_3663 : vector<16xf32>
      %mul3A_3665 = arith.constant 16 : i32
      %mul3A_3666 = arith.muli %scan3A_3340, %mul3A_3665 : i32
      %swap3A_3667 = arith.constant 31 : i32
      %swap3A_3668 = arith.index_cast %swap3A_3667 : i32 to index
      %swap3A_3669 = arith.index_cast %mul3A_3666 : i32 to index
      %swap3A_3670 = tpu.vector_load %arg10[%swap3A_3668, %swap3A_3669] {strides = array<i32>} : memref<32x1024xf32, #tpu.memory_space<vmem>>, vector<1x16xf32>,
      %swap3A_3671 = vector.shape_cast %swap3A_3670 : vector<1x16xf32> to vector<16xf32>
      %swap3A_3672 = vector.shape_cast %add3A_3664 : vector<16xf32> to vector<1x16xf32>
      tpu.vector_store %arg10[%swap3A_3668, %swap3A_3669], %swap3A_3672 {strides = array<i32>} : memref<32x1024xf32, #tpu.memory_space<vmem>>, vector<1x16xf32>,
    }
    %scan3A_2599 = arith.constant 64 : i32
    %add3A_2600 = arith.constant 64 : i32
    %add3A_2601 = arith.addi %mul3A_2, %add3A_2600 : i32
    %dma_start3A_2602 = arith.constant 0 : i32
    %dma_start3A_2603 = arith.constant 0 : i32
    %dma_start3A_2604 = tpu.memref_slice %arg4[%dma_start3A_2602, %add3A_2601, %dma_start3A_2603] : memref<4x4096x1024xf32, #tpu.memory_space<hbm>> -> memref<1x32x1024xf32, #tpu.memory_space<hbm>>
    %dma_start3A_2605 = tpu.memref_squeeze %dma_start3A_2604 : memref<1x32x1024xf32, #tpu.memory_space<hbm>> -> memref<32x1024xf32, #tpu.memory_space<hbm>>
    %dma_start3A_2606 = arith.constant 0 : i32
    %dma_start3A_2607 = tpu.memref_slice %arg4[%dma_start3A_2602, %add3A_2601, %dma_start3A_2606] : memref<4x4096x1024xf32, #tpu.memory_space<hbm>> -> memref<1x32x1024xf32, #tpu.memory_space<hbm>>
    %dma_start3A_2608 = tpu.memref_squeeze %dma_start3A_2607 : memref<1x32x1024xf32, #tpu.memory_space<hbm>> -> memref<32x1024xf32, #tpu.memory_space<hbm>>
    tpu.enqueue_dma source(%arg10 : memref<32x1024xf32, #tpu.memory_space<vmem>>) target(%dma_start3A_2608 : memref<32x1024xf32, #tpu.memory_space<hbm>>) target_semaphore(%arg12 : memref<!tpu.dma_semaphore, #tpu.memory_space<semaphore_mem>>)
    %add3A_2609 = arith.constant 64 : i32
    %add3A_2610 = arith.addi %mul3A_2, %add3A_2609 : i32
    %dma_start3A_2611 = arith.constant 1 : i32
    %dma_start3A_2612 = arith.constant 0 : i32
    %dma_start3A_2613 = tpu.memref_slice %arg4[%dma_start3A_2611, %add3A_2610, %dma_start3A_2612] : memref<4x4096x1024xf32, #tpu.memory_space<hbm>> -> memref<1x32x1024xf32, #tpu.memory_space<hbm>>
    %dma_start3A_2614 = tpu.memref_squeeze %dma_start3A_2613 : memref<1x32x1024xf32, #tpu.memory_space<hbm>> -> memref<32x1024xf32, #tpu.memory_space<hbm>>
    %dma_start3A_2615 = arith.constant 0 : i32
    %dma_start3A_2616 = tpu.memref_slice %arg4[%dma_start3A_2611, %add3A_2610, %dma_start3A_2615] : memref<4x4096x1024xf32, #tpu.memory_space<hbm>> -> memref<1x32x1024xf32, #tpu.memory_space<hbm>>
    %dma_start3A_2617 = tpu.memref_squeeze %dma_start3A_2616 : memref<1x32x1024xf32, #tpu.memory_space<hbm>> -> memref<32x1024xf32, #tpu.memory_space<hbm>>
    tpu.enqueue_dma source(%arg10 : memref<32x1024xf32, #tpu.memory_space<vmem>>) target(%dma_start3A_2617 : memref<32x1024xf32, #tpu.memory_space<hbm>>) target_semaphore(%arg12 : memref<!tpu.dma_semaphore, #tpu.memory_space<semaphore_mem>>)
    %add3A_2618 = arith.constant 64 : i32
    %add3A_2619 = arith.addi %mul3A_2, %add3A_2618 : i32
    %dma_start3A_2620 = arith.constant 2 : i32
    %dma_start3A_2621 = arith.constant 0 : i32
    %dma_start3A_2622 = tpu.memref_slice %arg4[%dma_start3A_2620, %add3A_2619, %dma_start3A_2621] : memref<4x4096x1024xf32, #tpu.memory_space<hbm>> -> memref<1x32x1024xf32, #tpu.memory_space<hbm>>
    %dma_start3A_2623 = tpu.memref_squeeze %dma_start3A_2622 : memref<1x32x1024xf32, #tpu.memory_space<hbm>> -> memref<32x1024xf32, #tpu.memory_space<hbm>>
    %dma_start3A_2624 = arith.constant 0 : i32
    %dma_start3A_2625 = tpu.memref_slice %arg4[%dma_start3A_2620, %add3A_2619, %dma_start3A_2624] : memref<4x4096x1024xf32, #tpu.memory_space<hbm>> -> memref<1x32x1024xf32, #tpu.memory_space<hbm>>
    %dma_start3A_2626 = tpu.memref_squeeze %dma_start3A_2625 : memref<1x32x1024xf32, #tpu.memory_space<hbm>> -> memref<32x1024xf32, #tpu.memory_space<hbm>>
    tpu.enqueue_dma source(%arg10 : memref<32x1024xf32, #tpu.memory_space<vmem>>) target(%dma_start3A_2626 : memref<32x1024xf32, #tpu.memory_space<hbm>>) target_semaphore(%arg12 : memref<!tpu.dma_semaphore, #tpu.memory_space<semaphore_mem>>)
    %add3A_2627 = arith.constant 64 : i32
    %add3A_2628 = arith.addi %mul3A_2, %add3A_2627 : i32
    %dma_start3A_2629 = arith.constant 3 : i32
    %dma_start3A_2630 = arith.constant 0 : i32
    %dma_start3A_2631 = tpu.memref_slice %arg4[%dma_start3A_2629, %add3A_2628, %dma_start3A_2630] : memref<4x4096x1024xf32, #tpu.memory_space<hbm>> -> memref<1x32x1024xf32, #tpu.memory_space<hbm>>
    %dma_start3A_2632 = tpu.memref_squeeze %dma_start3A_2631 : memref<1x32x1024xf32, #tpu.memory_space<hbm>> -> memref<32x1024xf32, #tpu.memory_space<hbm>>
    %dma_start3A_2633 = arith.constant 0 : i32
    %dma_start3A_2634 = tpu.memref_slice %arg4[%dma_start3A_2629, %add3A_2628, %dma_start3A_2633] : memref<4x4096x1024xf32, #tpu.memory_space<hbm>> -> memref<1x32x1024xf32, #tpu.memory_space<hbm>>
    %dma_start3A_2635 = tpu.memref_squeeze %dma_start3A_2634 : memref<1x32x1024xf32, #tpu.memory_space<hbm>> -> memref<32x1024xf32, #tpu.memory_space<hbm>>
    tpu.enqueue_dma source(%arg10 : memref<32x1024xf32, #tpu.memory_space<vmem>>) target(%dma_start3A_2635 : memref<32x1024xf32, #tpu.memory_space<hbm>>) target_semaphore(%arg12 : memref<!tpu.dma_semaphore, #tpu.memory_space<semaphore_mem>>)
    %add3A_2636 = arith.constant 0 : i32
    %add3A_2637 = arith.addi %mul3A_2, %add3A_2636 : i32
    %dma_wait3A = arith.constant 0 : i32
    %dma_wait3A_2638 = arith.constant 0 : i32
    %dma_wait3A_2639 = tpu.memref_slice %arg4[%dma_wait3A, %add3A_2637, %dma_wait3A_2638] : memref<4x4096x1024xf32, #tpu.memory_space<hbm>> -> memref<1x32x1024xf32, #tpu.memory_space<hbm>>
    %dma_wait3A_2640 = tpu.memref_squeeze %dma_wait3A_2639 : memref<1x32x1024xf32, #tpu.memory_space<hbm>> -> memref<32x1024xf32, #tpu.memory_space<hbm>>
    %dma_wait3A_2641 = arith.constant 0 : i32
    %dma_wait3A_2642 = tpu.memref_slice %arg4[%dma_wait3A, %add3A_2637, %dma_wait3A_2641] : memref<4x4096x1024xf32, #tpu.memory_space<hbm>> -> memref<1x32x1024xf32, #tpu.memory_space<hbm>>
    %dma_wait3A_2643 = tpu.memref_squeeze %dma_wait3A_2642 : memref<1x32x1024xf32, #tpu.memory_space<hbm>> -> memref<32x1024xf32, #tpu.memory_space<hbm>>
    tpu.wait_dma2 semaphore(%arg12 : memref<!tpu.dma_semaphore, #tpu.memory_space<semaphore_mem>>) src(%arg8 : memref<32x1024xf32, #tpu.memory_space<vmem>>) dst(%dma_wait3A_2643 : memref<32x1024xf32, #tpu.memory_space<hbm>>)
    %add3A_2644 = arith.constant 0 : i32
    %add3A_2645 = arith.addi %mul3A_2, %add3A_2644 : i32
    %dma_wait3A_2646 = arith.constant 1 : i32
    %dma_wait3A_2647 = arith.constant 0 : i32
    %dma_wait3A_2648 = tpu.memref_slice %arg4[%dma_wait3A_2646, %add3A_2645, %dma_wait3A_2647] : memref<4x4096x1024xf32, #tpu.memory_space<hbm>> -> memref<1x32x1024xf32, #tpu.memory_space<hbm>>
    %dma_wait3A_2649 = tpu.memref_squeeze %dma_wait3A_2648 : memref<1x32x1024xf32, #tpu.memory_space<hbm>> -> memref<32x1024xf32, #tpu.memory_space<hbm>>
    %dma_wait3A_2650 = arith.constant 0 : i32
    %dma_wait3A_2651 = tpu.memref_slice %arg4[%dma_wait3A_2646, %add3A_2645, %dma_wait3A_2650] : memref<4x4096x1024xf32, #tpu.memory_space<hbm>> -> memref<1x32x1024xf32, #tpu.memory_space<hbm>>
    %dma_wait3A_2652 = tpu.memref_squeeze %dma_wait3A_2651 : memref<1x32x1024xf32, #tpu.memory_space<hbm>> -> memref<32x1024xf32, #tpu.memory_space<hbm>>
    tpu.wait_dma2 semaphore(%arg12 : memref<!tpu.dma_semaphore, #tpu.memory_space<semaphore_mem>>) src(%arg8 : memref<32x1024xf32, #tpu.memory_space<vmem>>) dst(%dma_wait3A_2652 : memref<32x1024xf32, #tpu.memory_space<hbm>>)
    %add3A_2653 = arith.constant 0 : i32
    %add3A_2654 = arith.addi %mul3A_2, %add3A_2653 : i32
    %dma_wait3A_2655 = arith.constant 2 : i32
    %dma_wait3A_2656 = arith.constant 0 : i32
    %dma_wait3A_2657 = tpu.memref_slice %arg4[%dma_wait3A_2655, %add3A_2654, %dma_wait3A_2656] : memref<4x4096x1024xf32, #tpu.memory_space<hbm>> -> memref<1x32x1024xf32, #tpu.memory_space<hbm>>
    %dma_wait3A_2658 = tpu.memref_squeeze %dma_wait3A_2657 : memref<1x32x1024xf32, #tpu.memory_space<hbm>> -> memref<32x1024xf32, #tpu.memory_space<hbm>>
    %dma_wait3A_2659 = arith.constant 0 : i32
    %dma_wait3A_2660 = tpu.memref_slice %arg4[%dma_wait3A_2655, %add3A_2654, %dma_wait3A_2659] : memref<4x4096x1024xf32, #tpu.memory_space<hbm>> -> memref<1x32x1024xf32, #tpu.memory_space<hbm>>
    %dma_wait3A_2661 = tpu.memref_squeeze %dma_wait3A_2660 : memref<1x32x1024xf32, #tpu.memory_space<hbm>> -> memref<32x1024xf32, #tpu.memory_space<hbm>>
    tpu.wait_dma2 semaphore(%arg12 : memref<!tpu.dma_semaphore, #tpu.memory_space<semaphore_mem>>) src(%arg8 : memref<32x1024xf32, #tpu.memory_space<vmem>>) dst(%dma_wait3A_2661 : memref<32x1024xf32, #tpu.memory_space<hbm>>)
    %add3A_2662 = arith.constant 0 : i32
    %add3A_2663 = arith.addi %mul3A_2, %add3A_2662 : i32
    %dma_wait3A_2664 = arith.constant 3 : i32
    %dma_wait3A_2665 = arith.constant 0 : i32
    %dma_wait3A_2666 = tpu.memref_slice %arg4[%dma_wait3A_2664, %add3A_2663, %dma_wait3A_2665] : memref<4x4096x1024xf32, #tpu.memory_space<hbm>> -> memref<1x32x1024xf32, #tpu.memory_space<hbm>>
    %dma_wait3A_2667 = tpu.memref_squeeze %dma_wait3A_2666 : memref<1x32x1024xf32, #tpu.memory_space<hbm>> -> memref<32x1024xf32, #tpu.memory_space<hbm>>
    %dma_wait3A_2668 = arith.constant 0 : i32
    %dma_wait3A_2669 = tpu.memref_slice %arg4[%dma_wait3A_2664, %add3A_2663, %dma_wait3A_2668] : memref<4x4096x1024xf32, #tpu.memory_space<hbm>> -> memref<1x32x1024xf32, #tpu.memory_space<hbm>>
    %dma_wait3A_2670 = tpu.memref_squeeze %dma_wait3A_2669 : memref<1x32x1024xf32, #tpu.memory_space<hbm>> -> memref<32x1024xf32, #tpu.memory_space<hbm>>
    tpu.wait_dma2 semaphore(%arg12 : memref<!tpu.dma_semaphore, #tpu.memory_space<semaphore_mem>>) src(%arg8 : memref<32x1024xf32, #tpu.memory_space<vmem>>) dst(%dma_wait3A_2670 : memref<32x1024xf32, #tpu.memory_space<hbm>>)
    %get3A_2671 = arith.constant 96 : index
    %get3A_2672 = tpu.vector_load %arg7[%get3A_2671] {strides = array<i32>} : memref<128xi32, #tpu.memory_space<vmem>>, vector<16xi32>,
    %get3A_2673 = vector.shape_cast %get3A_2672 : vector<16xi32> to vector<16xi32>
    %convert_element_type3A_2674 = arith.sitofp %get3A_2673 : vector<16xi32> to vector<16xf32>
    %mul3A_2675 = arith.constant 0 : i32
    %mul3A_2676 = vector.broadcast %mul3A_2675 : i32 to vector<16xi32>
    %mul3A_2677 = arith.muli %mul3A_2676, %iota3A : vector<16xi32>
    %add3A_2678 = arith.constant 0 : i32
    %add3A_2679 = vector.broadcast %add3A_2678 : i32 to vector<16xi32>
    %add3A_2680 = arith.addi %add3A_2679, %mul3A_2677 : vector<16xi32>
    %lt3A_2681 = arith.constant 0 : i32
    %lt3A_2682 = vector.broadcast %lt3A_2681 : i32 to vector<16xi32>
    %lt3A_2683 = arith.cmpi slt, %add3A_2680, %lt3A_2682 : vector<16xi32>
    %add3A_2684 = arith.constant 16 : i32
    %add3A_2685 = vector.broadcast %add3A_2684 : i32 to vector<16xi32>
    %add3A_2686 = arith.addi %add3A_2680, %add3A_2685 : vector<16xi32>
    %select_n3A_2687 = arith.select %lt3A_2683, %add3A_2686, %add3A_2680 : vector<16xi1>, vector<16xi32>
    %reshape3A_2688 = vector.shape_cast %select_n3A_2687 : vector<16xi32> to vector<16x1xi32>
    %gather3A_2689 = vector.shape_cast %reshape3A_2688 : vector<16x1xi32> to vector<16xi32>
    %gather3A_2690 = tpu.dynamic_gather %convert_element_type3A_2674[%gather3A_2689] in [0] : vector<16xf32>, vector<16xi32> -> vector<16xf32>
    %mul3A_2691 = arith.constant 0 : i32
    %mul3A_2692 = vector.broadcast %mul3A_2691 : i32 to vector<16xi32>
    %mul3A_2693 = arith.muli %mul3A_2692, %iota3A : vector<16xi32>
    %add3A_2694 = arith.constant 1 : i32
    %add3A_2695 = vector.broadcast %add3A_2694 : i32 to vector<16xi32>
    %add3A_2696 = arith.addi %add3A_2695, %mul3A_2693 : vector<16xi32>
    %lt3A_2697 = arith.constant 0 : i32
    %lt3A_2698 = vector.broadcast %lt3A_2697 : i32 to vector<16xi32>
    %lt3A_2699 = arith.cmpi slt, %add3A_2696, %lt3A_2698 : vector<16xi32>
    %add3A_2700 = arith.constant 16 : i32
    %add3A_2701 = vector.broadcast %add3A_2700 : i32 to vector<16xi32>
    %add3A_2702 = arith.addi %add3A_2696, %add3A_2701 : vector<16xi32>
    %select_n3A_2703 = arith.select %lt3A_2699, %add3A_2702, %add3A_2696 : vector<16xi1>, vector<16xi32>
    %reshape3A_2704 = vector.shape_cast %select_n3A_2703 : vector<16xi32> to vector<16x1xi32>
    %gather3A_2705 = vector.shape_cast %reshape3A_2704 : vector<16x1xi32> to vector<16xi32>
    %gather3A_2706 = tpu.dynamic_gather %convert_element_type3A_2674[%gather3A_2705] in [0] : vector<16xf32>, vector<16xi32> -> vector<16xf32>
    %mul3A_2707 = arith.constant 0 : i32
    %mul3A_2708 = vector.broadcast %mul3A_2707 : i32 to vector<16xi32>
    %mul3A_2709 = arith.muli %mul3A_2708, %iota3A : vector<16xi32>
    %add3A_2710 = arith.constant 2 : i32
    %add3A_2711 = vector.broadcast %add3A_2710 : i32 to vector<16xi32>
    %add3A_2712 = arith.addi %add3A_2711, %mul3A_2709 : vector<16xi32>
    %lt3A_2713 = arith.constant 0 : i32
    %lt3A_2714 = vector.broadcast %lt3A_2713 : i32 to vector<16xi32>
    %lt3A_2715 = arith.cmpi slt, %add3A_2712, %lt3A_2714 : vector<16xi32>
    %add3A_2716 = arith.constant 16 : i32
    %add3A_2717 = vector.broadcast %add3A_2716 : i32 to vector<16xi32>
    %add3A_2718 = arith.addi %add3A_2712, %add3A_2717 : vector<16xi32>
    %select_n3A_2719 = arith.select %lt3A_2715, %add3A_2718, %add3A_2712 : vector<16xi1>, vector<16xi32>
    %reshape3A_2720 = vector.shape_cast %select_n3A_2719 : vector<16xi32> to vector<16x1xi32>
    %gather3A_2721 = vector.shape_cast %reshape3A_2720 : vector<16x1xi32> to vector<16xi32>
    %gather3A_2722 = tpu.dynamic_gather %convert_element_type3A_2674[%gather3A_2721] in [0] : vector<16xf32>, vector<16xi32> -> vector<16xf32>
    %mul3A_2723 = arith.constant 0 : i32
    %mul3A_2724 = vector.broadcast %mul3A_2723 : i32 to vector<16xi32>
    %mul3A_2725 = arith.muli %mul3A_2724, %iota3A : vector<16xi32>
    %add3A_2726 = arith.constant 3 : i32
    %add3A_2727 = vector.broadcast %add3A_2726 : i32 to vector<16xi32>
    %add3A_2728 = arith.addi %add3A_2727, %mul3A_2725 : vector<16xi32>
    %lt3A_2729 = arith.constant 0 : i32
    %lt3A_2730 = vector.broadcast %lt3A_2729 : i32 to vector<16xi32>
    %lt3A_2731 = arith.cmpi slt, %add3A_2728, %lt3A_2730 : vector<16xi32>
    %add3A_2732 = arith.constant 16 : i32
    %add3A_2733 = vector.broadcast %add3A_2732 : i32 to vector<16xi32>
    %add3A_2734 = arith.addi %add3A_2728, %add3A_2733 : vector<16xi32>
    %select_n3A_2735 = arith.select %lt3A_2731, %add3A_2734, %add3A_2728 : vector<16xi1>, vector<16xi32>
    %reshape3A_2736 = vector.shape_cast %select_n3A_2735 : vector<16xi32> to vector<16x1xi32>
    %gather3A_2737 = vector.shape_cast %reshape3A_2736 : vector<16x1xi32> to vector<16xi32>
    %gather3A_2738 = tpu.dynamic_gather %convert_element_type3A_2674[%gather3A_2737] in [0] : vector<16xf32>, vector<16xi32> -> vector<16xf32>
    %mul3A_2739 = arith.constant 0 : i32
    %mul3A_2740 = vector.broadcast %mul3A_2739 : i32 to vector<16xi32>
    %mul3A_2741 = arith.muli %mul3A_2740, %iota3A : vector<16xi32>
    %add3A_2742 = arith.constant 4 : i32
    %add3A_2743 = vector.broadcast %add3A_2742 : i32 to vector<16xi32>
    %add3A_2744 = arith.addi %add3A_2743, %mul3A_2741 : vector<16xi32>
    %lt3A_2745 = arith.constant 0 : i32
    %lt3A_2746 = vector.broadcast %lt3A_2745 : i32 to vector<16xi32>
    %lt3A_2747 = arith.cmpi slt, %add3A_2744, %lt3A_2746 : vector<16xi32>
    %add3A_2748 = arith.constant 16 : i32
    %add3A_2749 = vector.broadcast %add3A_2748 : i32 to vector<16xi32>
    %add3A_2750 = arith.addi %add3A_2744, %add3A_2749 : vector<16xi32>
    %select_n3A_2751 = arith.select %lt3A_2747, %add3A_2750, %add3A_2744 : vector<16xi1>, vector<16xi32>
    %reshape3A_2752 = vector.shape_cast %select_n3A_2751 : vector<16xi32> to vector<16x1xi32>
    %gather3A_2753 = vector.shape_cast %reshape3A_2752 : vector<16x1xi32> to vector<16xi32>
    %gather3A_2754 = tpu.dynamic_gather %convert_element_type3A_2674[%gather3A_2753] in [0] : vector<16xf32>, vector<16xi32> -> vector<16xf32>
    %mul3A_2755 = arith.constant 0 : i32
    %mul3A_2756 = vector.broadcast %mul3A_2755 : i32 to vector<16xi32>
    %mul3A_2757 = arith.muli %mul3A_2756, %iota3A : vector<16xi32>
    %add3A_2758 = arith.constant 5 : i32
    %add3A_2759 = vector.broadcast %add3A_2758 : i32 to vector<16xi32>
    %add3A_2760 = arith.addi %add3A_2759, %mul3A_2757 : vector<16xi32>
    %lt3A_2761 = arith.constant 0 : i32
    %lt3A_2762 = vector.broadcast %lt3A_2761 : i32 to vector<16xi32>
    %lt3A_2763 = arith.cmpi slt, %add3A_2760, %lt3A_2762 : vector<16xi32>
    %add3A_2764 = arith.constant 16 : i32
    %add3A_2765 = vector.broadcast %add3A_2764 : i32 to vector<16xi32>
    %add3A_2766 = arith.addi %add3A_2760, %add3A_2765 : vector<16xi32>
    %select_n3A_2767 = arith.select %lt3A_2763, %add3A_2766, %add3A_2760 : vector<16xi1>, vector<16xi32>
    %reshape3A_2768 = vector.shape_cast %select_n3A_2767 : vector<16xi32> to vector<16x1xi32>
    %gather3A_2769 = vector.shape_cast %reshape3A_2768 : vector<16x1xi32> to vector<16xi32>
    %gather3A_2770 = tpu.dynamic_gather %convert_element_type3A_2674[%gather3A_2769] in [0] : vector<16xf32>, vector<16xi32> -> vector<16xf32>
    %mul3A_2771 = arith.constant 0 : i32
    %mul3A_2772 = vector.broadcast %mul3A_2771 : i32 to vector<16xi32>
    %mul3A_2773 = arith.muli %mul3A_2772, %iota3A : vector<16xi32>
    %add3A_2774 = arith.constant 6 : i32
    %add3A_2775 = vector.broadcast %add3A_2774 : i32 to vector<16xi32>
    %add3A_2776 = arith.addi %add3A_2775, %mul3A_2773 : vector<16xi32>
    %lt3A_2777 = arith.constant 0 : i32
    %lt3A_2778 = vector.broadcast %lt3A_2777 : i32 to vector<16xi32>
    %lt3A_2779 = arith.cmpi slt, %add3A_2776, %lt3A_2778 : vector<16xi32>
    %add3A_2780 = arith.constant 16 : i32
    %add3A_2781 = vector.broadcast %add3A_2780 : i32 to vector<16xi32>
    %add3A_2782 = arith.addi %add3A_2776, %add3A_2781 : vector<16xi32>
    %select_n3A_2783 = arith.select %lt3A_2779, %add3A_2782, %add3A_2776 : vector<16xi1>, vector<16xi32>
    %reshape3A_2784 = vector.shape_cast %select_n3A_2783 : vector<16xi32> to vector<16x1xi32>
    %gather3A_2785 = vector.shape_cast %reshape3A_2784 : vector<16x1xi32> to vector<16xi32>
    %gather3A_2786 = tpu.dynamic_gather %convert_element_type3A_2674[%gather3A_2785] in [0] : vector<16xf32>, vector<16xi32> -> vector<16xf32>
    %mul3A_2787 = arith.constant 0 : i32
    %mul3A_2788 = vector.broadcast %mul3A_2787 : i32 to vector<16xi32>
    %mul3A_2789 = arith.muli %mul3A_2788, %iota3A : vector<16xi32>
    %add3A_2790 = arith.constant 7 : i32
    %add3A_2791 = vector.broadcast %add3A_2790 : i32 to vector<16xi32>
    %add3A_2792 = arith.addi %add3A_2791, %mul3A_2789 : vector<16xi32>
    %lt3A_2793 = arith.constant 0 : i32
    %lt3A_2794 = vector.broadcast %lt3A_2793 : i32 to vector<16xi32>
    %lt3A_2795 = arith.cmpi slt, %add3A_2792, %lt3A_2794 : vector<16xi32>
    %add3A_2796 = arith.constant 16 : i32
    %add3A_2797 = vector.broadcast %add3A_2796 : i32 to vector<16xi32>
    %add3A_2798 = arith.addi %add3A_2792, %add3A_2797 : vector<16xi32>
    %select_n3A_2799 = arith.select %lt3A_2795, %add3A_2798, %add3A_2792 : vector<16xi1>, vector<16xi32>
    %reshape3A_2800 = vector.shape_cast %select_n3A_2799 : vector<16xi32> to vector<16x1xi32>
    %gather3A_2801 = vector.shape_cast %reshape3A_2800 : vector<16x1xi32> to vector<16xi32>
    %gather3A_2802 = tpu.dynamic_gather %convert_element_type3A_2674[%gather3A_2801] in [0] : vector<16xf32>, vector<16xi32> -> vector<16xf32>
    %mul3A_2803 = arith.constant 0 : i32
    %mul3A_2804 = vector.broadcast %mul3A_2803 : i32 to vector<16xi32>
    %mul3A_2805 = arith.muli %mul3A_2804, %iota3A : vector<16xi32>
    %add3A_2806 = arith.constant 8 : i32
    %add3A_2807 = vector.broadcast %add3A_2806 : i32 to vector<16xi32>
    %add3A_2808 = arith.addi %add3A_2807, %mul3A_2805 : vector<16xi32>
    %lt3A_2809 = arith.constant 0 : i32
    %lt3A_2810 = vector.broadcast %lt3A_2809 : i32 to vector<16xi32>
    %lt3A_2811 = arith.cmpi slt, %add3A_2808, %lt3A_2810 : vector<16xi32>
    %add3A_2812 = arith.constant 16 : i32
    %add3A_2813 = vector.broadcast %add3A_2812 : i32 to vector<16xi32>
    %add3A_2814 = arith.addi %add3A_2808, %add3A_2813 : vector<16xi32>
    %select_n3A_2815 = arith.select %lt3A_2811, %add3A_2814, %add3A_2808 : vector<16xi1>, vector<16xi32>
    %reshape3A_2816 = vector.shape_cast %select_n3A_2815 : vector<16xi32> to vector<16x1xi32>
    %gather3A_2817 = vector.shape_cast %reshape3A_2816 : vector<16x1xi32> to vector<16xi32>
    %gather3A_2818 = tpu.dynamic_gather %convert_element_type3A_2674[%gather3A_2817] in [0] : vector<16xf32>, vector<16xi32> -> vector<16xf32>
    %mul3A_2819 = arith.constant 0 : i32
    %mul3A_2820 = vector.broadcast %mul3A_2819 : i32 to vector<16xi32>
    %mul3A_2821 = arith.muli %mul3A_2820, %iota3A : vector<16xi32>
    %add3A_2822 = arith.constant 9 : i32
    %add3A_2823 = vector.broadcast %add3A_2822 : i32 to vector<16xi32>
    %add3A_2824 = arith.addi %add3A_2823, %mul3A_2821 : vector<16xi32>
    %lt3A_2825 = arith.constant 0 : i32
    %lt3A_2826 = vector.broadcast %lt3A_2825 : i32 to vector<16xi32>
    %lt3A_2827 = arith.cmpi slt, %add3A_2824, %lt3A_2826 : vector<16xi32>
    %add3A_2828 = arith.constant 16 : i32
    %add3A_2829 = vector.broadcast %add3A_2828 : i32 to vector<16xi32>
    %add3A_2830 = arith.addi %add3A_2824, %add3A_2829 : vector<16xi32>
    %select_n3A_2831 = arith.select %lt3A_2827, %add3A_2830, %add3A_2824 : vector<16xi1>, vector<16xi32>
    %reshape3A_2832 = vector.shape_cast %select_n3A_2831 : vector<16xi32> to vector<16x1xi32>
    %gather3A_2833 = vector.shape_cast %reshape3A_2832 : vector<16x1xi32> to vector<16xi32>
    %gather3A_2834 = tpu.dynamic_gather %convert_element_type3A_2674[%gather3A_2833] in [0] : vector<16xf32>, vector<16xi32> -> vector<16xf32>
    %mul3A_2835 = arith.constant 0 : i32
    %mul3A_2836 = vector.broadcast %mul3A_2835 : i32 to vector<16xi32>
    %mul3A_2837 = arith.muli %mul3A_2836, %iota3A : vector<16xi32>
    %add3A_2838 = arith.constant 10 : i32
    %add3A_2839 = vector.broadcast %add3A_2838 : i32 to vector<16xi32>
    %add3A_2840 = arith.addi %add3A_2839, %mul3A_2837 : vector<16xi32>
    %lt3A_2841 = arith.constant 0 : i32
    %lt3A_2842 = vector.broadcast %lt3A_2841 : i32 to vector<16xi32>
    %lt3A_2843 = arith.cmpi slt, %add3A_2840, %lt3A_2842 : vector<16xi32>
    %add3A_2844 = arith.constant 16 : i32
    %add3A_2845 = vector.broadcast %add3A_2844 : i32 to vector<16xi32>
    %add3A_2846 = arith.addi %add3A_2840, %add3A_2845 : vector<16xi32>
    %select_n3A_2847 = arith.select %lt3A_2843, %add3A_2846, %add3A_2840 : vector<16xi1>, vector<16xi32>
    %reshape3A_2848 = vector.shape_cast %select_n3A_2847 : vector<16xi32> to vector<16x1xi32>
    %gather3A_2849 = vector.shape_cast %reshape3A_2848 : vector<16x1xi32> to vector<16xi32>
    %gather3A_2850 = tpu.dynamic_gather %convert_element_type3A_2674[%gather3A_2849] in [0] : vector<16xf32>, vector<16xi32> -> vector<16xf32>
    %mul3A_2851 = arith.constant 0 : i32
    %mul3A_2852 = vector.broadcast %mul3A_2851 : i32 to vector<16xi32>
    %mul3A_2853 = arith.muli %mul3A_2852, %iota3A : vector<16xi32>
    %add3A_2854 = arith.constant 11 : i32
    %add3A_2855 = vector.broadcast %add3A_2854 : i32 to vector<16xi32>
    %add3A_2856 = arith.addi %add3A_2855, %mul3A_2853 : vector<16xi32>
    %lt3A_2857 = arith.constant 0 : i32
    %lt3A_2858 = vector.broadcast %lt3A_2857 : i32 to vector<16xi32>
    %lt3A_2859 = arith.cmpi slt, %add3A_2856, %lt3A_2858 : vector<16xi32>
    %add3A_2860 = arith.constant 16 : i32
    %add3A_2861 = vector.broadcast %add3A_2860 : i32 to vector<16xi32>
    %add3A_2862 = arith.addi %add3A_2856, %add3A_2861 : vector<16xi32>
    %select_n3A_2863 = arith.select %lt3A_2859, %add3A_2862, %add3A_2856 : vector<16xi1>, vector<16xi32>
    %reshape3A_2864 = vector.shape_cast %select_n3A_2863 : vector<16xi32> to vector<16x1xi32>
    %gather3A_2865 = vector.shape_cast %reshape3A_2864 : vector<16x1xi32> to vector<16xi32>
    %gather3A_2866 = tpu.dynamic_gather %convert_element_type3A_2674[%gather3A_2865] in [0] : vector<16xf32>, vector<16xi32> -> vector<16xf32>
    %mul3A_2867 = arith.constant 0 : i32
    %mul3A_2868 = vector.broadcast %mul3A_2867 : i32 to vector<16xi32>
    %mul3A_2869 = arith.muli %mul3A_2868, %iota3A : vector<16xi32>
    %add3A_2870 = arith.constant 12 : i32
    %add3A_2871 = vector.broadcast %add3A_2870 : i32 to vector<16xi32>
    %add3A_2872 = arith.addi %add3A_2871, %mul3A_2869 : vector<16xi32>
    %lt3A_2873 = arith.constant 0 : i32
    %lt3A_2874 = vector.broadcast %lt3A_2873 : i32 to vector<16xi32>
    %lt3A_2875 = arith.cmpi slt, %add3A_2872, %lt3A_2874 : vector<16xi32>
    %add3A_2876 = arith.constant 16 : i32
    %add3A_2877 = vector.broadcast %add3A_2876 : i32 to vector<16xi32>
    %add3A_2878 = arith.addi %add3A_2872, %add3A_2877 : vector<16xi32>
    %select_n3A_2879 = arith.select %lt3A_2875, %add3A_2878, %add3A_2872 : vector<16xi1>, vector<16xi32>
    %reshape3A_2880 = vector.shape_cast %select_n3A_2879 : vector<16xi32> to vector<16x1xi32>
    %gather3A_2881 = vector.shape_cast %reshape3A_2880 : vector<16x1xi32> to vector<16xi32>
    %gather3A_2882 = tpu.dynamic_gather %convert_element_type3A_2674[%gather3A_2881] in [0] : vector<16xf32>, vector<16xi32> -> vector<16xf32>
    %mul3A_2883 = arith.constant 0 : i32
    %mul3A_2884 = vector.broadcast %mul3A_2883 : i32 to vector<16xi32>
    %mul3A_2885 = arith.muli %mul3A_2884, %iota3A : vector<16xi32>
    %add3A_2886 = arith.constant 13 : i32
    %add3A_2887 = vector.broadcast %add3A_2886 : i32 to vector<16xi32>
    %add3A_2888 = arith.addi %add3A_2887, %mul3A_2885 : vector<16xi32>
    %lt3A_2889 = arith.constant 0 : i32
    %lt3A_2890 = vector.broadcast %lt3A_2889 : i32 to vector<16xi32>
    %lt3A_2891 = arith.cmpi slt, %add3A_2888, %lt3A_2890 : vector<16xi32>
    %add3A_2892 = arith.constant 16 : i32
    %add3A_2893 = vector.broadcast %add3A_2892 : i32 to vector<16xi32>
    %add3A_2894 = arith.addi %add3A_2888, %add3A_2893 : vector<16xi32>
    %select_n3A_2895 = arith.select %lt3A_2891, %add3A_2894, %add3A_2888 : vector<16xi1>, vector<16xi32>
    %reshape3A_2896 = vector.shape_cast %select_n3A_2895 : vector<16xi32> to vector<16x1xi32>
    %gather3A_2897 = vector.shape_cast %reshape3A_2896 : vector<16x1xi32> to vector<16xi32>
    %gather3A_2898 = tpu.dynamic_gather %convert_element_type3A_2674[%gather3A_2897] in [0] : vector<16xf32>, vector<16xi32> -> vector<16xf32>
    %mul3A_2899 = arith.constant 0 : i32
    %mul3A_2900 = vector.broadcast %mul3A_2899 : i32 to vector<16xi32>
    %mul3A_2901 = arith.muli %mul3A_2900, %iota3A : vector<16xi32>
    %add3A_2902 = arith.constant 14 : i32
    %add3A_2903 = vector.broadcast %add3A_2902 : i32 to vector<16xi32>
    %add3A_2904 = arith.addi %add3A_2903, %mul3A_2901 : vector<16xi32>
    %lt3A_2905 = arith.constant 0 : i32
    %lt3A_2906 = vector.broadcast %lt3A_2905 : i32 to vector<16xi32>
    %lt3A_2907 = arith.cmpi slt, %add3A_2904, %lt3A_2906 : vector<16xi32>
    %add3A_2908 = arith.constant 16 : i32
    %add3A_2909 = vector.broadcast %add3A_2908 : i32 to vector<16xi32>
    %add3A_2910 = arith.addi %add3A_2904, %add3A_2909 : vector<16xi32>
    %select_n3A_2911 = arith.select %lt3A_2907, %add3A_2910, %add3A_2904 : vector<16xi1>, vector<16xi32>
    %reshape3A_2912 = vector.shape_cast %select_n3A_2911 : vector<16xi32> to vector<16x1xi32>
    %gather3A_2913 = vector.shape_cast %reshape3A_2912 : vector<16x1xi32> to vector<16xi32>
    %gather3A_2914 = tpu.dynamic_gather %convert_element_type3A_2674[%gather3A_2913] in [0] : vector<16xf32>, vector<16xi32> -> vector<16xf32>
    %mul3A_2915 = arith.constant 0 : i32
    %mul3A_2916 = vector.broadcast %mul3A_2915 : i32 to vector<16xi32>
    %mul3A_2917 = arith.muli %mul3A_2916, %iota3A : vector<16xi32>
    %add3A_2918 = arith.constant 15 : i32
    %add3A_2919 = vector.broadcast %add3A_2918 : i32 to vector<16xi32>
    %add3A_2920 = arith.addi %add3A_2919, %mul3A_2917 : vector<16xi32>
    %lt3A_2921 = arith.constant 0 : i32
    %lt3A_2922 = vector.broadcast %lt3A_2921 : i32 to vector<16xi32>
    %lt3A_2923 = arith.cmpi slt, %add3A_2920, %lt3A_2922 : vector<16xi32>
    %add3A_2924 = arith.constant 16 : i32
    %add3A_2925 = vector.broadcast %add3A_2924 : i32 to vector<16xi32>
    %add3A_2926 = arith.addi %add3A_2920, %add3A_2925 : vector<16xi32>
    %select_n3A_2927 = arith.select %lt3A_2923, %add3A_2926, %add3A_2920 : vector<16xi1>, vector<16xi32>
    %reshape3A_2928 = vector.shape_cast %select_n3A_2927 : vector<16xi32> to vector<16x1xi32>
    %gather3A_2929 = vector.shape_cast %reshape3A_2928 : vector<16x1xi32> to vector<16xi32>
    %gather3A_2930 = tpu.dynamic_gather %convert_element_type3A_2674[%gather3A_2929] in [0] : vector<16xf32>, vector<16xi32> -> vector<16xf32>
    %get3A_2931 = arith.constant 112 : index
    %get3A_2932 = tpu.vector_load %arg7[%get3A_2931] {strides = array<i32>} : memref<128xi32, #tpu.memory_space<vmem>>, vector<16xi32>,
    %get3A_2933 = vector.shape_cast %get3A_2932 : vector<16xi32> to vector<16xi32>
    %convert_element_type3A_2934 = arith.sitofp %get3A_2933 : vector<16xi32> to vector<16xf32>
    %mul3A_2935 = arith.constant 0 : i32
    %mul3A_2936 = vector.broadcast %mul3A_2935 : i32 to vector<16xi32>
    %mul3A_2937 = arith.muli %mul3A_2936, %iota3A : vector<16xi32>
    %add3A_2938 = arith.constant 0 : i32
    %add3A_2939 = vector.broadcast %add3A_2938 : i32 to vector<16xi32>
    %add3A_2940 = arith.addi %add3A_2939, %mul3A_2937 : vector<16xi32>
    %lt3A_2941 = arith.constant 0 : i32
    %lt3A_2942 = vector.broadcast %lt3A_2941 : i32 to vector<16xi32>
    %lt3A_2943 = arith.cmpi slt, %add3A_2940, %lt3A_2942 : vector<16xi32>
    %add3A_2944 = arith.constant 16 : i32
    %add3A_2945 = vector.broadcast %add3A_2944 : i32 to vector<16xi32>
    %add3A_2946 = arith.addi %add3A_2940, %add3A_2945 : vector<16xi32>
    %select_n3A_2947 = arith.select %lt3A_2943, %add3A_2946, %add3A_2940 : vector<16xi1>, vector<16xi32>
    %reshape3A_2948 = vector.shape_cast %select_n3A_2947 : vector<16xi32> to vector<16x1xi32>
    %gather3A_2949 = vector.shape_cast %reshape3A_2948 : vector<16x1xi32> to vector<16xi32>
    %gather3A_2950 = tpu.dynamic_gather %convert_element_type3A_2934[%gather3A_2949] in [0] : vector<16xf32>, vector<16xi32> -> vector<16xf32>
    %mul3A_2951 = arith.constant 0 : i32
    %mul3A_2952 = vector.broadcast %mul3A_2951 : i32 to vector<16xi32>
    %mul3A_2953 = arith.muli %mul3A_2952, %iota3A : vector<16xi32>
    %add3A_2954 = arith.constant 1 : i32
    %add3A_2955 = vector.broadcast %add3A_2954 : i32 to vector<16xi32>
    %add3A_2956 = arith.addi %add3A_2955, %mul3A_2953 : vector<16xi32>
    %lt3A_2957 = arith.constant 0 : i32
    %lt3A_2958 = vector.broadcast %lt3A_2957 : i32 to vector<16xi32>
    %lt3A_2959 = arith.cmpi slt, %add3A_2956, %lt3A_2958 : vector<16xi32>
    %add3A_2960 = arith.constant 16 : i32
    %add3A_2961 = vector.broadcast %add3A_2960 : i32 to vector<16xi32>
    %add3A_2962 = arith.addi %add3A_2956, %add3A_2961 : vector<16xi32>
    %select_n3A_2963 = arith.select %lt3A_2959, %add3A_2962, %add3A_2956 : vector<16xi1>, vector<16xi32>
    %reshape3A_2964 = vector.shape_cast %select_n3A_2963 : vector<16xi32> to vector<16x1xi32>
    %gather3A_2965 = vector.shape_cast %reshape3A_2964 : vector<16x1xi32> to vector<16xi32>
    %gather3A_2966 = tpu.dynamic_gather %convert_element_type3A_2934[%gather3A_2965] in [0] : vector<16xf32>, vector<16xi32> -> vector<16xf32>
    %mul3A_2967 = arith.constant 0 : i32
    %mul3A_2968 = vector.broadcast %mul3A_2967 : i32 to vector<16xi32>
    %mul3A_2969 = arith.muli %mul3A_2968, %iota3A : vector<16xi32>
    %add3A_2970 = arith.constant 2 : i32
    %add3A_2971 = vector.broadcast %add3A_2970 : i32 to vector<16xi32>
    %add3A_2972 = arith.addi %add3A_2971, %mul3A_2969 : vector<16xi32>
    %lt3A_2973 = arith.constant 0 : i32
    %lt3A_2974 = vector.broadcast %lt3A_2973 : i32 to vector<16xi32>
    %lt3A_2975 = arith.cmpi slt, %add3A_2972, %lt3A_2974 : vector<16xi32>
    %add3A_2976 = arith.constant 16 : i32
    %add3A_2977 = vector.broadcast %add3A_2976 : i32 to vector<16xi32>
    %add3A_2978 = arith.addi %add3A_2972, %add3A_2977 : vector<16xi32>
    %select_n3A_2979 = arith.select %lt3A_2975, %add3A_2978, %add3A_2972 : vector<16xi1>, vector<16xi32>
    %reshape3A_2980 = vector.shape_cast %select_n3A_2979 : vector<16xi32> to vector<16x1xi32>
    %gather3A_2981 = vector.shape_cast %reshape3A_2980 : vector<16x1xi32> to vector<16xi32>
    %gather3A_2982 = tpu.dynamic_gather %convert_element_type3A_2934[%gather3A_2981] in [0] : vector<16xf32>, vector<16xi32> -> vector<16xf32>
    %mul3A_2983 = arith.constant 0 : i32
    %mul3A_2984 = vector.broadcast %mul3A_2983 : i32 to vector<16xi32>
    %mul3A_2985 = arith.muli %mul3A_2984, %iota3A : vector<16xi32>
    %add3A_2986 = arith.constant 3 : i32
    %add3A_2987 = vector.broadcast %add3A_2986 : i32 to vector<16xi32>
    %add3A_2988 = arith.addi %add3A_2987, %mul3A_2985 : vector<16xi32>
    %lt3A_2989 = arith.constant 0 : i32
    %lt3A_2990 = vector.broadcast %lt3A_2989 : i32 to vector<16xi32>
    %lt3A_2991 = arith.cmpi slt, %add3A_2988, %lt3A_2990 : vector<16xi32>
    %add3A_2992 = arith.constant 16 : i32
    %add3A_2993 = vector.broadcast %add3A_2992 : i32 to vector<16xi32>
    %add3A_2994 = arith.addi %add3A_2988, %add3A_2993 : vector<16xi32>
    %select_n3A_2995 = arith.select %lt3A_2991, %add3A_2994, %add3A_2988 : vector<16xi1>, vector<16xi32>
    %reshape3A_2996 = vector.shape_cast %select_n3A_2995 : vector<16xi32> to vector<16x1xi32>
    %gather3A_2997 = vector.shape_cast %reshape3A_2996 : vector<16x1xi32> to vector<16xi32>
    %gather3A_2998 = tpu.dynamic_gather %convert_element_type3A_2934[%gather3A_2997] in [0] : vector<16xf32>, vector<16xi32> -> vector<16xf32>
    %mul3A_2999 = arith.constant 0 : i32
    %mul3A_3000 = vector.broadcast %mul3A_2999 : i32 to vector<16xi32>
    %mul3A_3001 = arith.muli %mul3A_3000, %iota3A : vector<16xi32>
    %add3A_3002 = arith.constant 4 : i32
    %add3A_3003 = vector.broadcast %add3A_3002 : i32 to vector<16xi32>
    %add3A_3004 = arith.addi %add3A_3003, %mul3A_3001 : vector<16xi32>
    %lt3A_3005 = arith.constant 0 : i32
    %lt3A_3006 = vector.broadcast %lt3A_3005 : i32 to vector<16xi32>
    %lt3A_3007 = arith.cmpi slt, %add3A_3004, %lt3A_3006 : vector<16xi32>
    %add3A_3008 = arith.constant 16 : i32
    %add3A_3009 = vector.broadcast %add3A_3008 : i32 to vector<16xi32>
    %add3A_3010 = arith.addi %add3A_3004, %add3A_3009 : vector<16xi32>
    %select_n3A_3011 = arith.select %lt3A_3007, %add3A_3010, %add3A_3004 : vector<16xi1>, vector<16xi32>
    %reshape3A_3012 = vector.shape_cast %select_n3A_3011 : vector<16xi32> to vector<16x1xi32>
    %gather3A_3013 = vector.shape_cast %reshape3A_3012 : vector<16x1xi32> to vector<16xi32>
    %gather3A_3014 = tpu.dynamic_gather %convert_element_type3A_2934[%gather3A_3013] in [0] : vector<16xf32>, vector<16xi32> -> vector<16xf32>
    %mul3A_3015 = arith.constant 0 : i32
    %mul3A_3016 = vector.broadcast %mul3A_3015 : i32 to vector<16xi32>
    %mul3A_3017 = arith.muli %mul3A_3016, %iota3A : vector<16xi32>
    %add3A_3018 = arith.constant 5 : i32
    %add3A_3019 = vector.broadcast %add3A_3018 : i32 to vector<16xi32>
    %add3A_3020 = arith.addi %add3A_3019, %mul3A_3017 : vector<16xi32>
    %lt3A_3021 = arith.constant 0 : i32
    %lt3A_3022 = vector.broadcast %lt3A_3021 : i32 to vector<16xi32>
    %lt3A_3023 = arith.cmpi slt, %add3A_3020, %lt3A_3022 : vector<16xi32>
    %add3A_3024 = arith.constant 16 : i32
    %add3A_3025 = vector.broadcast %add3A_3024 : i32 to vector<16xi32>
    %add3A_3026 = arith.addi %add3A_3020, %add3A_3025 : vector<16xi32>
    %select_n3A_3027 = arith.select %lt3A_3023, %add3A_3026, %add3A_3020 : vector<16xi1>, vector<16xi32>
    %reshape3A_3028 = vector.shape_cast %select_n3A_3027 : vector<16xi32> to vector<16x1xi32>
    %gather3A_3029 = vector.shape_cast %reshape3A_3028 : vector<16x1xi32> to vector<16xi32>
    %gather3A_3030 = tpu.dynamic_gather %convert_element_type3A_2934[%gather3A_3029] in [0] : vector<16xf32>, vector<16xi32> -> vector<16xf32>
    %mul3A_3031 = arith.constant 0 : i32
    %mul3A_3032 = vector.broadcast %mul3A_3031 : i32 to vector<16xi32>
    %mul3A_3033 = arith.muli %mul3A_3032, %iota3A : vector<16xi32>
    %add3A_3034 = arith.constant 6 : i32
    %add3A_3035 = vector.broadcast %add3A_3034 : i32 to vector<16xi32>
    %add3A_3036 = arith.addi %add3A_3035, %mul3A_3033 : vector<16xi32>
    %lt3A_3037 = arith.constant 0 : i32
    %lt3A_3038 = vector.broadcast %lt3A_3037 : i32 to vector<16xi32>
    %lt3A_3039 = arith.cmpi slt, %add3A_3036, %lt3A_3038 : vector<16xi32>
    %add3A_3040 = arith.constant 16 : i32
    %add3A_3041 = vector.broadcast %add3A_3040 : i32 to vector<16xi32>
    %add3A_3042 = arith.addi %add3A_3036, %add3A_3041 : vector<16xi32>
    %select_n3A_3043 = arith.select %lt3A_3039, %add3A_3042, %add3A_3036 : vector<16xi1>, vector<16xi32>
    %reshape3A_3044 = vector.shape_cast %select_n3A_3043 : vector<16xi32> to vector<16x1xi32>
    %gather3A_3045 = vector.shape_cast %reshape3A_3044 : vector<16x1xi32> to vector<16xi32>
    %gather3A_3046 = tpu.dynamic_gather %convert_element_type3A_2934[%gather3A_3045] in [0] : vector<16xf32>, vector<16xi32> -> vector<16xf32>
    %mul3A_3047 = arith.constant 0 : i32
    %mul3A_3048 = vector.broadcast %mul3A_3047 : i32 to vector<16xi32>
    %mul3A_3049 = arith.muli %mul3A_3048, %iota3A : vector<16xi32>
    %add3A_3050 = arith.constant 7 : i32
    %add3A_3051 = vector.broadcast %add3A_3050 : i32 to vector<16xi32>
    %add3A_3052 = arith.addi %add3A_3051, %mul3A_3049 : vector<16xi32>
    %lt3A_3053 = arith.constant 0 : i32
    %lt3A_3054 = vector.broadcast %lt3A_3053 : i32 to vector<16xi32>
    %lt3A_3055 = arith.cmpi slt, %add3A_3052, %lt3A_3054 : vector<16xi32>
    %add3A_3056 = arith.constant 16 : i32
    %add3A_3057 = vector.broadcast %add3A_3056 : i32 to vector<16xi32>
    %add3A_3058 = arith.addi %add3A_3052, %add3A_3057 : vector<16xi32>
    %select_n3A_3059 = arith.select %lt3A_3055, %add3A_3058, %add3A_3052 : vector<16xi1>, vector<16xi32>
    %reshape3A_3060 = vector.shape_cast %select_n3A_3059 : vector<16xi32> to vector<16x1xi32>
    %gather3A_3061 = vector.shape_cast %reshape3A_3060 : vector<16x1xi32> to vector<16xi32>
    %gather3A_3062 = tpu.dynamic_gather %convert_element_type3A_2934[%gather3A_3061] in [0] : vector<16xf32>, vector<16xi32> -> vector<16xf32>
    %mul3A_3063 = arith.constant 0 : i32
    %mul3A_3064 = vector.broadcast %mul3A_3063 : i32 to vector<16xi32>
    %mul3A_3065 = arith.muli %mul3A_3064, %iota3A : vector<16xi32>
    %add3A_3066 = arith.constant 8 : i32
    %add3A_3067 = vector.broadcast %add3A_3066 : i32 to vector<16xi32>
    %add3A_3068 = arith.addi %add3A_3067, %mul3A_3065 : vector<16xi32>
    %lt3A_3069 = arith.constant 0 : i32
    %lt3A_3070 = vector.broadcast %lt3A_3069 : i32 to vector<16xi32>
    %lt3A_3071 = arith.cmpi slt, %add3A_3068, %lt3A_3070 : vector<16xi32>
    %add3A_3072 = arith.constant 16 : i32
    %add3A_3073 = vector.broadcast %add3A_3072 : i32 to vector<16xi32>
    %add3A_3074 = arith.addi %add3A_3068, %add3A_3073 : vector<16xi32>
    %select_n3A_3075 = arith.select %lt3A_3071, %add3A_3074, %add3A_3068 : vector<16xi1>, vector<16xi32>
    %reshape3A_3076 = vector.shape_cast %select_n3A_3075 : vector<16xi32> to vector<16x1xi32>
    %gather3A_3077 = vector.shape_cast %reshape3A_3076 : vector<16x1xi32> to vector<16xi32>
    %gather3A_3078 = tpu.dynamic_gather %convert_element_type3A_2934[%gather3A_3077] in [0] : vector<16xf32>, vector<16xi32> -> vector<16xf32>
    %mul3A_3079 = arith.constant 0 : i32
    %mul3A_3080 = vector.broadcast %mul3A_3079 : i32 to vector<16xi32>
    %mul3A_3081 = arith.muli %mul3A_3080, %iota3A : vector<16xi32>
    %add3A_3082 = arith.constant 9 : i32
    %add3A_3083 = vector.broadcast %add3A_3082 : i32 to vector<16xi32>
    %add3A_3084 = arith.addi %add3A_3083, %mul3A_3081 : vector<16xi32>
    %lt3A_3085 = arith.constant 0 : i32
    %lt3A_3086 = vector.broadcast %lt3A_3085 : i32 to vector<16xi32>
    %lt3A_3087 = arith.cmpi slt, %add3A_3084, %lt3A_3086 : vector<16xi32>
    %add3A_3088 = arith.constant 16 : i32
    %add3A_3089 = vector.broadcast %add3A_3088 : i32 to vector<16xi32>
    %add3A_3090 = arith.addi %add3A_3084, %add3A_3089 : vector<16xi32>
    %select_n3A_3091 = arith.select %lt3A_3087, %add3A_3090, %add3A_3084 : vector<16xi1>, vector<16xi32>
    %reshape3A_3092 = vector.shape_cast %select_n3A_3091 : vector<16xi32> to vector<16x1xi32>
    %gather3A_3093 = vector.shape_cast %reshape3A_3092 : vector<16x1xi32> to vector<16xi32>
    %gather3A_3094 = tpu.dynamic_gather %convert_element_type3A_2934[%gather3A_3093] in [0] : vector<16xf32>, vector<16xi32> -> vector<16xf32>
    %mul3A_3095 = arith.constant 0 : i32
    %mul3A_3096 = vector.broadcast %mul3A_3095 : i32 to vector<16xi32>
    %mul3A_3097 = arith.muli %mul3A_3096, %iota3A : vector<16xi32>
    %add3A_3098 = arith.constant 10 : i32
    %add3A_3099 = vector.broadcast %add3A_3098 : i32 to vector<16xi32>
    %add3A_3100 = arith.addi %add3A_3099, %mul3A_3097 : vector<16xi32>
    %lt3A_3101 = arith.constant 0 : i32
    %lt3A_3102 = vector.broadcast %lt3A_3101 : i32 to vector<16xi32>
    %lt3A_3103 = arith.cmpi slt, %add3A_3100, %lt3A_3102 : vector<16xi32>
    %add3A_3104 = arith.constant 16 : i32
    %add3A_3105 = vector.broadcast %add3A_3104 : i32 to vector<16xi32>
    %add3A_3106 = arith.addi %add3A_3100, %add3A_3105 : vector<16xi32>
    %select_n3A_3107 = arith.select %lt3A_3103, %add3A_3106, %add3A_3100 : vector<16xi1>, vector<16xi32>
    %reshape3A_3108 = vector.shape_cast %select_n3A_3107 : vector<16xi32> to vector<16x1xi32>
    %gather3A_3109 = vector.shape_cast %reshape3A_3108 : vector<16x1xi32> to vector<16xi32>
    %gather3A_3110 = tpu.dynamic_gather %convert_element_type3A_2934[%gather3A_3109] in [0] : vector<16xf32>, vector<16xi32> -> vector<16xf32>
    %mul3A_3111 = arith.constant 0 : i32
    %mul3A_3112 = vector.broadcast %mul3A_3111 : i32 to vector<16xi32>
    %mul3A_3113 = arith.muli %mul3A_3112, %iota3A : vector<16xi32>
    %add3A_3114 = arith.constant 11 : i32
    %add3A_3115 = vector.broadcast %add3A_3114 : i32 to vector<16xi32>
    %add3A_3116 = arith.addi %add3A_3115, %mul3A_3113 : vector<16xi32>
    %lt3A_3117 = arith.constant 0 : i32
    %lt3A_3118 = vector.broadcast %lt3A_3117 : i32 to vector<16xi32>
    %lt3A_3119 = arith.cmpi slt, %add3A_3116, %lt3A_3118 : vector<16xi32>
    %add3A_3120 = arith.constant 16 : i32
    %add3A_3121 = vector.broadcast %add3A_3120 : i32 to vector<16xi32>
    %add3A_3122 = arith.addi %add3A_3116, %add3A_3121 : vector<16xi32>
    %select_n3A_3123 = arith.select %lt3A_3119, %add3A_3122, %add3A_3116 : vector<16xi1>, vector<16xi32>
    %reshape3A_3124 = vector.shape_cast %select_n3A_3123 : vector<16xi32> to vector<16x1xi32>
    %gather3A_3125 = vector.shape_cast %reshape3A_3124 : vector<16x1xi32> to vector<16xi32>
    %gather3A_3126 = tpu.dynamic_gather %convert_element_type3A_2934[%gather3A_3125] in [0] : vector<16xf32>, vector<16xi32> -> vector<16xf32>
    %mul3A_3127 = arith.constant 0 : i32
    %mul3A_3128 = vector.broadcast %mul3A_3127 : i32 to vector<16xi32>
    %mul3A_3129 = arith.muli %mul3A_3128, %iota3A : vector<16xi32>
    %add3A_3130 = arith.constant 12 : i32
    %add3A_3131 = vector.broadcast %add3A_3130 : i32 to vector<16xi32>
    %add3A_3132 = arith.addi %add3A_3131, %mul3A_3129 : vector<16xi32>
    %lt3A_3133 = arith.constant 0 : i32
    %lt3A_3134 = vector.broadcast %lt3A_3133 : i32 to vector<16xi32>
    %lt3A_3135 = arith.cmpi slt, %add3A_3132, %lt3A_3134 : vector<16xi32>
    %add3A_3136 = arith.constant 16 : i32
    %add3A_3137 = vector.broadcast %add3A_3136 : i32 to vector<16xi32>
    %add3A_3138 = arith.addi %add3A_3132, %add3A_3137 : vector<16xi32>
    %select_n3A_3139 = arith.select %lt3A_3135, %add3A_3138, %add3A_3132 : vector<16xi1>, vector<16xi32>
    %reshape3A_3140 = vector.shape_cast %select_n3A_3139 : vector<16xi32> to vector<16x1xi32>
    %gather3A_3141 = vector.shape_cast %reshape3A_3140 : vector<16x1xi32> to vector<16xi32>
    %gather3A_3142 = tpu.dynamic_gather %convert_element_type3A_2934[%gather3A_3141] in [0] : vector<16xf32>, vector<16xi32> -> vector<16xf32>
    %mul3A_3143 = arith.constant 0 : i32
    %mul3A_3144 = vector.broadcast %mul3A_3143 : i32 to vector<16xi32>
    %mul3A_3145 = arith.muli %mul3A_3144, %iota3A : vector<16xi32>
    %add3A_3146 = arith.constant 13 : i32
    %add3A_3147 = vector.broadcast %add3A_3146 : i32 to vector<16xi32>
    %add3A_3148 = arith.addi %add3A_3147, %mul3A_3145 : vector<16xi32>
    %lt3A_3149 = arith.constant 0 : i32
    %lt3A_3150 = vector.broadcast %lt3A_3149 : i32 to vector<16xi32>
    %lt3A_3151 = arith.cmpi slt, %add3A_3148, %lt3A_3150 : vector<16xi32>
    %add3A_3152 = arith.constant 16 : i32
    %add3A_3153 = vector.broadcast %add3A_3152 : i32 to vector<16xi32>
    %add3A_3154 = arith.addi %add3A_3148, %add3A_3153 : vector<16xi32>
    %select_n3A_3155 = arith.select %lt3A_3151, %add3A_3154, %add3A_3148 : vector<16xi1>, vector<16xi32>
    %reshape3A_3156 = vector.shape_cast %select_n3A_3155 : vector<16xi32> to vector<16x1xi32>
    %gather3A_3157 = vector.shape_cast %reshape3A_3156 : vector<16x1xi32> to vector<16xi32>
    %gather3A_3158 = tpu.dynamic_gather %convert_element_type3A_2934[%gather3A_3157] in [0] : vector<16xf32>, vector<16xi32> -> vector<16xf32>
    %mul3A_3159 = arith.constant 0 : i32
    %mul3A_3160 = vector.broadcast %mul3A_3159 : i32 to vector<16xi32>
    %mul3A_3161 = arith.muli %mul3A_3160, %iota3A : vector<16xi32>
    %add3A_3162 = arith.constant 14 : i32
    %add3A_3163 = vector.broadcast %add3A_3162 : i32 to vector<16xi32>
    %add3A_3164 = arith.addi %add3A_3163, %mul3A_3161 : vector<16xi32>
    %lt3A_3165 = arith.constant 0 : i32
    %lt3A_3166 = vector.broadcast %lt3A_3165 : i32 to vector<16xi32>
    %lt3A_3167 = arith.cmpi slt, %add3A_3164, %lt3A_3166 : vector<16xi32>
    %add3A_3168 = arith.constant 16 : i32
    %add3A_3169 = vector.broadcast %add3A_3168 : i32 to vector<16xi32>
    %add3A_3170 = arith.addi %add3A_3164, %add3A_3169 : vector<16xi32>
    %select_n3A_3171 = arith.select %lt3A_3167, %add3A_3170, %add3A_3164 : vector<16xi1>, vector<16xi32>
    %reshape3A_3172 = vector.shape_cast %select_n3A_3171 : vector<16xi32> to vector<16x1xi32>
    %gather3A_3173 = vector.shape_cast %reshape3A_3172 : vector<16x1xi32> to vector<16xi32>
    %gather3A_3174 = tpu.dynamic_gather %convert_element_type3A_2934[%gather3A_3173] in [0] : vector<16xf32>, vector<16xi32> -> vector<16xf32>
    %mul3A_3175 = arith.constant 0 : i32
    %mul3A_3176 = vector.broadcast %mul3A_3175 : i32 to vector<16xi32>
    %mul3A_3177 = arith.muli %mul3A_3176, %iota3A : vector<16xi32>
    %add3A_3178 = arith.constant 15 : i32
    %add3A_3179 = vector.broadcast %add3A_3178 : i32 to vector<16xi32>
    %add3A_3180 = arith.addi %add3A_3179, %mul3A_3177 : vector<16xi32>
    %lt3A_3181 = arith.constant 0 : i32
    %lt3A_3182 = vector.broadcast %lt3A_3181 : i32 to vector<16xi32>
    %lt3A_3183 = arith.cmpi slt, %add3A_3180, %lt3A_3182 : vector<16xi32>
    %add3A_3184 = arith.constant 16 : i32
    %add3A_3185 = vector.broadcast %add3A_3184 : i32 to vector<16xi32>
    %add3A_3186 = arith.addi %add3A_3180, %add3A_3185 : vector<16xi32>
    %select_n3A_3187 = arith.select %lt3A_3183, %add3A_3186, %add3A_3180 : vector<16xi1>, vector<16xi32>
    %reshape3A_3188 = vector.shape_cast %select_n3A_3187 : vector<16xi32> to vector<16x1xi32>
    %gather3A_3189 = vector.shape_cast %reshape3A_3188 : vector<16x1xi32> to vector<16xi32>
    %gather3A_3190 = tpu.dynamic_gather %convert_element_type3A_2934[%gather3A_3189] in [0] : vector<16xf32>, vector<16xi32> -> vector<16xf32>
    %scan3A_3191 = arith.constant 0 : i32
    %scan3A_3192 = arith.constant 64 : i32
    %scan3A_3193 = arith.addi %scan3A_3191, %scan3A_3192 : i32
    %scan3A_3194 = arith.constant 1 : i32
    scf.for %scan3A_3340 = %scan3A_3191 to %scan3A_3193 step %scan3A_3194  : i32 {
      %mul3A_3341 = arith.constant 16 : i32
      %mul3A_3342 = arith.muli %scan3A_3340, %mul3A_3341 : i32
      %get3A_3343 = arith.constant 0 : i32
      %get3A_3344 = arith.index_cast %get3A_3343 : i32 to index
      %get3A_3345 = arith.index_cast %mul3A_3342 : i32 to index
      %get3A_3346 = tpu.vector_load %arg5[%get3A_3344, %get3A_3345] {strides = array<i32>} : memref<2x1024xf32, #tpu.memory_space<vmem>>, vector<1x16xf32>,
      %get3A_3347 = vector.shape_cast %get3A_3346 : vector<1x16xf32> to vector<16xf32>
      %mul3A_3348 = arith.constant 16 : i32
      %mul3A_3349 = arith.muli %scan3A_3340, %mul3A_3348 : i32
      %get3A_3350 = arith.index_cast %mul3A_3349 : i32 to index
      %get3A_3351 = tpu.vector_load %arg6[%get3A_3350] {strides = array<i32>} : memref<1024xf32, #tpu.memory_space<vmem>>, vector<16xf32>,
      %get3A_3352 = vector.shape_cast %get3A_3351 : vector<16xf32> to vector<16xf32>
      %mul3A_3353 = arith.mulf %gather3A_2690, %get3A_3352 : vector<16xf32>
      %add3A_3354 = arith.addf %get3A_3347, %mul3A_3353 : vector<16xf32>
      %mul3A_3355 = arith.constant 16 : i32
      %mul3A_3356 = arith.muli %scan3A_3340, %mul3A_3355 : i32
      %swap3A_3357 = arith.constant 0 : i32
      %swap3A_3358 = arith.index_cast %swap3A_3357 : i32 to index
      %swap3A_3359 = arith.index_cast %mul3A_3356 : i32 to index
      %swap3A_3360 = tpu.vector_load %arg8[%swap3A_3358, %swap3A_3359] {strides = array<i32>} : memref<32x1024xf32, #tpu.memory_space<vmem>>, vector<1x16xf32>,
      %swap3A_3361 = vector.shape_cast %swap3A_3360 : vector<1x16xf32> to vector<16xf32>
      %swap3A_3362 = vector.shape_cast %add3A_3354 : vector<16xf32> to vector<1x16xf32>
      tpu.vector_store %arg8[%swap3A_3358, %swap3A_3359], %swap3A_3362 {strides = array<i32>} : memref<32x1024xf32, #tpu.memory_space<vmem>>, vector<1x16xf32>,
      %mul3A_3363 = arith.mulf %gather3A_2706, %get3A_3352 : vector<16xf32>
      %add3A_3364 = arith.addf %get3A_3347, %mul3A_3363 : vector<16xf32>
      %mul3A_3365 = arith.constant 16 : i32
      %mul3A_3366 = arith.muli %scan3A_3340, %mul3A_3365 : i32
      %swap3A_3367 = arith.constant 1 : i32
      %swap3A_3368 = arith.index_cast %swap3A_3367 : i32 to index
      %swap3A_3369 = arith.index_cast %mul3A_3366 : i32 to index
      %swap3A_3370 = tpu.vector_load %arg8[%swap3A_3368, %swap3A_3369] {strides = array<i32>} : memref<32x1024xf32, #tpu.memory_space<vmem>>, vector<1x16xf32>,
      %swap3A_3371 = vector.shape_cast %swap3A_3370 : vector<1x16xf32> to vector<16xf32>
      %swap3A_3372 = vector.shape_cast %add3A_3364 : vector<16xf32> to vector<1x16xf32>
      tpu.vector_store %arg8[%swap3A_3368, %swap3A_3369], %swap3A_3372 {strides = array<i32>} : memref<32x1024xf32, #tpu.memory_space<vmem>>, vector<1x16xf32>,
      %mul3A_3373 = arith.mulf %gather3A_2722, %get3A_3352 : vector<16xf32>
      %add3A_3374 = arith.addf %get3A_3347, %mul3A_3373 : vector<16xf32>
      %mul3A_3375 = arith.constant 16 : i32
      %mul3A_3376 = arith.muli %scan3A_3340, %mul3A_3375 : i32
      %swap3A_3377 = arith.constant 2 : i32
      %swap3A_3378 = arith.index_cast %swap3A_3377 : i32 to index
      %swap3A_3379 = arith.index_cast %mul3A_3376 : i32 to index
      %swap3A_3380 = tpu.vector_load %arg8[%swap3A_3378, %swap3A_3379] {strides = array<i32>} : memref<32x1024xf32, #tpu.memory_space<vmem>>, vector<1x16xf32>,
      %swap3A_3381 = vector.shape_cast %swap3A_3380 : vector<1x16xf32> to vector<16xf32>
      %swap3A_3382 = vector.shape_cast %add3A_3374 : vector<16xf32> to vector<1x16xf32>
      tpu.vector_store %arg8[%swap3A_3378, %swap3A_3379], %swap3A_3382 {strides = array<i32>} : memref<32x1024xf32, #tpu.memory_space<vmem>>, vector<1x16xf32>,
      %mul3A_3383 = arith.mulf %gather3A_2738, %get3A_3352 : vector<16xf32>
      %add3A_3384 = arith.addf %get3A_3347, %mul3A_3383 : vector<16xf32>
      %mul3A_3385 = arith.constant 16 : i32
      %mul3A_3386 = arith.muli %scan3A_3340, %mul3A_3385 : i32
      %swap3A_3387 = arith.constant 3 : i32
      %swap3A_3388 = arith.index_cast %swap3A_3387 : i32 to index
      %swap3A_3389 = arith.index_cast %mul3A_3386 : i32 to index
      %swap3A_3390 = tpu.vector_load %arg8[%swap3A_3388, %swap3A_3389] {strides = array<i32>} : memref<32x1024xf32, #tpu.memory_space<vmem>>, vector<1x16xf32>,
      %swap3A_3391 = vector.shape_cast %swap3A_3390 : vector<1x16xf32> to vector<16xf32>
      %swap3A_3392 = vector.shape_cast %add3A_3384 : vector<16xf32> to vector<1x16xf32>
      tpu.vector_store %arg8[%swap3A_3388, %swap3A_3389], %swap3A_3392 {strides = array<i32>} : memref<32x1024xf32, #tpu.memory_space<vmem>>, vector<1x16xf32>,
      %mul3A_3393 = arith.mulf %gather3A_2754, %get3A_3352 : vector<16xf32>
      %add3A_3394 = arith.addf %get3A_3347, %mul3A_3393 : vector<16xf32>
      %mul3A_3395 = arith.constant 16 : i32
      %mul3A_3396 = arith.muli %scan3A_3340, %mul3A_3395 : i32
      %swap3A_3397 = arith.constant 4 : i32
      %swap3A_3398 = arith.index_cast %swap3A_3397 : i32 to index
      %swap3A_3399 = arith.index_cast %mul3A_3396 : i32 to index
      %swap3A_3400 = tpu.vector_load %arg8[%swap3A_3398, %swap3A_3399] {strides = array<i32>} : memref<32x1024xf32, #tpu.memory_space<vmem>>, vector<1x16xf32>,
      %swap3A_3401 = vector.shape_cast %swap3A_3400 : vector<1x16xf32> to vector<16xf32>
      %swap3A_3402 = vector.shape_cast %add3A_3394 : vector<16xf32> to vector<1x16xf32>
      tpu.vector_store %arg8[%swap3A_3398, %swap3A_3399], %swap3A_3402 {strides = array<i32>} : memref<32x1024xf32, #tpu.memory_space<vmem>>, vector<1x16xf32>,
      %mul3A_3403 = arith.mulf %gather3A_2770, %get3A_3352 : vector<16xf32>
      %add3A_3404 = arith.addf %get3A_3347, %mul3A_3403 : vector<16xf32>
      %mul3A_3405 = arith.constant 16 : i32
      %mul3A_3406 = arith.muli %scan3A_3340, %mul3A_3405 : i32
      %swap3A_3407 = arith.constant 5 : i32
      %swap3A_3408 = arith.index_cast %swap3A_3407 : i32 to index
      %swap3A_3409 = arith.index_cast %mul3A_3406 : i32 to index
      %swap3A_3410 = tpu.vector_load %arg8[%swap3A_3408, %swap3A_3409] {strides = array<i32>} : memref<32x1024xf32, #tpu.memory_space<vmem>>, vector<1x16xf32>,
      %swap3A_3411 = vector.shape_cast %swap3A_3410 : vector<1x16xf32> to vector<16xf32>
      %swap3A_3412 = vector.shape_cast %add3A_3404 : vector<16xf32> to vector<1x16xf32>
      tpu.vector_store %arg8[%swap3A_3408, %swap3A_3409], %swap3A_3412 {strides = array<i32>} : memref<32x1024xf32, #tpu.memory_space<vmem>>, vector<1x16xf32>,
      %mul3A_3413 = arith.mulf %gather3A_2786, %get3A_3352 : vector<16xf32>
      %add3A_3414 = arith.addf %get3A_3347, %mul3A_3413 : vector<16xf32>
      %mul3A_3415 = arith.constant 16 : i32
      %mul3A_3416 = arith.muli %scan3A_3340, %mul3A_3415 : i32
      %swap3A_3417 = arith.constant 6 : i32
      %swap3A_3418 = arith.index_cast %swap3A_3417 : i32 to index
      %swap3A_3419 = arith.index_cast %mul3A_3416 : i32 to index
      %swap3A_3420 = tpu.vector_load %arg8[%swap3A_3418, %swap3A_3419] {strides = array<i32>} : memref<32x1024xf32, #tpu.memory_space<vmem>>, vector<1x16xf32>,
      %swap3A_3421 = vector.shape_cast %swap3A_3420 : vector<1x16xf32> to vector<16xf32>
      %swap3A_3422 = vector.shape_cast %add3A_3414 : vector<16xf32> to vector<1x16xf32>
      tpu.vector_store %arg8[%swap3A_3418, %swap3A_3419], %swap3A_3422 {strides = array<i32>} : memref<32x1024xf32, #tpu.memory_space<vmem>>, vector<1x16xf32>,
      %mul3A_3423 = arith.mulf %gather3A_2802, %get3A_3352 : vector<16xf32>
      %add3A_3424 = arith.addf %get3A_3347, %mul3A_3423 : vector<16xf32>
      %mul3A_3425 = arith.constant 16 : i32
      %mul3A_3426 = arith.muli %scan3A_3340, %mul3A_3425 : i32
      %swap3A_3427 = arith.constant 7 : i32
      %swap3A_3428 = arith.index_cast %swap3A_3427 : i32 to index
      %swap3A_3429 = arith.index_cast %mul3A_3426 : i32 to index
      %swap3A_3430 = tpu.vector_load %arg8[%swap3A_3428, %swap3A_3429] {strides = array<i32>} : memref<32x1024xf32, #tpu.memory_space<vmem>>, vector<1x16xf32>,
      %swap3A_3431 = vector.shape_cast %swap3A_3430 : vector<1x16xf32> to vector<16xf32>
      %swap3A_3432 = vector.shape_cast %add3A_3424 : vector<16xf32> to vector<1x16xf32>
      tpu.vector_store %arg8[%swap3A_3428, %swap3A_3429], %swap3A_3432 {strides = array<i32>} : memref<32x1024xf32, #tpu.memory_space<vmem>>, vector<1x16xf32>,
      %mul3A_3433 = arith.mulf %gather3A_2818, %get3A_3352 : vector<16xf32>
      %add3A_3434 = arith.addf %get3A_3347, %mul3A_3433 : vector<16xf32>
      %mul3A_3435 = arith.constant 16 : i32
      %mul3A_3436 = arith.muli %scan3A_3340, %mul3A_3435 : i32
      %swap3A_3437 = arith.constant 8 : i32
      %swap3A_3438 = arith.index_cast %swap3A_3437 : i32 to index
      %swap3A_3439 = arith.index_cast %mul3A_3436 : i32 to index
      %swap3A_3440 = tpu.vector_load %arg8[%swap3A_3438, %swap3A_3439] {strides = array<i32>} : memref<32x1024xf32, #tpu.memory_space<vmem>>, vector<1x16xf32>,
      %swap3A_3441 = vector.shape_cast %swap3A_3440 : vector<1x16xf32> to vector<16xf32>
      %swap3A_3442 = vector.shape_cast %add3A_3434 : vector<16xf32> to vector<1x16xf32>
      tpu.vector_store %arg8[%swap3A_3438, %swap3A_3439], %swap3A_3442 {strides = array<i32>} : memref<32x1024xf32, #tpu.memory_space<vmem>>, vector<1x16xf32>,
      %mul3A_3443 = arith.mulf %gather3A_2834, %get3A_3352 : vector<16xf32>
      %add3A_3444 = arith.addf %get3A_3347, %mul3A_3443 : vector<16xf32>
      %mul3A_3445 = arith.constant 16 : i32
      %mul3A_3446 = arith.muli %scan3A_3340, %mul3A_3445 : i32
      %swap3A_3447 = arith.constant 9 : i32
      %swap3A_3448 = arith.index_cast %swap3A_3447 : i32 to index
      %swap3A_3449 = arith.index_cast %mul3A_3446 : i32 to index
      %swap3A_3450 = tpu.vector_load %arg8[%swap3A_3448, %swap3A_3449] {strides = array<i32>} : memref<32x1024xf32, #tpu.memory_space<vmem>>, vector<1x16xf32>,
      %swap3A_3451 = vector.shape_cast %swap3A_3450 : vector<1x16xf32> to vector<16xf32>
      %swap3A_3452 = vector.shape_cast %add3A_3444 : vector<16xf32> to vector<1x16xf32>
      tpu.vector_store %arg8[%swap3A_3448, %swap3A_3449], %swap3A_3452 {strides = array<i32>} : memref<32x1024xf32, #tpu.memory_space<vmem>>, vector<1x16xf32>,
      %mul3A_3453 = arith.mulf %gather3A_2850, %get3A_3352 : vector<16xf32>
      %add3A_3454 = arith.addf %get3A_3347, %mul3A_3453 : vector<16xf32>
      %mul3A_3455 = arith.constant 16 : i32
      %mul3A_3456 = arith.muli %scan3A_3340, %mul3A_3455 : i32
      %swap3A_3457 = arith.constant 10 : i32
      %swap3A_3458 = arith.index_cast %swap3A_3457 : i32 to index
      %swap3A_3459 = arith.index_cast %mul3A_3456 : i32 to index
      %swap3A_3460 = tpu.vector_load %arg8[%swap3A_3458, %swap3A_3459] {strides = array<i32>} : memref<32x1024xf32, #tpu.memory_space<vmem>>, vector<1x16xf32>,
      %swap3A_3461 = vector.shape_cast %swap3A_3460 : vector<1x16xf32> to vector<16xf32>
      %swap3A_3462 = vector.shape_cast %add3A_3454 : vector<16xf32> to vector<1x16xf32>
      tpu.vector_store %arg8[%swap3A_3458, %swap3A_3459], %swap3A_3462 {strides = array<i32>} : memref<32x1024xf32, #tpu.memory_space<vmem>>, vector<1x16xf32>,
      %mul3A_3463 = arith.mulf %gather3A_2866, %get3A_3352 : vector<16xf32>
      %add3A_3464 = arith.addf %get3A_3347, %mul3A_3463 : vector<16xf32>
      %mul3A_3465 = arith.constant 16 : i32
      %mul3A_3466 = arith.muli %scan3A_3340, %mul3A_3465 : i32
      %swap3A_3467 = arith.constant 11 : i32
      %swap3A_3468 = arith.index_cast %swap3A_3467 : i32 to index
      %swap3A_3469 = arith.index_cast %mul3A_3466 : i32 to index
      %swap3A_3470 = tpu.vector_load %arg8[%swap3A_3468, %swap3A_3469] {strides = array<i32>} : memref<32x1024xf32, #tpu.memory_space<vmem>>, vector<1x16xf32>,
      %swap3A_3471 = vector.shape_cast %swap3A_3470 : vector<1x16xf32> to vector<16xf32>
      %swap3A_3472 = vector.shape_cast %add3A_3464 : vector<16xf32> to vector<1x16xf32>
      tpu.vector_store %arg8[%swap3A_3468, %swap3A_3469], %swap3A_3472 {strides = array<i32>} : memref<32x1024xf32, #tpu.memory_space<vmem>>, vector<1x16xf32>,
      %mul3A_3473 = arith.mulf %gather3A_2882, %get3A_3352 : vector<16xf32>
      %add3A_3474 = arith.addf %get3A_3347, %mul3A_3473 : vector<16xf32>
      %mul3A_3475 = arith.constant 16 : i32
      %mul3A_3476 = arith.muli %scan3A_3340, %mul3A_3475 : i32
      %swap3A_3477 = arith.constant 12 : i32
      %swap3A_3478 = arith.index_cast %swap3A_3477 : i32 to index
      %swap3A_3479 = arith.index_cast %mul3A_3476 : i32 to index
      %swap3A_3480 = tpu.vector_load %arg8[%swap3A_3478, %swap3A_3479] {strides = array<i32>} : memref<32x1024xf32, #tpu.memory_space<vmem>>, vector<1x16xf32>,
      %swap3A_3481 = vector.shape_cast %swap3A_3480 : vector<1x16xf32> to vector<16xf32>
      %swap3A_3482 = vector.shape_cast %add3A_3474 : vector<16xf32> to vector<1x16xf32>
      tpu.vector_store %arg8[%swap3A_3478, %swap3A_3479], %swap3A_3482 {strides = array<i32>} : memref<32x1024xf32, #tpu.memory_space<vmem>>, vector<1x16xf32>,
      %mul3A_3483 = arith.mulf %gather3A_2898, %get3A_3352 : vector<16xf32>
      %add3A_3484 = arith.addf %get3A_3347, %mul3A_3483 : vector<16xf32>
      %mul3A_3485 = arith.constant 16 : i32
      %mul3A_3486 = arith.muli %scan3A_3340, %mul3A_3485 : i32
      %swap3A_3487 = arith.constant 13 : i32
      %swap3A_3488 = arith.index_cast %swap3A_3487 : i32 to index
      %swap3A_3489 = arith.index_cast %mul3A_3486 : i32 to index
      %swap3A_3490 = tpu.vector_load %arg8[%swap3A_3488, %swap3A_3489] {strides = array<i32>} : memref<32x1024xf32, #tpu.memory_space<vmem>>, vector<1x16xf32>,
      %swap3A_3491 = vector.shape_cast %swap3A_3490 : vector<1x16xf32> to vector<16xf32>
      %swap3A_3492 = vector.shape_cast %add3A_3484 : vector<16xf32> to vector<1x16xf32>
      tpu.vector_store %arg8[%swap3A_3488, %swap3A_3489], %swap3A_3492 {strides = array<i32>} : memref<32x1024xf32, #tpu.memory_space<vmem>>, vector<1x16xf32>,
      %mul3A_3493 = arith.mulf %gather3A_2914, %get3A_3352 : vector<16xf32>
      %add3A_3494 = arith.addf %get3A_3347, %mul3A_3493 : vector<16xf32>
      %mul3A_3495 = arith.constant 16 : i32
      %mul3A_3496 = arith.muli %scan3A_3340, %mul3A_3495 : i32
      %swap3A_3497 = arith.constant 14 : i32
      %swap3A_3498 = arith.index_cast %swap3A_3497 : i32 to index
      %swap3A_3499 = arith.index_cast %mul3A_3496 : i32 to index
      %swap3A_3500 = tpu.vector_load %arg8[%swap3A_3498, %swap3A_3499] {strides = array<i32>} : memref<32x1024xf32, #tpu.memory_space<vmem>>, vector<1x16xf32>,
      %swap3A_3501 = vector.shape_cast %swap3A_3500 : vector<1x16xf32> to vector<16xf32>
      %swap3A_3502 = vector.shape_cast %add3A_3494 : vector<16xf32> to vector<1x16xf32>
      tpu.vector_store %arg8[%swap3A_3498, %swap3A_3499], %swap3A_3502 {strides = array<i32>} : memref<32x1024xf32, #tpu.memory_space<vmem>>, vector<1x16xf32>,
      %mul3A_3503 = arith.mulf %gather3A_2930, %get3A_3352 : vector<16xf32>
      %add3A_3504 = arith.addf %get3A_3347, %mul3A_3503 : vector<16xf32>
      %mul3A_3505 = arith.constant 16 : i32
      %mul3A_3506 = arith.muli %scan3A_3340, %mul3A_3505 : i32
      %swap3A_3507 = arith.constant 15 : i32
      %swap3A_3508 = arith.index_cast %swap3A_3507 : i32 to index
      %swap3A_3509 = arith.index_cast %mul3A_3506 : i32 to index
      %swap3A_3510 = tpu.vector_load %arg8[%swap3A_3508, %swap3A_3509] {strides = array<i32>} : memref<32x1024xf32, #tpu.memory_space<vmem>>, vector<1x16xf32>,
      %swap3A_3511 = vector.shape_cast %swap3A_3510 : vector<1x16xf32> to vector<16xf32>
      %swap3A_3512 = vector.shape_cast %add3A_3504 : vector<16xf32> to vector<1x16xf32>
      tpu.vector_store %arg8[%swap3A_3508, %swap3A_3509], %swap3A_3512 {strides = array<i32>} : memref<32x1024xf32, #tpu.memory_space<vmem>>, vector<1x16xf32>,
      %mul3A_3513 = arith.mulf %gather3A_2950, %get3A_3352 : vector<16xf32>
      %add3A_3514 = arith.addf %get3A_3347, %mul3A_3513 : vector<16xf32>
      %mul3A_3515 = arith.constant 16 : i32
      %mul3A_3516 = arith.muli %scan3A_3340, %mul3A_3515 : i32
      %swap3A_3517 = arith.constant 16 : i32
      %swap3A_3518 = arith.index_cast %swap3A_3517 : i32 to index
      %swap3A_3519 = arith.index_cast %mul3A_3516 : i32 to index
      %swap3A_3520 = tpu.vector_load %arg8[%swap3A_3518, %swap3A_3519] {strides = array<i32>} : memref<32x1024xf32, #tpu.memory_space<vmem>>, vector<1x16xf32>,
      %swap3A_3521 = vector.shape_cast %swap3A_3520 : vector<1x16xf32> to vector<16xf32>
      %swap3A_3522 = vector.shape_cast %add3A_3514 : vector<16xf32> to vector<1x16xf32>
      tpu.vector_store %arg8[%swap3A_3518, %swap3A_3519], %swap3A_3522 {strides = array<i32>} : memref<32x1024xf32, #tpu.memory_space<vmem>>, vector<1x16xf32>,
      %mul3A_3523 = arith.mulf %gather3A_2966, %get3A_3352 : vector<16xf32>
      %add3A_3524 = arith.addf %get3A_3347, %mul3A_3523 : vector<16xf32>
      %mul3A_3525 = arith.constant 16 : i32
      %mul3A_3526 = arith.muli %scan3A_3340, %mul3A_3525 : i32
      %swap3A_3527 = arith.constant 17 : i32
      %swap3A_3528 = arith.index_cast %swap3A_3527 : i32 to index
      %swap3A_3529 = arith.index_cast %mul3A_3526 : i32 to index
      %swap3A_3530 = tpu.vector_load %arg8[%swap3A_3528, %swap3A_3529] {strides = array<i32>} : memref<32x1024xf32, #tpu.memory_space<vmem>>, vector<1x16xf32>,
      %swap3A_3531 = vector.shape_cast %swap3A_3530 : vector<1x16xf32> to vector<16xf32>
      %swap3A_3532 = vector.shape_cast %add3A_3524 : vector<16xf32> to vector<1x16xf32>
      tpu.vector_store %arg8[%swap3A_3528, %swap3A_3529], %swap3A_3532 {strides = array<i32>} : memref<32x1024xf32, #tpu.memory_space<vmem>>, vector<1x16xf32>,
      %mul3A_3533 = arith.mulf %gather3A_2982, %get3A_3352 : vector<16xf32>
      %add3A_3534 = arith.addf %get3A_3347, %mul3A_3533 : vector<16xf32>
      %mul3A_3535 = arith.constant 16 : i32
      %mul3A_3536 = arith.muli %scan3A_3340, %mul3A_3535 : i32
      %swap3A_3537 = arith.constant 18 : i32
      %swap3A_3538 = arith.index_cast %swap3A_3537 : i32 to index
      %swap3A_3539 = arith.index_cast %mul3A_3536 : i32 to index
      %swap3A_3540 = tpu.vector_load %arg8[%swap3A_3538, %swap3A_3539] {strides = array<i32>} : memref<32x1024xf32, #tpu.memory_space<vmem>>, vector<1x16xf32>,
      %swap3A_3541 = vector.shape_cast %swap3A_3540 : vector<1x16xf32> to vector<16xf32>
      %swap3A_3542 = vector.shape_cast %add3A_3534 : vector<16xf32> to vector<1x16xf32>
      tpu.vector_store %arg8[%swap3A_3538, %swap3A_3539], %swap3A_3542 {strides = array<i32>} : memref<32x1024xf32, #tpu.memory_space<vmem>>, vector<1x16xf32>,
      %mul3A_3543 = arith.mulf %gather3A_2998, %get3A_3352 : vector<16xf32>
      %add3A_3544 = arith.addf %get3A_3347, %mul3A_3543 : vector<16xf32>
      %mul3A_3545 = arith.constant 16 : i32
      %mul3A_3546 = arith.muli %scan3A_3340, %mul3A_3545 : i32
      %swap3A_3547 = arith.constant 19 : i32
      %swap3A_3548 = arith.index_cast %swap3A_3547 : i32 to index
      %swap3A_3549 = arith.index_cast %mul3A_3546 : i32 to index
      %swap3A_3550 = tpu.vector_load %arg8[%swap3A_3548, %swap3A_3549] {strides = array<i32>} : memref<32x1024xf32, #tpu.memory_space<vmem>>, vector<1x16xf32>,
      %swap3A_3551 = vector.shape_cast %swap3A_3550 : vector<1x16xf32> to vector<16xf32>
      %swap3A_3552 = vector.shape_cast %add3A_3544 : vector<16xf32> to vector<1x16xf32>
      tpu.vector_store %arg8[%swap3A_3548, %swap3A_3549], %swap3A_3552 {strides = array<i32>} : memref<32x1024xf32, #tpu.memory_space<vmem>>, vector<1x16xf32>,
      %mul3A_3553 = arith.mulf %gather3A_3014, %get3A_3352 : vector<16xf32>
      %add3A_3554 = arith.addf %get3A_3347, %mul3A_3553 : vector<16xf32>
      %mul3A_3555 = arith.constant 16 : i32
      %mul3A_3556 = arith.muli %scan3A_3340, %mul3A_3555 : i32
      %swap3A_3557 = arith.constant 20 : i32
      %swap3A_3558 = arith.index_cast %swap3A_3557 : i32 to index
      %swap3A_3559 = arith.index_cast %mul3A_3556 : i32 to index
      %swap3A_3560 = tpu.vector_load %arg8[%swap3A_3558, %swap3A_3559] {strides = array<i32>} : memref<32x1024xf32, #tpu.memory_space<vmem>>, vector<1x16xf32>,
      %swap3A_3561 = vector.shape_cast %swap3A_3560 : vector<1x16xf32> to vector<16xf32>
      %swap3A_3562 = vector.shape_cast %add3A_3554 : vector<16xf32> to vector<1x16xf32>
      tpu.vector_store %arg8[%swap3A_3558, %swap3A_3559], %swap3A_3562 {strides = array<i32>} : memref<32x1024xf32, #tpu.memory_space<vmem>>, vector<1x16xf32>,
      %mul3A_3563 = arith.mulf %gather3A_3030, %get3A_3352 : vector<16xf32>
      %add3A_3564 = arith.addf %get3A_3347, %mul3A_3563 : vector<16xf32>
      %mul3A_3565 = arith.constant 16 : i32
      %mul3A_3566 = arith.muli %scan3A_3340, %mul3A_3565 : i32
      %swap3A_3567 = arith.constant 21 : i32
      %swap3A_3568 = arith.index_cast %swap3A_3567 : i32 to index
      %swap3A_3569 = arith.index_cast %mul3A_3566 : i32 to index
      %swap3A_3570 = tpu.vector_load %arg8[%swap3A_3568, %swap3A_3569] {strides = array<i32>} : memref<32x1024xf32, #tpu.memory_space<vmem>>, vector<1x16xf32>,
      %swap3A_3571 = vector.shape_cast %swap3A_3570 : vector<1x16xf32> to vector<16xf32>
      %swap3A_3572 = vector.shape_cast %add3A_3564 : vector<16xf32> to vector<1x16xf32>
      tpu.vector_store %arg8[%swap3A_3568, %swap3A_3569], %swap3A_3572 {strides = array<i32>} : memref<32x1024xf32, #tpu.memory_space<vmem>>, vector<1x16xf32>,
      %mul3A_3573 = arith.mulf %gather3A_3046, %get3A_3352 : vector<16xf32>
      %add3A_3574 = arith.addf %get3A_3347, %mul3A_3573 : vector<16xf32>
      %mul3A_3575 = arith.constant 16 : i32
      %mul3A_3576 = arith.muli %scan3A_3340, %mul3A_3575 : i32
      %swap3A_3577 = arith.constant 22 : i32
      %swap3A_3578 = arith.index_cast %swap3A_3577 : i32 to index
      %swap3A_3579 = arith.index_cast %mul3A_3576 : i32 to index
      %swap3A_3580 = tpu.vector_load %arg8[%swap3A_3578, %swap3A_3579] {strides = array<i32>} : memref<32x1024xf32, #tpu.memory_space<vmem>>, vector<1x16xf32>,
      %swap3A_3581 = vector.shape_cast %swap3A_3580 : vector<1x16xf32> to vector<16xf32>
      %swap3A_3582 = vector.shape_cast %add3A_3574 : vector<16xf32> to vector<1x16xf32>
      tpu.vector_store %arg8[%swap3A_3578, %swap3A_3579], %swap3A_3582 {strides = array<i32>} : memref<32x1024xf32, #tpu.memory_space<vmem>>, vector<1x16xf32>,
      %mul3A_3583 = arith.mulf %gather3A_3062, %get3A_3352 : vector<16xf32>
      %add3A_3584 = arith.addf %get3A_3347, %mul3A_3583 : vector<16xf32>
      %mul3A_3585 = arith.constant 16 : i32
      %mul3A_3586 = arith.muli %scan3A_3340, %mul3A_3585 : i32
      %swap3A_3587 = arith.constant 23 : i32
      %swap3A_3588 = arith.index_cast %swap3A_3587 : i32 to index
      %swap3A_3589 = arith.index_cast %mul3A_3586 : i32 to index
      %swap3A_3590 = tpu.vector_load %arg8[%swap3A_3588, %swap3A_3589] {strides = array<i32>} : memref<32x1024xf32, #tpu.memory_space<vmem>>, vector<1x16xf32>,
      %swap3A_3591 = vector.shape_cast %swap3A_3590 : vector<1x16xf32> to vector<16xf32>
      %swap3A_3592 = vector.shape_cast %add3A_3584 : vector<16xf32> to vector<1x16xf32>
      tpu.vector_store %arg8[%swap3A_3588, %swap3A_3589], %swap3A_3592 {strides = array<i32>} : memref<32x1024xf32, #tpu.memory_space<vmem>>, vector<1x16xf32>,
      %mul3A_3593 = arith.mulf %gather3A_3078, %get3A_3352 : vector<16xf32>
      %add3A_3594 = arith.addf %get3A_3347, %mul3A_3593 : vector<16xf32>
      %mul3A_3595 = arith.constant 16 : i32
      %mul3A_3596 = arith.muli %scan3A_3340, %mul3A_3595 : i32
      %swap3A_3597 = arith.constant 24 : i32
      %swap3A_3598 = arith.index_cast %swap3A_3597 : i32 to index
      %swap3A_3599 = arith.index_cast %mul3A_3596 : i32 to index
      %swap3A_3600 = tpu.vector_load %arg8[%swap3A_3598, %swap3A_3599] {strides = array<i32>} : memref<32x1024xf32, #tpu.memory_space<vmem>>, vector<1x16xf32>,
      %swap3A_3601 = vector.shape_cast %swap3A_3600 : vector<1x16xf32> to vector<16xf32>
      %swap3A_3602 = vector.shape_cast %add3A_3594 : vector<16xf32> to vector<1x16xf32>
      tpu.vector_store %arg8[%swap3A_3598, %swap3A_3599], %swap3A_3602 {strides = array<i32>} : memref<32x1024xf32, #tpu.memory_space<vmem>>, vector<1x16xf32>,
      %mul3A_3603 = arith.mulf %gather3A_3094, %get3A_3352 : vector<16xf32>
      %add3A_3604 = arith.addf %get3A_3347, %mul3A_3603 : vector<16xf32>
      %mul3A_3605 = arith.constant 16 : i32
      %mul3A_3606 = arith.muli %scan3A_3340, %mul3A_3605 : i32
      %swap3A_3607 = arith.constant 25 : i32
      %swap3A_3608 = arith.index_cast %swap3A_3607 : i32 to index
      %swap3A_3609 = arith.index_cast %mul3A_3606 : i32 to index
      %swap3A_3610 = tpu.vector_load %arg8[%swap3A_3608, %swap3A_3609] {strides = array<i32>} : memref<32x1024xf32, #tpu.memory_space<vmem>>, vector<1x16xf32>,
      %swap3A_3611 = vector.shape_cast %swap3A_3610 : vector<1x16xf32> to vector<16xf32>
      %swap3A_3612 = vector.shape_cast %add3A_3604 : vector<16xf32> to vector<1x16xf32>
      tpu.vector_store %arg8[%swap3A_3608, %swap3A_3609], %swap3A_3612 {strides = array<i32>} : memref<32x1024xf32, #tpu.memory_space<vmem>>, vector<1x16xf32>,
      %mul3A_3613 = arith.mulf %gather3A_3110, %get3A_3352 : vector<16xf32>
      %add3A_3614 = arith.addf %get3A_3347, %mul3A_3613 : vector<16xf32>
      %mul3A_3615 = arith.constant 16 : i32
      %mul3A_3616 = arith.muli %scan3A_3340, %mul3A_3615 : i32
      %swap3A_3617 = arith.constant 26 : i32
      %swap3A_3618 = arith.index_cast %swap3A_3617 : i32 to index
      %swap3A_3619 = arith.index_cast %mul3A_3616 : i32 to index
      %swap3A_3620 = tpu.vector_load %arg8[%swap3A_3618, %swap3A_3619] {strides = array<i32>} : memref<32x1024xf32, #tpu.memory_space<vmem>>, vector<1x16xf32>,
      %swap3A_3621 = vector.shape_cast %swap3A_3620 : vector<1x16xf32> to vector<16xf32>
      %swap3A_3622 = vector.shape_cast %add3A_3614 : vector<16xf32> to vector<1x16xf32>
      tpu.vector_store %arg8[%swap3A_3618, %swap3A_3619], %swap3A_3622 {strides = array<i32>} : memref<32x1024xf32, #tpu.memory_space<vmem>>, vector<1x16xf32>,
      %mul3A_3623 = arith.mulf %gather3A_3126, %get3A_3352 : vector<16xf32>
      %add3A_3624 = arith.addf %get3A_3347, %mul3A_3623 : vector<16xf32>
      %mul3A_3625 = arith.constant 16 : i32
      %mul3A_3626 = arith.muli %scan3A_3340, %mul3A_3625 : i32
      %swap3A_3627 = arith.constant 27 : i32
      %swap3A_3628 = arith.index_cast %swap3A_3627 : i32 to index
      %swap3A_3629 = arith.index_cast %mul3A_3626 : i32 to index
      %swap3A_3630 = tpu.vector_load %arg8[%swap3A_3628, %swap3A_3629] {strides = array<i32>} : memref<32x1024xf32, #tpu.memory_space<vmem>>, vector<1x16xf32>,
      %swap3A_3631 = vector.shape_cast %swap3A_3630 : vector<1x16xf32> to vector<16xf32>
      %swap3A_3632 = vector.shape_cast %add3A_3624 : vector<16xf32> to vector<1x16xf32>
      tpu.vector_store %arg8[%swap3A_3628, %swap3A_3629], %swap3A_3632 {strides = array<i32>} : memref<32x1024xf32, #tpu.memory_space<vmem>>, vector<1x16xf32>,
      %mul3A_3633 = arith.mulf %gather3A_3142, %get3A_3352 : vector<16xf32>
      %add3A_3634 = arith.addf %get3A_3347, %mul3A_3633 : vector<16xf32>
      %mul3A_3635 = arith.constant 16 : i32
      %mul3A_3636 = arith.muli %scan3A_3340, %mul3A_3635 : i32
      %swap3A_3637 = arith.constant 28 : i32
      %swap3A_3638 = arith.index_cast %swap3A_3637 : i32 to index
      %swap3A_3639 = arith.index_cast %mul3A_3636 : i32 to index
      %swap3A_3640 = tpu.vector_load %arg8[%swap3A_3638, %swap3A_3639] {strides = array<i32>} : memref<32x1024xf32, #tpu.memory_space<vmem>>, vector<1x16xf32>,
      %swap3A_3641 = vector.shape_cast %swap3A_3640 : vector<1x16xf32> to vector<16xf32>
      %swap3A_3642 = vector.shape_cast %add3A_3634 : vector<16xf32> to vector<1x16xf32>
      tpu.vector_store %arg8[%swap3A_3638, %swap3A_3639], %swap3A_3642 {strides = array<i32>} : memref<32x1024xf32, #tpu.memory_space<vmem>>, vector<1x16xf32>,
      %mul3A_3643 = arith.mulf %gather3A_3158, %get3A_3352 : vector<16xf32>
      %add3A_3644 = arith.addf %get3A_3347, %mul3A_3643 : vector<16xf32>
      %mul3A_3645 = arith.constant 16 : i32
      %mul3A_3646 = arith.muli %scan3A_3340, %mul3A_3645 : i32
      %swap3A_3647 = arith.constant 29 : i32
      %swap3A_3648 = arith.index_cast %swap3A_3647 : i32 to index
      %swap3A_3649 = arith.index_cast %mul3A_3646 : i32 to index
      %swap3A_3650 = tpu.vector_load %arg8[%swap3A_3648, %swap3A_3649] {strides = array<i32>} : memref<32x1024xf32, #tpu.memory_space<vmem>>, vector<1x16xf32>,
      %swap3A_3651 = vector.shape_cast %swap3A_3650 : vector<1x16xf32> to vector<16xf32>
      %swap3A_3652 = vector.shape_cast %add3A_3644 : vector<16xf32> to vector<1x16xf32>
      tpu.vector_store %arg8[%swap3A_3648, %swap3A_3649], %swap3A_3652 {strides = array<i32>} : memref<32x1024xf32, #tpu.memory_space<vmem>>, vector<1x16xf32>,
      %mul3A_3653 = arith.mulf %gather3A_3174, %get3A_3352 : vector<16xf32>
      %add3A_3654 = arith.addf %get3A_3347, %mul3A_3653 : vector<16xf32>
      %mul3A_3655 = arith.constant 16 : i32
      %mul3A_3656 = arith.muli %scan3A_3340, %mul3A_3655 : i32
      %swap3A_3657 = arith.constant 30 : i32
      %swap3A_3658 = arith.index_cast %swap3A_3657 : i32 to index
      %swap3A_3659 = arith.index_cast %mul3A_3656 : i32 to index
      %swap3A_3660 = tpu.vector_load %arg8[%swap3A_3658, %swap3A_3659] {strides = array<i32>} : memref<32x1024xf32, #tpu.memory_space<vmem>>, vector<1x16xf32>,
      %swap3A_3661 = vector.shape_cast %swap3A_3660 : vector<1x16xf32> to vector<16xf32>
      %swap3A_3662 = vector.shape_cast %add3A_3654 : vector<16xf32> to vector<1x16xf32>
      tpu.vector_store %arg8[%swap3A_3658, %swap3A_3659], %swap3A_3662 {strides = array<i32>} : memref<32x1024xf32, #tpu.memory_space<vmem>>, vector<1x16xf32>,
      %mul3A_3663 = arith.mulf %gather3A_3190, %get3A_3352 : vector<16xf32>
      %add3A_3664 = arith.addf %get3A_3347, %mul3A_3663 : vector<16xf32>
      %mul3A_3665 = arith.constant 16 : i32
      %mul3A_3666 = arith.muli %scan3A_3340, %mul3A_3665 : i32
      %swap3A_3667 = arith.constant 31 : i32
      %swap3A_3668 = arith.index_cast %swap3A_3667 : i32 to index
      %swap3A_3669 = arith.index_cast %mul3A_3666 : i32 to index
      %swap3A_3670 = tpu.vector_load %arg8[%swap3A_3668, %swap3A_3669] {strides = array<i32>} : memref<32x1024xf32, #tpu.memory_space<vmem>>, vector<1x16xf32>,
      %swap3A_3671 = vector.shape_cast %swap3A_3670 : vector<1x16xf32> to vector<16xf32>
      %swap3A_3672 = vector.shape_cast %add3A_3664 : vector<16xf32> to vector<1x16xf32>
      tpu.vector_store %arg8[%swap3A_3668, %swap3A_3669], %swap3A_3672 {strides = array<i32>} : memref<32x1024xf32, #tpu.memory_space<vmem>>, vector<1x16xf32>,
    }
    %scan3A_3195 = arith.constant 64 : i32
    %add3A_3196 = arith.constant 96 : i32
    %add3A_3197 = arith.addi %mul3A_2, %add3A_3196 : i32
    %dma_start3A_3198 = arith.constant 0 : i32
    %dma_start3A_3199 = arith.constant 0 : i32
    %dma_start3A_3200 = tpu.memref_slice %arg4[%dma_start3A_3198, %add3A_3197, %dma_start3A_3199] : memref<4x4096x1024xf32, #tpu.memory_space<hbm>> -> memref<1x32x1024xf32, #tpu.memory_space<hbm>>
    %dma_start3A_3201 = tpu.memref_squeeze %dma_start3A_3200 : memref<1x32x1024xf32, #tpu.memory_space<hbm>> -> memref<32x1024xf32, #tpu.memory_space<hbm>>
    %dma_start3A_3202 = arith.constant 0 : i32
    %dma_start3A_3203 = tpu.memref_slice %arg4[%dma_start3A_3198, %add3A_3197, %dma_start3A_3202] : memref<4x4096x1024xf32, #tpu.memory_space<hbm>> -> memref<1x32x1024xf32, #tpu.memory_space<hbm>>
    %dma_start3A_3204 = tpu.memref_squeeze %dma_start3A_3203 : memref<1x32x1024xf32, #tpu.memory_space<hbm>> -> memref<32x1024xf32, #tpu.memory_space<hbm>>
    tpu.enqueue_dma source(%arg8 : memref<32x1024xf32, #tpu.memory_space<vmem>>) target(%dma_start3A_3204 : memref<32x1024xf32, #tpu.memory_space<hbm>>) target_semaphore(%arg12 : memref<!tpu.dma_semaphore, #tpu.memory_space<semaphore_mem>>)
    %add3A_3205 = arith.constant 96 : i32
    %add3A_3206 = arith.addi %mul3A_2, %add3A_3205 : i32
    %dma_start3A_3207 = arith.constant 1 : i32
    %dma_start3A_3208 = arith.constant 0 : i32
    %dma_start3A_3209 = tpu.memref_slice %arg4[%dma_start3A_3207, %add3A_3206, %dma_start3A_3208] : memref<4x4096x1024xf32, #tpu.memory_space<hbm>> -> memref<1x32x1024xf32, #tpu.memory_space<hbm>>
    %dma_start3A_3210 = tpu.memref_squeeze %dma_start3A_3209 : memref<1x32x1024xf32, #tpu.memory_space<hbm>> -> memref<32x1024xf32, #tpu.memory_space<hbm>>
    %dma_start3A_3211 = arith.constant 0 : i32
    %dma_start3A_3212 = tpu.memref_slice %arg4[%dma_start3A_3207, %add3A_3206, %dma_start3A_3211] : memref<4x4096x1024xf32, #tpu.memory_space<hbm>> -> memref<1x32x1024xf32, #tpu.memory_space<hbm>>
    %dma_start3A_3213 = tpu.memref_squeeze %dma_start3A_3212 : memref<1x32x1024xf32, #tpu.memory_space<hbm>> -> memref<32x1024xf32, #tpu.memory_space<hbm>>
    tpu.enqueue_dma source(%arg8 : memref<32x1024xf32, #tpu.memory_space<vmem>>) target(%dma_start3A_3213 : memref<32x1024xf32, #tpu.memory_space<hbm>>) target_semaphore(%arg12 : memref<!tpu.dma_semaphore, #tpu.memory_space<semaphore_mem>>)
    %add3A_3214 = arith.constant 96 : i32
    %add3A_3215 = arith.addi %mul3A_2, %add3A_3214 : i32
    %dma_start3A_3216 = arith.constant 2 : i32
    %dma_start3A_3217 = arith.constant 0 : i32
    %dma_start3A_3218 = tpu.memref_slice %arg4[%dma_start3A_3216, %add3A_3215, %dma_start3A_3217] : memref<4x4096x1024xf32, #tpu.memory_space<hbm>> -> memref<1x32x1024xf32, #tpu.memory_space<hbm>>
    %dma_start3A_3219 = tpu.memref_squeeze %dma_start3A_3218 : memref<1x32x1024xf32, #tpu.memory_space<hbm>> -> memref<32x1024xf32, #tpu.memory_space<hbm>>
    %dma_start3A_3220 = arith.constant 0 : i32
    %dma_start3A_3221 = tpu.memref_slice %arg4[%dma_start3A_3216, %add3A_3215, %dma_start3A_3220] : memref<4x4096x1024xf32, #tpu.memory_space<hbm>> -> memref<1x32x1024xf32, #tpu.memory_space<hbm>>
    %dma_start3A_3222 = tpu.memref_squeeze %dma_start3A_3221 : memref<1x32x1024xf32, #tpu.memory_space<hbm>> -> memref<32x1024xf32, #tpu.memory_space<hbm>>
    tpu.enqueue_dma source(%arg8 : memref<32x1024xf32, #tpu.memory_space<vmem>>) target(%dma_start3A_3222 : memref<32x1024xf32, #tpu.memory_space<hbm>>) target_semaphore(%arg12 : memref<!tpu.dma_semaphore, #tpu.memory_space<semaphore_mem>>)
    %add3A_3223 = arith.constant 96 : i32
    %add3A_3224 = arith.addi %mul3A_2, %add3A_3223 : i32
    %dma_start3A_3225 = arith.constant 3 : i32
    %dma_start3A_3226 = arith.constant 0 : i32
    %dma_start3A_3227 = tpu.memref_slice %arg4[%dma_start3A_3225, %add3A_3224, %dma_start3A_3226] : memref<4x4096x1024xf32, #tpu.memory_space<hbm>> -> memref<1x32x1024xf32, #tpu.memory_space<hbm>>
    %dma_start3A_3228 = tpu.memref_squeeze %dma_start3A_3227 : memref<1x32x1024xf32, #tpu.memory_space<hbm>> -> memref<32x1024xf32, #tpu.memory_space<hbm>>
    %dma_start3A_3229 = arith.constant 0 : i32
    %dma_start3A_3230 = tpu.memref_slice %arg4[%dma_start3A_3225, %add3A_3224, %dma_start3A_3229] : memref<4x4096x1024xf32, #tpu.memory_space<hbm>> -> memref<1x32x1024xf32, #tpu.memory_space<hbm>>
    %dma_start3A_3231 = tpu.memref_squeeze %dma_start3A_3230 : memref<1x32x1024xf32, #tpu.memory_space<hbm>> -> memref<32x1024xf32, #tpu.memory_space<hbm>>
    tpu.enqueue_dma source(%arg8 : memref<32x1024xf32, #tpu.memory_space<vmem>>) target(%dma_start3A_3231 : memref<32x1024xf32, #tpu.memory_space<hbm>>) target_semaphore(%arg12 : memref<!tpu.dma_semaphore, #tpu.memory_space<semaphore_mem>>)
    %add3A_3232 = arith.constant 32 : i32
    %add3A_3233 = arith.addi %mul3A_2, %add3A_3232 : i32
    %dma_wait3A_3234 = arith.constant 0 : i32
    %dma_wait3A_3235 = arith.constant 0 : i32
    %dma_wait3A_3236 = tpu.memref_slice %arg4[%dma_wait3A_3234, %add3A_3233, %dma_wait3A_3235] : memref<4x4096x1024xf32, #tpu.memory_space<hbm>> -> memref<1x32x1024xf32, #tpu.memory_space<hbm>>
    %dma_wait3A_3237 = tpu.memref_squeeze %dma_wait3A_3236 : memref<1x32x1024xf32, #tpu.memory_space<hbm>> -> memref<32x1024xf32, #tpu.memory_space<hbm>>
    %dma_wait3A_3238 = arith.constant 0 : i32
    %dma_wait3A_3239 = tpu.memref_slice %arg4[%dma_wait3A_3234, %add3A_3233, %dma_wait3A_3238] : memref<4x4096x1024xf32, #tpu.memory_space<hbm>> -> memref<1x32x1024xf32, #tpu.memory_space<hbm>>
    %dma_wait3A_3240 = tpu.memref_squeeze %dma_wait3A_3239 : memref<1x32x1024xf32, #tpu.memory_space<hbm>> -> memref<32x1024xf32, #tpu.memory_space<hbm>>
    tpu.wait_dma2 semaphore(%arg12 : memref<!tpu.dma_semaphore, #tpu.memory_space<semaphore_mem>>) src(%arg9 : memref<32x1024xf32, #tpu.memory_space<vmem>>) dst(%dma_wait3A_3240 : memref<32x1024xf32, #tpu.memory_space<hbm>>)
    %add3A_3241 = arith.constant 32 : i32
    %add3A_3242 = arith.addi %mul3A_2, %add3A_3241 : i32
    %dma_wait3A_3243 = arith.constant 1 : i32
    %dma_wait3A_3244 = arith.constant 0 : i32
    %dma_wait3A_3245 = tpu.memref_slice %arg4[%dma_wait3A_3243, %add3A_3242, %dma_wait3A_3244] : memref<4x4096x1024xf32, #tpu.memory_space<hbm>> -> memref<1x32x1024xf32, #tpu.memory_space<hbm>>
    %dma_wait3A_3246 = tpu.memref_squeeze %dma_wait3A_3245 : memref<1x32x1024xf32, #tpu.memory_space<hbm>> -> memref<32x1024xf32, #tpu.memory_space<hbm>>
    %dma_wait3A_3247 = arith.constant 0 : i32
    %dma_wait3A_3248 = tpu.memref_slice %arg4[%dma_wait3A_3243, %add3A_3242, %dma_wait3A_3247] : memref<4x4096x1024xf32, #tpu.memory_space<hbm>> -> memref<1x32x1024xf32, #tpu.memory_space<hbm>>
    %dma_wait3A_3249 = tpu.memref_squeeze %dma_wait3A_3248 : memref<1x32x1024xf32, #tpu.memory_space<hbm>> -> memref<32x1024xf32, #tpu.memory_space<hbm>>
    tpu.wait_dma2 semaphore(%arg12 : memref<!tpu.dma_semaphore, #tpu.memory_space<semaphore_mem>>) src(%arg9 : memref<32x1024xf32, #tpu.memory_space<vmem>>) dst(%dma_wait3A_3249 : memref<32x1024xf32, #tpu.memory_space<hbm>>)
    %add3A_3250 = arith.constant 32 : i32
    %add3A_3251 = arith.addi %mul3A_2, %add3A_3250 : i32
    %dma_wait3A_3252 = arith.constant 2 : i32
    %dma_wait3A_3253 = arith.constant 0 : i32
    %dma_wait3A_3254 = tpu.memref_slice %arg4[%dma_wait3A_3252, %add3A_3251, %dma_wait3A_3253] : memref<4x4096x1024xf32, #tpu.memory_space<hbm>> -> memref<1x32x1024xf32, #tpu.memory_space<hbm>>
    %dma_wait3A_3255 = tpu.memref_squeeze %dma_wait3A_3254 : memref<1x32x1024xf32, #tpu.memory_space<hbm>> -> memref<32x1024xf32, #tpu.memory_space<hbm>>
    %dma_wait3A_3256 = arith.constant 0 : i32
    %dma_wait3A_3257 = tpu.memref_slice %arg4[%dma_wait3A_3252, %add3A_3251, %dma_wait3A_3256] : memref<4x4096x1024xf32, #tpu.memory_space<hbm>> -> memref<1x32x1024xf32, #tpu.memory_space<hbm>>
    %dma_wait3A_3258 = tpu.memref_squeeze %dma_wait3A_3257 : memref<1x32x1024xf32, #tpu.memory_space<hbm>> -> memref<32x1024xf32, #tpu.memory_space<hbm>>
    tpu.wait_dma2 semaphore(%arg12 : memref<!tpu.dma_semaphore, #tpu.memory_space<semaphore_mem>>) src(%arg9 : memref<32x1024xf32, #tpu.memory_space<vmem>>) dst(%dma_wait3A_3258 : memref<32x1024xf32, #tpu.memory_space<hbm>>)
    %add3A_3259 = arith.constant 32 : i32
    %add3A_3260 = arith.addi %mul3A_2, %add3A_3259 : i32
    %dma_wait3A_3261 = arith.constant 3 : i32
    %dma_wait3A_3262 = arith.constant 0 : i32
    %dma_wait3A_3263 = tpu.memref_slice %arg4[%dma_wait3A_3261, %add3A_3260, %dma_wait3A_3262] : memref<4x4096x1024xf32, #tpu.memory_space<hbm>> -> memref<1x32x1024xf32, #tpu.memory_space<hbm>>
    %dma_wait3A_3264 = tpu.memref_squeeze %dma_wait3A_3263 : memref<1x32x1024xf32, #tpu.memory_space<hbm>> -> memref<32x1024xf32, #tpu.memory_space<hbm>>
    %dma_wait3A_3265 = arith.constant 0 : i32
    %dma_wait3A_3266 = tpu.memref_slice %arg4[%dma_wait3A_3261, %add3A_3260, %dma_wait3A_3265] : memref<4x4096x1024xf32, #tpu.memory_space<hbm>> -> memref<1x32x1024xf32, #tpu.memory_space<hbm>>
    %dma_wait3A_3267 = tpu.memref_squeeze %dma_wait3A_3266 : memref<1x32x1024xf32, #tpu.memory_space<hbm>> -> memref<32x1024xf32, #tpu.memory_space<hbm>>
    tpu.wait_dma2 semaphore(%arg12 : memref<!tpu.dma_semaphore, #tpu.memory_space<semaphore_mem>>) src(%arg9 : memref<32x1024xf32, #tpu.memory_space<vmem>>) dst(%dma_wait3A_3267 : memref<32x1024xf32, #tpu.memory_space<hbm>>)
    %add3A_3268 = arith.constant 64 : i32
    %add3A_3269 = arith.addi %mul3A_2, %add3A_3268 : i32
    %dma_wait3A_3270 = arith.constant 0 : i32
    %dma_wait3A_3271 = arith.constant 0 : i32
    %dma_wait3A_3272 = tpu.memref_slice %arg4[%dma_wait3A_3270, %add3A_3269, %dma_wait3A_3271] : memref<4x4096x1024xf32, #tpu.memory_space<hbm>> -> memref<1x32x1024xf32, #tpu.memory_space<hbm>>
    %dma_wait3A_3273 = tpu.memref_squeeze %dma_wait3A_3272 : memref<1x32x1024xf32, #tpu.memory_space<hbm>> -> memref<32x1024xf32, #tpu.memory_space<hbm>>
    %dma_wait3A_3274 = arith.constant 0 : i32
    %dma_wait3A_3275 = tpu.memref_slice %arg4[%dma_wait3A_3270, %add3A_3269, %dma_wait3A_3274] : memref<4x4096x1024xf32, #tpu.memory_space<hbm>> -> memref<1x32x1024xf32, #tpu.memory_space<hbm>>
    %dma_wait3A_3276 = tpu.memref_squeeze %dma_wait3A_3275 : memref<1x32x1024xf32, #tpu.memory_space<hbm>> -> memref<32x1024xf32, #tpu.memory_space<hbm>>
    tpu.wait_dma2 semaphore(%arg12 : memref<!tpu.dma_semaphore, #tpu.memory_space<semaphore_mem>>) src(%arg10 : memref<32x1024xf32, #tpu.memory_space<vmem>>) dst(%dma_wait3A_3276 : memref<32x1024xf32, #tpu.memory_space<hbm>>)
    %add3A_3277 = arith.constant 64 : i32
    %add3A_3278 = arith.addi %mul3A_2, %add3A_3277 : i32
    %dma_wait3A_3279 = arith.constant 1 : i32
    %dma_wait3A_3280 = arith.constant 0 : i32
    %dma_wait3A_3281 = tpu.memref_slice %arg4[%dma_wait3A_3279, %add3A_3278, %dma_wait3A_3280] : memref<4x4096x1024xf32, #tpu.memory_space<hbm>> -> memref<1x32x1024xf32, #tpu.memory_space<hbm>>
    %dma_wait3A_3282 = tpu.memref_squeeze %dma_wait3A_3281 : memref<1x32x1024xf32, #tpu.memory_space<hbm>> -> memref<32x1024xf32, #tpu.memory_space<hbm>>
    %dma_wait3A_3283 = arith.constant 0 : i32
    %dma_wait3A_3284 = tpu.memref_slice %arg4[%dma_wait3A_3279, %add3A_3278, %dma_wait3A_3283] : memref<4x4096x1024xf32, #tpu.memory_space<hbm>> -> memref<1x32x1024xf32, #tpu.memory_space<hbm>>
    %dma_wait3A_3285 = tpu.memref_squeeze %dma_wait3A_3284 : memref<1x32x1024xf32, #tpu.memory_space<hbm>> -> memref<32x1024xf32, #tpu.memory_space<hbm>>
    tpu.wait_dma2 semaphore(%arg12 : memref<!tpu.dma_semaphore, #tpu.memory_space<semaphore_mem>>) src(%arg10 : memref<32x1024xf32, #tpu.memory_space<vmem>>) dst(%dma_wait3A_3285 : memref<32x1024xf32, #tpu.memory_space<hbm>>)
    %add3A_3286 = arith.constant 64 : i32
    %add3A_3287 = arith.addi %mul3A_2, %add3A_3286 : i32
    %dma_wait3A_3288 = arith.constant 2 : i32
    %dma_wait3A_3289 = arith.constant 0 : i32
    %dma_wait3A_3290 = tpu.memref_slice %arg4[%dma_wait3A_3288, %add3A_3287, %dma_wait3A_3289] : memref<4x4096x1024xf32, #tpu.memory_space<hbm>> -> memref<1x32x1024xf32, #tpu.memory_space<hbm>>
    %dma_wait3A_3291 = tpu.memref_squeeze %dma_wait3A_3290 : memref<1x32x1024xf32, #tpu.memory_space<hbm>> -> memref<32x1024xf32, #tpu.memory_space<hbm>>
    %dma_wait3A_3292 = arith.constant 0 : i32
    %dma_wait3A_3293 = tpu.memref_slice %arg4[%dma_wait3A_3288, %add3A_3287, %dma_wait3A_3292] : memref<4x4096x1024xf32, #tpu.memory_space<hbm>> -> memref<1x32x1024xf32, #tpu.memory_space<hbm>>
    %dma_wait3A_3294 = tpu.memref_squeeze %dma_wait3A_3293 : memref<1x32x1024xf32, #tpu.memory_space<hbm>> -> memref<32x1024xf32, #tpu.memory_space<hbm>>
    tpu.wait_dma2 semaphore(%arg12 : memref<!tpu.dma_semaphore, #tpu.memory_space<semaphore_mem>>) src(%arg10 : memref<32x1024xf32, #tpu.memory_space<vmem>>) dst(%dma_wait3A_3294 : memref<32x1024xf32, #tpu.memory_space<hbm>>)
    %add3A_3295 = arith.constant 64 : i32
    %add3A_3296 = arith.addi %mul3A_2, %add3A_3295 : i32
    %dma_wait3A_3297 = arith.constant 3 : i32
    %dma_wait3A_3298 = arith.constant 0 : i32
    %dma_wait3A_3299 = tpu.memref_slice %arg4[%dma_wait3A_3297, %add3A_3296, %dma_wait3A_3298] : memref<4x4096x1024xf32, #tpu.memory_space<hbm>> -> memref<1x32x1024xf32, #tpu.memory_space<hbm>>
    %dma_wait3A_3300 = tpu.memref_squeeze %dma_wait3A_3299 : memref<1x32x1024xf32, #tpu.memory_space<hbm>> -> memref<32x1024xf32, #tpu.memory_space<hbm>>
    %dma_wait3A_3301 = arith.constant 0 : i32
    %dma_wait3A_3302 = tpu.memref_slice %arg4[%dma_wait3A_3297, %add3A_3296, %dma_wait3A_3301] : memref<4x4096x1024xf32, #tpu.memory_space<hbm>> -> memref<1x32x1024xf32, #tpu.memory_space<hbm>>
    %dma_wait3A_3303 = tpu.memref_squeeze %dma_wait3A_3302 : memref<1x32x1024xf32, #tpu.memory_space<hbm>> -> memref<32x1024xf32, #tpu.memory_space<hbm>>
    tpu.wait_dma2 semaphore(%arg12 : memref<!tpu.dma_semaphore, #tpu.memory_space<semaphore_mem>>) src(%arg10 : memref<32x1024xf32, #tpu.memory_space<vmem>>) dst(%dma_wait3A_3303 : memref<32x1024xf32, #tpu.memory_space<hbm>>)
    %add3A_3304 = arith.constant 96 : i32
    %add3A_3305 = arith.addi %mul3A_2, %add3A_3304 : i32
    %dma_wait3A_3306 = arith.constant 0 : i32
    %dma_wait3A_3307 = arith.constant 0 : i32
    %dma_wait3A_3308 = tpu.memref_slice %arg4[%dma_wait3A_3306, %add3A_3305, %dma_wait3A_3307] : memref<4x4096x1024xf32, #tpu.memory_space<hbm>> -> memref<1x32x1024xf32, #tpu.memory_space<hbm>>
    %dma_wait3A_3309 = tpu.memref_squeeze %dma_wait3A_3308 : memref<1x32x1024xf32, #tpu.memory_space<hbm>> -> memref<32x1024xf32, #tpu.memory_space<hbm>>
    %dma_wait3A_3310 = arith.constant 0 : i32
    %dma_wait3A_3311 = tpu.memref_slice %arg4[%dma_wait3A_3306, %add3A_3305, %dma_wait3A_3310] : memref<4x4096x1024xf32, #tpu.memory_space<hbm>> -> memref<1x32x1024xf32, #tpu.memory_space<hbm>>
    %dma_wait3A_3312 = tpu.memref_squeeze %dma_wait3A_3311 : memref<1x32x1024xf32, #tpu.memory_space<hbm>> -> memref<32x1024xf32, #tpu.memory_space<hbm>>
    tpu.wait_dma2 semaphore(%arg12 : memref<!tpu.dma_semaphore, #tpu.memory_space<semaphore_mem>>) src(%arg8 : memref<32x1024xf32, #tpu.memory_space<vmem>>) dst(%dma_wait3A_3312 : memref<32x1024xf32, #tpu.memory_space<hbm>>)
    %add3A_3313 = arith.constant 96 : i32
    %add3A_3314 = arith.addi %mul3A_2, %add3A_3313 : i32
    %dma_wait3A_3315 = arith.constant 1 : i32
    %dma_wait3A_3316 = arith.constant 0 : i32
    %dma_wait3A_3317 = tpu.memref_slice %arg4[%dma_wait3A_3315, %add3A_3314, %dma_wait3A_3316] : memref<4x4096x1024xf32, #tpu.memory_space<hbm>> -> memref<1x32x1024xf32, #tpu.memory_space<hbm>>
    %dma_wait3A_3318 = tpu.memref_squeeze %dma_wait3A_3317 : memref<1x32x1024xf32, #tpu.memory_space<hbm>> -> memref<32x1024xf32, #tpu.memory_space<hbm>>
    %dma_wait3A_3319 = arith.constant 0 : i32
    %dma_wait3A_3320 = tpu.memref_slice %arg4[%dma_wait3A_3315, %add3A_3314, %dma_wait3A_3319] : memref<4x4096x1024xf32, #tpu.memory_space<hbm>> -> memref<1x32x1024xf32, #tpu.memory_space<hbm>>
    %dma_wait3A_3321 = tpu.memref_squeeze %dma_wait3A_3320 : memref<1x32x1024xf32, #tpu.memory_space<hbm>> -> memref<32x1024xf32, #tpu.memory_space<hbm>>
    tpu.wait_dma2 semaphore(%arg12 : memref<!tpu.dma_semaphore, #tpu.memory_space<semaphore_mem>>) src(%arg8 : memref<32x1024xf32, #tpu.memory_space<vmem>>) dst(%dma_wait3A_3321 : memref<32x1024xf32, #tpu.memory_space<hbm>>)
    %add3A_3322 = arith.constant 96 : i32
    %add3A_3323 = arith.addi %mul3A_2, %add3A_3322 : i32
    %dma_wait3A_3324 = arith.constant 2 : i32
    %dma_wait3A_3325 = arith.constant 0 : i32
    %dma_wait3A_3326 = tpu.memref_slice %arg4[%dma_wait3A_3324, %add3A_3323, %dma_wait3A_3325] : memref<4x4096x1024xf32, #tpu.memory_space<hbm>> -> memref<1x32x1024xf32, #tpu.memory_space<hbm>>
    %dma_wait3A_3327 = tpu.memref_squeeze %dma_wait3A_3326 : memref<1x32x1024xf32, #tpu.memory_space<hbm>> -> memref<32x1024xf32, #tpu.memory_space<hbm>>
    %dma_wait3A_3328 = arith.constant 0 : i32
    %dma_wait3A_3329 = tpu.memref_slice %arg4[%dma_wait3A_3324, %add3A_3323, %dma_wait3A_3328] : memref<4x4096x1024xf32, #tpu.memory_space<hbm>> -> memref<1x32x1024xf32, #tpu.memory_space<hbm>>
    %dma_wait3A_3330 = tpu.memref_squeeze %dma_wait3A_3329 : memref<1x32x1024xf32, #tpu.memory_space<hbm>> -> memref<32x1024xf32, #tpu.memory_space<hbm>>
    tpu.wait_dma2 semaphore(%arg12 : memref<!tpu.dma_semaphore, #tpu.memory_space<semaphore_mem>>) src(%arg8 : memref<32x1024xf32, #tpu.memory_space<vmem>>) dst(%dma_wait3A_3330 : memref<32x1024xf32, #tpu.memory_space<hbm>>)
    %add3A_3331 = arith.constant 96 : i32
    %add3A_3332 = arith.addi %mul3A_2, %add3A_3331 : i32
    %dma_wait3A_3333 = arith.constant 3 : i32
    %dma_wait3A_3334 = arith.constant 0 : i32
    %dma_wait3A_3335 = tpu.memref_slice %arg4[%dma_wait3A_3333, %add3A_3332, %dma_wait3A_3334] : memref<4x4096x1024xf32, #tpu.memory_space<hbm>> -> memref<1x32x1024xf32, #tpu.memory_space<hbm>>
    %dma_wait3A_3336 = tpu.memref_squeeze %dma_wait3A_3335 : memref<1x32x1024xf32, #tpu.memory_space<hbm>> -> memref<32x1024xf32, #tpu.memory_space<hbm>>
    %dma_wait3A_3337 = arith.constant 0 : i32
    %dma_wait3A_3338 = tpu.memref_slice %arg4[%dma_wait3A_3333, %add3A_3332, %dma_wait3A_3337] : memref<4x4096x1024xf32, #tpu.memory_space<hbm>> -> memref<1x32x1024xf32, #tpu.memory_space<hbm>>
    %dma_wait3A_3339 = tpu.memref_squeeze %dma_wait3A_3338 : memref<1x32x1024xf32, #tpu.memory_space<hbm>> -> memref<32x1024xf32, #tpu.memory_space<hbm>>
    tpu.wait_dma2 semaphore(%arg12 : memref<!tpu.dma_semaphore, #tpu.memory_space<semaphore_mem>>) src(%arg8 : memref<32x1024xf32, #tpu.memory_space<vmem>>) dst(%dma_wait3A_3339 : memref<32x1024xf32, #tpu.memory_space<hbm>>)
    return
  }
}

</mosaic_0001>

<sc_bundles>
// kernel: kernel.3.cloned.1.call-start
scs
__scs_entry_jumppad:
0x0: {  	(pc) =	sbr.rel $0x88, $3  }
0x1: {  	(tag) =	ssettag $0x0;
	lr =	simm.s32 $0x1  }
0x2: {  	[smem:$0x3F9F] =	sst lr;
	_ =	strace $0xD0000000  }
0x3: {  	_ = 	snop  }
0x4: {  	_ = 	snop  }
0x5: {  	_ = 	snop  }
0x6: {  	_ = 	snop  }
0x7: {  	_ = 	snop  }
__scs_overlays_trampoline_lowered:
0x8: {  	[smem:$0x3FAE] =	sst s0  }
0x9: {  	[smem:$0x3FAF] =	sst s1  }
0xa: {  	[smem:$0x3FB0] =	sst s2  }
0xb: {  	[smem:$0x3FB1] =	sst s3  }
0xc: {  	[smem:$0x3FB2] =	sst s4  }
0xd: {  	[smem:$0x3FB3] =	sst s5  }
0xe: {  	[smem:$0x3FB4] =	sst s6  }
0xf: {  	[smem:$0x3FB5] =	sst s7  }
0x10: {  	[smem:$0x3FB6] =	sst s8  }
0x11: {  	[smem:$0x3FB7] =	sst s9;
	s0 =	simm.s32 @!p0 $0x0  }
0x12: {  	s1 =	sld [smem:$0x3F9D];
	s0 =	simm.s32 @p0 $0x1  }
0x13: {  	[smem:$0x3FB8] =	sst s0;
	s0 =	simm.s32 @!p1 $0x0  }
0x14: {  	s2 =	sld [smem:$0x3F9C];
	s0 =	simm.s32 @p1 $0x1  }
0x15: {  	[smem:$0x3FB9] =	sst s0;
	s0 =	simm.s32 @!p2 $0x0  }
0x16: {  	s3 =	sld [smem:$0x3FDB];
	s0 =	simm.s32 @p2 $0x1  }
0x17: {  	s4 =	simm.s32 $0x1BF5;
	[smem:$0x3FBB] =	sst s0  }
0x18: {  	s0 =	sld [smem:$0x3F9E];
	_ =	swait.ge [sflag:s4], $0x0  }
0x19: {  	s7 =	sld [smem:$0x3F9F]  }
0x1a: {  	s8 =	sadd.s32 $0xFFFFE003, lr  }
0x1b: {  	s9 =	sadd.s32 $0xFFFFFEF7, lr;
	s5 =	simm.s32 $0xFFFFFFFF;
	p2 =	slt.u32 s8, $0xFFFFF086  }
0x1c: {  	p1 =	slt.u32 s9, $0xF7A;
	s5 =	simm.s32 @!p2 $0x0  }
0x1d: {  	s5 =	simm.s32 @p1 $0x1;
	p0 =	seq.s32 s7, s2  }
0x1e: {  	s7 =	smul.u32 @!p0 $0xF7A, s2;
	p2 =	seq.s32 @!p0 s5, $0x0  }
0x1f: {  	s9 =	smul.u32 $0xF7A, s1;
	s8 =	simm.s32 @!p0 $0x1BF5;
	p2 =	por !p2, p0  }
0x20: {  	[sflag:s8] =	ssyncset.s32 @!p0 $0xFFFFF086;
	s6 =	sadd.s32 @!p0 s3, s7;
	s7 =	simm.s32 @!p0 $0x108  }
0x21: {  	s3 =	sadd.s32 s3, s9;
	s6 =	sadd.s32 @!p0 $0x88, s6;
	s7 =	simm.s32 @p2 $0x1082  }
0x22: {  	[simem:s7], [sflag:s8] =	dma.local @!p0 [hbm:s6], $0xF7A  }
0x23: {  	s9 =	sor.u32 $0xD0000000, s2;
	s6 =	simm.s32 $0x108;
	_ =	swait.ge @!p0 [sflag:s8], $0x0  }
0x24: {  	s3 =	sadd.s32 $0x88, s3;
	s6 =	simm.s32 @!p1 $0x1082;
	[sflag:s4] =	ssyncset.s32 $0xFFFFF086  }
0x25: {  	[simem:s6], [sflag:s4] =	dma.local [hbm:s3], $0xF7A  }
0x26: {  	[smem:$0x3F9F] =	sst s1;
	(tag) =	ssettag s2;
	_ =	strace s9  }
0x27: {  	s1 =	sld [smem:$0x3FAF]  }
0x28: {  	s2 =	sld [smem:$0x3FB0]  }
0x29: {  	s4 =	sld [smem:$0x3FB2]  }
0x2a: {  	p0 =	seq.s32 s5, $0x0;
	s5 =	sld [smem:$0x3FB3]  }
0x2b: {  	s6 =	sld [smem:$0x3FB4]  }
0x2c: {  	s7 =	sld [smem:$0x3FB5]  }
0x2d: {  	s3 =	simm.s32 $0x108;
	s8 =	sld [smem:$0x3FB6]  }
0x2e: {  	s3 =	simm.s32 @!p0 $0x1082;
	s9 =	sld [smem:$0x3FB7]  }
0x2f: {  	lr =	sadd.s32 s0, s3;
	s0 =	sld [smem:$0x3FAE]  }
0x30: {  	s3 =	sld [smem:$0x3FB1]  }
0x31: {  	[smem:$0x3FBA] =	sst s10  }
0x32: {  	s10 =	sld [smem:$0x3FB8];
	_ =	sdelay $0x3  }
0x33: {  	p0 =	seq.s32 s10, $0x1;
	s10 =	sld [smem:$0x3FBA];
	_ =	sdelay $0x3  }
0x34: {  	[smem:$0x3FBA] =	sst s10  }
0x35: {  	s10 =	sld [smem:$0x3FB9];
	_ =	sdelay $0x3  }
0x36: {  	p1 =	seq.s32 s10, $0x1;
	s10 =	sld [smem:$0x3FBA];
	_ =	sdelay $0x3  }
0x37: {  	[smem:$0x3FBA] =	sst s10  }
0x38: {  	s10 =	sld [smem:$0x3FBB]  }
0x39: {  	_ = 	snop;
	(pc) =	sbr.ind lr, $3  }
0x3a: {  	_ = 	snop  }
0x3b: {  	_ = 	snop  }
0x3c: {  	p2 =	seq.s32 s10, $0x1;
	s10 =	sld [smem:$0x3FBA]  }
0x3d: {  	_ =	shalt  }
0x3e: {  	_ =	shalt  }
0x3f: {  	_ =	shalt  }
0x40: {  	_ =	shalt  }
0x41: {  	_ =	shalt  }
0x42: {  	_ =	shalt  }
0x43: {  	_ =	shalt  }
0x44: {  	_ =	shalt  }
0x45: {  	_ =	shalt  }
0x46: {  	_ =	shalt  }
0x47: {  	_ =	shalt  }
0x48: {  	_ =	shalt  }
0x49: {  	_ =	shalt  }
0x4a: {  	_ =	shalt  }
0x4b: {  	_ =	shalt  }
0x4c: {  	_ =	shalt  }
0x4d: {  	_ =	shalt  }
0x4e: {  	_ =	shalt  }
0x4f: {  	_ =	shalt  }
0x50: {  	_ =	shalt  }
0x51: {  	_ =	shalt  }
0x52: {  	_ =	shalt  }
0x53: {  	_ =	shalt  }
0x54: {  	_ =	shalt  }
0x55: {  	_ =	shalt  }
0x56: {  	_ =	shalt  }
0x57: {  	_ =	shalt  }
0x58: {  	_ =	shalt  }
0x59: {  	_ =	shalt  }
0x5a: {  	_ =	shalt  }
0x5b: {  	_ =	shalt  }
0x5c: {  	_ =	shalt  }
0x5d: {  	_ =	shalt  }
0x5e: {  	_ =	shalt  }
0x5f: {  	_ =	shalt  }
0x60: {  	_ =	shalt  }
0x61: {  	_ =	shalt  }
0x62: {  	_ =	shalt  }
0x63: {  	_ =	shalt  }
0x64: {  	_ =	shalt  }
0x65: {  	_ =	shalt  }
0x66: {  	_ =	shalt  }
0x67: {  	_ =	shalt  }
0x68: {  	_ =	shalt  }
0x69: {  	_ =	shalt  }
0x6a: {  	_ =	shalt  }
0x6b: {  	_ =	shalt  }
0x6c: {  	_ =	shalt  }
0x6d: {  	_ =	shalt  }
0x6e: {  	_ =	shalt  }
0x6f: {  	_ =	shalt  }
0x70: {  	_ =	shalt  }
0x71: {  	_ =	shalt  }
0x72: {  	_ =	shalt  }
0x73: {  	_ =	shalt  }
0x74: {  	_ =	shalt  }
0x75: {  	_ =	shalt  }
0x76: {  	_ =	shalt  }
0x77: {  	_ =	shalt  }
0x78: {  	_ =	shalt  }
0x79: {  	_ =	shalt  }
0x7a: {  	_ =	shalt  }
0x7b: {  	_ =	shalt  }
0x7c: {  	_ =	shalt  }
0x7d: {  	_ =	shalt  }
0x7e: {  	_ =	shalt  }
0x7f: {  	_ =	shalt  }
0x80: {  	_ =	shalt  }
0x81: {  	_ =	shalt  }
0x82: {  	_ =	shalt  }
0x83: {  	_ =	shalt  }
0x84: {  	_ =	shalt  }
0x85: {  	_ =	shalt  }
0x86: {  	_ =	shalt  }
0x87: {  	_ =	shalt  }
.Lfunc_end0:
.L_simem_size_0:
called_computation_lowered:
.L_overlay_start_0:
0x88: {  	s2 =	sld [smem:$0x3FD9]  }
0x89: {  	s3 =	sld [smem:$0x3FFE];
	_ =	sdelay $0x1  }
0x8a: {  	s1 =	srdreg.scid  }
0x8b: {  	s0 =	sand.u32 $0x1, s1  }
0x8c: {  	s18 =	sshll.u32 s0, $0xA;
	s2 =	sadd.s32 s3, s2  }
0x8d: {  	s2 =	sadd.s32 s2, s18  }
0x8e: {  	[smem:$0x3FC6] =	sst s2  }
0x8f: {  	_ = 	snop  }
0x90: {  	s2 =	sld [smem:$0x3FC9]  }
0x91: {  	s19 =	sld [smem:$0x3FC8]  }
0x92: {  	s4 =	sld [smem:$0x3FD0];
	(tm) =	ssettm $0x1  }
0x93: {  	s5 =	sld [smem:$0x3FFB];
	_ =	sdelay $0x3  }
0x94: {  	_ =	strace s5  }
0x95: {  	s5 =	sld [smem:$0x3FFC];
	_ =	sdelay $0x3  }
0x96: {  	_ =	strace s5  }
0x97: {  	s5 =	sld [smem:$0x3FFD];
	_ =	sdelay $0x3  }
0x98: {  	_ =	strace s5  }
0x99: {  	_ =	strace $0x8FFFFFFF  }
0x9a: {  	s20 =	sld [smem:$0x3FDB];
	_ =	sdelay $0x1  }
0x9b: {  	s6 =	simm.s32 $_scs_section_size  }
0x9c: {  	s7 =	simm.s32 $_size__tile_overlayer_lowered;
	s8 =	simm.s32 $_tile_overlayer_lowered  }
0x9d: {  	s23 =	simm.s32 $0x1BFF;
	s22 =	sshll.u32 s8, $0x1;
	s5 =	sadd.s32 s6, s20  }
0x9e: {  	s9 =	simm.s32 $0x0;
	s21 =	sshll.u32 s7, $0x1;
	s7 =	sadd.s32 s22, s5  }
0x9f: {  	[timem:s9], [sflag:s23] =	dma.local [hbm:s7], s21  }
0xa0: {  	_ =	swait.ge [sflag:s23], s21  }
0xa1: {  	s6 =	ssub.s32 $0x0, s21;
	[sflag:s23] =	ssyncset.done $0x0  }
0xa2: {  	[sflag:s23] =	ssyncadd.s32 s6;
	_ =	sdelay $0x1  }
0xa3: {  	s24 =	simm.s32 $0x1B8B  }
0xa4: {  	_ =	swait.ge [sflag:s24], $0x1  }
0xa5: {  	[sflag:s24] =	ssyncset.done $0x0  }
0xa6: {  	s25 =	simm.s32 $0x1B8E;
	[sflag:s24] =	ssyncadd.s32 $0xFFFFFFFF  }
0xa7: {  	s26 =	simm.s32 $execute0_lowered;
	[smem:$0x3FD2] =	sst s25  }
0xa8: {  	s6 =	sshll.u32 s26, $0x1;
	_ =	strace $0x80000046;
	[dreg:$0x1] =	wrdreg $0xFFFFFFFF  }
0xa9: {  	s28 =	simm.s32 $_size_execute0_lowered;
	s5 =	sadd.s32 s5, s6;
	[dreg:$0x0] =	wrdreg $0x0  }
0xaa: {  	s6 =	sshll.u32 s28, $0x1;
	[dreg:$0x2] =	wrdreg s5  }
0xab: {  	[dreg:$0x3] =	wrdreg s6  }
0xac: {  	[dreg:$0x4] =	wrdreg $0xC0  }
0xad: {  	_ =	task [dreg:s9], $0x5FFFF  }
0xae: {  	[dreg:$0x1] =	wrdreg $0xFFFFFFFF  }
0xaf: {  	[dreg:$0x0] =	wrdreg $0x60  }
0xb0: {  	[dreg:$0x2] =	wrdreg s2  }
0xb1: {  	[dreg:$0x3] =	wrdreg s19  }
0xb2: {  	[dreg:$0x4] =	wrdreg s4  }
0xb3: {  	[dreg:$0x5] =	wrdreg $0x9  }
0xb4: {  	_ =	task.clear_ibuf [dreg:s9], $0x6FFFF;
	_ =	strace $0x90000046  }
0xb5: {  	s29 =	simm.s32 $0x9;
	_ =	strace $0x80000048  }
0xb6: {  	_ =	swait.ge [sflag:s29], $0x1  }
0xb7: {  	[sflag:s29] =	ssyncadd.s32 $0xFFFFFFFF  }
0xb8: {  	_ =	strace $0x90000048  }
0xb9: {  	_ =	sfence  }
0xba: {  	s30 =	sld [smem:$0x0];
	_ =	sdelay $0x2  }
0xbb: {  	s31 =	sshll.u32 s1, $0xD;
	s1 =	sshrl.u32 s1, $0x2  }
0xbc: {  	s3 =	sand.u32 $0x4000, s31;
	s1 =	sadd.s32 s1, s30  }
0xbd: {  	s0 =	sor.u32 s3, s0;
	s1 =	sshll.u32 s1, $0x11  }
0xbe: {  	s0 =	sor.u32 s1, s0  }
0xbf: {  	s0 =	sadd.s32 $0x8F2B, s0  }
0xc0: {  	[sflag:s0] =	ssyncadd.remote.s32 $0x1  }
0xc1: {  	_ =	sfence.sel $0xFFFF  }
0xc2: {  	[dreg:$0x0] =	wrdreg $0xFFFFFFFF;
	(pc) =	sbr.abs _section_cstart, $3  }
0xc3: {  	[dreg:$0x1] =	wrdreg $0xFFFFFFFF  }
0xc4: {  	_ =	task.clear_ibuf [dreg:s9], $0x2FFFF;
	_ =	strace $0x9FFFFFFF  }
0xc5: {  	(tm) =	ssettm $0x7FFFFFFF  }
tec
execute0_lowered:
.L_overlay_start_1:
0x0: {  	(tag) =	ssettag $0x1  }
0x1: {  	s0 =	rddreg [dreg:$0x0]  }
0x2: {  	s1 =	rddreg [dreg:$0x2]  }
0x3: {  	s3 =	simm.s32 $0x0;
	s2 =	srdreg.scid;
	s4 =	stileid.u32  }
0x4: {  	s23 =	simm.s32 $0x3;
	s24 =	simm.s32 $0x1;
	s25 =	simm.s32 $0xC80  }
0x5: {  	s26 =	simm.s32 $0x8C80;
	s28 =	simm.s32 $0x10C80;
	s29 =	simm.s32 $0x2  }
0x6: {  	s30 =	simm.s32 $0x0;
	s2 =	sand.u32 $0x1, s2;
	s4 =	sshll.u32 s4, $0x1  }
0x7: {  	[smem:$0x7FF] =	sst s3;
	s5 =	ssub.s32 $0x2, s2;
	s2 =	sor.u32 s2, s4  }
0x8: {  	s31 =	sshrl.u32 s5, $0x1;
	s6 =	sshll.u32 s2, $0x4;
	s2 =	sshll.u32 s2, $0xE  }
0x9: {  	s4 =	ssub.s32 s5, s31;
	s0 =	sadd.s32 s0, s6;
	s5 =	sadd.s32 s1, s2  }
0xa: {  	_ =	strace $0x80000047;
	[dreg:$0x4] =	wrdreg s0;
	s6 =	sadd.s32 $0x80000, s5  }
0xb: {  	s7 =	sadd.s32 $0x100000, s5;
	s8 =	sadd.s32 $0x180000, s5;
	s9 =	sadd.s32 $0x1000, s5  }
0xc: {  	s10 =	sadd.s32 $0x81000, s5;
	s11 =	sadd.s32 $0x101000, s5;
	s12 =	sadd.s32 $0x181000, s5  }
0xd: {  	s13 =	sadd.s32 $0x2000, s5;
	s14 =	sadd.s32 $0x82000, s5;
	s15 =	sadd.s32 $0x102000, s5  }
0xe: {  	s16 =	sadd.s32 $0x182000, s5;
	s17 =	sadd.s32 $0x3000, s5;
	s18 =	sadd.s32 $0x83000, s5  }
0xf: {  	s19 =	sadd.s32 $0x103000, s5;
	s20 =	sadd.s32 $0x183000, s5;
	s21 =	smax.u32 s4, $0x1  }
.LBB2_1:
0x10: {  	s0 =	rddreg [dreg:$0x1]  }
0x11: {  	[tilespmem:s3], [sflag:$0x1] =	stream.linear.gather [hbm4b:s0+s3], $0x800, $0x38;
	[tilespmem:$0x18C80] =	vst v63  }
0x12: {  	s31 =	rddreg [dreg:$0x4];
	s1 =	simm.s32 $0xC00  }
0x13: {  	[tilespmem:s1], [sflag:$0x3] =	stream.linear.gather [hbm4b:s31+s3], $0x80, $0x38;
	[tilespmem:$0x18C80] =	vst v63  }
0x14: {  	_ =	swait.ge [sflag:s23], $0x80  }
0x15: {  	[sflag:s23] =	ssyncset.done $0x0  }
0x16: {  	[sflag:s23] =	ssyncadd.s32 $0xFFFFFF80  }
0x17: {  	_ =	swait.ge [sflag:s24], $0x800  }
0x18: {  	[sflag:s24] =	ssyncset.done $0x0  }
0x19: {  	[sflag:s24] =	ssyncadd.s32 $0xFFFFF800  }
0x1a: {  	v16 =	vld [tilespmem:$0x80]  }
0x1b: {  	v17 =	vld [tilespmem:$0x0]  }
0x1c: {  	v18 =	vld [tilespmem:$0x90]  }
0x1d: {  	v19 =	vld [tilespmem:$0x10]  }
0x1e: {  	v20 =	vld [tilespmem:$0xA0]  }
0x1f: {  	v21 =	vld [tilespmem:$0x20]  }
0x20: {  	v22 =	vld [tilespmem:$0xB0]  }
0x21: {  	v23 =	vld [tilespmem:$0x30]  }
0x22: {  	v24 =	vld [tilespmem:$0xC0]  }
0x23: {  	v25 =	vld [tilespmem:$0x40]  }
0x24: {  	v26 =	vld [tilespmem:$0xD0]  }
0x25: {  	v27 =	vld [tilespmem:$0x50]  }
0x26: {  	v28 =	vld [tilespmem:$0xE0]  }
0x27: {  	v29 =	vld [tilespmem:$0x60]  }
0x28: {  	v30 =	vld [tilespmem:$0xF0]  }
0x29: {  	v31 =	vld [tilespmem:$0x70]  }
0x2a: {  	v32 =	vld [tilespmem:$0x180]  }
0x2b: {  	v33 =	vld [tilespmem:$0x100]  }
0x2c: {  	v34 =	vld [tilespmem:$0x190]  }
0x2d: {  	v35 =	vld [tilespmem:$0x110]  }
0x2e: {  	v36 =	vld [tilespmem:$0x1A0]  }
0x2f: {  	v37 =	vld [tilespmem:$0x120]  }
0x30: {  	v38 =	vld [tilespmem:$0x1B0]  }
0x31: {  	v39 =	vld [tilespmem:$0x130]  }
0x32: {  	v40 =	vld [tilespmem:$0x1C0]  }
0x33: {  	v41 =	vld [tilespmem:$0x140]  }
0x34: {  	v42 =	vld [tilespmem:$0x1D0]  }
0x35: {  	v43 =	vld [tilespmem:$0x150]  }
0x36: {  	v44 =	vld [tilespmem:$0x1E0]  }
0x37: {  	v45 =	vld [tilespmem:$0x160]  }
0x38: {  	v46 =	vld [tilespmem:$0x1F0]  }
0x39: {  	v47 =	vld [tilespmem:$0x170]  }
0x3a: {  	v48 =	vld [tilespmem:$0x280]  }
0x3b: {  	v49 =	vld [tilespmem:$0x200]  }
0x3c: {  	v50 =	vld [tilespmem:$0x290]  }
0x3d: {  	v51 =	vld [tilespmem:$0x210]  }
0x3e: {  	v52 =	vld [tilespmem:$0x2A0]  }
0x3f: {  	v53 =	vld [tilespmem:$0x220]  }
0x40: {  	v54 =	vld [tilespmem:$0x2B0]  }
0x41: {  	v55 =	vld [tilespmem:$0x230]  }
0x42: {  	v56 =	vld [tilespmem:$0x2C0]  }
0x43: {  	v57 =	vld [tilespmem:$0x240]  }
0x44: {  	v58 =	vld [tilespmem:$0x2D0]  }
0x45: {  	v59 =	vld [tilespmem:$0x250]  }
0x46: {  	v60 =	vld [tilespmem:$0x2E0]  }
0x47: {  	v61 =	vld [tilespmem:$0x260]  }
0x48: {  	v62 =	vld [tilespmem:$0x2F0]  }
0x49: {  	v63 =	vld [tilespmem:$0x270]  }
0x4a: {  	v0 =	vld [tilespmem:$0x380]  }
0x4b: {  	v1 =	vld [tilespmem:$0x300]  }
0x4c: {  	v2 =	vld [tilespmem:$0x390]  }
0x4d: {  	v3 =	vld [tilespmem:$0x310]  }
0x4e: {  	v4 =	vld [tilespmem:$0x3A0]  }
0x4f: {  	v5 =	vld [tilespmem:$0x320]  }
0x50: {  	v6 =	vld [tilespmem:$0x3B0]  }
0x51: {  	v7 =	vld [tilespmem:$0x330]  }
0x52: {  	v8 =	vld [tilespmem:$0x3C0]  }
0x53: {  	v9 =	vld [tilespmem:$0x340]  }
0x54: {  	v10 =	vld [tilespmem:$0x3D0]  }
0x55: {  	v14 =	vld [tilespmem:$0x3F0]  }
0x56: {  	v11 =	vld [tilespmem:$0x350]  }
0x57: {  	v12 =	vld [tilespmem:$0x3E0]  }
0x58: {  	v13 =	vld [tilespmem:$0x360]  }
0x59: {  	v15 =	vld [tilespmem:$0x370]  }
0x5a: {  	[tilespmem:$0x1FF80] =	vst v14;
	v14 =	vld [tilespmem:$0x480]  }
0x5b: {  	v16 =	vsub.f32 v16, v17;
	v17 =	vld [tilespmem:$0x430]  }
0x5c: {  	v18 =	vsub.f32 v18, v19;
	v19 =	vld [tilespmem:$0x4C0]  }
0x5d: {  	v0 =	vsub.f32 v0, v1;
	v1 =	vld [tilespmem:$0x570]  }
0x5e: {  	v2 =	vsub.f32 v2, v3;
	v3 =	vld [tilespmem:$0x680]  }
0x5f: {  	[tilespmem:$0x800] =	vst v16;
	v16 =	vsub.f32 v20, v21;
	v20 =	vld [tilespmem:$0x440]  }
0x60: {  	v21 =	vld [tilespmem:$0x4D0]  }
0x61: {  	[tilespmem:$0x810] =	vst v18;
	v18 =	vsub.f32 v22, v23;
	v22 =	vld [tilespmem:$0x450]  }
0x62: {  	v23 =	vld [tilespmem:$0x4E0]  }
0x63: {  	[tilespmem:$0x820] =	vst v16;
	v16 =	vsub.f32 v24, v25;
	v24 =	vld [tilespmem:$0x460]  }
0x64: {  	v25 =	vld [tilespmem:$0x4F0]  }
0x65: {  	[tilespmem:$0x830] =	vst v18;
	v18 =	vsub.f32 v26, v27;
	v26 =	vld [tilespmem:$0x470]  }
0x66: {  	v27 =	vld [tilespmem:$0x580]  }
0x67: {  	[tilespmem:$0x1FF90] =	vst v14;
	v14 =	vld [tilespmem:$0x400]  }
0x68: {  	[tilespmem:$0x840] =	vst v16;
	v16 =	vsub.f32 v28, v29;
	v28 =	vld [tilespmem:$0x500]  }
0x69: {  	v29 =	vld [tilespmem:$0x590]  }
0x6a: {  	[tilespmem:$0x850] =	vst v18;
	v18 =	vsub.f32 v30, v31;
	v30 =	vld [tilespmem:$0x510]  }
0x6b: {  	v31 =	vld [tilespmem:$0x5A0]  }
0x6c: {  	[tilespmem:$0x860] =	vst v16;
	v16 =	vsub.f32 v32, v33;
	v32 =	vld [tilespmem:$0x520]  }
0x6d: {  	[tilespmem:$0x980] =	vst v0;
	v33 =	vld [tilespmem:$0x5B0]  }
0x6e: {  	[tilespmem:$0x870] =	vst v18;
	v18 =	vsub.f32 v34, v35;
	v34 =	vld [tilespmem:$0x530]  }
0x6f: {  	[tilespmem:$0x990] =	vst v2;
	v35 =	vld [tilespmem:$0x5C0]  }
0x70: {  	[tilespmem:$0x1FFA0] =	vst v14;
	v14 =	vld [tilespmem:$0x490]  }
0x71: {  	[tilespmem:$0x880] =	vst v16;
	v16 =	vsub.f32 v36, v37;
	v36 =	vld [tilespmem:$0x540]  }
0x72: {  	[tilespmem:$0x890] =	vst v18;
	v18 =	vsub.f32 v38, v39;
	v37 =	vld [tilespmem:$0x5D0]  }
0x73: {  	v38 =	vld [tilespmem:$0x550];
	[tilespmem:$0x8A0] =	vst v16;
	v16 =	vsub.f32 v40, v41  }
0x74: {  	v39 =	vld [tilespmem:$0x5E0];
	[tilespmem:$0x8B0] =	vst v18;
	v18 =	vsub.f32 v42, v43  }
0x75: {  	v40 =	vld [tilespmem:$0x560];
	[tilespmem:$0x8C0] =	vst v16  }
0x76: {  	v41 =	vld [tilespmem:$0x5F0];
	v16 =	vsub.f32 v44, v45;
	[tilespmem:$0x8D0] =	vst v18  }
0x77: {  	v18 =	vsub.f32 v46, v47;
	v45 =	vsub.f32 v19, v20;
	[tilespmem:$0x1FFB0] =	vst v14;
	v14 =	vld [tilespmem:$0x410]  }
0x78: {  	[tilespmem:$0x8E0] =	vst v16;
	v16 =	vsub.f32 v48, v49;
	v48 =	vsub.f32 v25, v26;
	v25 =	vld [tilespmem:$0x6F0]  }
0x79: {  	v46 =	vsub.f32 v21, v22;
	[tilespmem:$0x8F0] =	vst v18;
	v26 =	vld [tilespmem:$0x670]  }
0x7a: {  	v47 =	vsub.f32 v23, v24;
	[tilespmem:$0xA40] =	vst v45;
	v49 =	vsub.f32 v27, v28;
	v27 =	vld [tilespmem:$0x780]  }
0x7b: {  	v18 =	vsub.f32 v50, v51;
	[tilespmem:$0xA50] =	vst v46;
	v50 =	vsub.f32 v29, v30;
	v29 =	vld [tilespmem:$0x700]  }
0x7c: {  	[tilespmem:$0xA60] =	vst v47;
	v30 =	vld [tilespmem:$0x790]  }
0x7d: {  	v46 =	vld [tilespmem:$0x740];
	[tilespmem:$0x900] =	vst v16  }
0x7e: {  	v16 =	vsub.f32 v52, v53;
	[tilespmem:$0x910] =	vst v18;
	v53 =	vsub.f32 v4, v5;
	v4 =	vld [tilespmem:$0x600]  }
0x7f: {  	v51 =	vsub.f32 v31, v32;
	v5 =	vld [tilespmem:$0x690];
	[tilespmem:$0xA70] =	vst v48  }
0x80: {  	v18 =	vsub.f32 v54, v55;
	v54 =	vsub.f32 v6, v7;
	v7 =	vld [tilespmem:$0x6A0];
	[tilespmem:$0xA80] =	vst v49  }
0x81: {  	v55 =	vsub.f32 v8, v9;
	v8 =	vld [tilespmem:$0x620];
	[tilespmem:$0xA90] =	vst v50  }
0x82: {  	[tilespmem:$0xAA0] =	vst v51;
	v9 =	vld [tilespmem:$0x750]  }
0x83: {  	[tilespmem:$0x1FFC0] =	vst v14;
	v14 =	vld [tilespmem:$0x4A0]  }
0x84: {  	v1 =	vsub.f32 v41, v1;
	[tilespmem:$0x920] =	vst v16;
	v16 =	vsub.f32 v56, v57;
	v56 =	vld [tilespmem:$0x610]  }
0x85: {  	[tilespmem:$0x930] =	vst v18;
	v18 =	vsub.f32 v58, v59;
	v59 =	vld [tilespmem:$0x1FF80]  }
0x86: {  	[tilespmem:$0xAF0] =	vst v1;
	v58 =	vsub.f32 v12, v13;
	v13 =	vld [tilespmem:$0x1FFB0]  }
0x87: {  	[tilespmem:$0x9A0] =	vst v53;
	v57 =	vsub.f32 v10, v11;
	v11 =	vld [tilespmem:$0x6C0]  }
0x88: {  	v52 =	vsub.f32 v33, v34;
	[tilespmem:$0x9B0] =	vst v54;
	v12 =	vld [tilespmem:$0x640]  }
0x89: {  	[tilespmem:$0x9C0] =	vst v55;
	v55 =	vld [tilespmem:$0x710]  }
0x8a: {  	[tilespmem:$0xAB0] =	vst v52;
	v10 =	vld [tilespmem:$0x7E0]  }
0x8b: {  	[tilespmem:$0x940] =	vst v16;
	v16 =	vsub.f32 v60, v61;
	v60 =	vld [tilespmem:$0x6B0]  }
0x8c: {  	[tilespmem:$0x1FFD0] =	vst v14;
	v14 =	vld [tilespmem:$0x420]  }
0x8d: {  	[tilespmem:$0x950] =	vst v18;
	v61 =	vld [tilespmem:$0x1FF90]  }
0x8e: {  	v53 =	vsub.f32 v35, v36;
	v18 =	vsub.f32 v62, v63;
	[tilespmem:$0x9D0] =	vst v57;
	v62 =	vld [tilespmem:$0x1FFA0]  }
0x8f: {  	[tilespmem:$0x9E0] =	vst v58;
	v63 =	vld [tilespmem:$0x630]  }
0x90: {  	[tilespmem:$0xAC0] =	vst v53;
	v41 =	vsub.f32 v7, v8;
	v8 =	vld [tilespmem:$0x7D0]  }
0x91: {  	v54 =	vsub.f32 v37, v38;
	[tilespmem:$0x1FFE0] =	vst v14;
	v14 =	vld [tilespmem:$0x4B0]  }
0x92: {  	v48 =	vimm.s32 $0xA;
	v38 =	vsub.f32 v39, v40;
	[tilespmem:$0x960] =	vst v16;
	v16 =	vld [tilespmem:$0xC00]  }
0x93: {  	v49 =	vimm.s32 $0xE;
	v50 =	vimm.s32 $0xF;
	[tilespmem:$0xAD0] =	vst v54;
	v40 =	vsub.f32 v5, v56;
	v5 =	vld [tilespmem:$0x7C0]  }
0x94: {  	[tilespmem:$0xAE0] =	vst v38;
	v57 =	vimm.s32 $0x0;
	v58 =	vimm.s32 $0x1;
	v53 =	vsub.f32 v25, v26;
	v42 =	vld [tilespmem:$0x1FFD0]  }
0x95: {  	v25 =	vimm.s32 $0xB;
	v26 =	vimm.s32 $0xC;
	v54 =	vsub.f32 v27, v29;
	[tilespmem:$0x970] =	vst v18;
	v43 =	vld [tilespmem:$0x1FFE0]  }
0x96: {  	v27 =	vimm.s32 $0xD;
	v39 =	vsub.f32 v3, v4;
	v2 =	vsub.f32 v59, v15;
	[tilespmem:$0x1FFF0] =	vst v14;
	v14 =	vld [tilespmem:$0x1FFC0]  }
0x97: {  	[tilespmem:$0xB70] =	vst v53;
	v59 =	vimm.s32 $0x2;
	v45 =	vsub.f32 v11, v12;
	v11 =	vld [tilespmem:$0x760];
	v55 =	vsub.f32 v30, v55  }
0x98: {  	[tilespmem:$0xB80] =	vst v54;
	v0 =	vsub.f32 v61, v62;
	v61 =	vimm.s32 $0x4;
	v34 =	vcvt.s32.f32 v16;
	v44 =	vld [tilespmem:$0x1FFF0]  }
0x99: {  	v15 =	vld [tilespmem:$0x6E0];
	[tilespmem:$0xB00] =	vst v39;
	v62 =	vimm.s32 $0x5;
	v54 =	vsub.f32 v8, v9;
	v53 =	vsub.f32 v5, v46  }
0x9a: {  	[tilespmem:$0xA00] =	vst v0;
	v16 =	vperm.xlane v34, v57;
	v18 =	vperm.xlane v34, v59;
	v0 =	vsub.f32 v42, v43;
	v42 =	vld [tilespmem:$0x660]  }
0x9b: {  	[tilespmem:$0x9F0] =	vst v2;
	v20 =	vperm.xlane v34, v61;
	v21 =	vperm.xlane v34, v62;
	v2 =	vsub.f32 v13, v14;
	v13 =	vld [tilespmem:$0x6D0]  }
0x9c: {  	[tilespmem:$0xB90] =	vst v55;
	v55 =	vsub.f32 v10, v11;
	v31 =	vperm.xlane v34, v48;
	v35 =	vperm.xlane v34, v25;
	v14 =	vld [tilespmem:$0x650]  }
0x9d: {  	v36 =	vperm.xlane v34, v26;
	v37 =	vperm.xlane v34, v27;
	[tilespmem:$0xA10] =	vst v2;
	v2 =	vsub.f32 v44, v17;
	v44 =	vld [tilespmem:$0xC10]  }
0x9e: {  	v51 =	vld [tilespmem:$0x770];
	[tilespmem:$0xB20] =	vst v41;
	v38 =	vperm.xlane v34, v49;
	v43 =	vsub.f32 v60, v63;
	v60 =	vimm.s32 $0x3  }
0x9f: {  	v56 =	vld [tilespmem:$0x7F0];
	[tilespmem:$0xB10] =	vst v40;
	v39 =	vperm.xlane v34, v50;
	v63 =	vimm.s32 $0x6;
	v19 =	vperm.xlane v34, v60  }
0xa0: {  	v33 =	vld [tilespmem:$0x7A0];
	[tilespmem:$0xB40] =	vst v45;
	v22 =	vperm.xlane v34, v63;
	v52 =	vsub.f32 v15, v42;
	v15 =	vimm.s32 $0x9  }
0xa1: {  	v3 =	vld [tilespmem:$0x7B0];
	[tilespmem:$0xBD0] =	vst v54;
	v17 =	vperm.xlane v34, v58;
	v28 =	vperm.xlane v34, v15;
	v47 =	vsub.f32 v13, v14  }
0xa2: {  	v4 =	vld [tilespmem:$0x730];
	[tilespmem:$0xBC0] =	vst v53;
	v13 =	vimm.s32 $0x7;
	v14 =	vimm.s32 $0x8;
	v6 =	vcvt.s32.f32 v44  }
0xa3: {  	[tilespmem:$0xA30] =	vst v2;
	v2 =	vld [tilespmem:$0x720];
	v23 =	vperm.xlane v34, v13;
	v24 =	vperm.xlane v34, v14  }
0xa4: {  	v56 =	vsub.f32 v56, v51;
	[tilespmem:$0xBE0] =	vst v55;
	v40 =	vperm.xlane v6, v57;
	v41 =	vperm.xlane v6, v58  }
0xa5: {  	[tilespmem:$0xB30] =	vst v43;
	v42 =	vperm.xlane v6, v59;
	v43 =	vperm.xlane v6, v60  }
0xa6: {  	[tilespmem:$0xBF0] =	vst v56;
	v44 =	vperm.xlane v6, v61;
	v45 =	vperm.xlane v6, v62  }
0xa7: {  	[tilespmem:$0xB60] =	vst v52;
	v52 =	vsub.f32 v3, v4;
	v46 =	vperm.xlane v6, v63;
	v34 =	vperm.xlane v6, v14  }
0xa8: {  	[tilespmem:$0xB50] =	vst v47;
	v47 =	vsub.f32 v33, v2;
	v32 =	vperm.xlane v6, v15;
	v33 =	vperm.xlane v6, v48  }
0xa9: {  	[tilespmem:$0xA20] =	vst v0;
	v30 =	vperm.xlane v6, v25;
	v29 =	vperm.xlane v6, v26  }
0xaa: {  	s4 =	sand.u32 $0x1C00, s3;
	[tilespmem:$0xBB0] =	vst v52;
	v26 =	vperm.xlane v6, v27;
	v27 =	vperm.xlane v6, v49  }
0xab: {  	s2 =	simm.s32 $0x80;
	s0 =	simm.s32 $0x800;
	s1 =	simm.s32 $0x0;
	v25 =	vperm.xlane v6, v50;
	[tilespmem:$0xBA0] =	vst v47;
	v47 =	vperm.xlane v6, v13  }
.LBB2_2:
0xac: {  	p0 =	sne.s32 s2, $0x1F80;
	s22 =	sand.u32 $0x70, s1;
	s31 =	sshrl.u32 s4, $0x2;
	v0 =	vld [tilespmem:s0+$0x0]  }
0xad: {  	s31 =	sor.u32 s22, s31  }
0xae: {  	v1 =	vld [tilespmem:s31+$0x0];
	_ =	sdelay $0x2  }
0xaf: {  	v2 =	vmul.f32 v0, v46;
	v3 =	vmul.f32 v0, v47  }
0xb0: {  	v4 =	vmul.f32 v0, v44;
	v5 =	vmul.f32 v0, v45  }
0xb1: {  	v6 =	vmul.f32 v0, v43;
	v2 =	vadd.f32 v2, v1;
	v3 =	vadd.f32 v3, v1  }
0xb2: {  	s31 =	sor.u32 s22, s4;
	v7 =	vmul.f32 v0, v42;
	v4 =	vadd.f32 v4, v1;
	v5 =	vadd.f32 v5, v1  }
0xb3: {  	v8 =	vmul.f32 v0, v40;
	v9 =	vmul.f32 v0, v41;
	v6 =	vadd.f32 v6, v1;
	[tilespmem:s31+$0x5000] =	vst v3  }
0xb4: {  	v10 =	vmul.f32 v0, v39;
	v7 =	vadd.f32 v7, v1;
	v3 =	vmul.f32 v0, v38;
	[tilespmem:s31+$0x4F80] =	vst v2  }
0xb5: {  	v8 =	vadd.f32 v8, v1;
	v9 =	vadd.f32 v9, v1;
	v2 =	vmul.f32 v0, v37;
	[tilespmem:s31+$0x4F00] =	vst v5  }
0xb6: {  	v10 =	vadd.f32 v10, v1;
	v5 =	vmul.f32 v0, v36;
	v3 =	vadd.f32 v3, v1;
	[tilespmem:s31+$0x4E80] =	vst v4  }
0xb7: {  	v11 =	vmul.f32 v0, v35;
	v4 =	vmul.f32 v0, v31;
	v2 =	vadd.f32 v2, v1;
	[tilespmem:s31+$0x4E00] =	vst v6  }
0xb8: {  	v12 =	vmul.f32 v0, v28;
	v6 =	vmul.f32 v0, v24;
	v5 =	vadd.f32 v5, v1;
	[tilespmem:s31+$0x4D80] =	vst v7  }
0xb9: {  	v11 =	vadd.f32 v11, v1;
	v7 =	vmul.f32 v0, v23;
	v4 =	vadd.f32 v4, v1;
	[tilespmem:s31+$0x4D00] =	vst v9  }
0xba: {  	v12 =	vadd.f32 v12, v1;
	v9 =	vmul.f32 v0, v22;
	v6 =	vadd.f32 v6, v1;
	[tilespmem:s31+$0x4C80] =	vst v8  }
0xbb: {  	v13 =	vmul.f32 v0, v21;
	v8 =	vmul.f32 v0, v20;
	v7 =	vadd.f32 v7, v1;
	[tilespmem:s31+$0x3000] =	vst v10  }
0xbc: {  	v14 =	vmul.f32 v0, v19;
	v10 =	vmul.f32 v0, v18;
	v9 =	vadd.f32 v9, v1;
	[tilespmem:s31+$0x2F80] =	vst v3  }
0xbd: {  	v13 =	vadd.f32 v13, v1;
	v3 =	vmul.f32 v0, v17;
	v8 =	vadd.f32 v8, v1;
	[tilespmem:s31+$0x2F00] =	vst v2  }
0xbe: {  	v14 =	vadd.f32 v14, v1;
	v2 =	vmul.f32 v0, v16;
	v10 =	vadd.f32 v10, v1;
	[tilespmem:s31+$0x2E80] =	vst v5  }
0xbf: {  	v3 =	vadd.f32 v3, v1;
	v5 =	vmul.f32 v0, v34;
	[tilespmem:s31+$0x2E00] =	vst v11;
	v11 =	vmul.f32 v0, v32  }
0xc0: {  	v15 =	vmul.f32 v0, v30;
	v2 =	vadd.f32 v2, v1;
	[tilespmem:s31+$0x2D80] =	vst v4;
	v4 =	vmul.f32 v0, v33  }
0xc1: {  	v5 =	vadd.f32 v5, v1;
	[tilespmem:s31+$0x2D00] =	vst v12;
	v11 =	vadd.f32 v11, v1;
	v12 =	vmul.f32 v0, v29  }
0xc2: {  	[tilespmem:s31+$0x2C80] =	vst v6;
	v4 =	vadd.f32 v4, v1;
	v6 =	vadd.f32 v15, v1;
	v15 =	vmul.f32 v0, v26  }
0xc3: {  	[tilespmem:s31+$0x1000] =	vst v7;
	v7 =	vadd.f32 v12, v1;
	v12 =	vmul.f32 v0, v27;
	v0 =	vmul.f32 v0, v25  }
0xc4: {  	[tilespmem:s31+$0xF80] =	vst v9;
	v9 =	vadd.f32 v15, v1  }
0xc5: {  	[tilespmem:s31+$0xF00] =	vst v13;
	v12 =	vadd.f32 v12, v1;
	v0 =	vadd.f32 v0, v1  }
0xc6: {  	[tilespmem:s31+$0xE80] =	vst v8  }
0xc7: {  	[tilespmem:s31+$0xE00] =	vst v14  }
0xc8: {  	[tilespmem:s31+$0xD80] =	vst v10  }
0xc9: {  	[tilespmem:s31+$0xD00] =	vst v3  }
0xca: {  	[tilespmem:s31+$0xC80] =	vst v2  }
0xcb: {  	[tilespmem:s31+$0x6C80] =	vst v5  }
0xcc: {  	[tilespmem:s31+$0x6D00] =	vst v11  }
0xcd: {  	[tilespmem:s31+$0x6D80] =	vst v4  }
.Ltmp0:
0xce: {  	[tilespmem:s31+$0x6E00] =	vst v6;
	(pc) =	sbr.rel @p0 .LBB2_2-.Ltmp0, $4  }
0xcf: {  	[tilespmem:s31+$0x6E80] =	vst v7  }
0xd0: {  	[tilespmem:s31+$0x6F00] =	vst v9  }
0xd1: {  	s1 =	sadd.s32 $0x10, s1;
	[tilespmem:s31+$0x6F80] =	vst v12  }
0xd2: {  	s0 =	sadd.s32 $0x10, s0;
	s4 =	sand.u32 $0x1C00, s2;
	s2 =	sadd.s32 $0x80, s2;
	[tilespmem:s31+$0x7000] =	vst v0  }
0xd3: {  	v0 =	vld [tilespmem:s0+$0x0];
	_ =	sdelay $0x4  }
0xd4: {  	v2 =	vmul.f32 v0, v47;
	v3 =	vmul.f32 v0, v46  }
0xd5: {  	v4 =	vmul.f32 v0, v45;
	v5 =	vmul.f32 v0, v44  }
0xd6: {  	v6 =	vmul.f32 v0, v43;
	v50 =	vmul.f32 v0, v42  }
0xd7: {  	s1 =	sand.u32 $0x70, s1;
	s2 =	sshrl.u32 s4, $0x2;
	v51 =	vmul.f32 v0, v41;
	v52 =	vmul.f32 v0, v40  }
0xd8: {  	s22 =	sor.u32 s1, s2;
	v53 =	vmul.f32 v0, v39;
	v54 =	vmul.f32 v0, v38  }
0xd9: {  	v1 =	vld [tilespmem:s22+$0x0];
	v55 =	vmul.f32 v0, v37;
	v56 =	vmul.f32 v0, v36  }
0xda: {  	v9 =	vmul.f32 v0, v35;
	v10 =	vmul.f32 v0, v31  }
0xdb: {  	v11 =	vmul.f32 v0, v28;
	v12 =	vmul.f32 v0, v24  }
0xdc: {  	v13 =	vmul.f32 v0, v23;
	v14 =	vmul.f32 v0, v22  }
0xdd: {  	v35 =	vmul.f32 v0, v21;
	v36 =	vmul.f32 v0, v20  }
0xde: {  	v37 =	vmul.f32 v0, v19;
	v38 =	vmul.f32 v0, v18;
	v2 =	vadd.f32 v2, v1  }
0xdf: {  	s31 =	sor.u32 s1, s4;
	v39 =	vmul.f32 v0, v17;
	v40 =	vmul.f32 v0, v16;
	v3 =	vadd.f32 v3, v1  }
0xe0: {  	v41 =	vmul.f32 v0, v34;
	v42 =	vmul.f32 v0, v32;
	v4 =	vadd.f32 v4, v1;
	[tilespmem:s31+$0x5000] =	vst v2  }
0xe1: {  	v43 =	vmul.f32 v0, v33;
	v45 =	vmul.f32 v0, v29;
	v5 =	vadd.f32 v5, v1;
	[tilespmem:s31+$0x4F80] =	vst v3  }
0xe2: {  	v44 =	vmul.f32 v0, v30;
	v46 =	vmul.f32 v0, v26;
	v6 =	vadd.f32 v6, v1;
	[tilespmem:s31+$0x4F00] =	vst v4  }
0xe3: {  	v48 =	vmul.f32 v0, v27;
	v0 =	vmul.f32 v0, v25;
	v47 =	vadd.f32 v45, v1;
	[tilespmem:s31+$0x4E80] =	vst v5  }
0xe4: {  	v49 =	vadd.f32 v46, v1;
	[tilespmem:s31+$0x4E00] =	vst v6  }
0xe5: {  	v0 =	vadd.f32 v0, v1;
	[tilespmem:s31+$0x6E80] =	vst v47  }
0xe6: {  	v2 =	vadd.f32 v50, v1;
	[tilespmem:s31+$0x6F00] =	vst v49  }
0xe7: {  	v3 =	vadd.f32 v51, v1;
	[tilespmem:s31+$0x7000] =	vst v0  }
0xe8: {  	v4 =	vadd.f32 v52, v1;
	[tilespmem:s31+$0x4D80] =	vst v2  }
0xe9: {  	v5 =	vadd.f32 v53, v1;
	[tilespmem:s31+$0x4D00] =	vst v3  }
0xea: {  	v6 =	vadd.f32 v54, v1;
	[tilespmem:s31+$0x4C80] =	vst v4  }
0xeb: {  	v50 =	vadd.f32 v48, v1;
	[tilespmem:s31+$0x3000] =	vst v5  }
0xec: {  	v2 =	vadd.f32 v55, v1;
	[tilespmem:s31+$0x2F80] =	vst v6  }
0xed: {  	v3 =	vadd.f32 v56, v1;
	[tilespmem:s31+$0x6F80] =	vst v50  }
0xee: {  	v4 =	vadd.f32 v9, v1;
	[tilespmem:s31+$0x2F00] =	vst v2  }
0xef: {  	v5 =	vadd.f32 v10, v1;
	[tilespmem:s31+$0x2E80] =	vst v3  }
0xf0: {  	v6 =	vadd.f32 v11, v1;
	[tilespmem:s31+$0x2E00] =	vst v4  }
0xf1: {  	v2 =	vadd.f32 v12, v1;
	[tilespmem:s31+$0x2D80] =	vst v5  }
0xf2: {  	v3 =	vadd.f32 v13, v1;
	[tilespmem:s31+$0x2D00] =	vst v6  }
0xf3: {  	v4 =	vadd.f32 v14, v1;
	[tilespmem:s31+$0x2C80] =	vst v2  }
0xf4: {  	v5 =	vadd.f32 v35, v1;
	[tilespmem:s31+$0x1000] =	vst v3  }
0xf5: {  	v6 =	vadd.f32 v36, v1;
	[tilespmem:s31+$0xF80] =	vst v4  }
0xf6: {  	v2 =	vadd.f32 v37, v1;
	[tilespmem:s31+$0xF00] =	vst v5  }
0xf7: {  	v3 =	vadd.f32 v38, v1;
	[tilespmem:s31+$0xE80] =	vst v6  }
0xf8: {  	v4 =	vadd.f32 v39, v1;
	[tilespmem:s31+$0xE00] =	vst v2  }
0xf9: {  	v5 =	vadd.f32 v40, v1;
	[tilespmem:s31+$0xD80] =	vst v3  }
0xfa: {  	v6 =	vadd.f32 v41, v1;
	[tilespmem:s31+$0xD00] =	vst v4  }
0xfb: {  	v2 =	vadd.f32 v42, v1;
	[tilespmem:s31+$0xC80] =	vst v5  }
0xfc: {  	v3 =	vadd.f32 v43, v1;
	[tilespmem:s31+$0x6C80] =	vst v6  }
0xfd: {  	v4 =	vadd.f32 v44, v1;
	[tilespmem:s31+$0x6D00] =	vst v2  }
0xfe: {  	[tilespmem:s31+$0x6D80] =	vst v3  }
0xff: {  	s0 =	simm.s32 $0x0;
	[tilespmem:s31+$0x6E00] =	vst v4  }
0x100: {  	[hbm4b:s5+s0] =	stream.linear.scatter [tilespmem:s25], [sflag:$0x2], $0x8000, $0x38;
	[tilespmem:$0x18C80] =	vst v63  }
0x101: {  	_ = 	snop  }
0x102: {  	[hbm4b:s6+s0] =	stream.linear.scatter [tilespmem:s25], [sflag:$0x2], $0x8000, $0x38;
	[tilespmem:$0x18C80] =	vst v63  }
0x103: {  	_ = 	snop  }
0x104: {  	[hbm4b:s7+s0] =	stream.linear.scatter [tilespmem:s25], [sflag:$0x2], $0x8000, $0x38;
	[tilespmem:$0x18C80] =	vst v63  }
0x105: {  	_ = 	snop  }
0x106: {  	[hbm4b:s8+s0] =	stream.linear.scatter [tilespmem:s25], [sflag:$0x2], $0x8000, $0x38;
	[tilespmem:$0x18C80] =	vst v63  }
0x107: {  	v0 =	vld [tilespmem:$0xC20]  }
0x108: {  	v51 =	vld [tilespmem:$0xC30];
	_ =	sdelay $0x3  }
0x109: {  	v0 =	vcvt.s32.f32 v0  }
0x10a: {  	v7 =	vimm.s32 $0xC;
	v8 =	vimm.s32 $0xD;
	v1 =	vcvt.s32.f32 v51  }
0x10b: {  	v52 =	vimm.s32 $0x7;
	v16 =	vperm.xlane v0, v57;
	v17 =	vperm.xlane v0, v58  }
0x10c: {  	v53 =	vimm.s32 $0x8;
	v18 =	vperm.xlane v0, v59;
	v21 =	vperm.xlane v0, v60  }
0x10d: {  	v54 =	vimm.s32 $0x9;
	v24 =	vperm.xlane v0, v61;
	v27 =	vperm.xlane v0, v62  }
0x10e: {  	v55 =	vimm.s32 $0xA;
	v30 =	vperm.xlane v0, v63;
	v31 =	vperm.xlane v0, v52  }
0x10f: {  	v56 =	vimm.s32 $0xB;
	v32 =	vperm.xlane v0, v53;
	v33 =	vperm.xlane v0, v54  }
0x110: {  	v9 =	vimm.s32 $0xE;
	v34 =	vperm.xlane v0, v55;
	v35 =	vperm.xlane v0, v56  }
0x111: {  	v10 =	vimm.s32 $0xF;
	v36 =	vperm.xlane v0, v7;
	v37 =	vperm.xlane v0, v8  }
0x112: {  	v38 =	vperm.xlane v0, v9;
	v39 =	vperm.xlane v0, v10  }
0x113: {  	v40 =	vperm.xlane v1, v57;
	v41 =	vperm.xlane v1, v58  }
0x114: {  	v42 =	vperm.xlane v1, v59;
	v43 =	vperm.xlane v1, v60  }
0x115: {  	v44 =	vperm.xlane v1, v61;
	v45 =	vperm.xlane v1, v62  }
0x116: {  	v46 =	vperm.xlane v1, v63;
	v47 =	vperm.xlane v1, v52  }
0x117: {  	v29 =	vperm.xlane v1, v53;
	v28 =	vperm.xlane v1, v54  }
0x118: {  	v26 =	vperm.xlane v1, v55;
	v25 =	vperm.xlane v1, v56  }
0x119: {  	v23 =	vperm.xlane v1, v7;
	v22 =	vperm.xlane v1, v8  }
0x11a: {  	s1 =	simm.s32 $0x800;
	s4 =	sand.u32 $0x1C00, s0;
	s2 =	simm.s32 $0x80;
	v20 =	vperm.xlane v1, v9;
	v19 =	vperm.xlane v1, v10  }
.LBB2_4:
0x11b: {  	p0 =	sne.s32 s2, $0x1F80;
	s22 =	sand.u32 $0x70, s0;
	s31 =	sshrl.u32 s4, $0x2;
	v0 =	vld [tilespmem:s1+$0x0]  }
0x11c: {  	s31 =	sor.u32 s22, s31  }
0x11d: {  	v1 =	vld [tilespmem:s31+$0x0];
	_ =	sdelay $0x2  }
0x11e: {  	v2 =	vmul.f32 v0, v46;
	v3 =	vmul.f32 v0, v47  }
0x11f: {  	v4 =	vmul.f32 v0, v44;
	v5 =	vmul.f32 v0, v45  }
0x120: {  	v6 =	vmul.f32 v0, v43;
	v2 =	vadd.f32 v2, v1;
	v3 =	vadd.f32 v3, v1  }
0x121: {  	s31 =	sor.u32 s22, s4;
	v7 =	vmul.f32 v0, v42;
	v4 =	vadd.f32 v4, v1;
	v5 =	vadd.f32 v5, v1  }
0x122: {  	v8 =	vmul.f32 v0, v40;
	v9 =	vmul.f32 v0, v41;
	v6 =	vadd.f32 v6, v1;
	[tilespmem:s31+$0xD000] =	vst v3  }
0x123: {  	v10 =	vmul.f32 v0, v39;
	v7 =	vadd.f32 v7, v1;
	v3 =	vmul.f32 v0, v38;
	[tilespmem:s31+$0xCF80] =	vst v2  }
0x124: {  	v8 =	vadd.f32 v8, v1;
	v9 =	vadd.f32 v9, v1;
	v2 =	vmul.f32 v0, v37;
	[tilespmem:s31+$0xCF00] =	vst v5  }
0x125: {  	v10 =	vadd.f32 v10, v1;
	v5 =	vmul.f32 v0, v36;
	v3 =	vadd.f32 v3, v1;
	[tilespmem:s31+$0xCE80] =	vst v4  }
0x126: {  	v11 =	vmul.f32 v0, v35;
	v4 =	vmul.f32 v0, v34;
	v2 =	vadd.f32 v2, v1;
	[tilespmem:s31+$0xCE00] =	vst v6  }
0x127: {  	v12 =	vmul.f32 v0, v33;
	v6 =	vmul.f32 v0, v32;
	v5 =	vadd.f32 v5, v1;
	[tilespmem:s31+$0xCD80] =	vst v7  }
0x128: {  	v11 =	vadd.f32 v11, v1;
	v7 =	vmul.f32 v0, v31;
	v4 =	vadd.f32 v4, v1;
	[tilespmem:s31+$0xCD00] =	vst v9  }
0x129: {  	v12 =	vadd.f32 v12, v1;
	v9 =	vmul.f32 v0, v30;
	v6 =	vadd.f32 v6, v1;
	[tilespmem:s31+$0xCC80] =	vst v8  }
0x12a: {  	v13 =	vmul.f32 v0, v27;
	v8 =	vmul.f32 v0, v24;
	v7 =	vadd.f32 v7, v1;
	[tilespmem:s31+$0xB000] =	vst v10  }
0x12b: {  	v14 =	vmul.f32 v0, v21;
	v10 =	vmul.f32 v0, v18;
	v9 =	vadd.f32 v9, v1;
	[tilespmem:s31+$0xAF80] =	vst v3  }
0x12c: {  	v13 =	vadd.f32 v13, v1;
	v3 =	vmul.f32 v0, v17;
	v8 =	vadd.f32 v8, v1;
	[tilespmem:s31+$0xAF00] =	vst v2  }
0x12d: {  	v14 =	vadd.f32 v14, v1;
	v2 =	vmul.f32 v0, v16;
	v10 =	vadd.f32 v10, v1;
	[tilespmem:s31+$0xAE80] =	vst v5  }
0x12e: {  	v3 =	vadd.f32 v3, v1;
	v5 =	vmul.f32 v0, v29;
	[tilespmem:s31+$0xAE00] =	vst v11;
	v11 =	vmul.f32 v0, v28  }
0x12f: {  	v15 =	vmul.f32 v0, v25;
	v2 =	vadd.f32 v2, v1;
	[tilespmem:s31+$0xAD80] =	vst v4;
	v4 =	vmul.f32 v0, v26  }
0x130: {  	v5 =	vadd.f32 v5, v1;
	[tilespmem:s31+$0xAD00] =	vst v12;
	v11 =	vadd.f32 v11, v1;
	v12 =	vmul.f32 v0, v23  }
0x131: {  	[tilespmem:s31+$0xAC80] =	vst v6;
	v4 =	vadd.f32 v4, v1;
	v6 =	vadd.f32 v15, v1;
	v15 =	vmul.f32 v0, v22  }
0x132: {  	[tilespmem:s31+$0x9000] =	vst v7;
	v7 =	vadd.f32 v12, v1;
	v12 =	vmul.f32 v0, v20;
	v0 =	vmul.f32 v0, v19  }
0x133: {  	[tilespmem:s31+$0x8F80] =	vst v9;
	v9 =	vadd.f32 v15, v1  }
0x134: {  	[tilespmem:s31+$0x8F00] =	vst v13;
	v12 =	vadd.f32 v12, v1;
	v0 =	vadd.f32 v0, v1  }
0x135: {  	[tilespmem:s31+$0x8E80] =	vst v8  }
0x136: {  	[tilespmem:s31+$0x8E00] =	vst v14  }
0x137: {  	[tilespmem:s31+$0x8D80] =	vst v10  }
0x138: {  	[tilespmem:s31+$0x8D00] =	vst v3  }
0x139: {  	[tilespmem:s31+$0x8C80] =	vst v2  }
0x13a: {  	[tilespmem:s31+$0xEC80] =	vst v5  }
0x13b: {  	[tilespmem:s31+$0xED00] =	vst v11  }
0x13c: {  	[tilespmem:s31+$0xED80] =	vst v4  }
.Ltmp1:
0x13d: {  	[tilespmem:s31+$0xEE00] =	vst v6;
	(pc) =	sbr.rel @p0 .LBB2_4-.Ltmp1, $4  }
0x13e: {  	[tilespmem:s31+$0xEE80] =	vst v7  }
0x13f: {  	[tilespmem:s31+$0xEF00] =	vst v9  }
0x140: {  	s0 =	sadd.s32 $0x10, s0;
	[tilespmem:s31+$0xEF80] =	vst v12  }
0x141: {  	s1 =	sadd.s32 $0x10, s1;
	s4 =	sand.u32 $0x1C00, s2;
	s2 =	sadd.s32 $0x80, s2;
	[tilespmem:s31+$0xF000] =	vst v0  }
0x142: {  	v0 =	vld [tilespmem:s1+$0x0];
	_ =	sdelay $0x4  }
0x143: {  	v2 =	vmul.f32 v0, v47;
	v3 =	vmul.f32 v0, v46  }
0x144: {  	v4 =	vmul.f32 v0, v45;
	v5 =	vmul.f32 v0, v44  }
0x145: {  	s0 =	sand.u32 $0x70, s0;
	s2 =	sshrl.u32 s4, $0x2;
	v6 =	vmul.f32 v0, v43;
	v53 =	vmul.f32 v0, v42  }
0x146: {  	s22 =	sor.u32 s0, s2;
	v54 =	vmul.f32 v0, v41;
	v55 =	vmul.f32 v0, v40  }
0x147: {  	v1 =	vld [tilespmem:s22+$0x0];
	v56 =	vmul.f32 v0, v39;
	v9 =	vmul.f32 v0, v38  }
0x148: {  	v10 =	vmul.f32 v0, v37;
	v11 =	vmul.f32 v0, v36  }
0x149: {  	v12 =	vmul.f32 v0, v35;
	v13 =	vmul.f32 v0, v34  }
0x14a: {  	v14 =	vmul.f32 v0, v33;
	v32 =	vmul.f32 v0, v32  }
0x14b: {  	v33 =	vmul.f32 v0, v31;
	v34 =	vmul.f32 v0, v30  }
0x14c: {  	v35 =	vmul.f32 v0, v27;
	v36 =	vmul.f32 v0, v24;
	v2 =	vadd.f32 v2, v1  }
0x14d: {  	s0 =	sor.u32 s0, s4;
	v37 =	vmul.f32 v0, v21;
	v38 =	vmul.f32 v0, v18;
	v3 =	vadd.f32 v3, v1  }
0x14e: {  	v39 =	vmul.f32 v0, v17;
	v40 =	vmul.f32 v0, v16;
	v4 =	vadd.f32 v4, v1;
	[tilespmem:s0+$0xD000] =	vst v2  }
0x14f: {  	v41 =	vmul.f32 v0, v29;
	v45 =	vmul.f32 v0, v23;
	v5 =	vadd.f32 v5, v1;
	[tilespmem:s0+$0xCF80] =	vst v3  }
0x150: {  	v42 =	vmul.f32 v0, v28;
	v46 =	vmul.f32 v0, v22;
	v6 =	vadd.f32 v6, v1;
	[tilespmem:s0+$0xCF00] =	vst v4  }
0x151: {  	v43 =	vmul.f32 v0, v26;
	v48 =	vmul.f32 v0, v20;
	v47 =	vadd.f32 v45, v1;
	[tilespmem:s0+$0xCE80] =	vst v5  }
0x152: {  	v44 =	vmul.f32 v0, v25;
	v0 =	vmul.f32 v0, v19;
	v49 =	vadd.f32 v46, v1;
	[tilespmem:s0+$0xCE00] =	vst v6  }
0x153: {  	v50 =	vadd.f32 v48, v1;
	[tilespmem:s0+$0xEE80] =	vst v47  }
0x154: {  	v0 =	vadd.f32 v0, v1;
	[tilespmem:s0+$0xEF00] =	vst v49  }
0x155: {  	v2 =	vadd.f32 v53, v1;
	[tilespmem:s0+$0xEF80] =	vst v50  }
0x156: {  	v3 =	vadd.f32 v54, v1;
	[tilespmem:s0+$0xF000] =	vst v0  }
0x157: {  	v4 =	vadd.f32 v55, v1;
	[tilespmem:s0+$0xCD80] =	vst v2  }
0x158: {  	v5 =	vadd.f32 v56, v1;
	[tilespmem:s0+$0xCD00] =	vst v3  }
0x159: {  	v6 =	vadd.f32 v9, v1;
	[tilespmem:s0+$0xCC80] =	vst v4  }
0x15a: {  	v2 =	vadd.f32 v10, v1;
	[tilespmem:s0+$0xB000] =	vst v5  }
0x15b: {  	v3 =	vadd.f32 v11, v1;
	[tilespmem:s0+$0xAF80] =	vst v6  }
0x15c: {  	v4 =	vadd.f32 v12, v1;
	[tilespmem:s0+$0xAF00] =	vst v2  }
0x15d: {  	v5 =	vadd.f32 v13, v1;
	[tilespmem:s0+$0xAE80] =	vst v3  }
0x15e: {  	v6 =	vadd.f32 v14, v1;
	[tilespmem:s0+$0xAE00] =	vst v4  }
0x15f: {  	v2 =	vadd.f32 v32, v1;
	[tilespmem:s0+$0xAD80] =	vst v5  }
0x160: {  	v3 =	vadd.f32 v33, v1;
	[tilespmem:s0+$0xAD00] =	vst v6  }
0x161: {  	v4 =	vadd.f32 v34, v1;
	[tilespmem:s0+$0xAC80] =	vst v2  }
0x162: {  	v5 =	vadd.f32 v35, v1;
	[tilespmem:s0+$0x9000] =	vst v3  }
0x163: {  	v6 =	vadd.f32 v36, v1;
	[tilespmem:s0+$0x8F80] =	vst v4  }
0x164: {  	v2 =	vadd.f32 v37, v1;
	[tilespmem:s0+$0x8F00] =	vst v5  }
0x165: {  	v3 =	vadd.f32 v38, v1;
	[tilespmem:s0+$0x8E80] =	vst v6  }
0x166: {  	v4 =	vadd.f32 v39, v1;
	[tilespmem:s0+$0x8E00] =	vst v2  }
0x167: {  	v5 =	vadd.f32 v40, v1;
	[tilespmem:s0+$0x8D80] =	vst v3  }
0x168: {  	v6 =	vadd.f32 v41, v1;
	[tilespmem:s0+$0x8D00] =	vst v4  }
0x169: {  	v2 =	vadd.f32 v42, v1;
	[tilespmem:s0+$0x8C80] =	vst v5  }
0x16a: {  	v3 =	vadd.f32 v43, v1;
	[tilespmem:s0+$0xEC80] =	vst v6  }
0x16b: {  	v4 =	vadd.f32 v44, v1;
	[tilespmem:s0+$0xED00] =	vst v2  }
0x16c: {  	[tilespmem:s0+$0xED80] =	vst v3  }
0x16d: {  	[tilespmem:s0+$0xEE00] =	vst v4;
	s0 =	simm.s32 $0x0  }
0x16e: {  	[hbm4b:s9+s0] =	stream.linear.scatter [tilespmem:s26], [sflag:$0x2], $0x8000, $0x38;
	[tilespmem:$0x18C80] =	vst v63  }
0x16f: {  	_ = 	snop  }
0x170: {  	[hbm4b:s10+s0] =	stream.linear.scatter [tilespmem:s26], [sflag:$0x2], $0x8000, $0x38;
	[tilespmem:$0x18C80] =	vst v63  }
0x171: {  	_ = 	snop  }
0x172: {  	[hbm4b:s11+s0] =	stream.linear.scatter [tilespmem:s26], [sflag:$0x2], $0x8000, $0x38;
	[tilespmem:$0x18C80] =	vst v63  }
0x173: {  	_ = 	snop  }
0x174: {  	[hbm4b:s12+s0] =	stream.linear.scatter [tilespmem:s26], [sflag:$0x2], $0x8000, $0x38;
	[tilespmem:$0x18C80] =	vst v63  }
0x175: {  	v0 =	vld [tilespmem:$0xC40]  }
0x176: {  	v51 =	vld [tilespmem:$0xC50];
	_ =	sdelay $0x3  }
0x177: {  	v0 =	vcvt.s32.f32 v0  }
0x178: {  	v52 =	vimm.s32 $0x7;
	v7 =	vimm.s32 $0xC;
	v1 =	vcvt.s32.f32 v51  }
0x179: {  	v8 =	vimm.s32 $0xD;
	v35 =	vperm.xlane v0, v57;
	v36 =	vperm.xlane v0, v58  }
0x17a: {  	v53 =	vimm.s32 $0x8;
	v38 =	vperm.xlane v0, v59;
	v39 =	vperm.xlane v0, v60  }
0x17b: {  	v54 =	vimm.s32 $0x9;
	v40 =	vperm.xlane v0, v61;
	v42 =	vperm.xlane v0, v62  }
0x17c: {  	v55 =	vimm.s32 $0xA;
	v43 =	vperm.xlane v0, v63;
	v44 =	vperm.xlane v0, v52  }
0x17d: {  	v56 =	vimm.s32 $0xB;
	v37 =	vperm.xlane v0, v53;
	v16 =	vperm.xlane v0, v54  }
0x17e: {  	v9 =	vimm.s32 $0xE;
	v33 =	vperm.xlane v0, v55;
	v30 =	vperm.xlane v0, v56  }
0x17f: {  	v10 =	vimm.s32 $0xF;
	v17 =	vperm.xlane v0, v7;
	v18 =	vperm.xlane v0, v8  }
0x180: {  	v19 =	vperm.xlane v0, v9;
	v20 =	vperm.xlane v0, v10  }
0x181: {  	v22 =	vperm.xlane v1, v57;
	v25 =	vperm.xlane v1, v58  }
0x182: {  	v27 =	vperm.xlane v1, v59;
	v21 =	vperm.xlane v1, v60  }
0x183: {  	s2 =	simm.s32 $0x800;
	s1 =	sand.u32 $0x1C00, s0;
	v23 =	vperm.xlane v1, v61;
	v24 =	vperm.xlane v1, v62  }
0x184: {  	s4 =	sand.u32 $0x70, s0;
	s22 =	sshrl.u32 s1, $0x2;
	v32 =	vld [tilespmem:s2+$0x0];
	v26 =	vperm.xlane v1, v63;
	v28 =	vperm.xlane v1, v52  }
0x185: {  	s22 =	sor.u32 s4, s22;
	v31 =	vperm.xlane v1, v53;
	v34 =	vperm.xlane v1, v54  }
0x186: {  	v29 =	vld [tilespmem:s22+$0x0];
	v41 =	vperm.xlane v1, v55;
	v45 =	vperm.xlane v1, v56  }
0x187: {  	v46 =	vperm.xlane v1, v7;
	v47 =	vperm.xlane v1, v8  }
0x188: {  	v48 =	vperm.xlane v1, v9;
	v49 =	vperm.xlane v1, v10  }
0x189: {  	v10 =	vmul.f32 v32, v35;
	v52 =	vmul.f32 v32, v43  }
0x18a: {  	v11 =	vmul.f32 v32, v39;
	v12 =	vmul.f32 v32, v44  }
0x18b: {  	v13 =	vmul.f32 v32, v38;
	v14 =	vmul.f32 v32, v40;
	v0 =	vadd.f32 v10, v29  }
0x18c: {  	s31 =	sor.u32 s4, s1;
	v53 =	vmul.f32 v32, v42;
	v51 =	vadd.f32 v11, v29;
	v54 =	vadd.f32 v12, v29  }
0x18d: {  	s1 =	simm.s32 $0x80;
	s4 =	sadd.s32 $0x10C80, s31;
	v55 =	vmul.f32 v32, v36;
	v56 =	vadd.f32 v13, v29;
	v50 =	vadd.f32 v14, v29;
	[tilespmem:s31+$0x10C80] =	vst v0  }
.LBB2_6:
0x18e: {  	p0 =	sne.s32 s1, $0x1F80;
	v0 =	vadd.f32 v53, v29;
	v1 =	vadd.f32 v52, v29;
	[tilespmem:s4+$0x380] =	vst v54;
	v2 =	vmul.f32 v32, v47;
	s2 =	sadd.s32 $0x10, s2;
	s0 =	sadd.s32 $0x10, s0  }
0x18f: {  	v4 =	vmul.f32 v32, v45;
	v5 =	vmul.f32 v32, v46;
	s22 =	smov.u32 s1;
	s1 =	sadd.s32 $0x80, s1;
	v3 =	vadd.f32 v55, v29;
	[tilespmem:s4+$0x100] =	vst v56  }
0x190: {  	v6 =	vmul.f32 v32, v41;
	[tilespmem:s4+$0x300] =	vst v1;
	v1 =	vmul.f32 v32, v37;
	v2 =	vadd.f32 v2, v29  }
0x191: {  	[tilespmem:s4+$0x80] =	vst v3;
	v3 =	vadd.f32 v4, v29;
	v4 =	vadd.f32 v5, v29;
	v5 =	vmul.f32 v32, v49  }
0x192: {  	v7 =	vmul.f32 v32, v33;
	v6 =	vadd.f32 v6, v29;
	[tilespmem:s4+$0x180] =	vst v51;
	v1 =	vadd.f32 v1, v29  }
0x193: {  	v8 =	vmul.f32 v32, v48;
	[tilespmem:s4+$0x280] =	vst v0;
	v0 =	vmul.f32 v32, v34;
	v5 =	vadd.f32 v5, v29  }
0x194: {  	v9 =	vmul.f32 v32, v30;
	v10 =	vmul.f32 v32, v31;
	v7 =	vadd.f32 v7, v29;
	[tilespmem:s4+$0x200] =	vst v50  }
0x195: {  	v8 =	vadd.f32 v8, v29;
	[tilespmem:s31+$0x12C80] =	vst v1;
	v1 =	vmul.f32 v32, v27;
	v0 =	vadd.f32 v0, v29  }
0x196: {  	v11 =	vmul.f32 v32, v25;
	v9 =	vadd.f32 v9, v29;
	v10 =	vadd.f32 v10, v29;
	[tilespmem:s31+$0x17000] =	vst v5  }
0x197: {  	v5 =	vmul.f32 v32, v26;
	[tilespmem:s31+$0x12D80] =	vst v7;
	v1 =	vadd.f32 v1, v29;
	v7 =	vmul.f32 v32, v28  }
0x198: {  	v12 =	vmul.f32 v32, v23;
	v13 =	vmul.f32 v32, v24;
	v11 =	vadd.f32 v11, v29;
	[tilespmem:s31+$0x16F80] =	vst v8  }
0x199: {  	v8 =	vmul.f32 v32, v22;
	v5 =	vadd.f32 v5, v29;
	[tilespmem:s31+$0x12E00] =	vst v9;
	v7 =	vadd.f32 v7, v29  }
0x19a: {  	v12 =	vadd.f32 v12, v29;
	v13 =	vadd.f32 v13, v29;
	v9 =	vmul.f32 v32, v20;
	[tilespmem:s31+$0x16F00] =	vst v2  }
0x19b: {  	v14 =	vmul.f32 v32, v21;
	v2 =	vmul.f32 v32, v19;
	v8 =	vadd.f32 v8, v29;
	[tilespmem:s31+$0x16E80] =	vst v4  }
0x19c: {  	v15 =	vmul.f32 v32, v18;
	v4 =	vmul.f32 v32, v16;
	v9 =	vadd.f32 v9, v29;
	[tilespmem:s31+$0x16E00] =	vst v3  }
0x19d: {  	v14 =	vadd.f32 v14, v29;
	v3 =	vmul.f32 v32, v17;
	v2 =	vadd.f32 v2, v29;
	[tilespmem:s31+$0x16D80] =	vst v6  }
0x19e: {  	v4 =	vadd.f32 v4, v29;
	v6 =	vadd.f32 v15, v29;
	[tilespmem:s31+$0x16D00] =	vst v0  }
0x19f: {  	v0 =	vadd.f32 v3, v29;
	[tilespmem:s31+$0x16C80] =	vst v10  }
0x1a0: {  	[tilespmem:s31+$0x14D80] =	vst v1  }
0x1a1: {  	[tilespmem:s31+$0x14D00] =	vst v11  }
0x1a2: {  	[tilespmem:s31+$0x15000] =	vst v7  }
0x1a3: {  	[tilespmem:s31+$0x14F80] =	vst v5  }
0x1a4: {  	[tilespmem:s31+$0x14F00] =	vst v13  }
0x1a5: {  	[tilespmem:s31+$0x14E80] =	vst v12  }
0x1a6: {  	[tilespmem:s31+$0x14C80] =	vst v8  }
0x1a7: {  	[tilespmem:s31+$0x13000] =	vst v9  }
0x1a8: {  	[tilespmem:s31+$0x14E00] =	vst v14  }
0x1a9: {  	[tilespmem:s31+$0x12F80] =	vst v2  }
0x1aa: {  	[tilespmem:s31+$0x12F00] =	vst v6  }
0x1ab: {  	[tilespmem:s31+$0x12D00] =	vst v4  }
0x1ac: {  	s4 =	sand.u32 $0x1C00, s22;
	[tilespmem:s31+$0x12E80] =	vst v0  }
0x1ad: {  	s22 =	sand.u32 $0x70, s0;
	s31 =	sshrl.u32 s4, $0x2;
	v32 =	vld [tilespmem:s2+$0x0]  }
0x1ae: {  	s31 =	sor.u32 s22, s31  }
0x1af: {  	v29 =	vld [tilespmem:s31+$0x0];
	_ =	sdelay $0x2  }
.Ltmp2:
0x1b0: {  	v0 =	vmul.f32 v32, v35;
	v52 =	vmul.f32 v32, v43;
	(pc) =	sbr.rel @p0 .LBB2_6-.Ltmp2, $4  }
0x1b1: {  	v1 =	vmul.f32 v32, v39;
	v2 =	vmul.f32 v32, v44  }
0x1b2: {  	s31 =	sor.u32 s22, s4;
	v3 =	vmul.f32 v32, v38;
	v4 =	vmul.f32 v32, v40;
	v0 =	vadd.f32 v0, v29  }
0x1b3: {  	s4 =	sadd.s32 $0x10C80, s31;
	v53 =	vmul.f32 v32, v42;
	v51 =	vadd.f32 v1, v29;
	v54 =	vadd.f32 v2, v29  }
0x1b4: {  	v55 =	vmul.f32 v32, v36;
	v56 =	vadd.f32 v3, v29;
	v50 =	vadd.f32 v4, v29;
	[tilespmem:s31+$0x10C80] =	vst v0  }
0x1b5: {  	[tilespmem:s4+$0x380] =	vst v54  }
0x1b6: {  	[tilespmem:s4+$0x180] =	vst v51  }
0x1b7: {  	v0 =	vadd.f32 v52, v29;
	[tilespmem:s4+$0x100] =	vst v56  }
0x1b8: {  	v10 =	vadd.f32 v53, v29;
	v2 =	vmul.f32 v32, v37;
	[tilespmem:s4+$0x200] =	vst v50  }
0x1b9: {  	v3 =	vmul.f32 v32, v33;
	v1 =	vadd.f32 v55, v29;
	[tilespmem:s4+$0x300] =	vst v0  }
0x1ba: {  	v12 =	vmul.f32 v32, v48;
	v2 =	vadd.f32 v2, v29;
	[tilespmem:s4+$0x280] =	vst v10  }
0x1bb: {  	v4 =	vmul.f32 v32, v30;
	v3 =	vadd.f32 v3, v29;
	[tilespmem:s4+$0x80] =	vst v1  }
0x1bc: {  	v38 =	vmul.f32 v32, v27;
	v0 =	vadd.f32 v12, v29;
	[tilespmem:s31+$0x12C80] =	vst v2  }
0x1bd: {  	v11 =	vmul.f32 v32, v49;
	v4 =	vadd.f32 v4, v29;
	[tilespmem:s31+$0x12D80] =	vst v3  }
0x1be: {  	v13 =	vmul.f32 v32, v47;
	v40 =	vadd.f32 v38, v29;
	[tilespmem:s31+$0x16F80] =	vst v0  }
0x1bf: {  	v33 =	vmul.f32 v32, v45;
	v1 =	vadd.f32 v11, v29;
	[tilespmem:s31+$0x12E00] =	vst v4  }
0x1c0: {  	v35 =	vmul.f32 v32, v41;
	v2 =	vadd.f32 v13, v29;
	[tilespmem:s31+$0x14D80] =	vst v40  }
0x1c1: {  	v36 =	vmul.f32 v32, v34;
	v3 =	vadd.f32 v33, v29;
	[tilespmem:s31+$0x17000] =	vst v1  }
0x1c2: {  	v14 =	vmul.f32 v32, v46;
	v0 =	vadd.f32 v35, v29;
	[tilespmem:s31+$0x16F00] =	vst v2  }
0x1c3: {  	v37 =	vmul.f32 v32, v31;
	v4 =	vadd.f32 v36, v29;
	[tilespmem:s31+$0x16E00] =	vst v3  }
0x1c4: {  	v39 =	vmul.f32 v32, v25;
	v1 =	vadd.f32 v14, v29;
	[tilespmem:s31+$0x16D80] =	vst v0  }
0x1c5: {  	v42 =	vmul.f32 v32, v26;
	v2 =	vadd.f32 v37, v29;
	[tilespmem:s31+$0x16D00] =	vst v4  }
0x1c6: {  	v44 =	vmul.f32 v32, v23;
	v3 =	vadd.f32 v39, v29;
	[tilespmem:s31+$0x16E80] =	vst v1  }
0x1c7: {  	v41 =	vmul.f32 v32, v28;
	v4 =	vadd.f32 v42, v29;
	[tilespmem:s31+$0x16C80] =	vst v2  }
0x1c8: {  	v43 =	vmul.f32 v32, v24;
	v0 =	vadd.f32 v44, v29;
	[tilespmem:s31+$0x14D00] =	vst v3  }
0x1c9: {  	v45 =	vmul.f32 v32, v22;
	v1 =	vadd.f32 v41, v29;
	[tilespmem:s31+$0x14F80] =	vst v4  }
0x1ca: {  	v47 =	vmul.f32 v32, v21;
	v2 =	vadd.f32 v43, v29;
	[tilespmem:s31+$0x14E80] =	vst v0  }
0x1cb: {  	v49 =	vmul.f32 v32, v18;
	v3 =	vadd.f32 v45, v29;
	[tilespmem:s31+$0x15000] =	vst v1  }
0x1cc: {  	v46 =	vmul.f32 v32, v20;
	v4 =	vadd.f32 v47, v29;
	[tilespmem:s31+$0x14F00] =	vst v2  }
0x1cd: {  	v48 =	vmul.f32 v32, v19;
	v0 =	vadd.f32 v49, v29;
	[tilespmem:s31+$0x14C80] =	vst v3  }
0x1ce: {  	v50 =	vmul.f32 v32, v16;
	v1 =	vadd.f32 v46, v29;
	[tilespmem:s31+$0x14E00] =	vst v4  }
0x1cf: {  	v51 =	vmul.f32 v32, v17;
	v2 =	vadd.f32 v48, v29;
	[tilespmem:s31+$0x12F00] =	vst v0  }
0x1d0: {  	v3 =	vadd.f32 v50, v29;
	[tilespmem:s31+$0x13000] =	vst v1  }
0x1d1: {  	v1 =	vadd.f32 v51, v29;
	[tilespmem:s31+$0x12F80] =	vst v2  }
0x1d2: {  	[tilespmem:s31+$0x12D00] =	vst v3  }
0x1d3: {  	s0 =	simm.s32 $0x0;
	[tilespmem:s31+$0x12E80] =	vst v1  }
0x1d4: {  	[hbm4b:s13+s0] =	stream.linear.scatter [tilespmem:s28], [sflag:$0x2], $0x8000, $0x38;
	[tilespmem:$0x18C80] =	vst v63  }
0x1d5: {  	_ = 	snop  }
0x1d6: {  	[hbm4b:s14+s0] =	stream.linear.scatter [tilespmem:s28], [sflag:$0x2], $0x8000, $0x38;
	[tilespmem:$0x18C80] =	vst v63  }
0x1d7: {  	_ = 	snop  }
0x1d8: {  	[hbm4b:s15+s0] =	stream.linear.scatter [tilespmem:s28], [sflag:$0x2], $0x8000, $0x38;
	[tilespmem:$0x18C80] =	vst v63  }
0x1d9: {  	_ = 	snop  }
0x1da: {  	[hbm4b:s16+s0] =	stream.linear.scatter [tilespmem:s28], [sflag:$0x2], $0x8000, $0x38;
	[tilespmem:$0x18C80] =	vst v63  }
0x1db: {  	_ =	swait.ge [sflag:s29], $0x8000  }
0x1dc: {  	[sflag:s29] =	ssyncset.done $0x0  }
0x1dd: {  	[sflag:s29] =	ssyncadd.s32 $0xFFFF8000  }
0x1de: {  	_ =	swait.ge [sflag:s29], $0x8000  }
0x1df: {  	[sflag:s29] =	ssyncset.done $0x0  }
0x1e0: {  	[sflag:s29] =	ssyncadd.s32 $0xFFFF8000  }
0x1e1: {  	_ =	swait.ge [sflag:s29], $0x8000  }
0x1e2: {  	[sflag:s29] =	ssyncset.done $0x0  }
0x1e3: {  	[sflag:s29] =	ssyncadd.s32 $0xFFFF8000  }
0x1e4: {  	_ =	swait.ge [sflag:s29], $0x8000  }
0x1e5: {  	[sflag:s29] =	ssyncset.done $0x0  }
0x1e6: {  	[sflag:s29] =	ssyncadd.s32 $0xFFFF8000  }
0x1e7: {  	v52 =	vld [tilespmem:$0xC60]  }
0x1e8: {  	v53 =	vld [tilespmem:$0xC70];
	_ =	sdelay $0x3  }
0x1e9: {  	v0 =	vcvt.s32.f32 v52  }
0x1ea: {  	v54 =	vimm.s32 $0x7;
	v5 =	vimm.s32 $0xA;
	v1 =	vcvt.s32.f32 v53  }
0x1eb: {  	v6 =	vimm.s32 $0xB;
	v16 =	vperm.xlane v0, v57;
	v17 =	vperm.xlane v0, v58  }
0x1ec: {  	v7 =	vimm.s32 $0xC;
	v18 =	vperm.xlane v0, v59;
	v21 =	vperm.xlane v0, v60  }
0x1ed: {  	v55 =	vimm.s32 $0x8;
	v24 =	vperm.xlane v0, v61;
	v27 =	vperm.xlane v0, v62  }
0x1ee: {  	v56 =	vimm.s32 $0x9;
	v30 =	vperm.xlane v0, v63;
	v31 =	vperm.xlane v0, v54  }
0x1ef: {  	v8 =	vimm.s32 $0xD;
	v32 =	vperm.xlane v0, v55;
	v33 =	vperm.xlane v0, v56  }
0x1f0: {  	v9 =	vimm.s32 $0xE;
	v34 =	vperm.xlane v0, v5;
	v35 =	vperm.xlane v0, v6  }
0x1f1: {  	v10 =	vimm.s32 $0xF;
	v36 =	vperm.xlane v0, v7;
	v37 =	vperm.xlane v0, v8  }
0x1f2: {  	v38 =	vperm.xlane v0, v9;
	v39 =	vperm.xlane v0, v10  }
0x1f3: {  	v40 =	vperm.xlane v1, v57;
	v41 =	vperm.xlane v1, v58  }
0x1f4: {  	v42 =	vperm.xlane v1, v59;
	v43 =	vperm.xlane v1, v60  }
0x1f5: {  	v44 =	vperm.xlane v1, v61;
	v45 =	vperm.xlane v1, v62  }
0x1f6: {  	v46 =	vperm.xlane v1, v63;
	v47 =	vperm.xlane v1, v54  }
0x1f7: {  	v29 =	vperm.xlane v1, v55;
	v28 =	vperm.xlane v1, v56  }
0x1f8: {  	v26 =	vperm.xlane v1, v5;
	v25 =	vperm.xlane v1, v6  }
0x1f9: {  	v23 =	vperm.xlane v1, v7;
	v22 =	vperm.xlane v1, v8  }
0x1fa: {  	s1 =	simm.s32 $0x800;
	s2 =	simm.s32 $0x80;
	s4 =	sand.u32 $0x1C00, s0;
	v20 =	vperm.xlane v1, v9;
	v19 =	vperm.xlane v1, v10  }
.LBB2_8:
0x1fb: {  	p0 =	sne.s32 s2, $0x1F80;
	s22 =	sand.u32 $0x70, s0;
	s31 =	sshrl.u32 s4, $0x2;
	v0 =	vld [tilespmem:s1+$0x0]  }
0x1fc: {  	s31 =	sor.u32 s22, s31  }
0x1fd: {  	v1 =	vld [tilespmem:s31+$0x0];
	_ =	sdelay $0x2  }
0x1fe: {  	v2 =	vmul.f32 v0, v46;
	v3 =	vmul.f32 v0, v47  }
0x1ff: {  	v4 =	vmul.f32 v0, v44;
	v5 =	vmul.f32 v0, v45  }
0x200: {  	v6 =	vmul.f32 v0, v43;
	v2 =	vadd.f32 v2, v1;
	v3 =	vadd.f32 v3, v1  }
0x201: {  	s31 =	sor.u32 s22, s4;
	v7 =	vmul.f32 v0, v42;
	v4 =	vadd.f32 v4, v1;
	v5 =	vadd.f32 v5, v1  }
0x202: {  	v8 =	vmul.f32 v0, v40;
	v9 =	vmul.f32 v0, v41;
	v6 =	vadd.f32 v6, v1;
	[tilespmem:s31+$0x5000] =	vst v3  }
0x203: {  	v10 =	vmul.f32 v0, v39;
	v7 =	vadd.f32 v7, v1;
	v3 =	vmul.f32 v0, v38;
	[tilespmem:s31+$0x4F80] =	vst v2  }
0x204: {  	v8 =	vadd.f32 v8, v1;
	v9 =	vadd.f32 v9, v1;
	v2 =	vmul.f32 v0, v37;
	[tilespmem:s31+$0x4F00] =	vst v5  }
0x205: {  	v10 =	vadd.f32 v10, v1;
	v5 =	vmul.f32 v0, v36;
	v3 =	vadd.f32 v3, v1;
	[tilespmem:s31+$0x4E80] =	vst v4  }
0x206: {  	v11 =	vmul.f32 v0, v35;
	v4 =	vmul.f32 v0, v34;
	v2 =	vadd.f32 v2, v1;
	[tilespmem:s31+$0x4E00] =	vst v6  }
0x207: {  	v12 =	vmul.f32 v0, v33;
	v6 =	vmul.f32 v0, v32;
	v5 =	vadd.f32 v5, v1;
	[tilespmem:s31+$0x4D80] =	vst v7  }
0x208: {  	v11 =	vadd.f32 v11, v1;
	v7 =	vmul.f32 v0, v31;
	v4 =	vadd.f32 v4, v1;
	[tilespmem:s31+$0x4D00] =	vst v9  }
0x209: {  	v12 =	vadd.f32 v12, v1;
	v9 =	vmul.f32 v0, v30;
	v6 =	vadd.f32 v6, v1;
	[tilespmem:s31+$0x4C80] =	vst v8  }
0x20a: {  	v13 =	vmul.f32 v0, v27;
	v8 =	vmul.f32 v0, v24;
	v7 =	vadd.f32 v7, v1;
	[tilespmem:s31+$0x3000] =	vst v10  }
0x20b: {  	v14 =	vmul.f32 v0, v21;
	v10 =	vmul.f32 v0, v18;
	v9 =	vadd.f32 v9, v1;
	[tilespmem:s31+$0x2F80] =	vst v3  }
0x20c: {  	v13 =	vadd.f32 v13, v1;
	v3 =	vmul.f32 v0, v17;
	v8 =	vadd.f32 v8, v1;
	[tilespmem:s31+$0x2F00] =	vst v2  }
0x20d: {  	v14 =	vadd.f32 v14, v1;
	v2 =	vmul.f32 v0, v16;
	v10 =	vadd.f32 v10, v1;
	[tilespmem:s31+$0x2E80] =	vst v5  }
0x20e: {  	v3 =	vadd.f32 v3, v1;
	v5 =	vmul.f32 v0, v29;
	[tilespmem:s31+$0x2E00] =	vst v11;
	v11 =	vmul.f32 v0, v28  }
0x20f: {  	v15 =	vmul.f32 v0, v25;
	v2 =	vadd.f32 v2, v1;
	[tilespmem:s31+$0x2D80] =	vst v4;
	v4 =	vmul.f32 v0, v26  }
0x210: {  	v5 =	vadd.f32 v5, v1;
	[tilespmem:s31+$0x2D00] =	vst v12;
	v11 =	vadd.f32 v11, v1;
	v12 =	vmul.f32 v0, v23  }
0x211: {  	[tilespmem:s31+$0x2C80] =	vst v6;
	v4 =	vadd.f32 v4, v1;
	v6 =	vadd.f32 v15, v1;
	v15 =	vmul.f32 v0, v22  }
0x212: {  	[tilespmem:s31+$0x1000] =	vst v7;
	v7 =	vadd.f32 v12, v1;
	v12 =	vmul.f32 v0, v20;
	v0 =	vmul.f32 v0, v19  }
0x213: {  	[tilespmem:s31+$0xF80] =	vst v9;
	v9 =	vadd.f32 v15, v1  }
0x214: {  	[tilespmem:s31+$0xF00] =	vst v13;
	v12 =	vadd.f32 v12, v1;
	v0 =	vadd.f32 v0, v1  }
0x215: {  	[tilespmem:s31+$0xE80] =	vst v8  }
0x216: {  	[tilespmem:s31+$0xE00] =	vst v14  }
0x217: {  	[tilespmem:s31+$0xD80] =	vst v10  }
0x218: {  	[tilespmem:s31+$0xD00] =	vst v3  }
0x219: {  	[tilespmem:s31+$0xC80] =	vst v2  }
0x21a: {  	[tilespmem:s31+$0x6C80] =	vst v5  }
0x21b: {  	[tilespmem:s31+$0x6D00] =	vst v11  }
0x21c: {  	[tilespmem:s31+$0x6D80] =	vst v4  }
.Ltmp3:
0x21d: {  	[tilespmem:s31+$0x6E00] =	vst v6;
	(pc) =	sbr.rel @p0 .LBB2_8-.Ltmp3, $4  }
0x21e: {  	[tilespmem:s31+$0x6E80] =	vst v7  }
0x21f: {  	[tilespmem:s31+$0x6F00] =	vst v9  }
0x220: {  	s0 =	sadd.s32 $0x10, s0;
	[tilespmem:s31+$0x6F80] =	vst v12  }
0x221: {  	s1 =	sadd.s32 $0x10, s1;
	s4 =	sand.u32 $0x1C00, s2;
	s2 =	sadd.s32 $0x80, s2;
	[tilespmem:s31+$0x7000] =	vst v0  }
0x222: {  	v0 =	vld [tilespmem:s1+$0x0];
	_ =	sdelay $0x4  }
0x223: {  	v2 =	vmul.f32 v0, v47;
	v3 =	vmul.f32 v0, v46  }
0x224: {  	v4 =	vmul.f32 v0, v45;
	v5 =	vmul.f32 v0, v44  }
0x225: {  	s0 =	sand.u32 $0x70, s0;
	s2 =	sshrl.u32 s4, $0x2;
	v6 =	vmul.f32 v0, v43;
	v12 =	vmul.f32 v0, v42  }
0x226: {  	s31 =	sor.u32 s0, s2;
	v13 =	vmul.f32 v0, v41;
	v14 =	vmul.f32 v0, v40  }
0x227: {  	v1 =	vld [tilespmem:s31+$0x0];
	v15 =	vmul.f32 v0, v39;
	v39 =	vmul.f32 v0, v38  }
0x228: {  	v40 =	vmul.f32 v0, v37;
	v41 =	vmul.f32 v0, v36  }
0x229: {  	v42 =	vmul.f32 v0, v35;
	v43 =	vmul.f32 v0, v34  }
0x22a: {  	v44 =	vmul.f32 v0, v33;
	v45 =	vmul.f32 v0, v32  }
0x22b: {  	v46 =	vmul.f32 v0, v31;
	v47 =	vmul.f32 v0, v30  }
0x22c: {  	v48 =	vmul.f32 v0, v27;
	v49 =	vmul.f32 v0, v24;
	v2 =	vadd.f32 v2, v1  }
0x22d: {  	s0 =	sor.u32 s0, s4;
	v50 =	vmul.f32 v0, v21;
	v51 =	vmul.f32 v0, v18;
	v3 =	vadd.f32 v3, v1  }
0x22e: {  	v52 =	vmul.f32 v0, v17;
	v53 =	vmul.f32 v0, v16;
	v4 =	vadd.f32 v4, v1;
	[tilespmem:s0+$0x5000] =	vst v2  }
0x22f: {  	v54 =	vmul.f32 v0, v29;
	v58 =	vmul.f32 v0, v23;
	v5 =	vadd.f32 v5, v1;
	[tilespmem:s0+$0x4F80] =	vst v3  }
0x230: {  	v55 =	vmul.f32 v0, v28;
	v59 =	vmul.f32 v0, v22;
	v6 =	vadd.f32 v6, v1;
	[tilespmem:s0+$0x4F00] =	vst v4  }
0x231: {  	v56 =	vmul.f32 v0, v26;
	v61 =	vmul.f32 v0, v20;
	v60 =	vadd.f32 v58, v1;
	[tilespmem:s0+$0x4E80] =	vst v5  }
0x232: {  	v57 =	vmul.f32 v0, v25;
	v0 =	vmul.f32 v0, v19;
	v62 =	vadd.f32 v59, v1;
	[tilespmem:s0+$0x4E00] =	vst v6  }
0x233: {  	v63 =	vadd.f32 v61, v1;
	[tilespmem:s0+$0x6E80] =	vst v60  }
0x234: {  	v0 =	vadd.f32 v0, v1;
	[tilespmem:s0+$0x6F00] =	vst v62  }
0x235: {  	v2 =	vadd.f32 v12, v1;
	[tilespmem:s0+$0x6F80] =	vst v63  }
0x236: {  	v3 =	vadd.f32 v13, v1;
	[tilespmem:s0+$0x7000] =	vst v0  }
0x237: {  	v4 =	vadd.f32 v14, v1;
	[tilespmem:s0+$0x4D80] =	vst v2  }
0x238: {  	v5 =	vadd.f32 v15, v1;
	[tilespmem:s0+$0x4D00] =	vst v3  }
0x239: {  	v6 =	vadd.f32 v39, v1;
	[tilespmem:s0+$0x4C80] =	vst v4  }
0x23a: {  	v2 =	vadd.f32 v40, v1;
	[tilespmem:s0+$0x3000] =	vst v5  }
0x23b: {  	v3 =	vadd.f32 v41, v1;
	[tilespmem:s0+$0x2F80] =	vst v6  }
0x23c: {  	v4 =	vadd.f32 v42, v1;
	[tilespmem:s0+$0x2F00] =	vst v2  }
0x23d: {  	v5 =	vadd.f32 v43, v1;
	[tilespmem:s0+$0x2E80] =	vst v3  }
0x23e: {  	v6 =	vadd.f32 v44, v1;
	[tilespmem:s0+$0x2E00] =	vst v4  }
0x23f: {  	v2 =	vadd.f32 v45, v1;
	[tilespmem:s0+$0x2D80] =	vst v5  }
0x240: {  	v3 =	vadd.f32 v46, v1;
	[tilespmem:s0+$0x2D00] =	vst v6  }
0x241: {  	v4 =	vadd.f32 v47, v1;
	[tilespmem:s0+$0x2C80] =	vst v2  }
0x242: {  	v5 =	vadd.f32 v48, v1;
	[tilespmem:s0+$0x1000] =	vst v3  }
0x243: {  	v6 =	vadd.f32 v49, v1;
	[tilespmem:s0+$0xF80] =	vst v4  }
0x244: {  	v2 =	vadd.f32 v50, v1;
	[tilespmem:s0+$0xF00] =	vst v5  }
0x245: {  	v3 =	vadd.f32 v51, v1;
	[tilespmem:s0+$0xE80] =	vst v6  }
0x246: {  	v4 =	vadd.f32 v52, v1;
	[tilespmem:s0+$0xE00] =	vst v2  }
0x247: {  	v5 =	vadd.f32 v53, v1;
	[tilespmem:s0+$0xD80] =	vst v3  }
0x248: {  	v6 =	vadd.f32 v54, v1;
	[tilespmem:s0+$0xD00] =	vst v4  }
0x249: {  	v2 =	vadd.f32 v55, v1;
	[tilespmem:s0+$0xC80] =	vst v5  }
0x24a: {  	v3 =	vadd.f32 v56, v1;
	[tilespmem:s0+$0x6C80] =	vst v6  }
0x24b: {  	v4 =	vadd.f32 v57, v1;
	[tilespmem:s0+$0x6D00] =	vst v2  }
0x24c: {  	[tilespmem:s0+$0x6D80] =	vst v3  }
0x24d: {  	[tilespmem:s0+$0x6E00] =	vst v4  }
0x24e: {  	[hbm4b:s17+s3] =	stream.linear.scatter [tilespmem:s25], [sflag:$0x2], $0x8000, $0x38;
	[tilespmem:$0x18C80] =	vst v63  }
0x24f: {  	_ = 	snop  }
0x250: {  	[hbm4b:s18+s3] =	stream.linear.scatter [tilespmem:s25], [sflag:$0x2], $0x8000, $0x38;
	[tilespmem:$0x18C80] =	vst v63  }
0x251: {  	_ = 	snop  }
0x252: {  	[hbm4b:s19+s3] =	stream.linear.scatter [tilespmem:s25], [sflag:$0x2], $0x8000, $0x38;
	[tilespmem:$0x18C80] =	vst v63  }
0x253: {  	_ = 	snop  }
0x254: {  	[hbm4b:s20+s3] =	stream.linear.scatter [tilespmem:s25], [sflag:$0x2], $0x8000, $0x38;
	[tilespmem:$0x18C80] =	vst v63  }
0x255: {  	_ =	swait.ge [sflag:s29], $0x8000  }
0x256: {  	[sflag:s29] =	ssyncset.done $0x0  }
0x257: {  	[sflag:s29] =	ssyncadd.s32 $0xFFFF8000  }
0x258: {  	_ =	swait.ge [sflag:s29], $0x8000  }
0x259: {  	[sflag:s29] =	ssyncset.done $0x0  }
0x25a: {  	[sflag:s29] =	ssyncadd.s32 $0xFFFF8000  }
0x25b: {  	_ =	swait.ge [sflag:s29], $0x8000  }
0x25c: {  	[sflag:s29] =	ssyncset.done $0x0  }
0x25d: {  	[sflag:s29] =	ssyncadd.s32 $0xFFFF8000  }
0x25e: {  	_ =	swait.ge [sflag:s29], $0x8000  }
0x25f: {  	[sflag:s29] =	ssyncset.done $0x0  }
0x260: {  	[sflag:s29] =	ssyncadd.s32 $0xFFFF8000  }
0x261: {  	_ =	swait.ge [sflag:s29], $0x8000  }
0x262: {  	[sflag:s29] =	ssyncset.done $0x0  }
0x263: {  	[sflag:s29] =	ssyncadd.s32 $0xFFFF8000  }
0x264: {  	_ =	swait.ge [sflag:s29], $0x8000  }
0x265: {  	[sflag:s29] =	ssyncset.done $0x0  }
0x266: {  	[sflag:s29] =	ssyncadd.s32 $0xFFFF8000  }
0x267: {  	_ =	swait.ge [sflag:s29], $0x8000  }
0x268: {  	[sflag:s29] =	ssyncset.done $0x0  }
0x269: {  	[sflag:s29] =	ssyncadd.s32 $0xFFFF8000  }
0x26a: {  	_ =	swait.ge [sflag:s29], $0x8000  }
0x26b: {  	[sflag:s29] =	ssyncset.done $0x0  }
0x26c: {  	[sflag:s29] =	ssyncadd.s32 $0xFFFF8000  }
0x26d: {  	_ =	swait.ge [sflag:s29], $0x8000  }
0x26e: {  	[sflag:s29] =	ssyncset.done $0x0  }
0x26f: {  	[sflag:s29] =	ssyncadd.s32 $0xFFFF8000  }
0x270: {  	_ =	swait.ge [sflag:s29], $0x8000  }
0x271: {  	[sflag:s29] =	ssyncset.done $0x0  }
0x272: {  	s30 =	sadd.s32 $0x1, s30;
	[sflag:s29] =	ssyncadd.s32 $0xFFFF8000  }
0x273: {  	p0 =	sne.s32 s30, s21;
	_ =	swait.ge [sflag:s29], $0x8000  }
.Ltmp4:
0x274: {  	[sflag:s29] =	ssyncset.done $0x0;
	(pc) =	sbr.rel @p0 .LBB2_1-.Ltmp4, $4  }
0x275: {  	[sflag:s29] =	ssyncadd.s32 $0xFFFF8000  }
0x276: {  	_ =	swait.ge [sflag:s29], $0x8000  }
0x277: {  	[sflag:s29] =	ssyncset.done $0x0  }
0x278: {  	[sflag:s29] =	ssyncadd.s32 $0xFFFF8000  }
0x279: {  	_ =	sfence.sel $0x180000  }
0x27a: {  	[bflag:$0x0] =	sbarrier.arrive $0xFFFF  }
0x27b: {  	_ =	strace $0x90000047  }
0x27c: {  	s0 =	stileid.u32;
	[bflag:$0x2] =	sbarrier.arrive $0xFFFF  }
0x27d: {  	p0 =	sne.s32 s0, $0x0;
	s0 =	rddreg [dreg:$0x3]  }
0x27e: {  	s0 =	sadd.s32 @!p0 $0x100000, s0  }
0x27f: {  	[sflag:s0] =	ssyncadd.tile.s32 @!p0 $0x1;
	_ =	shalt  }
.Lfunc_end2:
_tile_overlayer_lowered:
.L_overlay_start_2:
0x280: {  	(tag) =	ssettag $0x2  }
0x281: {  	s0 =	rddreg [dreg:$0x0];
	s2 =	stileid.u32  }
0x282: {  	s1 =	rddreg [dreg:$0x1];
	p0 =	sne.s32 s2, $0x0  }
0x283: {  	s3 =	rddreg [dreg:$0x2];
	[bflag:$0x3] =	sbarrier.arrive $0xFFFF;
	s2 =	simm.s32 @!p0 $0x1C03  }
0x284: {  	[timem:s3], [sflag:s2] =	dma.local @!p0 [hbm:s0], s1  }
0x285: {  	s0 =	simm.s32 @!p0 $0x3  }
0x286: {  	_ =	swait.ge @!p0 [sflag:s0], s1  }
0x287: {  	s1 =	ssub.s32 @!p0 $0x0, s1;
	[sflag:s0] =	ssyncset.done @!p0 $0x0  }
0x288: {  	[sflag:s0] =	ssyncadd.s32 @!p0 s1  }
0x289: {  	[bflag:$0x3] =	sbarrier.arrive $0xFFFF  }
0x28a: {  	_ =	shalt  }

</sc_bundles>
